<compile_context>
chip_gen: v7x
topology: tpu7x:2x2x1
jax: 0.10.2.dev20260603
libtpu: 0.0.44.dev20260713+nightly
codegen_flags: <defaults>
</compile_context>

<pallas_src>
import functools

import jax
import jax.numpy as jnp
from jax import lax
from jax.experimental import pallas as pl
from jax.experimental.pallas import tpu as pltpu
from jax.experimental.pallas import tpu_sc as plsc

N = 10000
E = 320000
F = 128
G = 128
BN_EPS = 1e-5

NC = 2
NS = 16
NW = NC * NS

K = 125
CHUNKS = E // (NW * K)
HC = CHUNKS // 2
RPT = 624
TAIL = N - RPT * NS
ZCH = 104

BM = 2000
NB = N // BM
PB = 200
NPB = N // PB


def _sc_agg_body(h_hbm, src_hbm, dst_hbm, out_hbm, src_v, dst_v, rows_v, rows_b,
                 acc_sh, sem0, sem1):
    cid = lax.axis_index("c")
    sid = lax.axis_index("s")
    wid = sid * NC + cid

    def _zero_row(i, _):
        for j in range(F // 16):
            rows_v[i, pl.ds(j * 16, 16)] = jnp.zeros((16,), jnp.float32)
        return 0
    lax.fori_loop(0, ZCH, _zero_row, 0)
    for r in range(RPT // ZCH):
        pltpu.sync_copy(rows_v.at[pl.ds(0, ZCH)],
                        acc_sh.at[pl.ds(sid * RPT + r * ZCH, ZCH)])

    @pl.when(sid == NS - 1)
    def _():
        pltpu.sync_copy(rows_v.at[pl.ds(0, TAIL)],
                        acc_sh.at[pl.ds(N - TAIL, TAIL)])

    plsc.subcore_barrier()

    rows = (rows_v, rows_b)
    sems = (sem0, sem1)
    for half in range(2):
        pltpu.sync_copy(src_hbm.at[wid, pl.ds(half * HC, HC)], src_v)
        pltpu.sync_copy(dst_hbm.at[wid, pl.ds(half * HC, HC)], dst_v)
        pltpu.async_copy(h_hbm.at[src_v.at[0]], rows[0], sems[0])
        pltpu.async_copy(h_hbm.at[src_v.at[1]], rows[1], sems[1])

        def _pair(jj, _):
            j = 2 * jj
            for b in range(2):
                pltpu.make_async_copy(h_hbm.at[src_v.at[0]], rows[b],
                                      sems[b]).wait()
                pltpu.sync_copy(rows[b], acc_sh.at[dst_v.at[j + b]], add=True)

                @pl.when(j + b + 2 < HC)
                def _():
                    pltpu.async_copy(h_hbm.at[src_v.at[j + b + 2]], rows[b],
                                     sems[b])
            return 0
        lax.fori_loop(0, HC // 2, _pair, 0)

    plsc.subcore_barrier()
    pltpu.sync_copy(acc_sh.at[pl.ds(sid * RPT, RPT)],
                    out_hbm.at[cid, pl.ds(sid * RPT, RPT)])

    @pl.when(sid == NS - 1)
    def _():
        pltpu.sync_copy(acc_sh.at[pl.ds(N - TAIL, TAIL)],
                        out_hbm.at[cid, pl.ds(N - TAIL, TAIL)])


@functools.lru_cache(maxsize=None)
def _get_sc_agg():
    return pl.kernel(
        _sc_agg_body,
        out_type=jax.ShapeDtypeStruct((NC, N, F), jnp.float32),
        mesh=plsc.VectorSubcoreMesh(core_axis_name="c", subcore_axis_name="s"),
        scratch_types=[
            pltpu.VMEM((HC, K), jnp.int32),
            pltpu.VMEM((HC, K), jnp.int32),
            pltpu.VMEM((K, F), jnp.float32),
            pltpu.VMEM((K, F), jnp.float32),
            pltpu.VMEM_SHARED((N, F), jnp.float32),
            pltpu.SemaphoreType.DMA,
            pltpu.SemaphoreType.DMA,
        ],
    )


def _sc_agg(h, src, dst):
    return _get_sc_agg()(h, src, dst)


def _gin_layer_body(h_ref, a0_ref, a1_ref, w1_ref, b1_ref, w2_ref, b2_ref,
                    g_ref, be_ref, o_ref, t_sc, s1_sc, s2_sc):
    ph = pl.program_id(0)
    i = pl.program_id(1)

    @pl.when(ph == 0)
    def _():
        z = h_ref[...] + a0_ref[...] + a1_ref[...]
        u = jnp.maximum(
            jnp.dot(z, w1_ref[...], preferred_element_type=jnp.float32)
            + b1_ref[...], 0.0)
        t = jnp.maximum(
            jnp.dot(u, w2_ref[...], preferred_element_type=jnp.float32)
            + b2_ref[...], 0.0)
        t_sc[pl.ds(i * BM, BM), :] = t
        mb = jnp.mean(t, axis=0, keepdims=True)
        m2b = jnp.sum((t - mb) * (t - mb), axis=0, keepdims=True)

        @pl.when(i == 0)
        def _():
            s1_sc[...] = mb
            s2_sc[...] = m2b

        @pl.when(i > 0)
        def _():
            na = i.astype(jnp.float32) * BM
            n = na + BM
            delta = mb - s1_sc[...]
            s1_sc[...] += delta * (BM / n)
            s2_sc[...] += m2b + delta * delta * (na * BM / n)

    @pl.when(ph == 1)
    def _():
        a = g_ref[...] * lax.rsqrt(s2_sc[...] / N + BN_EPS)
        c = be_ref[...] - s1_sc[...] * a
        o_ref[...] = t_sc[pl.ds(i * BM, BM), :] * a + c


def _gin_layer(h, agg, p):
    rowin = pl.BlockSpec((BM, F), lambda ph, i: (i * (1 - ph) + (NB - 1) * ph, 0))
    mat = pl.BlockSpec((F, F), lambda ph, i: (0, 0))
    vec = pl.BlockSpec((1, F), lambda ph, i: (0, 0))
    return pl.pallas_call(
        _gin_layer_body,
        grid=(2, NB),
        in_specs=[rowin, rowin, rowin, mat, vec, mat, vec, vec, vec],
        out_specs=pl.BlockSpec((BM, F), lambda ph, i: (i * ph, 0)),
        out_shape=jax.ShapeDtypeStruct((N, F), jnp.float32),
        scratch_shapes=[
            pltpu.VMEM((N, F), jnp.float32),
            pltpu.VMEM((1, F), jnp.float32),
            pltpu.VMEM((1, F), jnp.float32),
        ],
    )(h, agg[0], agg[1], p["W1"], p["b1"].reshape(1, F), p["W2"],
      p["b2"].reshape(1, F), p["gamma"].reshape(1, F), p["beta"].reshape(1, F))


def _gin_heads_body(h_ref, a0_ref, a1_ref,
                    w1m_ref, b1m_ref, w2m_ref, b2m_ref, gm_ref, bm_ref,
                    w1v_ref, b1v_ref, w2v_ref, b2v_ref, gv_ref, bv_ref,
                    om_ref, ov_ref,
                    tm_sc, tv_sc, s1m_sc, s2m_sc, s1v_sc, s2v_sc):
    ph = pl.program_id(0)
    i = pl.program_id(1)

    @pl.when(ph == 0)
    def _():
        z = h_ref[...] + a0_ref[...] + a1_ref[...]
        for (w1, b1, w2, b2, t_sc, s1_sc, s2_sc) in (
                (w1m_ref, b1m_ref, w2m_ref, b2m_ref, tm_sc, s1m_sc, s2m_sc),
                (w1v_ref, b1v_ref, w2v_ref, b2v_ref, tv_sc, s1v_sc, s2v_sc)):
            u = jnp.maximum(
                jnp.dot(z, w1[...], preferred_element_type=jnp.float32)
                + b1[...], 0.0)
            t = jnp.maximum(
                jnp.dot(u, w2[...], preferred_element_type=jnp.float32)
                + b2[...], 0.0)
            t_sc[pl.ds(i * BM, BM), :] = t
            mb = jnp.mean(t, axis=0, keepdims=True)
            m2b = jnp.sum((t - mb) * (t - mb), axis=0, keepdims=True)

            @pl.when(i == 0)
            def _():
                s1_sc[...] = mb
                s2_sc[...] = m2b

            @pl.when(i > 0)
            def _():
                na = i.astype(jnp.float32) * BM
                n = na + BM
                delta = mb - s1_sc[...]
                s1_sc[...] += delta * (BM / n)
                s2_sc[...] += m2b + delta * delta * (na * BM / n)

    @pl.when(ph == 1)
    def _():
        for (g_ref, be_ref, t_sc, s1_sc, s2_sc, o_ref) in (
                (gm_ref, bm_ref, tm_sc, s1m_sc, s2m_sc, om_ref),
                (gv_ref, bv_ref, tv_sc, s1v_sc, s2v_sc, ov_ref)):
            a = g_ref[...] * lax.rsqrt(s2_sc[...] / N + BN_EPS)
            c = be_ref[...] - s1_sc[...] * a
            o_ref[...] = t_sc[pl.ds(i * BM, BM), :] * a + c


def _gin_heads(h, agg, pm, pv):
    rowin = pl.BlockSpec((BM, F), lambda ph, i: (i * (1 - ph) + (NB - 1) * ph, 0))
    rowout = pl.BlockSpec((BM, F), lambda ph, i: (i * ph, 0))
    mat = pl.BlockSpec((F, F), lambda ph, i: (0, 0))
    vec = pl.BlockSpec((1, F), lambda ph, i: (0, 0))
    return pl.pallas_call(
        _gin_heads_body,
        grid=(2, NB),
        in_specs=[rowin, rowin, rowin,
                  mat, vec, mat, vec, vec, vec,
                  mat, vec, mat, vec, vec, vec],
        out_specs=[rowout, rowout],
        out_shape=[
            jax.ShapeDtypeStruct((N, F), jnp.float32),
            jax.ShapeDtypeStruct((N, F), jnp.float32),
        ],
        scratch_shapes=[
            pltpu.VMEM((N, F), jnp.float32),
            pltpu.VMEM((N, F), jnp.float32),
            pltpu.VMEM((1, F), jnp.float32),
            pltpu.VMEM((1, F), jnp.float32),
            pltpu.VMEM((1, F), jnp.float32),
            pltpu.VMEM((1, F), jnp.float32),
        ],
    )(h, agg[0], agg[1],
      pm["W1"], pm["b1"].reshape(1, F), pm["W2"], pm["b2"].reshape(1, F),
      pm["gamma"].reshape(1, F), pm["beta"].reshape(1, F),
      pv["W1"], pv["b1"].reshape(1, F), pv["W2"], pv["b2"].reshape(1, F),
      pv["gamma"].reshape(1, F), pv["beta"].reshape(1, F))


def _pool_body(h_ref, bat_ref, w1m_ref, b1m_ref, w2m_ref, b2m_ref,
               w1v_ref, b1v_ref, w2v_ref, b2v_ref,
               mu_ref, lv_ref, pooled, cnt):
    i = pl.program_id(0)
    bat = bat_ref[...].reshape(1, PB)
    seg = lax.broadcasted_iota(jnp.int32, (G, PB), 0)
    onehot = jnp.where(bat == seg, 1.0, 0.0)
    pt = lax.dot_general(onehot, h_ref[...], (((1,), (0,)), ((), ())),
                         preferred_element_type=jnp.float32)
    pc = jnp.sum(onehot, axis=1, keepdims=True)

    @pl.when(i == 0)
    def _():
        pooled[...] = jnp.zeros_like(pooled)
        cnt[...] = jnp.zeros_like(cnt)

    pooled[...] += pt
    cnt[...] += pc

    @pl.when(i == NPB - 1)
    def _():
        g = pooled[...] * (1.0 / jnp.maximum(cnt[...], 1.0))
        um = jnp.maximum(
            jnp.dot(g, w1m_ref[...], preferred_element_type=jnp.float32)
            + b1m_ref[...], 0.0)
        mu_ref[...] = jnp.maximum(
            jnp.dot(um, w2m_ref[...], preferred_element_type=jnp.float32)
            + b2m_ref[...], 0.0)
        uv = jnp.maximum(
            jnp.dot(g, w1v_ref[...], preferred_element_type=jnp.float32)
            + b1v_ref[...], 0.0)
        lv_ref[...] = jnp.maximum(
            jnp.dot(uv, w2v_ref[...], preferred_element_type=jnp.float32)
            + b2v_ref[...], 0.0)


def _pool_classify(h, batf, pm, pv):
    rowspec = pl.BlockSpec((PB, F), lambda i: (i, 0))
    batspec = pl.BlockSpec((1, 1, PB), lambda i: (i, 0, 0))
    mat = pl.BlockSpec((F, F), lambda i: (0, 0))
    vec = pl.BlockSpec((1, F), lambda i: (0, 0))
    gout = pl.BlockSpec((G, F), lambda i: (0, 0))
    return pl.pallas_call(
        _pool_body,
        grid=(NPB,),
        in_specs=[rowspec, batspec,
                  mat, vec, mat, vec, mat, vec, mat, vec],
        out_specs=[gout, gout],
        out_shape=[
            jax.ShapeDtypeStruct((G, F), jnp.float32),
            jax.ShapeDtypeStruct((G, F), jnp.float32),
        ],
        scratch_shapes=[
            pltpu.VMEM((G, F), jnp.float32),
            pltpu.VMEM((G, 1), jnp.float32),
        ],
    )(h, batf,
      pm["W1"], pm["b1"].reshape(1, F), pm["W2"], pm["b2"].reshape(1, F),
      pv["W1"], pv["b1"].reshape(1, F), pv["W2"], pv["b2"].reshape(1, F))


def kernel(x, edge_index, batch, params):
    src = edge_index[0].astype(jnp.int32).reshape(NW, CHUNKS, K)
    dst = edge_index[1].astype(jnp.int32).reshape(NW, CHUNKS, K)
    batf = batch.astype(jnp.int32).reshape(NPB, 1, PB)

    h = x
    for i in range(3):
        agg = _sc_agg(h, src, dst)
        h = _gin_layer(h, agg, params["convs"][i])

    class_mu, class_logv = _pool_classify(h, batf, params["cls_mu"],
                                          params["cls_logv"])

    agg = _sc_agg(h, src, dst)
    node_mu, node_logv = _gin_heads(h, agg, params["convs"][3],
                                    params["convs"][4])
    return (node_mu, node_logv, class_mu, class_logv)

# --- scband reference (transcript-rebuilt; emitter-appended) ---
"""Pipeline reference for scband-encoder-678604833557 (READ-ONLY COPY).

The authoritative reference and input builder live on the scoring server;
editing this copy changes nothing except your own understanding.
"""

import jax, jax.numpy as jnp
import numpy as np

N = 10000
E = 320000
F_IN = 128
DIM = 128
NODE_DIM = 128
NUM_GC = 3
G = 128
BN_EPS = 1e-5


def _linear_params(key, fan_in, fan_out):
    k1, k2 = jax.random.split(key)
    bound = 1.0 / np.sqrt(fan_in)
    W = jax.random.uniform(k1, (fan_in, fan_out), jnp.float32, -bound, bound)
    b = jax.random.uniform(k2, (fan_out,), jnp.float32, -bound, bound)
    return W, b


def setup_inputs(seed: int = 0) -> dict:
    key = jax.random.key(seed)
    ks = jax.random.split(key, 32)
    x = jax.random.normal(ks[0], (N, F_IN), jnp.float32)
    edge_index = jax.random.randint(ks[1], (2, E), 0, N)
    batch = jnp.sort(jax.random.randint(ks[2], (N,), 0, G))
    # conv MLPs used in forward: convs[0..NUM_GC+1]
    dims = [(F_IN, DIM, DIM), (DIM, DIM, DIM), (DIM, DIM, DIM), (DIM, DIM, NODE_DIM), (DIM, DIM, NODE_DIM)]
    convs = []
    ki = 3
    for (din, dh, dout) in dims:
        W1, b1 = _linear_params(ks[ki], din, dh); ki += 1
        W2, b2 = _linear_params(ks[ki], dh, dout); ki += 1
        convs.append({"W1": W1, "b1": b1, "W2": W2, "b2": b2,
                      "gamma": jnp.ones((dout,), jnp.float32),
                      "beta": jnp.zeros((dout,), jnp.float32)})
    W1, b1 = _linear_params(ks[ki], DIM, DIM); ki += 1
    W2, b2 = _linear_params(ks[ki], DIM, DIM); ki += 1
    cls_mu = {"W1": W1, "b1": b1, "W2": W2, "b2": b2}
    W1, b1 = _linear_params(ks[ki], DIM, DIM); ki += 1
    W2, b2 = _linear_params(ks[ki], DIM, DIM); ki += 1
    cls_logv = {"W1": W1, "b1": b1, "W2": W2, "b2": b2}
    params = {"convs": convs, "cls_mu": cls_mu, "cls_logv": cls_logv}
    return {"x": x, "edge_index": edge_index, "batch": batch, "params": params}


def _mlp(p, h):
    return jax.nn.relu(h @ p["W1"] + p["b1"]) @ p["W2"] + p["b2"]


def _bn(h, gamma, beta):
    mean = jnp.mean(h, axis=0)
    var = jnp.var(h, axis=0)
    return (h - mean) / jnp.sqrt(var + BN_EPS) * gamma + beta


def _gin(p, h, src, dst):
    # GINConv with eps=0: nn((1+eps)*x + sum_{j in N(i)} x_j)
    agg = jax.ops.segment_sum(h[src], dst, num_segments=N)
    return _mlp(p, h + agg)


def reference(x, edge_index, batch, params):
    src = edge_index[0]
    dst = edge_index[1]
    h = x
    for i in range(NUM_GC):
        p = params["convs"][i]
        h = jax.nn.relu(_gin(p, h, src, dst))
        h = _bn(h, p["gamma"], p["beta"])
    # global_mean_pool
    counts = jax.ops.segment_sum(jnp.ones((N,), jnp.float32), batch, num_segments=G)
    global_n = jax.ops.segment_sum(h, batch, num_segments=G) / jnp.maximum(counts, 1.0)[:, None]
    p3 = params["convs"][NUM_GC]
    node_mu = _bn(jax.nn.relu(_gin(p3, h, src, dst)), p3["gamma"], p3["beta"])
    p4 = params["convs"][NUM_GC + 1]
    node_logv = _bn(jax.nn.relu(_gin(p4, h, src, dst)), p4["gamma"], p4["beta"])
    class_mu = jax.nn.relu(_mlp(params["cls_mu"], global_n))
    class_logv = jax.nn.relu(_mlp(params["cls_logv"], global_n))
    return (node_mu, node_logv, class_mu, class_logv)

if __name__ == "__main__":
    import jax
    _d = setup_inputs()
    print(jax.jit(kernel)(*tuple(_d.values())))

</pallas_src>

<mosaic_0001>
#map = affine_map<(d0, d1) -> (0, 0)>
#map1 = affine_map<(d0, d1) -> (0, 0, 0)>
module attributes {stable_mosaic.version = 14 : i64} {
  func.func @_sc_agg_body(%arg0: i32, %arg1: i32, %arg2: memref<10000x128xf32, #tpu.memory_space<hbm>>, %arg3: memref<32x80x125xi32, #tpu.memory_space<hbm>>, %arg4: memref<32x80x125xi32, #tpu.memory_space<hbm>>, %arg5: memref<2x10000x128xf32, #tpu.memory_space<hbm>>, %arg6: memref<40x125xi32, #tpu.memory_space<vmem>>, %arg7: memref<40x125xi32, #tpu.memory_space<vmem>>, %arg8: memref<125x128xf32, #tpu.memory_space<vmem>>, %arg9: memref<125x128xf32, #tpu.memory_space<vmem>>, %arg10: memref<10000x128xf32, #tpu.memory_space<vmem_shared>>, %arg11: memref<!tpu.dma_semaphore, #tpu.memory_space<semaphore_mem>>, %arg12: memref<!tpu.dma_semaphore, #tpu.memory_space<semaphore_mem>>) attributes {dimension_semantics = [#tpu.dimension_semantics<core_parallel>, #tpu.dimension_semantics<subcore_parallel>], iteration_bounds = array<i64: 2, 16>, scalar_prefetch = 0 : i64, scratch_operands = 7 : i64, tpu.core_type = #tpu.core_type<sc_vector_subcore>, window_params = [{transform_indices = #map}, {transform_indices = #map1}, {transform_indices = #map1}, {transform_indices = #map1}]} {
    %mul3A = arith.constant 2 : i32
    %mul3A_0 = arith.muli %arg1, %mul3A : i32
    %add3A = arith.addi %mul3A_0, %arg0 : i32
    %scan3A = arith.constant 0 : i32
    %scan3A_1 = arith.constant 0 : i32
    %scan3A_2 = arith.constant 104 : i32
    %scan3A_3 = arith.addi %scan3A_1, %scan3A_2 : i32
    %scan3A_4 = arith.constant 1 : i32
    %scan3A_5 = scf.for %scan3A_84 = %scan3A_1 to %scan3A_3 step %scan3A_4 iter_args(%scan3A_85 = %scan3A) -> (i32)  : i32 {
      %broadcast_in_dim3A = arith.constant 0.000000e+00 : f32
      %broadcast_in_dim3A_86 = vector.broadcast %broadcast_in_dim3A : f32 to vector<16xf32>
      %swap3A = arith.index_cast %scan3A_84 : i32 to index
      %swap3A_87 = arith.constant 0 : index
      %swap3A_88 = tpu.vector_load %arg8[%swap3A, %swap3A_87] {strides = array<i32>} : memref<125x128xf32, #tpu.memory_space<vmem>>, vector<1x16xf32>,
      %swap3A_89 = vector.shape_cast %swap3A_88 : vector<1x16xf32> to vector<16xf32>
      %swap3A_90 = vector.shape_cast %broadcast_in_dim3A_86 : vector<16xf32> to vector<1x16xf32>
      tpu.vector_store %arg8[%swap3A, %swap3A_87], %swap3A_90 {strides = array<i32>} : memref<125x128xf32, #tpu.memory_space<vmem>>, vector<1x16xf32>,
      %broadcast_in_dim3A_91 = arith.constant 0.000000e+00 : f32
      %broadcast_in_dim3A_92 = vector.broadcast %broadcast_in_dim3A_91 : f32 to vector<16xf32>
      %swap3A_93 = arith.index_cast %scan3A_84 : i32 to index
      %swap3A_94 = arith.constant 16 : index
      %swap3A_95 = tpu.vector_load %arg8[%swap3A_93, %swap3A_94] {strides = array<i32>} : memref<125x128xf32, #tpu.memory_space<vmem>>, vector<1x16xf32>,
      %swap3A_96 = vector.shape_cast %swap3A_95 : vector<1x16xf32> to vector<16xf32>
      %swap3A_97 = vector.shape_cast %broadcast_in_dim3A_92 : vector<16xf32> to vector<1x16xf32>
      tpu.vector_store %arg8[%swap3A_93, %swap3A_94], %swap3A_97 {strides = array<i32>} : memref<125x128xf32, #tpu.memory_space<vmem>>, vector<1x16xf32>,
      %broadcast_in_dim3A_98 = arith.constant 0.000000e+00 : f32
      %broadcast_in_dim3A_99 = vector.broadcast %broadcast_in_dim3A_98 : f32 to vector<16xf32>
      %swap3A_100 = arith.index_cast %scan3A_84 : i32 to index
      %swap3A_101 = arith.constant 32 : index
      %swap3A_102 = tpu.vector_load %arg8[%swap3A_100, %swap3A_101] {strides = array<i32>} : memref<125x128xf32, #tpu.memory_space<vmem>>, vector<1x16xf32>,
      %swap3A_103 = vector.shape_cast %swap3A_102 : vector<1x16xf32> to vector<16xf32>
      %swap3A_104 = vector.shape_cast %broadcast_in_dim3A_99 : vector<16xf32> to vector<1x16xf32>
      tpu.vector_store %arg8[%swap3A_100, %swap3A_101], %swap3A_104 {strides = array<i32>} : memref<125x128xf32, #tpu.memory_space<vmem>>, vector<1x16xf32>,
      %broadcast_in_dim3A_105 = arith.constant 0.000000e+00 : f32
      %broadcast_in_dim3A_106 = vector.broadcast %broadcast_in_dim3A_105 : f32 to vector<16xf32>
      %swap3A_107 = arith.index_cast %scan3A_84 : i32 to index
      %swap3A_108 = arith.constant 48 : index
      %swap3A_109 = tpu.vector_load %arg8[%swap3A_107, %swap3A_108] {strides = array<i32>} : memref<125x128xf32, #tpu.memory_space<vmem>>, vector<1x16xf32>,
      %swap3A_110 = vector.shape_cast %swap3A_109 : vector<1x16xf32> to vector<16xf32>
      %swap3A_111 = vector.shape_cast %broadcast_in_dim3A_106 : vector<16xf32> to vector<1x16xf32>
      tpu.vector_store %arg8[%swap3A_107, %swap3A_108], %swap3A_111 {strides = array<i32>} : memref<125x128xf32, #tpu.memory_space<vmem>>, vector<1x16xf32>,
      %broadcast_in_dim3A_112 = arith.constant 0.000000e+00 : f32
      %broadcast_in_dim3A_113 = vector.broadcast %broadcast_in_dim3A_112 : f32 to vector<16xf32>
      %swap3A_114 = arith.index_cast %scan3A_84 : i32 to index
      %swap3A_115 = arith.constant 64 : index
      %swap3A_116 = tpu.vector_load %arg8[%swap3A_114, %swap3A_115] {strides = array<i32>} : memref<125x128xf32, #tpu.memory_space<vmem>>, vector<1x16xf32>,
      %swap3A_117 = vector.shape_cast %swap3A_116 : vector<1x16xf32> to vector<16xf32>
      %swap3A_118 = vector.shape_cast %broadcast_in_dim3A_113 : vector<16xf32> to vector<1x16xf32>
      tpu.vector_store %arg8[%swap3A_114, %swap3A_115], %swap3A_118 {strides = array<i32>} : memref<125x128xf32, #tpu.memory_space<vmem>>, vector<1x16xf32>,
      %broadcast_in_dim3A_119 = arith.constant 0.000000e+00 : f32
      %broadcast_in_dim3A_120 = vector.broadcast %broadcast_in_dim3A_119 : f32 to vector<16xf32>
      %swap3A_121 = arith.index_cast %scan3A_84 : i32 to index
      %swap3A_122 = arith.constant 80 : index
      %swap3A_123 = tpu.vector_load %arg8[%swap3A_121, %swap3A_122] {strides = array<i32>} : memref<125x128xf32, #tpu.memory_space<vmem>>, vector<1x16xf32>,
      %swap3A_124 = vector.shape_cast %swap3A_123 : vector<1x16xf32> to vector<16xf32>
      %swap3A_125 = vector.shape_cast %broadcast_in_dim3A_120 : vector<16xf32> to vector<1x16xf32>
      tpu.vector_store %arg8[%swap3A_121, %swap3A_122], %swap3A_125 {strides = array<i32>} : memref<125x128xf32, #tpu.memory_space<vmem>>, vector<1x16xf32>,
      %broadcast_in_dim3A_126 = arith.constant 0.000000e+00 : f32
      %broadcast_in_dim3A_127 = vector.broadcast %broadcast_in_dim3A_126 : f32 to vector<16xf32>
      %swap3A_128 = arith.index_cast %scan3A_84 : i32 to index
      %swap3A_129 = arith.constant 96 : index
      %swap3A_130 = tpu.vector_load %arg8[%swap3A_128, %swap3A_129] {strides = array<i32>} : memref<125x128xf32, #tpu.memory_space<vmem>>, vector<1x16xf32>,
      %swap3A_131 = vector.shape_cast %swap3A_130 : vector<1x16xf32> to vector<16xf32>
      %swap3A_132 = vector.shape_cast %broadcast_in_dim3A_127 : vector<16xf32> to vector<1x16xf32>
      tpu.vector_store %arg8[%swap3A_128, %swap3A_129], %swap3A_132 {strides = array<i32>} : memref<125x128xf32, #tpu.memory_space<vmem>>, vector<1x16xf32>,
      %broadcast_in_dim3A_133 = arith.constant 0.000000e+00 : f32
      %broadcast_in_dim3A_134 = vector.broadcast %broadcast_in_dim3A_133 : f32 to vector<16xf32>
      %swap3A_135 = arith.index_cast %scan3A_84 : i32 to index
      %swap3A_136 = arith.constant 112 : index
      %swap3A_137 = tpu.vector_load %arg8[%swap3A_135, %swap3A_136] {strides = array<i32>} : memref<125x128xf32, #tpu.memory_space<vmem>>, vector<1x16xf32>,
      %swap3A_138 = vector.shape_cast %swap3A_137 : vector<1x16xf32> to vector<16xf32>
      %swap3A_139 = vector.shape_cast %broadcast_in_dim3A_134 : vector<16xf32> to vector<1x16xf32>
      tpu.vector_store %arg8[%swap3A_135, %swap3A_136], %swap3A_139 {strides = array<i32>} : memref<125x128xf32, #tpu.memory_space<vmem>>, vector<1x16xf32>,
      %scan3A_140 = arith.constant 0 : i32
      scf.yield %scan3A_140 : i32
    }
    %scan3A_6 = arith.constant 104 : i32
    %mul3A_7 = arith.constant 624 : i32
    %mul3A_8 = arith.muli %arg1, %mul3A_7 : i32
    %add3A_9 = arith.constant 0 : i32
    %add3A_10 = arith.addi %mul3A_8, %add3A_9 : i32
    "tpu.region"() ({
      %run_scoped3A = tpu.sem_alloc : memref<!tpu.dma_semaphore, #tpu.memory_space<semaphore_mem>>
      %dma_start3A_84 = arith.constant 0 : i32
      %dma_start3A_85 = arith.constant 0 : i32
      %dma_start3A_86 = tpu.memref_slice %arg8[%dma_start3A_84, %dma_start3A_85] : memref<125x128xf32, #tpu.memory_space<vmem>> -> memref<104x128xf32, #tpu.memory_space<vmem>>
      %dma_start3A_87 = arith.constant 0 : i32
      %dma_start3A_88 = tpu.memref_slice %arg10[%add3A_10, %dma_start3A_87] : memref<10000x128xf32, #tpu.memory_space<vmem_shared>> -> memref<104x128xf32, #tpu.memory_space<vmem_shared>>
      %dma_start3A_89 = arith.constant 0 : i32
      %dma_start3A_90 = tpu.memref_slice %arg10[%add3A_10, %dma_start3A_89] : memref<10000x128xf32, #tpu.memory_space<vmem_shared>> -> memref<104x128xf32, #tpu.memory_space<vmem_shared>>
      %dma_start3A_91 = arith.constant 0 : i32
      %dma_start3A_92 = arith.constant 0 : i32
      %dma_start3A_93 = tpu.memref_slice %arg8[%dma_start3A_91, %dma_start3A_92] : memref<125x128xf32, #tpu.memory_space<vmem>> -> memref<104x128xf32, #tpu.memory_space<vmem>>
      tpu.enqueue_dma source(%dma_start3A_93 : memref<104x128xf32, #tpu.memory_space<vmem>>) target(%dma_start3A_90 : memref<104x128xf32, #tpu.memory_space<vmem_shared>>) target_semaphore(%run_scoped3A : memref<!tpu.dma_semaphore, #tpu.memory_space<semaphore_mem>>)
      %dma_wait3A = arith.constant 0 : i32
      %dma_wait3A_94 = arith.constant 0 : i32
      %dma_wait3A_95 = tpu.memref_slice %arg8[%dma_wait3A, %dma_wait3A_94] : memref<125x128xf32, #tpu.memory_space<vmem>> -> memref<104x128xf32, #tpu.memory_space<vmem>>
      %dma_wait3A_96 = arith.constant 0 : i32
      %dma_wait3A_97 = tpu.memref_slice %arg10[%add3A_10, %dma_wait3A_96] : memref<10000x128xf32, #tpu.memory_space<vmem_shared>> -> memref<104x128xf32, #tpu.memory_space<vmem_shared>>
      %dma_wait3A_98 = arith.constant 0 : i32
      %dma_wait3A_99 = tpu.memref_slice %arg10[%add3A_10, %dma_wait3A_98] : memref<10000x128xf32, #tpu.memory_space<vmem_shared>> -> memref<104x128xf32, #tpu.memory_space<vmem_shared>>
      %dma_wait3A_100 = arith.constant 0 : i32
      %dma_wait3A_101 = arith.constant 0 : i32
      %dma_wait3A_102 = tpu.memref_slice %arg8[%dma_wait3A_100, %dma_wait3A_101] : memref<125x128xf32, #tpu.memory_space<vmem>> -> memref<104x128xf32, #tpu.memory_space<vmem>>
      tpu.wait_dma2 semaphore(%run_scoped3A : memref<!tpu.dma_semaphore, #tpu.memory_space<semaphore_mem>>) src(%dma_wait3A_102 : memref<104x128xf32, #tpu.memory_space<vmem>>) dst(%dma_wait3A_99 : memref<104x128xf32, #tpu.memory_space<vmem_shared>>)
      tpu.yield
    }) : () -> ()
    %mul3A_11 = arith.constant 624 : i32
    %mul3A_12 = arith.muli %arg1, %mul3A_11 : i32
    %add3A_13 = arith.constant 104 : i32
    %add3A_14 = arith.addi %mul3A_12, %add3A_13 : i32
    "tpu.region"() ({
      %run_scoped3A = tpu.sem_alloc : memref<!tpu.dma_semaphore, #tpu.memory_space<semaphore_mem>>
      %dma_start3A_84 = arith.constant 0 : i32
      %dma_start3A_85 = arith.constant 0 : i32
      %dma_start3A_86 = tpu.memref_slice %arg8[%dma_start3A_84, %dma_start3A_85] : memref<125x128xf32, #tpu.memory_space<vmem>> -> memref<104x128xf32, #tpu.memory_space<vmem>>
      %dma_start3A_87 = arith.constant 0 : i32
      %dma_start3A_88 = tpu.memref_slice %arg10[%add3A_14, %dma_start3A_87] : memref<10000x128xf32, #tpu.memory_space<vmem_shared>> -> memref<104x128xf32, #tpu.memory_space<vmem_shared>>
      %dma_start3A_89 = arith.constant 0 : i32
      %dma_start3A_90 = tpu.memref_slice %arg10[%add3A_14, %dma_start3A_89] : memref<10000x128xf32, #tpu.memory_space<vmem_shared>> -> memref<104x128xf32, #tpu.memory_space<vmem_shared>>
      %dma_start3A_91 = arith.constant 0 : i32
      %dma_start3A_92 = arith.constant 0 : i32
      %dma_start3A_93 = tpu.memref_slice %arg8[%dma_start3A_91, %dma_start3A_92] : memref<125x128xf32, #tpu.memory_space<vmem>> -> memref<104x128xf32, #tpu.memory_space<vmem>>
      tpu.enqueue_dma source(%dma_start3A_93 : memref<104x128xf32, #tpu.memory_space<vmem>>) target(%dma_start3A_90 : memref<104x128xf32, #tpu.memory_space<vmem_shared>>) target_semaphore(%run_scoped3A : memref<!tpu.dma_semaphore, #tpu.memory_space<semaphore_mem>>)
      %dma_wait3A = arith.constant 0 : i32
      %dma_wait3A_94 = arith.constant 0 : i32
      %dma_wait3A_95 = tpu.memref_slice %arg8[%dma_wait3A, %dma_wait3A_94] : memref<125x128xf32, #tpu.memory_space<vmem>> -> memref<104x128xf32, #tpu.memory_space<vmem>>
      %dma_wait3A_96 = arith.constant 0 : i32
      %dma_wait3A_97 = tpu.memref_slice %arg10[%add3A_14, %dma_wait3A_96] : memref<10000x128xf32, #tpu.memory_space<vmem_shared>> -> memref<104x128xf32, #tpu.memory_space<vmem_shared>>
      %dma_wait3A_98 = arith.constant 0 : i32
      %dma_wait3A_99 = tpu.memref_slice %arg10[%add3A_14, %dma_wait3A_98] : memref<10000x128xf32, #tpu.memory_space<vmem_shared>> -> memref<104x128xf32, #tpu.memory_space<vmem_shared>>
      %dma_wait3A_100 = arith.constant 0 : i32
      %dma_wait3A_101 = arith.constant 0 : i32
      %dma_wait3A_102 = tpu.memref_slice %arg8[%dma_wait3A_100, %dma_wait3A_101] : memref<125x128xf32, #tpu.memory_space<vmem>> -> memref<104x128xf32, #tpu.memory_space<vmem>>
      tpu.wait_dma2 semaphore(%run_scoped3A : memref<!tpu.dma_semaphore, #tpu.memory_space<semaphore_mem>>) src(%dma_wait3A_102 : memref<104x128xf32, #tpu.memory_space<vmem>>) dst(%dma_wait3A_99 : memref<104x128xf32, #tpu.memory_space<vmem_shared>>)
      tpu.yield
    }) : () -> ()
    %mul3A_15 = arith.constant 624 : i32
    %mul3A_16 = arith.muli %arg1, %mul3A_15 : i32
    %add3A_17 = arith.constant 208 : i32
    %add3A_18 = arith.addi %mul3A_16, %add3A_17 : i32
    "tpu.region"() ({
      %run_scoped3A = tpu.sem_alloc : memref<!tpu.dma_semaphore, #tpu.memory_space<semaphore_mem>>
      %dma_start3A_84 = arith.constant 0 : i32
      %dma_start3A_85 = arith.constant 0 : i32
      %dma_start3A_86 = tpu.memref_slice %arg8[%dma_start3A_84, %dma_start3A_85] : memref<125x128xf32, #tpu.memory_space<vmem>> -> memref<104x128xf32, #tpu.memory_space<vmem>>
      %dma_start3A_87 = arith.constant 0 : i32
      %dma_start3A_88 = tpu.memref_slice %arg10[%add3A_18, %dma_start3A_87] : memref<10000x128xf32, #tpu.memory_space<vmem_shared>> -> memref<104x128xf32, #tpu.memory_space<vmem_shared>>
      %dma_start3A_89 = arith.constant 0 : i32
      %dma_start3A_90 = tpu.memref_slice %arg10[%add3A_18, %dma_start3A_89] : memref<10000x128xf32, #tpu.memory_space<vmem_shared>> -> memref<104x128xf32, #tpu.memory_space<vmem_shared>>
      %dma_start3A_91 = arith.constant 0 : i32
      %dma_start3A_92 = arith.constant 0 : i32
      %dma_start3A_93 = tpu.memref_slice %arg8[%dma_start3A_91, %dma_start3A_92] : memref<125x128xf32, #tpu.memory_space<vmem>> -> memref<104x128xf32, #tpu.memory_space<vmem>>
      tpu.enqueue_dma source(%dma_start3A_93 : memref<104x128xf32, #tpu.memory_space<vmem>>) target(%dma_start3A_90 : memref<104x128xf32, #tpu.memory_space<vmem_shared>>) target_semaphore(%run_scoped3A : memref<!tpu.dma_semaphore, #tpu.memory_space<semaphore_mem>>)
      %dma_wait3A = arith.constant 0 : i32
      %dma_wait3A_94 = arith.constant 0 : i32
      %dma_wait3A_95 = tpu.memref_slice %arg8[%dma_wait3A, %dma_wait3A_94] : memref<125x128xf32, #tpu.memory_space<vmem>> -> memref<104x128xf32, #tpu.memory_space<vmem>>
      %dma_wait3A_96 = arith.constant 0 : i32
      %dma_wait3A_97 = tpu.memref_slice %arg10[%add3A_18, %dma_wait3A_96] : memref<10000x128xf32, #tpu.memory_space<vmem_shared>> -> memref<104x128xf32, #tpu.memory_space<vmem_shared>>
      %dma_wait3A_98 = arith.constant 0 : i32
      %dma_wait3A_99 = tpu.memref_slice %arg10[%add3A_18, %dma_wait3A_98] : memref<10000x128xf32, #tpu.memory_space<vmem_shared>> -> memref<104x128xf32, #tpu.memory_space<vmem_shared>>
      %dma_wait3A_100 = arith.constant 0 : i32
      %dma_wait3A_101 = arith.constant 0 : i32
      %dma_wait3A_102 = tpu.memref_slice %arg8[%dma_wait3A_100, %dma_wait3A_101] : memref<125x128xf32, #tpu.memory_space<vmem>> -> memref<104x128xf32, #tpu.memory_space<vmem>>
      tpu.wait_dma2 semaphore(%run_scoped3A : memref<!tpu.dma_semaphore, #tpu.memory_space<semaphore_mem>>) src(%dma_wait3A_102 : memref<104x128xf32, #tpu.memory_space<vmem>>) dst(%dma_wait3A_99 : memref<104x128xf32, #tpu.memory_space<vmem_shared>>)
      tpu.yield
    }) : () -> ()
    %mul3A_19 = arith.constant 624 : i32
    %mul3A_20 = arith.muli %arg1, %mul3A_19 : i32
    %add3A_21 = arith.constant 312 : i32
    %add3A_22 = arith.addi %mul3A_20, %add3A_21 : i32
    "tpu.region"() ({
      %run_scoped3A = tpu.sem_alloc : memref<!tpu.dma_semaphore, #tpu.memory_space<semaphore_mem>>
      %dma_start3A_84 = arith.constant 0 : i32
      %dma_start3A_85 = arith.constant 0 : i32
      %dma_start3A_86 = tpu.memref_slice %arg8[%dma_start3A_84, %dma_start3A_85] : memref<125x128xf32, #tpu.memory_space<vmem>> -> memref<104x128xf32, #tpu.memory_space<vmem>>
      %dma_start3A_87 = arith.constant 0 : i32
      %dma_start3A_88 = tpu.memref_slice %arg10[%add3A_22, %dma_start3A_87] : memref<10000x128xf32, #tpu.memory_space<vmem_shared>> -> memref<104x128xf32, #tpu.memory_space<vmem_shared>>
      %dma_start3A_89 = arith.constant 0 : i32
      %dma_start3A_90 = tpu.memref_slice %arg10[%add3A_22, %dma_start3A_89] : memref<10000x128xf32, #tpu.memory_space<vmem_shared>> -> memref<104x128xf32, #tpu.memory_space<vmem_shared>>
      %dma_start3A_91 = arith.constant 0 : i32
      %dma_start3A_92 = arith.constant 0 : i32
      %dma_start3A_93 = tpu.memref_slice %arg8[%dma_start3A_91, %dma_start3A_92] : memref<125x128xf32, #tpu.memory_space<vmem>> -> memref<104x128xf32, #tpu.memory_space<vmem>>
      tpu.enqueue_dma source(%dma_start3A_93 : memref<104x128xf32, #tpu.memory_space<vmem>>) target(%dma_start3A_90 : memref<104x128xf32, #tpu.memory_space<vmem_shared>>) target_semaphore(%run_scoped3A : memref<!tpu.dma_semaphore, #tpu.memory_space<semaphore_mem>>)
      %dma_wait3A = arith.constant 0 : i32
      %dma_wait3A_94 = arith.constant 0 : i32
      %dma_wait3A_95 = tpu.memref_slice %arg8[%dma_wait3A, %dma_wait3A_94] : memref<125x128xf32, #tpu.memory_space<vmem>> -> memref<104x128xf32, #tpu.memory_space<vmem>>
      %dma_wait3A_96 = arith.constant 0 : i32
      %dma_wait3A_97 = tpu.memref_slice %arg10[%add3A_22, %dma_wait3A_96] : memref<10000x128xf32, #tpu.memory_space<vmem_shared>> -> memref<104x128xf32, #tpu.memory_space<vmem_shared>>
      %dma_wait3A_98 = arith.constant 0 : i32
      %dma_wait3A_99 = tpu.memref_slice %arg10[%add3A_22, %dma_wait3A_98] : memref<10000x128xf32, #tpu.memory_space<vmem_shared>> -> memref<104x128xf32, #tpu.memory_space<vmem_shared>>
      %dma_wait3A_100 = arith.constant 0 : i32
      %dma_wait3A_101 = arith.constant 0 : i32
      %dma_wait3A_102 = tpu.memref_slice %arg8[%dma_wait3A_100, %dma_wait3A_101] : memref<125x128xf32, #tpu.memory_space<vmem>> -> memref<104x128xf32, #tpu.memory_space<vmem>>
      tpu.wait_dma2 semaphore(%run_scoped3A : memref<!tpu.dma_semaphore, #tpu.memory_space<semaphore_mem>>) src(%dma_wait3A_102 : memref<104x128xf32, #tpu.memory_space<vmem>>) dst(%dma_wait3A_99 : memref<104x128xf32, #tpu.memory_space<vmem_shared>>)
      tpu.yield
    }) : () -> ()
    %mul3A_23 = arith.constant 624 : i32
    %mul3A_24 = arith.muli %arg1, %mul3A_23 : i32
    %add3A_25 = arith.constant 416 : i32
    %add3A_26 = arith.addi %mul3A_24, %add3A_25 : i32
    "tpu.region"() ({
      %run_scoped3A = tpu.sem_alloc : memref<!tpu.dma_semaphore, #tpu.memory_space<semaphore_mem>>
      %dma_start3A_84 = arith.constant 0 : i32
      %dma_start3A_85 = arith.constant 0 : i32
      %dma_start3A_86 = tpu.memref_slice %arg8[%dma_start3A_84, %dma_start3A_85] : memref<125x128xf32, #tpu.memory_space<vmem>> -> memref<104x128xf32, #tpu.memory_space<vmem>>
      %dma_start3A_87 = arith.constant 0 : i32
      %dma_start3A_88 = tpu.memref_slice %arg10[%add3A_26, %dma_start3A_87] : memref<10000x128xf32, #tpu.memory_space<vmem_shared>> -> memref<104x128xf32, #tpu.memory_space<vmem_shared>>
      %dma_start3A_89 = arith.constant 0 : i32
      %dma_start3A_90 = tpu.memref_slice %arg10[%add3A_26, %dma_start3A_89] : memref<10000x128xf32, #tpu.memory_space<vmem_shared>> -> memref<104x128xf32, #tpu.memory_space<vmem_shared>>
      %dma_start3A_91 = arith.constant 0 : i32
      %dma_start3A_92 = arith.constant 0 : i32
      %dma_start3A_93 = tpu.memref_slice %arg8[%dma_start3A_91, %dma_start3A_92] : memref<125x128xf32, #tpu.memory_space<vmem>> -> memref<104x128xf32, #tpu.memory_space<vmem>>
      tpu.enqueue_dma source(%dma_start3A_93 : memref<104x128xf32, #tpu.memory_space<vmem>>) target(%dma_start3A_90 : memref<104x128xf32, #tpu.memory_space<vmem_shared>>) target_semaphore(%run_scoped3A : memref<!tpu.dma_semaphore, #tpu.memory_space<semaphore_mem>>)
      %dma_wait3A = arith.constant 0 : i32
      %dma_wait3A_94 = arith.constant 0 : i32
      %dma_wait3A_95 = tpu.memref_slice %arg8[%dma_wait3A, %dma_wait3A_94] : memref<125x128xf32, #tpu.memory_space<vmem>> -> memref<104x128xf32, #tpu.memory_space<vmem>>
      %dma_wait3A_96 = arith.constant 0 : i32
      %dma_wait3A_97 = tpu.memref_slice %arg10[%add3A_26, %dma_wait3A_96] : memref<10000x128xf32, #tpu.memory_space<vmem_shared>> -> memref<104x128xf32, #tpu.memory_space<vmem_shared>>
      %dma_wait3A_98 = arith.constant 0 : i32
      %dma_wait3A_99 = tpu.memref_slice %arg10[%add3A_26, %dma_wait3A_98] : memref<10000x128xf32, #tpu.memory_space<vmem_shared>> -> memref<104x128xf32, #tpu.memory_space<vmem_shared>>
      %dma_wait3A_100 = arith.constant 0 : i32
      %dma_wait3A_101 = arith.constant 0 : i32
      %dma_wait3A_102 = tpu.memref_slice %arg8[%dma_wait3A_100, %dma_wait3A_101] : memref<125x128xf32, #tpu.memory_space<vmem>> -> memref<104x128xf32, #tpu.memory_space<vmem>>
      tpu.wait_dma2 semaphore(%run_scoped3A : memref<!tpu.dma_semaphore, #tpu.memory_space<semaphore_mem>>) src(%dma_wait3A_102 : memref<104x128xf32, #tpu.memory_space<vmem>>) dst(%dma_wait3A_99 : memref<104x128xf32, #tpu.memory_space<vmem_shared>>)
      tpu.yield
    }) : () -> ()
    %mul3A_27 = arith.constant 624 : i32
    %mul3A_28 = arith.muli %arg1, %mul3A_27 : i32
    %add3A_29 = arith.constant 520 : i32
    %add3A_30 = arith.addi %mul3A_28, %add3A_29 : i32
    "tpu.region"() ({
      %run_scoped3A = tpu.sem_alloc : memref<!tpu.dma_semaphore, #tpu.memory_space<semaphore_mem>>
      %dma_start3A_84 = arith.constant 0 : i32
      %dma_start3A_85 = arith.constant 0 : i32
      %dma_start3A_86 = tpu.memref_slice %arg8[%dma_start3A_84, %dma_start3A_85] : memref<125x128xf32, #tpu.memory_space<vmem>> -> memref<104x128xf32, #tpu.memory_space<vmem>>
      %dma_start3A_87 = arith.constant 0 : i32
      %dma_start3A_88 = tpu.memref_slice %arg10[%add3A_30, %dma_start3A_87] : memref<10000x128xf32, #tpu.memory_space<vmem_shared>> -> memref<104x128xf32, #tpu.memory_space<vmem_shared>>
      %dma_start3A_89 = arith.constant 0 : i32
      %dma_start3A_90 = tpu.memref_slice %arg10[%add3A_30, %dma_start3A_89] : memref<10000x128xf32, #tpu.memory_space<vmem_shared>> -> memref<104x128xf32, #tpu.memory_space<vmem_shared>>
      %dma_start3A_91 = arith.constant 0 : i32
      %dma_start3A_92 = arith.constant 0 : i32
      %dma_start3A_93 = tpu.memref_slice %arg8[%dma_start3A_91, %dma_start3A_92] : memref<125x128xf32, #tpu.memory_space<vmem>> -> memref<104x128xf32, #tpu.memory_space<vmem>>
      tpu.enqueue_dma source(%dma_start3A_93 : memref<104x128xf32, #tpu.memory_space<vmem>>) target(%dma_start3A_90 : memref<104x128xf32, #tpu.memory_space<vmem_shared>>) target_semaphore(%run_scoped3A : memref<!tpu.dma_semaphore, #tpu.memory_space<semaphore_mem>>)
      %dma_wait3A = arith.constant 0 : i32
      %dma_wait3A_94 = arith.constant 0 : i32
      %dma_wait3A_95 = tpu.memref_slice %arg8[%dma_wait3A, %dma_wait3A_94] : memref<125x128xf32, #tpu.memory_space<vmem>> -> memref<104x128xf32, #tpu.memory_space<vmem>>
      %dma_wait3A_96 = arith.constant 0 : i32
      %dma_wait3A_97 = tpu.memref_slice %arg10[%add3A_30, %dma_wait3A_96] : memref<10000x128xf32, #tpu.memory_space<vmem_shared>> -> memref<104x128xf32, #tpu.memory_space<vmem_shared>>
      %dma_wait3A_98 = arith.constant 0 : i32
      %dma_wait3A_99 = tpu.memref_slice %arg10[%add3A_30, %dma_wait3A_98] : memref<10000x128xf32, #tpu.memory_space<vmem_shared>> -> memref<104x128xf32, #tpu.memory_space<vmem_shared>>
      %dma_wait3A_100 = arith.constant 0 : i32
      %dma_wait3A_101 = arith.constant 0 : i32
      %dma_wait3A_102 = tpu.memref_slice %arg8[%dma_wait3A_100, %dma_wait3A_101] : memref<125x128xf32, #tpu.memory_space<vmem>> -> memref<104x128xf32, #tpu.memory_space<vmem>>
      tpu.wait_dma2 semaphore(%run_scoped3A : memref<!tpu.dma_semaphore, #tpu.memory_space<semaphore_mem>>) src(%dma_wait3A_102 : memref<104x128xf32, #tpu.memory_space<vmem>>) dst(%dma_wait3A_99 : memref<104x128xf32, #tpu.memory_space<vmem_shared>>)
      tpu.yield
    }) : () -> ()
    %eq3A = arith.constant 15 : i32
    %eq3A_31 = arith.cmpi eq, %arg1, %eq3A : i32
    %convert_element_type3A = arith.extui %eq3A_31 : i1 to i32
    %cond3A = arith.constant 0 : i32
    %cond3A_32 = arith.cmpi ne, %convert_element_type3A, %cond3A : i32
    scf.if %cond3A_32 {
      "tpu.region"() ({
        %run_scoped3A = tpu.sem_alloc : memref<!tpu.dma_semaphore, #tpu.memory_space<semaphore_mem>>
        %dma_start3A_84 = arith.constant 0 : i32
        %dma_start3A_85 = arith.constant 0 : i32
        %dma_start3A_86 = tpu.memref_slice %arg8[%dma_start3A_84, %dma_start3A_85] : memref<125x128xf32, #tpu.memory_space<vmem>> -> memref<16x128xf32, #tpu.memory_space<vmem>>
        %dma_start3A_87 = arith.constant 9984 : i32
        %dma_start3A_88 = arith.constant 0 : i32
        %dma_start3A_89 = tpu.memref_slice %arg10[%dma_start3A_87, %dma_start3A_88] : memref<10000x128xf32, #tpu.memory_space<vmem_shared>> -> memref<16x128xf32, #tpu.memory_space<vmem_shared>>
        %dma_start3A_90 = arith.constant 9984 : i32
        %dma_start3A_91 = arith.constant 0 : i32
        %dma_start3A_92 = tpu.memref_slice %arg10[%dma_start3A_90, %dma_start3A_91] : memref<10000x128xf32, #tpu.memory_space<vmem_shared>> -> memref<16x128xf32, #tpu.memory_space<vmem_shared>>
        %dma_start3A_93 = arith.constant 0 : i32
        %dma_start3A_94 = arith.constant 0 : i32
        %dma_start3A_95 = tpu.memref_slice %arg8[%dma_start3A_93, %dma_start3A_94] : memref<125x128xf32, #tpu.memory_space<vmem>> -> memref<16x128xf32, #tpu.memory_space<vmem>>
        tpu.enqueue_dma source(%dma_start3A_95 : memref<16x128xf32, #tpu.memory_space<vmem>>) target(%dma_start3A_92 : memref<16x128xf32, #tpu.memory_space<vmem_shared>>) target_semaphore(%run_scoped3A : memref<!tpu.dma_semaphore, #tpu.memory_space<semaphore_mem>>)
        %dma_wait3A = arith.constant 0 : i32
        %dma_wait3A_96 = arith.constant 0 : i32
        %dma_wait3A_97 = tpu.memref_slice %arg8[%dma_wait3A, %dma_wait3A_96] : memref<125x128xf32, #tpu.memory_space<vmem>> -> memref<16x128xf32, #tpu.memory_space<vmem>>
        %dma_wait3A_98 = arith.constant 9984 : i32
        %dma_wait3A_99 = arith.constant 0 : i32
        %dma_wait3A_100 = tpu.memref_slice %arg10[%dma_wait3A_98, %dma_wait3A_99] : memref<10000x128xf32, #tpu.memory_space<vmem_shared>> -> memref<16x128xf32, #tpu.memory_space<vmem_shared>>
        %dma_wait3A_101 = arith.constant 9984 : i32
        %dma_wait3A_102 = arith.constant 0 : i32
        %dma_wait3A_103 = tpu.memref_slice %arg10[%dma_wait3A_101, %dma_wait3A_102] : memref<10000x128xf32, #tpu.memory_space<vmem_shared>> -> memref<16x128xf32, #tpu.memory_space<vmem_shared>>
        %dma_wait3A_104 = arith.constant 0 : i32
        %dma_wait3A_105 = arith.constant 0 : i32
        %dma_wait3A_106 = tpu.memref_slice %arg8[%dma_wait3A_104, %dma_wait3A_105] : memref<125x128xf32, #tpu.memory_space<vmem>> -> memref<16x128xf32, #tpu.memory_space<vmem>>
        tpu.wait_dma2 semaphore(%run_scoped3A : memref<!tpu.dma_semaphore, #tpu.memory_space<semaphore_mem>>) src(%dma_wait3A_106 : memref<16x128xf32, #tpu.memory_space<vmem>>) dst(%dma_wait3A_103 : memref<16x128xf32, #tpu.memory_space<vmem_shared>>)
        tpu.yield
      }) : () -> ()
    } else {
    }
    %barrier3A = arith.constant 0 : index
    tpu.barrier barrier_id(%barrier3A)
    "tpu.region"() ({
      %run_scoped3A = tpu.sem_alloc : memref<!tpu.dma_semaphore, #tpu.memory_space<semaphore_mem>>
      %dma_start3A_84 = arith.constant 0 : i32
      %dma_start3A_85 = arith.constant 0 : i32
      %dma_start3A_86 = tpu.memref_slice %arg3[%add3A, %dma_start3A_84, %dma_start3A_85] : memref<32x80x125xi32, #tpu.memory_space<hbm>> -> memref<1x40x125xi32, #tpu.memory_space<hbm>>
      %dma_start3A_87 = tpu.memref_squeeze %dma_start3A_86 : memref<1x40x125xi32, #tpu.memory_space<hbm>> -> memref<40x125xi32, #tpu.memory_space<hbm>>
      %dma_start3A_88 = arith.constant 0 : i32
      %dma_start3A_89 = arith.constant 0 : i32
      %dma_start3A_90 = tpu.memref_slice %arg3[%add3A, %dma_start3A_88, %dma_start3A_89] : memref<32x80x125xi32, #tpu.memory_space<hbm>> -> memref<1x40x125xi32, #tpu.memory_space<hbm>>
      %dma_start3A_91 = tpu.memref_squeeze %dma_start3A_90 : memref<1x40x125xi32, #tpu.memory_space<hbm>> -> memref<40x125xi32, #tpu.memory_space<hbm>>
      tpu.enqueue_dma source(%dma_start3A_91 : memref<40x125xi32, #tpu.memory_space<hbm>>) target(%arg6 : memref<40x125xi32, #tpu.memory_space<vmem>>) target_semaphore(%run_scoped3A : memref<!tpu.dma_semaphore, #tpu.memory_space<semaphore_mem>>)
      %dma_wait3A = arith.constant 0 : i32
      %dma_wait3A_92 = arith.constant 0 : i32
      %dma_wait3A_93 = tpu.memref_slice %arg3[%add3A, %dma_wait3A, %dma_wait3A_92] : memref<32x80x125xi32, #tpu.memory_space<hbm>> -> memref<1x40x125xi32, #tpu.memory_space<hbm>>
      %dma_wait3A_94 = tpu.memref_squeeze %dma_wait3A_93 : memref<1x40x125xi32, #tpu.memory_space<hbm>> -> memref<40x125xi32, #tpu.memory_space<hbm>>
      %dma_wait3A_95 = arith.constant 0 : i32
      %dma_wait3A_96 = arith.constant 0 : i32
      %dma_wait3A_97 = tpu.memref_slice %arg3[%add3A, %dma_wait3A_95, %dma_wait3A_96] : memref<32x80x125xi32, #tpu.memory_space<hbm>> -> memref<1x40x125xi32, #tpu.memory_space<hbm>>
      %dma_wait3A_98 = tpu.memref_squeeze %dma_wait3A_97 : memref<1x40x125xi32, #tpu.memory_space<hbm>> -> memref<40x125xi32, #tpu.memory_space<hbm>>
      tpu.wait_dma2 semaphore(%run_scoped3A : memref<!tpu.dma_semaphore, #tpu.memory_space<semaphore_mem>>) src(%dma_wait3A_98 : memref<40x125xi32, #tpu.memory_space<hbm>>) dst(%arg6 : memref<40x125xi32, #tpu.memory_space<vmem>>)
      tpu.yield
    }) : () -> ()
    "tpu.region"() ({
      %run_scoped3A = tpu.sem_alloc : memref<!tpu.dma_semaphore, #tpu.memory_space<semaphore_mem>>
      %dma_start3A_84 = arith.constant 0 : i32
      %dma_start3A_85 = arith.constant 0 : i32
      %dma_start3A_86 = tpu.memref_slice %arg4[%add3A, %dma_start3A_84, %dma_start3A_85] : memref<32x80x125xi32, #tpu.memory_space<hbm>> -> memref<1x40x125xi32, #tpu.memory_space<hbm>>
      %dma_start3A_87 = tpu.memref_squeeze %dma_start3A_86 : memref<1x40x125xi32, #tpu.memory_space<hbm>> -> memref<40x125xi32, #tpu.memory_space<hbm>>
      %dma_start3A_88 = arith.constant 0 : i32
      %dma_start3A_89 = arith.constant 0 : i32
      %dma_start3A_90 = tpu.memref_slice %arg4[%add3A, %dma_start3A_88, %dma_start3A_89] : memref<32x80x125xi32, #tpu.memory_space<hbm>> -> memref<1x40x125xi32, #tpu.memory_space<hbm>>
      %dma_start3A_91 = tpu.memref_squeeze %dma_start3A_90 : memref<1x40x125xi32, #tpu.memory_space<hbm>> -> memref<40x125xi32, #tpu.memory_space<hbm>>
      tpu.enqueue_dma source(%dma_start3A_91 : memref<40x125xi32, #tpu.memory_space<hbm>>) target(%arg7 : memref<40x125xi32, #tpu.memory_space<vmem>>) target_semaphore(%run_scoped3A : memref<!tpu.dma_semaphore, #tpu.memory_space<semaphore_mem>>)
      %dma_wait3A = arith.constant 0 : i32
      %dma_wait3A_92 = arith.constant 0 : i32
      %dma_wait3A_93 = tpu.memref_slice %arg4[%add3A, %dma_wait3A, %dma_wait3A_92] : memref<32x80x125xi32, #tpu.memory_space<hbm>> -> memref<1x40x125xi32, #tpu.memory_space<hbm>>
      %dma_wait3A_94 = tpu.memref_squeeze %dma_wait3A_93 : memref<1x40x125xi32, #tpu.memory_space<hbm>> -> memref<40x125xi32, #tpu.memory_space<hbm>>
      %dma_wait3A_95 = arith.constant 0 : i32
      %dma_wait3A_96 = arith.constant 0 : i32
      %dma_wait3A_97 = tpu.memref_slice %arg4[%add3A, %dma_wait3A_95, %dma_wait3A_96] : memref<32x80x125xi32, #tpu.memory_space<hbm>> -> memref<1x40x125xi32, #tpu.memory_space<hbm>>
      %dma_wait3A_98 = tpu.memref_squeeze %dma_wait3A_97 : memref<1x40x125xi32, #tpu.memory_space<hbm>> -> memref<40x125xi32, #tpu.memory_space<hbm>>
      tpu.wait_dma2 semaphore(%run_scoped3A : memref<!tpu.dma_semaphore, #tpu.memory_space<semaphore_mem>>) src(%dma_wait3A_98 : memref<40x125xi32, #tpu.memory_space<hbm>>) dst(%arg7 : memref<40x125xi32, #tpu.memory_space<vmem>>)
      tpu.yield
    }) : () -> ()
    %dma_start3A = arith.constant 0 : i32
    %dma_start3A_33 = arith.constant 0 : i32
    %dma_start3A_34 = tpu.memref_slice %arg6[%dma_start3A, %dma_start3A_33] : memref<40x125xi32, #tpu.memory_space<vmem>> -> memref<1x125xi32, #tpu.memory_space<vmem>>
    %dma_start3A_35 = tpu.memref_squeeze %dma_start3A_34 : memref<1x125xi32, #tpu.memory_space<vmem>> -> memref<125xi32, #tpu.memory_space<vmem>>
    %dma_start3A_36 = arith.constant 0 : i32
    %dma_start3A_37 = arith.constant 0 : i32
    %dma_start3A_38 = tpu.memref_slice %arg2[%dma_start3A_36, %dma_start3A_37] : memref<10000x128xf32, #tpu.memory_space<hbm>> -> memref<10000x128xf32, #tpu.memory_space<hbm>>
    tpu.enqueue_indirect_dma source(%dma_start3A_38 : memref<10000x128xf32, #tpu.memory_space<hbm>>) target(%arg8 : memref<125x128xf32, #tpu.memory_space<vmem>>) offsets(%dma_start3A_35 : memref<125xi32, #tpu.memory_space<vmem>>) semaphore(%arg11 : memref<!tpu.dma_semaphore, #tpu.memory_space<semaphore_mem>>)
    %dma_start3A_39 = arith.constant 1 : i32
    %dma_start3A_40 = arith.constant 0 : i32
    %dma_start3A_41 = tpu.memref_slice %arg6[%dma_start3A_39, %dma_start3A_40] : memref<40x125xi32, #tpu.memory_space<vmem>> -> memref<1x125xi32, #tpu.memory_space<vmem>>
    %dma_start3A_42 = tpu.memref_squeeze %dma_start3A_41 : memref<1x125xi32, #tpu.memory_space<vmem>> -> memref<125xi32, #tpu.memory_space<vmem>>
    %dma_start3A_43 = arith.constant 0 : i32
    %dma_start3A_44 = arith.constant 0 : i32
    %dma_start3A_45 = tpu.memref_slice %arg2[%dma_start3A_43, %dma_start3A_44] : memref<10000x128xf32, #tpu.memory_space<hbm>> -> memref<10000x128xf32, #tpu.memory_space<hbm>>
    tpu.enqueue_indirect_dma source(%dma_start3A_45 : memref<10000x128xf32, #tpu.memory_space<hbm>>) target(%arg9 : memref<125x128xf32, #tpu.memory_space<vmem>>) offsets(%dma_start3A_42 : memref<125xi32, #tpu.memory_space<vmem>>) semaphore(%arg12 : memref<!tpu.dma_semaphore, #tpu.memory_space<semaphore_mem>>)
    %scan3A_46 = arith.constant 0 : i32
    %scan3A_47 = arith.constant 0 : i32
    %scan3A_48 = arith.constant 20 : i32
    %scan3A_49 = arith.addi %scan3A_47, %scan3A_48 : i32
    %scan3A_50 = arith.constant 1 : i32
    %scan3A_51 = scf.for %scan3A_84 = %scan3A_47 to %scan3A_49 step %scan3A_50 iter_args(%scan3A_85 = %scan3A_46) -> (i32)  : i32 {
      %mul3A_86 = arith.constant 2 : i32
      %mul3A_87 = arith.muli %mul3A_86, %scan3A_84 : i32
      %dma_wait3A = arith.constant 0 : i32
      %dma_wait3A_88 = arith.constant 0 : i32
      %dma_wait3A_89 = tpu.memref_slice %arg6[%dma_wait3A, %dma_wait3A_88] : memref<40x125xi32, #tpu.memory_space<vmem>> -> memref<1x125xi32, #tpu.memory_space<vmem>>
      %dma_wait3A_90 = tpu.memref_squeeze %dma_wait3A_89 : memref<1x125xi32, #tpu.memory_space<vmem>> -> memref<125xi32, #tpu.memory_space<vmem>>
      %dma_wait3A_91 = arith.constant 0 : i32
      %dma_wait3A_92 = arith.constant 0 : i32
      %dma_wait3A_93 = tpu.memref_slice %arg2[%dma_wait3A_91, %dma_wait3A_92] : memref<10000x128xf32, #tpu.memory_space<hbm>> -> memref<10000x128xf32, #tpu.memory_space<hbm>>
      tpu.wait_indirect_dma semaphore(%arg11 : memref<!tpu.dma_semaphore, #tpu.memory_space<semaphore_mem>>) src(%dma_wait3A_93 : memref<10000x128xf32, #tpu.memory_space<hbm>>) dst(%arg8 : memref<125x128xf32, #tpu.memory_space<vmem>>)
      %add3A_94 = arith.constant 0 : i32
      %add3A_95 = arith.addi %mul3A_87, %add3A_94 : i32
      "tpu.region"() ({
        %run_scoped3A = tpu.sem_alloc : memref<!tpu.dma_semaphore, #tpu.memory_space<semaphore_mem>>
        %dma_start3A_123 = arith.constant 0 : i32
        %dma_start3A_124 = tpu.memref_slice %arg7[%add3A_95, %dma_start3A_123] : memref<40x125xi32, #tpu.memory_space<vmem>> -> memref<1x125xi32, #tpu.memory_space<vmem>>
        %dma_start3A_125 = tpu.memref_squeeze %dma_start3A_124 : memref<1x125xi32, #tpu.memory_space<vmem>> -> memref<125xi32, #tpu.memory_space<vmem>>
        %dma_start3A_126 = arith.constant 0 : i32
        %dma_start3A_127 = arith.constant 0 : i32
        %dma_start3A_128 = tpu.memref_slice %arg10[%dma_start3A_126, %dma_start3A_127] : memref<10000x128xf32, #tpu.memory_space<vmem_shared>> -> memref<10000x128xf32, #tpu.memory_space<vmem_shared>>
        tpu.enqueue_indirect_dma source(%arg8 : memref<125x128xf32, #tpu.memory_space<vmem>>) target(%dma_start3A_128 : memref<10000x128xf32, #tpu.memory_space<vmem_shared>>) offsets(%dma_start3A_125 : memref<125xi32, #tpu.memory_space<vmem>>) semaphore(%run_scoped3A : memref<!tpu.dma_semaphore, #tpu.memory_space<semaphore_mem>>) {add = true}
        %dma_wait3A_129 = arith.constant 0 : i32
        %dma_wait3A_130 = tpu.memref_slice %arg7[%add3A_95, %dma_wait3A_129] : memref<40x125xi32, #tpu.memory_space<vmem>> -> memref<1x125xi32, #tpu.memory_space<vmem>>
        %dma_wait3A_131 = tpu.memref_squeeze %dma_wait3A_130 : memref<1x125xi32, #tpu.memory_space<vmem>> -> memref<125xi32, #tpu.memory_space<vmem>>
        %dma_wait3A_132 = arith.constant 0 : i32
        %dma_wait3A_133 = arith.constant 0 : i32
        %dma_wait3A_134 = tpu.memref_slice %arg10[%dma_wait3A_132, %dma_wait3A_133] : memref<10000x128xf32, #tpu.memory_space<vmem_shared>> -> memref<10000x128xf32, #tpu.memory_space<vmem_shared>>
        tpu.wait_indirect_dma semaphore(%run_scoped3A : memref<!tpu.dma_semaphore, #tpu.memory_space<semaphore_mem>>) src(%arg8 : memref<125x128xf32, #tpu.memory_space<vmem>>) dst(%dma_wait3A_134 : memref<10000x128xf32, #tpu.memory_space<vmem_shared>>)
        tpu.yield
      }) : () -> ()
      %add3A_96 = arith.constant 0 : i32
      %add3A_97 = arith.addi %mul3A_87, %add3A_96 : i32
      %add3A_98 = arith.constant 2 : i32
      %add3A_99 = arith.addi %add3A_97, %add3A_98 : i32
      %lt3A = arith.constant 40 : i32
      %lt3A_100 = arith.cmpi slt, %add3A_99, %lt3A : i32
      %convert_element_type3A_101 = arith.extui %lt3A_100 : i1 to i32
      %cond3A_102 = arith.constant 0 : i32
      %cond3A_103 = arith.cmpi ne, %convert_element_type3A_101, %cond3A_102 : i32
      scf.if %cond3A_103 {
        %add3A_123 = arith.constant 0 : i32
        %add3A_124 = arith.addi %mul3A_87, %add3A_123 : i32
        %add3A_125 = arith.constant 2 : i32
        %add3A_126 = arith.addi %add3A_124, %add3A_125 : i32
        %dma_start3A_127 = arith.constant 0 : i32
        %dma_start3A_128 = tpu.memref_slice %arg6[%add3A_126, %dma_start3A_127] : memref<40x125xi32, #tpu.memory_space<vmem>> -> memref<1x125xi32, #tpu.memory_space<vmem>>
        %dma_start3A_129 = tpu.memref_squeeze %dma_start3A_128 : memref<1x125xi32, #tpu.memory_space<vmem>> -> memref<125xi32, #tpu.memory_space<vmem>>
        %dma_start3A_130 = arith.constant 0 : i32
        %dma_start3A_131 = arith.constant 0 : i32
        %dma_start3A_132 = tpu.memref_slice %arg2[%dma_start3A_130, %dma_start3A_131] : memref<10000x128xf32, #tpu.memory_space<hbm>> -> memref<10000x128xf32, #tpu.memory_space<hbm>>
        tpu.enqueue_indirect_dma source(%dma_start3A_132 : memref<10000x128xf32, #tpu.memory_space<hbm>>) target(%arg8 : memref<125x128xf32, #tpu.memory_space<vmem>>) offsets(%dma_start3A_129 : memref<125xi32, #tpu.memory_space<vmem>>) semaphore(%arg11 : memref<!tpu.dma_semaphore, #tpu.memory_space<semaphore_mem>>)
      } else {
      }
      %dma_wait3A_104 = arith.constant 0 : i32
      %dma_wait3A_105 = arith.constant 0 : i32
      %dma_wait3A_106 = tpu.memref_slice %arg6[%dma_wait3A_104, %dma_wait3A_105] : memref<40x125xi32, #tpu.memory_space<vmem>> -> memref<1x125xi32, #tpu.memory_space<vmem>>
      %dma_wait3A_107 = tpu.memref_squeeze %dma_wait3A_106 : memref<1x125xi32, #tpu.memory_space<vmem>> -> memref<125xi32, #tpu.memory_space<vmem>>
      %dma_wait3A_108 = arith.constant 0 : i32
      %dma_wait3A_109 = arith.constant 0 : i32
      %dma_wait3A_110 = tpu.memref_slice %arg2[%dma_wait3A_108, %dma_wait3A_109] : memref<10000x128xf32, #tpu.memory_space<hbm>> -> memref<10000x128xf32, #tpu.memory_space<hbm>>
      tpu.wait_indirect_dma semaphore(%arg12 : memref<!tpu.dma_semaphore, #tpu.memory_space<semaphore_mem>>) src(%dma_wait3A_110 : memref<10000x128xf32, #tpu.memory_space<hbm>>) dst(%arg9 : memref<125x128xf32, #tpu.memory_space<vmem>>)
      %add3A_111 = arith.constant 1 : i32
      %add3A_112 = arith.addi %mul3A_87, %add3A_111 : i32
      "tpu.region"() ({
        %run_scoped3A = tpu.sem_alloc : memref<!tpu.dma_semaphore, #tpu.memory_space<semaphore_mem>>
        %dma_start3A_123 = arith.constant 0 : i32
        %dma_start3A_124 = tpu.memref_slice %arg7[%add3A_112, %dma_start3A_123] : memref<40x125xi32, #tpu.memory_space<vmem>> -> memref<1x125xi32, #tpu.memory_space<vmem>>
        %dma_start3A_125 = tpu.memref_squeeze %dma_start3A_124 : memref<1x125xi32, #tpu.memory_space<vmem>> -> memref<125xi32, #tpu.memory_space<vmem>>
        %dma_start3A_126 = arith.constant 0 : i32
        %dma_start3A_127 = arith.constant 0 : i32
        %dma_start3A_128 = tpu.memref_slice %arg10[%dma_start3A_126, %dma_start3A_127] : memref<10000x128xf32, #tpu.memory_space<vmem_shared>> -> memref<10000x128xf32, #tpu.memory_space<vmem_shared>>
        tpu.enqueue_indirect_dma source(%arg9 : memref<125x128xf32, #tpu.memory_space<vmem>>) target(%dma_start3A_128 : memref<10000x128xf32, #tpu.memory_space<vmem_shared>>) offsets(%dma_start3A_125 : memref<125xi32, #tpu.memory_space<vmem>>) semaphore(%run_scoped3A : memref<!tpu.dma_semaphore, #tpu.memory_space<semaphore_mem>>) {add = true}
        %dma_wait3A_129 = arith.constant 0 : i32
        %dma_wait3A_130 = tpu.memref_slice %arg7[%add3A_112, %dma_wait3A_129] : memref<40x125xi32, #tpu.memory_space<vmem>> -> memref<1x125xi32, #tpu.memory_space<vmem>>
        %dma_wait3A_131 = tpu.memref_squeeze %dma_wait3A_130 : memref<1x125xi32, #tpu.memory_space<vmem>> -> memref<125xi32, #tpu.memory_space<vmem>>
        %dma_wait3A_132 = arith.constant 0 : i32
        %dma_wait3A_133 = arith.constant 0 : i32
        %dma_wait3A_134 = tpu.memref_slice %arg10[%dma_wait3A_132, %dma_wait3A_133] : memref<10000x128xf32, #tpu.memory_space<vmem_shared>> -> memref<10000x128xf32, #tpu.memory_space<vmem_shared>>
        tpu.wait_indirect_dma semaphore(%run_scoped3A : memref<!tpu.dma_semaphore, #tpu.memory_space<semaphore_mem>>) src(%arg9 : memref<125x128xf32, #tpu.memory_space<vmem>>) dst(%dma_wait3A_134 : memref<10000x128xf32, #tpu.memory_space<vmem_shared>>)
        tpu.yield
      }) : () -> ()
      %add3A_113 = arith.constant 1 : i32
      %add3A_114 = arith.addi %mul3A_87, %add3A_113 : i32
      %add3A_115 = arith.constant 2 : i32
      %add3A_116 = arith.addi %add3A_114, %add3A_115 : i32
      %lt3A_117 = arith.constant 40 : i32
      %lt3A_118 = arith.cmpi slt, %add3A_116, %lt3A_117 : i32
      %convert_element_type3A_119 = arith.extui %lt3A_118 : i1 to i32
      %cond3A_120 = arith.constant 0 : i32
      %cond3A_121 = arith.cmpi ne, %convert_element_type3A_119, %cond3A_120 : i32
      scf.if %cond3A_121 {
        %add3A_123 = arith.constant 1 : i32
        %add3A_124 = arith.addi %mul3A_87, %add3A_123 : i32
        %add3A_125 = arith.constant 2 : i32
        %add3A_126 = arith.addi %add3A_124, %add3A_125 : i32
        %dma_start3A_127 = arith.constant 0 : i32
        %dma_start3A_128 = tpu.memref_slice %arg6[%add3A_126, %dma_start3A_127] : memref<40x125xi32, #tpu.memory_space<vmem>> -> memref<1x125xi32, #tpu.memory_space<vmem>>
        %dma_start3A_129 = tpu.memref_squeeze %dma_start3A_128 : memref<1x125xi32, #tpu.memory_space<vmem>> -> memref<125xi32, #tpu.memory_space<vmem>>
        %dma_start3A_130 = arith.constant 0 : i32
        %dma_start3A_131 = arith.constant 0 : i32
        %dma_start3A_132 = tpu.memref_slice %arg2[%dma_start3A_130, %dma_start3A_131] : memref<10000x128xf32, #tpu.memory_space<hbm>> -> memref<10000x128xf32, #tpu.memory_space<hbm>>
        tpu.enqueue_indirect_dma source(%dma_start3A_132 : memref<10000x128xf32, #tpu.memory_space<hbm>>) target(%arg9 : memref<125x128xf32, #tpu.memory_space<vmem>>) offsets(%dma_start3A_129 : memref<125xi32, #tpu.memory_space<vmem>>) semaphore(%arg12 : memref<!tpu.dma_semaphore, #tpu.memory_space<semaphore_mem>>)
      } else {
      }
      %scan3A_122 = arith.constant 0 : i32
      scf.yield %scan3A_122 : i32
    }
    %scan3A_52 = arith.constant 20 : i32
    "tpu.region"() ({
      %run_scoped3A = tpu.sem_alloc : memref<!tpu.dma_semaphore, #tpu.memory_space<semaphore_mem>>
      %dma_start3A_84 = arith.constant 40 : i32
      %dma_start3A_85 = arith.constant 0 : i32
      %dma_start3A_86 = tpu.memref_slice %arg3[%add3A, %dma_start3A_84, %dma_start3A_85] : memref<32x80x125xi32, #tpu.memory_space<hbm>> -> memref<1x40x125xi32, #tpu.memory_space<hbm>>
      %dma_start3A_87 = tpu.memref_squeeze %dma_start3A_86 : memref<1x40x125xi32, #tpu.memory_space<hbm>> -> memref<40x125xi32, #tpu.memory_space<hbm>>
      %dma_start3A_88 = arith.constant 40 : i32
      %dma_start3A_89 = arith.constant 0 : i32
      %dma_start3A_90 = tpu.memref_slice %arg3[%add3A, %dma_start3A_88, %dma_start3A_89] : memref<32x80x125xi32, #tpu.memory_space<hbm>> -> memref<1x40x125xi32, #tpu.memory_space<hbm>>
      %dma_start3A_91 = tpu.memref_squeeze %dma_start3A_90 : memref<1x40x125xi32, #tpu.memory_space<hbm>> -> memref<40x125xi32, #tpu.memory_space<hbm>>
      tpu.enqueue_dma source(%dma_start3A_91 : memref<40x125xi32, #tpu.memory_space<hbm>>) target(%arg6 : memref<40x125xi32, #tpu.memory_space<vmem>>) target_semaphore(%run_scoped3A : memref<!tpu.dma_semaphore, #tpu.memory_space<semaphore_mem>>)
      %dma_wait3A = arith.constant 40 : i32
      %dma_wait3A_92 = arith.constant 0 : i32
      %dma_wait3A_93 = tpu.memref_slice %arg3[%add3A, %dma_wait3A, %dma_wait3A_92] : memref<32x80x125xi32, #tpu.memory_space<hbm>> -> memref<1x40x125xi32, #tpu.memory_space<hbm>>
      %dma_wait3A_94 = tpu.memref_squeeze %dma_wait3A_93 : memref<1x40x125xi32, #tpu.memory_space<hbm>> -> memref<40x125xi32, #tpu.memory_space<hbm>>
      %dma_wait3A_95 = arith.constant 40 : i32
      %dma_wait3A_96 = arith.constant 0 : i32
      %dma_wait3A_97 = tpu.memref_slice %arg3[%add3A, %dma_wait3A_95, %dma_wait3A_96] : memref<32x80x125xi32, #tpu.memory_space<hbm>> -> memref<1x40x125xi32, #tpu.memory_space<hbm>>
      %dma_wait3A_98 = tpu.memref_squeeze %dma_wait3A_97 : memref<1x40x125xi32, #tpu.memory_space<hbm>> -> memref<40x125xi32, #tpu.memory_space<hbm>>
      tpu.wait_dma2 semaphore(%run_scoped3A : memref<!tpu.dma_semaphore, #tpu.memory_space<semaphore_mem>>) src(%dma_wait3A_98 : memref<40x125xi32, #tpu.memory_space<hbm>>) dst(%arg6 : memref<40x125xi32, #tpu.memory_space<vmem>>)
      tpu.yield
    }) : () -> ()
    "tpu.region"() ({
      %run_scoped3A = tpu.sem_alloc : memref<!tpu.dma_semaphore, #tpu.memory_space<semaphore_mem>>
      %dma_start3A_84 = arith.constant 40 : i32
      %dma_start3A_85 = arith.constant 0 : i32
      %dma_start3A_86 = tpu.memref_slice %arg4[%add3A, %dma_start3A_84, %dma_start3A_85] : memref<32x80x125xi32, #tpu.memory_space<hbm>> -> memref<1x40x125xi32, #tpu.memory_space<hbm>>
      %dma_start3A_87 = tpu.memref_squeeze %dma_start3A_86 : memref<1x40x125xi32, #tpu.memory_space<hbm>> -> memref<40x125xi32, #tpu.memory_space<hbm>>
      %dma_start3A_88 = arith.constant 40 : i32
      %dma_start3A_89 = arith.constant 0 : i32
      %dma_start3A_90 = tpu.memref_slice %arg4[%add3A, %dma_start3A_88, %dma_start3A_89] : memref<32x80x125xi32, #tpu.memory_space<hbm>> -> memref<1x40x125xi32, #tpu.memory_space<hbm>>
      %dma_start3A_91 = tpu.memref_squeeze %dma_start3A_90 : memref<1x40x125xi32, #tpu.memory_space<hbm>> -> memref<40x125xi32, #tpu.memory_space<hbm>>
      tpu.enqueue_dma source(%dma_start3A_91 : memref<40x125xi32, #tpu.memory_space<hbm>>) target(%arg7 : memref<40x125xi32, #tpu.memory_space<vmem>>) target_semaphore(%run_scoped3A : memref<!tpu.dma_semaphore, #tpu.memory_space<semaphore_mem>>)
      %dma_wait3A = arith.constant 40 : i32
      %dma_wait3A_92 = arith.constant 0 : i32
      %dma_wait3A_93 = tpu.memref_slice %arg4[%add3A, %dma_wait3A, %dma_wait3A_92] : memref<32x80x125xi32, #tpu.memory_space<hbm>> -> memref<1x40x125xi32, #tpu.memory_space<hbm>>
      %dma_wait3A_94 = tpu.memref_squeeze %dma_wait3A_93 : memref<1x40x125xi32, #tpu.memory_space<hbm>> -> memref<40x125xi32, #tpu.memory_space<hbm>>
      %dma_wait3A_95 = arith.constant 40 : i32
      %dma_wait3A_96 = arith.constant 0 : i32
      %dma_wait3A_97 = tpu.memref_slice %arg4[%add3A, %dma_wait3A_95, %dma_wait3A_96] : memref<32x80x125xi32, #tpu.memory_space<hbm>> -> memref<1x40x125xi32, #tpu.memory_space<hbm>>
      %dma_wait3A_98 = tpu.memref_squeeze %dma_wait3A_97 : memref<1x40x125xi32, #tpu.memory_space<hbm>> -> memref<40x125xi32, #tpu.memory_space<hbm>>
      tpu.wait_dma2 semaphore(%run_scoped3A : memref<!tpu.dma_semaphore, #tpu.memory_space<semaphore_mem>>) src(%dma_wait3A_98 : memref<40x125xi32, #tpu.memory_space<hbm>>) dst(%arg7 : memref<40x125xi32, #tpu.memory_space<vmem>>)
      tpu.yield
    }) : () -> ()
    %dma_start3A_53 = arith.constant 0 : i32
    %dma_start3A_54 = arith.constant 0 : i32
    %dma_start3A_55 = tpu.memref_slice %arg6[%dma_start3A_53, %dma_start3A_54] : memref<40x125xi32, #tpu.memory_space<vmem>> -> memref<1x125xi32, #tpu.memory_space<vmem>>
    %dma_start3A_56 = tpu.memref_squeeze %dma_start3A_55 : memref<1x125xi32, #tpu.memory_space<vmem>> -> memref<125xi32, #tpu.memory_space<vmem>>
    %dma_start3A_57 = arith.constant 0 : i32
    %dma_start3A_58 = arith.constant 0 : i32
    %dma_start3A_59 = tpu.memref_slice %arg2[%dma_start3A_57, %dma_start3A_58] : memref<10000x128xf32, #tpu.memory_space<hbm>> -> memref<10000x128xf32, #tpu.memory_space<hbm>>
    tpu.enqueue_indirect_dma source(%dma_start3A_59 : memref<10000x128xf32, #tpu.memory_space<hbm>>) target(%arg8 : memref<125x128xf32, #tpu.memory_space<vmem>>) offsets(%dma_start3A_56 : memref<125xi32, #tpu.memory_space<vmem>>) semaphore(%arg11 : memref<!tpu.dma_semaphore, #tpu.memory_space<semaphore_mem>>)
    %dma_start3A_60 = arith.constant 1 : i32
    %dma_start3A_61 = arith.constant 0 : i32
    %dma_start3A_62 = tpu.memref_slice %arg6[%dma_start3A_60, %dma_start3A_61] : memref<40x125xi32, #tpu.memory_space<vmem>> -> memref<1x125xi32, #tpu.memory_space<vmem>>
    %dma_start3A_63 = tpu.memref_squeeze %dma_start3A_62 : memref<1x125xi32, #tpu.memory_space<vmem>> -> memref<125xi32, #tpu.memory_space<vmem>>
    %dma_start3A_64 = arith.constant 0 : i32
    %dma_start3A_65 = arith.constant 0 : i32
    %dma_start3A_66 = tpu.memref_slice %arg2[%dma_start3A_64, %dma_start3A_65] : memref<10000x128xf32, #tpu.memory_space<hbm>> -> memref<10000x128xf32, #tpu.memory_space<hbm>>
    tpu.enqueue_indirect_dma source(%dma_start3A_66 : memref<10000x128xf32, #tpu.memory_space<hbm>>) target(%arg9 : memref<125x128xf32, #tpu.memory_space<vmem>>) offsets(%dma_start3A_63 : memref<125xi32, #tpu.memory_space<vmem>>) semaphore(%arg12 : memref<!tpu.dma_semaphore, #tpu.memory_space<semaphore_mem>>)
    %scan3A_67 = arith.constant 0 : i32
    %scan3A_68 = arith.constant 0 : i32
    %scan3A_69 = arith.constant 20 : i32
    %scan3A_70 = arith.addi %scan3A_68, %scan3A_69 : i32
    %scan3A_71 = arith.constant 1 : i32
    %scan3A_72 = scf.for %scan3A_84 = %scan3A_68 to %scan3A_70 step %scan3A_71 iter_args(%scan3A_85 = %scan3A_67) -> (i32)  : i32 {
      %mul3A_86 = arith.constant 2 : i32
      %mul3A_87 = arith.muli %mul3A_86, %scan3A_84 : i32
      %dma_wait3A = arith.constant 0 : i32
      %dma_wait3A_88 = arith.constant 0 : i32
      %dma_wait3A_89 = tpu.memref_slice %arg6[%dma_wait3A, %dma_wait3A_88] : memref<40x125xi32, #tpu.memory_space<vmem>> -> memref<1x125xi32, #tpu.memory_space<vmem>>
      %dma_wait3A_90 = tpu.memref_squeeze %dma_wait3A_89 : memref<1x125xi32, #tpu.memory_space<vmem>> -> memref<125xi32, #tpu.memory_space<vmem>>
      %dma_wait3A_91 = arith.constant 0 : i32
      %dma_wait3A_92 = arith.constant 0 : i32
      %dma_wait3A_93 = tpu.memref_slice %arg2[%dma_wait3A_91, %dma_wait3A_92] : memref<10000x128xf32, #tpu.memory_space<hbm>> -> memref<10000x128xf32, #tpu.memory_space<hbm>>
      tpu.wait_indirect_dma semaphore(%arg11 : memref<!tpu.dma_semaphore, #tpu.memory_space<semaphore_mem>>) src(%dma_wait3A_93 : memref<10000x128xf32, #tpu.memory_space<hbm>>) dst(%arg8 : memref<125x128xf32, #tpu.memory_space<vmem>>)
      %add3A_94 = arith.constant 0 : i32
      %add3A_95 = arith.addi %mul3A_87, %add3A_94 : i32
      "tpu.region"() ({
        %run_scoped3A = tpu.sem_alloc : memref<!tpu.dma_semaphore, #tpu.memory_space<semaphore_mem>>
        %dma_start3A_123 = arith.constant 0 : i32
        %dma_start3A_124 = tpu.memref_slice %arg7[%add3A_95, %dma_start3A_123] : memref<40x125xi32, #tpu.memory_space<vmem>> -> memref<1x125xi32, #tpu.memory_space<vmem>>
        %dma_start3A_125 = tpu.memref_squeeze %dma_start3A_124 : memref<1x125xi32, #tpu.memory_space<vmem>> -> memref<125xi32, #tpu.memory_space<vmem>>
        %dma_start3A_126 = arith.constant 0 : i32
        %dma_start3A_127 = arith.constant 0 : i32
        %dma_start3A_128 = tpu.memref_slice %arg10[%dma_start3A_126, %dma_start3A_127] : memref<10000x128xf32, #tpu.memory_space<vmem_shared>> -> memref<10000x128xf32, #tpu.memory_space<vmem_shared>>
        tpu.enqueue_indirect_dma source(%arg8 : memref<125x128xf32, #tpu.memory_space<vmem>>) target(%dma_start3A_128 : memref<10000x128xf32, #tpu.memory_space<vmem_shared>>) offsets(%dma_start3A_125 : memref<125xi32, #tpu.memory_space<vmem>>) semaphore(%run_scoped3A : memref<!tpu.dma_semaphore, #tpu.memory_space<semaphore_mem>>) {add = true}
        %dma_wait3A_129 = arith.constant 0 : i32
        %dma_wait3A_130 = tpu.memref_slice %arg7[%add3A_95, %dma_wait3A_129] : memref<40x125xi32, #tpu.memory_space<vmem>> -> memref<1x125xi32, #tpu.memory_space<vmem>>
        %dma_wait3A_131 = tpu.memref_squeeze %dma_wait3A_130 : memref<1x125xi32, #tpu.memory_space<vmem>> -> memref<125xi32, #tpu.memory_space<vmem>>
        %dma_wait3A_132 = arith.constant 0 : i32
        %dma_wait3A_133 = arith.constant 0 : i32
        %dma_wait3A_134 = tpu.memref_slice %arg10[%dma_wait3A_132, %dma_wait3A_133] : memref<10000x128xf32, #tpu.memory_space<vmem_shared>> -> memref<10000x128xf32, #tpu.memory_space<vmem_shared>>
        tpu.wait_indirect_dma semaphore(%run_scoped3A : memref<!tpu.dma_semaphore, #tpu.memory_space<semaphore_mem>>) src(%arg8 : memref<125x128xf32, #tpu.memory_space<vmem>>) dst(%dma_wait3A_134 : memref<10000x128xf32, #tpu.memory_space<vmem_shared>>)
        tpu.yield
      }) : () -> ()
      %add3A_96 = arith.constant 0 : i32
      %add3A_97 = arith.addi %mul3A_87, %add3A_96 : i32
      %add3A_98 = arith.constant 2 : i32
      %add3A_99 = arith.addi %add3A_97, %add3A_98 : i32
      %lt3A = arith.constant 40 : i32
      %lt3A_100 = arith.cmpi slt, %add3A_99, %lt3A : i32
      %convert_element_type3A_101 = arith.extui %lt3A_100 : i1 to i32
      %cond3A_102 = arith.constant 0 : i32
      %cond3A_103 = arith.cmpi ne, %convert_element_type3A_101, %cond3A_102 : i32
      scf.if %cond3A_103 {
        %add3A_123 = arith.constant 0 : i32
        %add3A_124 = arith.addi %mul3A_87, %add3A_123 : i32
        %add3A_125 = arith.constant 2 : i32
        %add3A_126 = arith.addi %add3A_124, %add3A_125 : i32
        %dma_start3A_127 = arith.constant 0 : i32
        %dma_start3A_128 = tpu.memref_slice %arg6[%add3A_126, %dma_start3A_127] : memref<40x125xi32, #tpu.memory_space<vmem>> -> memref<1x125xi32, #tpu.memory_space<vmem>>
        %dma_start3A_129 = tpu.memref_squeeze %dma_start3A_128 : memref<1x125xi32, #tpu.memory_space<vmem>> -> memref<125xi32, #tpu.memory_space<vmem>>
        %dma_start3A_130 = arith.constant 0 : i32
        %dma_start3A_131 = arith.constant 0 : i32
        %dma_start3A_132 = tpu.memref_slice %arg2[%dma_start3A_130, %dma_start3A_131] : memref<10000x128xf32, #tpu.memory_space<hbm>> -> memref<10000x128xf32, #tpu.memory_space<hbm>>
        tpu.enqueue_indirect_dma source(%dma_start3A_132 : memref<10000x128xf32, #tpu.memory_space<hbm>>) target(%arg8 : memref<125x128xf32, #tpu.memory_space<vmem>>) offsets(%dma_start3A_129 : memref<125xi32, #tpu.memory_space<vmem>>) semaphore(%arg11 : memref<!tpu.dma_semaphore, #tpu.memory_space<semaphore_mem>>)
      } else {
      }
      %dma_wait3A_104 = arith.constant 0 : i32
      %dma_wait3A_105 = arith.constant 0 : i32
      %dma_wait3A_106 = tpu.memref_slice %arg6[%dma_wait3A_104, %dma_wait3A_105] : memref<40x125xi32, #tpu.memory_space<vmem>> -> memref<1x125xi32, #tpu.memory_space<vmem>>
      %dma_wait3A_107 = tpu.memref_squeeze %dma_wait3A_106 : memref<1x125xi32, #tpu.memory_space<vmem>> -> memref<125xi32, #tpu.memory_space<vmem>>
      %dma_wait3A_108 = arith.constant 0 : i32
      %dma_wait3A_109 = arith.constant 0 : i32
      %dma_wait3A_110 = tpu.memref_slice %arg2[%dma_wait3A_108, %dma_wait3A_109] : memref<10000x128xf32, #tpu.memory_space<hbm>> -> memref<10000x128xf32, #tpu.memory_space<hbm>>
      tpu.wait_indirect_dma semaphore(%arg12 : memref<!tpu.dma_semaphore, #tpu.memory_space<semaphore_mem>>) src(%dma_wait3A_110 : memref<10000x128xf32, #tpu.memory_space<hbm>>) dst(%arg9 : memref<125x128xf32, #tpu.memory_space<vmem>>)
      %add3A_111 = arith.constant 1 : i32
      %add3A_112 = arith.addi %mul3A_87, %add3A_111 : i32
      "tpu.region"() ({
        %run_scoped3A = tpu.sem_alloc : memref<!tpu.dma_semaphore, #tpu.memory_space<semaphore_mem>>
        %dma_start3A_123 = arith.constant 0 : i32
        %dma_start3A_124 = tpu.memref_slice %arg7[%add3A_112, %dma_start3A_123] : memref<40x125xi32, #tpu.memory_space<vmem>> -> memref<1x125xi32, #tpu.memory_space<vmem>>
        %dma_start3A_125 = tpu.memref_squeeze %dma_start3A_124 : memref<1x125xi32, #tpu.memory_space<vmem>> -> memref<125xi32, #tpu.memory_space<vmem>>
        %dma_start3A_126 = arith.constant 0 : i32
        %dma_start3A_127 = arith.constant 0 : i32
        %dma_start3A_128 = tpu.memref_slice %arg10[%dma_start3A_126, %dma_start3A_127] : memref<10000x128xf32, #tpu.memory_space<vmem_shared>> -> memref<10000x128xf32, #tpu.memory_space<vmem_shared>>
        tpu.enqueue_indirect_dma source(%arg9 : memref<125x128xf32, #tpu.memory_space<vmem>>) target(%dma_start3A_128 : memref<10000x128xf32, #tpu.memory_space<vmem_shared>>) offsets(%dma_start3A_125 : memref<125xi32, #tpu.memory_space<vmem>>) semaphore(%run_scoped3A : memref<!tpu.dma_semaphore, #tpu.memory_space<semaphore_mem>>) {add = true}
        %dma_wait3A_129 = arith.constant 0 : i32
        %dma_wait3A_130 = tpu.memref_slice %arg7[%add3A_112, %dma_wait3A_129] : memref<40x125xi32, #tpu.memory_space<vmem>> -> memref<1x125xi32, #tpu.memory_space<vmem>>
        %dma_wait3A_131 = tpu.memref_squeeze %dma_wait3A_130 : memref<1x125xi32, #tpu.memory_space<vmem>> -> memref<125xi32, #tpu.memory_space<vmem>>
        %dma_wait3A_132 = arith.constant 0 : i32
        %dma_wait3A_133 = arith.constant 0 : i32
        %dma_wait3A_134 = tpu.memref_slice %arg10[%dma_wait3A_132, %dma_wait3A_133] : memref<10000x128xf32, #tpu.memory_space<vmem_shared>> -> memref<10000x128xf32, #tpu.memory_space<vmem_shared>>
        tpu.wait_indirect_dma semaphore(%run_scoped3A : memref<!tpu.dma_semaphore, #tpu.memory_space<semaphore_mem>>) src(%arg9 : memref<125x128xf32, #tpu.memory_space<vmem>>) dst(%dma_wait3A_134 : memref<10000x128xf32, #tpu.memory_space<vmem_shared>>)
        tpu.yield
      }) : () -> ()
      %add3A_113 = arith.constant 1 : i32
      %add3A_114 = arith.addi %mul3A_87, %add3A_113 : i32
      %add3A_115 = arith.constant 2 : i32
      %add3A_116 = arith.addi %add3A_114, %add3A_115 : i32
      %lt3A_117 = arith.constant 40 : i32
      %lt3A_118 = arith.cmpi slt, %add3A_116, %lt3A_117 : i32
      %convert_element_type3A_119 = arith.extui %lt3A_118 : i1 to i32
      %cond3A_120 = arith.constant 0 : i32
      %cond3A_121 = arith.cmpi ne, %convert_element_type3A_119, %cond3A_120 : i32
      scf.if %cond3A_121 {
        %add3A_123 = arith.constant 1 : i32
        %add3A_124 = arith.addi %mul3A_87, %add3A_123 : i32
        %add3A_125 = arith.constant 2 : i32
        %add3A_126 = arith.addi %add3A_124, %add3A_125 : i32
        %dma_start3A_127 = arith.constant 0 : i32
        %dma_start3A_128 = tpu.memref_slice %arg6[%add3A_126, %dma_start3A_127] : memref<40x125xi32, #tpu.memory_space<vmem>> -> memref<1x125xi32, #tpu.memory_space<vmem>>
        %dma_start3A_129 = tpu.memref_squeeze %dma_start3A_128 : memref<1x125xi32, #tpu.memory_space<vmem>> -> memref<125xi32, #tpu.memory_space<vmem>>
        %dma_start3A_130 = arith.constant 0 : i32
        %dma_start3A_131 = arith.constant 0 : i32
        %dma_start3A_132 = tpu.memref_slice %arg2[%dma_start3A_130, %dma_start3A_131] : memref<10000x128xf32, #tpu.memory_space<hbm>> -> memref<10000x128xf32, #tpu.memory_space<hbm>>
        tpu.enqueue_indirect_dma source(%dma_start3A_132 : memref<10000x128xf32, #tpu.memory_space<hbm>>) target(%arg9 : memref<125x128xf32, #tpu.memory_space<vmem>>) offsets(%dma_start3A_129 : memref<125xi32, #tpu.memory_space<vmem>>) semaphore(%arg12 : memref<!tpu.dma_semaphore, #tpu.memory_space<semaphore_mem>>)
      } else {
      }
      %scan3A_122 = arith.constant 0 : i32
      scf.yield %scan3A_122 : i32
    }
    %scan3A_73 = arith.constant 20 : i32
    %barrier3A_74 = arith.constant 0 : index
    tpu.barrier barrier_id(%barrier3A_74)
    %mul3A_75 = arith.constant 624 : i32
    %mul3A_76 = arith.muli %arg1, %mul3A_75 : i32
    %mul3A_77 = arith.constant 624 : i32
    %mul3A_78 = arith.muli %arg1, %mul3A_77 : i32
    "tpu.region"() ({
      %run_scoped3A = tpu.sem_alloc : memref<!tpu.dma_semaphore, #tpu.memory_space<semaphore_mem>>
      %dma_start3A_84 = arith.constant 0 : i32
      %dma_start3A_85 = tpu.memref_slice %arg5[%arg0, %mul3A_78, %dma_start3A_84] : memref<2x10000x128xf32, #tpu.memory_space<hbm>> -> memref<1x624x128xf32, #tpu.memory_space<hbm>>
      %dma_start3A_86 = tpu.memref_squeeze %dma_start3A_85 : memref<1x624x128xf32, #tpu.memory_space<hbm>> -> memref<624x128xf32, #tpu.memory_space<hbm>>
      %dma_start3A_87 = arith.constant 0 : i32
      %dma_start3A_88 = tpu.memref_slice %arg10[%mul3A_76, %dma_start3A_87] : memref<10000x128xf32, #tpu.memory_space<vmem_shared>> -> memref<624x128xf32, #tpu.memory_space<vmem_shared>>
      tpu.enqueue_dma source(%dma_start3A_88 : memref<624x128xf32, #tpu.memory_space<vmem_shared>>) target(%dma_start3A_86 : memref<624x128xf32, #tpu.memory_space<hbm>>) target_semaphore(%run_scoped3A : memref<!tpu.dma_semaphore, #tpu.memory_space<semaphore_mem>>)
      %dma_wait3A = arith.constant 0 : i32
      %dma_wait3A_89 = tpu.memref_slice %arg5[%arg0, %mul3A_78, %dma_wait3A] : memref<2x10000x128xf32, #tpu.memory_space<hbm>> -> memref<1x624x128xf32, #tpu.memory_space<hbm>>
      %dma_wait3A_90 = tpu.memref_squeeze %dma_wait3A_89 : memref<1x624x128xf32, #tpu.memory_space<hbm>> -> memref<624x128xf32, #tpu.memory_space<hbm>>
      %dma_wait3A_91 = arith.constant 0 : i32
      %dma_wait3A_92 = tpu.memref_slice %arg10[%mul3A_76, %dma_wait3A_91] : memref<10000x128xf32, #tpu.memory_space<vmem_shared>> -> memref<624x128xf32, #tpu.memory_space<vmem_shared>>
      tpu.wait_dma2 semaphore(%run_scoped3A : memref<!tpu.dma_semaphore, #tpu.memory_space<semaphore_mem>>) src(%dma_wait3A_92 : memref<624x128xf32, #tpu.memory_space<vmem_shared>>) dst(%dma_wait3A_90 : memref<624x128xf32, #tpu.memory_space<hbm>>)
      tpu.yield
    }) : () -> ()
    %eq3A_79 = arith.constant 15 : i32
    %eq3A_80 = arith.cmpi eq, %arg1, %eq3A_79 : i32
    %convert_element_type3A_81 = arith.extui %eq3A_80 : i1 to i32
    %cond3A_82 = arith.constant 0 : i32
    %cond3A_83 = arith.cmpi ne, %convert_element_type3A_81, %cond3A_82 : i32
    scf.if %cond3A_83 {
      "tpu.region"() ({
        %run_scoped3A = tpu.sem_alloc : memref<!tpu.dma_semaphore, #tpu.memory_space<semaphore_mem>>
        %dma_start3A_84 = arith.constant 9984 : i32
        %dma_start3A_85 = arith.constant 0 : i32
        %dma_start3A_86 = tpu.memref_slice %arg5[%arg0, %dma_start3A_84, %dma_start3A_85] : memref<2x10000x128xf32, #tpu.memory_space<hbm>> -> memref<1x16x128xf32, #tpu.memory_space<hbm>>
        %dma_start3A_87 = tpu.memref_squeeze %dma_start3A_86 : memref<1x16x128xf32, #tpu.memory_space<hbm>> -> memref<16x128xf32, #tpu.memory_space<hbm>>
        %dma_start3A_88 = arith.constant 9984 : i32
        %dma_start3A_89 = arith.constant 0 : i32
        %dma_start3A_90 = tpu.memref_slice %arg10[%dma_start3A_88, %dma_start3A_89] : memref<10000x128xf32, #tpu.memory_space<vmem_shared>> -> memref<16x128xf32, #tpu.memory_space<vmem_shared>>
        tpu.enqueue_dma source(%dma_start3A_90 : memref<16x128xf32, #tpu.memory_space<vmem_shared>>) target(%dma_start3A_87 : memref<16x128xf32, #tpu.memory_space<hbm>>) target_semaphore(%run_scoped3A : memref<!tpu.dma_semaphore, #tpu.memory_space<semaphore_mem>>)
        %dma_wait3A = arith.constant 9984 : i32
        %dma_wait3A_91 = arith.constant 0 : i32
        %dma_wait3A_92 = tpu.memref_slice %arg5[%arg0, %dma_wait3A, %dma_wait3A_91] : memref<2x10000x128xf32, #tpu.memory_space<hbm>> -> memref<1x16x128xf32, #tpu.memory_space<hbm>>
        %dma_wait3A_93 = tpu.memref_squeeze %dma_wait3A_92 : memref<1x16x128xf32, #tpu.memory_space<hbm>> -> memref<16x128xf32, #tpu.memory_space<hbm>>
        %dma_wait3A_94 = arith.constant 9984 : i32
        %dma_wait3A_95 = arith.constant 0 : i32
        %dma_wait3A_96 = tpu.memref_slice %arg10[%dma_wait3A_94, %dma_wait3A_95] : memref<10000x128xf32, #tpu.memory_space<vmem_shared>> -> memref<16x128xf32, #tpu.memory_space<vmem_shared>>
        tpu.wait_dma2 semaphore(%run_scoped3A : memref<!tpu.dma_semaphore, #tpu.memory_space<semaphore_mem>>) src(%dma_wait3A_96 : memref<16x128xf32, #tpu.memory_space<vmem_shared>>) dst(%dma_wait3A_93 : memref<16x128xf32, #tpu.memory_space<hbm>>)
        tpu.yield
      }) : () -> ()
    } else {
    }
    return
  }
}

#map = affine_map<(d0, d1) -> (0, 0)>
#map1 = affine_map<(d0, d1) -> (0, 0, 0)>
module attributes {stable_mosaic.version = 14 : i64} {
  func.func @_sc_agg_body(%arg0: i32, %arg1: i32, %arg2: memref<10000x128xf32, #tpu.memory_space<hbm>>, %arg3: memref<32x80x125xi32, #tpu.memory_space<hbm>>, %arg4: memref<32x80x125xi32, #tpu.memory_space<hbm>>, %arg5: memref<2x10000x128xf32, #tpu.memory_space<hbm>>, %arg6: memref<40x125xi32, #tpu.memory_space<vmem>>, %arg7: memref<40x125xi32, #tpu.memory_space<vmem>>, %arg8: memref<125x128xf32, #tpu.memory_space<vmem>>, %arg9: memref<125x128xf32, #tpu.memory_space<vmem>>, %arg10: memref<10000x128xf32, #tpu.memory_space<vmem_shared>>, %arg11: memref<!tpu.dma_semaphore, #tpu.memory_space<semaphore_mem>>, %arg12: memref<!tpu.dma_semaphore, #tpu.memory_space<semaphore_mem>>) attributes {dimension_semantics = [#tpu.dimension_semantics<core_parallel>, #tpu.dimension_semantics<subcore_parallel>], iteration_bounds = array<i64: 2, 16>, scalar_prefetch = 0 : i64, scratch_operands = 7 : i64, tpu.core_type = #tpu.core_type<sc_vector_subcore>, window_params = [{transform_indices = #map}, {transform_indices = #map1}, {transform_indices = #map1}, {transform_indices = #map1}]} {
    %mul3A = arith.constant 2 : i32
    %mul3A_0 = arith.muli %arg1, %mul3A : i32
    %add3A = arith.addi %mul3A_0, %arg0 : i32
    %scan3A = arith.constant 0 : i32
    %scan3A_1 = arith.constant 0 : i32
    %scan3A_2 = arith.constant 104 : i32
    %scan3A_3 = arith.addi %scan3A_1, %scan3A_2 : i32
    %scan3A_4 = arith.constant 1 : i32
    %scan3A_5 = scf.for %scan3A_84 = %scan3A_1 to %scan3A_3 step %scan3A_4 iter_args(%scan3A_85 = %scan3A) -> (i32)  : i32 {
      %broadcast_in_dim3A = arith.constant 0.000000e+00 : f32
      %broadcast_in_dim3A_86 = vector.broadcast %broadcast_in_dim3A : f32 to vector<16xf32>
      %swap3A = arith.index_cast %scan3A_84 : i32 to index
      %swap3A_87 = arith.constant 0 : index
      %swap3A_88 = tpu.vector_load %arg8[%swap3A, %swap3A_87] {strides = array<i32>} : memref<125x128xf32, #tpu.memory_space<vmem>>, vector<1x16xf32>,
      %swap3A_89 = vector.shape_cast %swap3A_88 : vector<1x16xf32> to vector<16xf32>
      %swap3A_90 = vector.shape_cast %broadcast_in_dim3A_86 : vector<16xf32> to vector<1x16xf32>
      tpu.vector_store %arg8[%swap3A, %swap3A_87], %swap3A_90 {strides = array<i32>} : memref<125x128xf32, #tpu.memory_space<vmem>>, vector<1x16xf32>,
      %broadcast_in_dim3A_91 = arith.constant 0.000000e+00 : f32
      %broadcast_in_dim3A_92 = vector.broadcast %broadcast_in_dim3A_91 : f32 to vector<16xf32>
      %swap3A_93 = arith.index_cast %scan3A_84 : i32 to index
      %swap3A_94 = arith.constant 16 : index
      %swap3A_95 = tpu.vector_load %arg8[%swap3A_93, %swap3A_94] {strides = array<i32>} : memref<125x128xf32, #tpu.memory_space<vmem>>, vector<1x16xf32>,
      %swap3A_96 = vector.shape_cast %swap3A_95 : vector<1x16xf32> to vector<16xf32>
      %swap3A_97 = vector.shape_cast %broadcast_in_dim3A_92 : vector<16xf32> to vector<1x16xf32>
      tpu.vector_store %arg8[%swap3A_93, %swap3A_94], %swap3A_97 {strides = array<i32>} : memref<125x128xf32, #tpu.memory_space<vmem>>, vector<1x16xf32>,
      %broadcast_in_dim3A_98 = arith.constant 0.000000e+00 : f32
      %broadcast_in_dim3A_99 = vector.broadcast %broadcast_in_dim3A_98 : f32 to vector<16xf32>
      %swap3A_100 = arith.index_cast %scan3A_84 : i32 to index
      %swap3A_101 = arith.constant 32 : index
      %swap3A_102 = tpu.vector_load %arg8[%swap3A_100, %swap3A_101] {strides = array<i32>} : memref<125x128xf32, #tpu.memory_space<vmem>>, vector<1x16xf32>,
      %swap3A_103 = vector.shape_cast %swap3A_102 : vector<1x16xf32> to vector<16xf32>
      %swap3A_104 = vector.shape_cast %broadcast_in_dim3A_99 : vector<16xf32> to vector<1x16xf32>
      tpu.vector_store %arg8[%swap3A_100, %swap3A_101], %swap3A_104 {strides = array<i32>} : memref<125x128xf32, #tpu.memory_space<vmem>>, vector<1x16xf32>,
      %broadcast_in_dim3A_105 = arith.constant 0.000000e+00 : f32
      %broadcast_in_dim3A_106 = vector.broadcast %broadcast_in_dim3A_105 : f32 to vector<16xf32>
      %swap3A_107 = arith.index_cast %scan3A_84 : i32 to index
      %swap3A_108 = arith.constant 48 : index
      %swap3A_109 = tpu.vector_load %arg8[%swap3A_107, %swap3A_108] {strides = array<i32>} : memref<125x128xf32, #tpu.memory_space<vmem>>, vector<1x16xf32>,
      %swap3A_110 = vector.shape_cast %swap3A_109 : vector<1x16xf32> to vector<16xf32>
      %swap3A_111 = vector.shape_cast %broadcast_in_dim3A_106 : vector<16xf32> to vector<1x16xf32>
      tpu.vector_store %arg8[%swap3A_107, %swap3A_108], %swap3A_111 {strides = array<i32>} : memref<125x128xf32, #tpu.memory_space<vmem>>, vector<1x16xf32>,
      %broadcast_in_dim3A_112 = arith.constant 0.000000e+00 : f32
      %broadcast_in_dim3A_113 = vector.broadcast %broadcast_in_dim3A_112 : f32 to vector<16xf32>
      %swap3A_114 = arith.index_cast %scan3A_84 : i32 to index
      %swap3A_115 = arith.constant 64 : index
      %swap3A_116 = tpu.vector_load %arg8[%swap3A_114, %swap3A_115] {strides = array<i32>} : memref<125x128xf32, #tpu.memory_space<vmem>>, vector<1x16xf32>,
      %swap3A_117 = vector.shape_cast %swap3A_116 : vector<1x16xf32> to vector<16xf32>
      %swap3A_118 = vector.shape_cast %broadcast_in_dim3A_113 : vector<16xf32> to vector<1x16xf32>
      tpu.vector_store %arg8[%swap3A_114, %swap3A_115], %swap3A_118 {strides = array<i32>} : memref<125x128xf32, #tpu.memory_space<vmem>>, vector<1x16xf32>,
      %broadcast_in_dim3A_119 = arith.constant 0.000000e+00 : f32
      %broadcast_in_dim3A_120 = vector.broadcast %broadcast_in_dim3A_119 : f32 to vector<16xf32>
      %swap3A_121 = arith.index_cast %scan3A_84 : i32 to index
      %swap3A_122 = arith.constant 80 : index
      %swap3A_123 = tpu.vector_load %arg8[%swap3A_121, %swap3A_122] {strides = array<i32>} : memref<125x128xf32, #tpu.memory_space<vmem>>, vector<1x16xf32>,
      %swap3A_124 = vector.shape_cast %swap3A_123 : vector<1x16xf32> to vector<16xf32>
      %swap3A_125 = vector.shape_cast %broadcast_in_dim3A_120 : vector<16xf32> to vector<1x16xf32>
      tpu.vector_store %arg8[%swap3A_121, %swap3A_122], %swap3A_125 {strides = array<i32>} : memref<125x128xf32, #tpu.memory_space<vmem>>, vector<1x16xf32>,
      %broadcast_in_dim3A_126 = arith.constant 0.000000e+00 : f32
      %broadcast_in_dim3A_127 = vector.broadcast %broadcast_in_dim3A_126 : f32 to vector<16xf32>
      %swap3A_128 = arith.index_cast %scan3A_84 : i32 to index
      %swap3A_129 = arith.constant 96 : index
      %swap3A_130 = tpu.vector_load %arg8[%swap3A_128, %swap3A_129] {strides = array<i32>} : memref<125x128xf32, #tpu.memory_space<vmem>>, vector<1x16xf32>,
      %swap3A_131 = vector.shape_cast %swap3A_130 : vector<1x16xf32> to vector<16xf32>
      %swap3A_132 = vector.shape_cast %broadcast_in_dim3A_127 : vector<16xf32> to vector<1x16xf32>
      tpu.vector_store %arg8[%swap3A_128, %swap3A_129], %swap3A_132 {strides = array<i32>} : memref<125x128xf32, #tpu.memory_space<vmem>>, vector<1x16xf32>,
      %broadcast_in_dim3A_133 = arith.constant 0.000000e+00 : f32
      %broadcast_in_dim3A_134 = vector.broadcast %broadcast_in_dim3A_133 : f32 to vector<16xf32>
      %swap3A_135 = arith.index_cast %scan3A_84 : i32 to index
      %swap3A_136 = arith.constant 112 : index
      %swap3A_137 = tpu.vector_load %arg8[%swap3A_135, %swap3A_136] {strides = array<i32>} : memref<125x128xf32, #tpu.memory_space<vmem>>, vector<1x16xf32>,
      %swap3A_138 = vector.shape_cast %swap3A_137 : vector<1x16xf32> to vector<16xf32>
      %swap3A_139 = vector.shape_cast %broadcast_in_dim3A_134 : vector<16xf32> to vector<1x16xf32>
      tpu.vector_store %arg8[%swap3A_135, %swap3A_136], %swap3A_139 {strides = array<i32>} : memref<125x128xf32, #tpu.memory_space<vmem>>, vector<1x16xf32>,
      %scan3A_140 = arith.constant 0 : i32
      scf.yield %scan3A_140 : i32
    }
    %scan3A_6 = arith.constant 104 : i32
    %mul3A_7 = arith.constant 624 : i32
    %mul3A_8 = arith.muli %arg1, %mul3A_7 : i32
    %add3A_9 = arith.constant 0 : i32
    %add3A_10 = arith.addi %mul3A_8, %add3A_9 : i32
    "tpu.region"() ({
      %run_scoped3A = tpu.sem_alloc : memref<!tpu.dma_semaphore, #tpu.memory_space<semaphore_mem>>
      %dma_start3A_84 = arith.constant 0 : i32
      %dma_start3A_85 = arith.constant 0 : i32
      %dma_start3A_86 = tpu.memref_slice %arg8[%dma_start3A_84, %dma_start3A_85] : memref<125x128xf32, #tpu.memory_space<vmem>> -> memref<104x128xf32, #tpu.memory_space<vmem>>
      %dma_start3A_87 = arith.constant 0 : i32
      %dma_start3A_88 = tpu.memref_slice %arg10[%add3A_10, %dma_start3A_87] : memref<10000x128xf32, #tpu.memory_space<vmem_shared>> -> memref<104x128xf32, #tpu.memory_space<vmem_shared>>
      %dma_start3A_89 = arith.constant 0 : i32
      %dma_start3A_90 = tpu.memref_slice %arg10[%add3A_10, %dma_start3A_89] : memref<10000x128xf32, #tpu.memory_space<vmem_shared>> -> memref<104x128xf32, #tpu.memory_space<vmem_shared>>
      %dma_start3A_91 = arith.constant 0 : i32
      %dma_start3A_92 = arith.constant 0 : i32
      %dma_start3A_93 = tpu.memref_slice %arg8[%dma_start3A_91, %dma_start3A_92] : memref<125x128xf32, #tpu.memory_space<vmem>> -> memref<104x128xf32, #tpu.memory_space<vmem>>
      tpu.enqueue_dma source(%dma_start3A_93 : memref<104x128xf32, #tpu.memory_space<vmem>>) target(%dma_start3A_90 : memref<104x128xf32, #tpu.memory_space<vmem_shared>>) target_semaphore(%run_scoped3A : memref<!tpu.dma_semaphore, #tpu.memory_space<semaphore_mem>>)
      %dma_wait3A = arith.constant 0 : i32
      %dma_wait3A_94 = arith.constant 0 : i32
      %dma_wait3A_95 = tpu.memref_slice %arg8[%dma_wait3A, %dma_wait3A_94] : memref<125x128xf32, #tpu.memory_space<vmem>> -> memref<104x128xf32, #tpu.memory_space<vmem>>
      %dma_wait3A_96 = arith.constant 0 : i32
      %dma_wait3A_97 = tpu.memref_slice %arg10[%add3A_10, %dma_wait3A_96] : memref<10000x128xf32, #tpu.memory_space<vmem_shared>> -> memref<104x128xf32, #tpu.memory_space<vmem_shared>>
      %dma_wait3A_98 = arith.constant 0 : i32
      %dma_wait3A_99 = tpu.memref_slice %arg10[%add3A_10, %dma_wait3A_98] : memref<10000x128xf32, #tpu.memory_space<vmem_shared>> -> memref<104x128xf32, #tpu.memory_space<vmem_shared>>
      %dma_wait3A_100 = arith.constant 0 : i32
      %dma_wait3A_101 = arith.constant 0 : i32
      %dma_wait3A_102 = tpu.memref_slice %arg8[%dma_wait3A_100, %dma_wait3A_101] : memref<125x128xf32, #tpu.memory_space<vmem>> -> memref<104x128xf32, #tpu.memory_space<vmem>>
      tpu.wait_dma2 semaphore(%run_scoped3A : memref<!tpu.dma_semaphore, #tpu.memory_space<semaphore_mem>>) src(%dma_wait3A_102 : memref<104x128xf32, #tpu.memory_space<vmem>>) dst(%dma_wait3A_99 : memref<104x128xf32, #tpu.memory_space<vmem_shared>>)
      tpu.yield
    }) : () -> ()
    %mul3A_11 = arith.constant 624 : i32
    %mul3A_12 = arith.muli %arg1, %mul3A_11 : i32
    %add3A_13 = arith.constant 104 : i32
    %add3A_14 = arith.addi %mul3A_12, %add3A_13 : i32
    "tpu.region"() ({
      %run_scoped3A = tpu.sem_alloc : memref<!tpu.dma_semaphore, #tpu.memory_space<semaphore_mem>>
      %dma_start3A_84 = arith.constant 0 : i32
      %dma_start3A_85 = arith.constant 0 : i32
      %dma_start3A_86 = tpu.memref_slice %arg8[%dma_start3A_84, %dma_start3A_85] : memref<125x128xf32, #tpu.memory_space<vmem>> -> memref<104x128xf32, #tpu.memory_space<vmem>>
      %dma_start3A_87 = arith.constant 0 : i32
      %dma_start3A_88 = tpu.memref_slice %arg10[%add3A_14, %dma_start3A_87] : memref<10000x128xf32, #tpu.memory_space<vmem_shared>> -> memref<104x128xf32, #tpu.memory_space<vmem_shared>>
      %dma_start3A_89 = arith.constant 0 : i32
      %dma_start3A_90 = tpu.memref_slice %arg10[%add3A_14, %dma_start3A_89] : memref<10000x128xf32, #tpu.memory_space<vmem_shared>> -> memref<104x128xf32, #tpu.memory_space<vmem_shared>>
      %dma_start3A_91 = arith.constant 0 : i32
      %dma_start3A_92 = arith.constant 0 : i32
      %dma_start3A_93 = tpu.memref_slice %arg8[%dma_start3A_91, %dma_start3A_92] : memref<125x128xf32, #tpu.memory_space<vmem>> -> memref<104x128xf32, #tpu.memory_space<vmem>>
      tpu.enqueue_dma source(%dma_start3A_93 : memref<104x128xf32, #tpu.memory_space<vmem>>) target(%dma_start3A_90 : memref<104x128xf32, #tpu.memory_space<vmem_shared>>) target_semaphore(%run_scoped3A : memref<!tpu.dma_semaphore, #tpu.memory_space<semaphore_mem>>)
      %dma_wait3A = arith.constant 0 : i32
      %dma_wait3A_94 = arith.constant 0 : i32
      %dma_wait3A_95 = tpu.memref_slice %arg8[%dma_wait3A, %dma_wait3A_94] : memref<125x128xf32, #tpu.memory_space<vmem>> -> memref<104x128xf32, #tpu.memory_space<vmem>>
      %dma_wait3A_96 = arith.constant 0 : i32
      %dma_wait3A_97 = tpu.memref_slice %arg10[%add3A_14, %dma_wait3A_96] : memref<10000x128xf32, #tpu.memory_space<vmem_shared>> -> memref<104x128xf32, #tpu.memory_space<vmem_shared>>
      %dma_wait3A_98 = arith.constant 0 : i32
      %dma_wait3A_99 = tpu.memref_slice %arg10[%add3A_14, %dma_wait3A_98] : memref<10000x128xf32, #tpu.memory_space<vmem_shared>> -> memref<104x128xf32, #tpu.memory_space<vmem_shared>>
      %dma_wait3A_100 = arith.constant 0 : i32
      %dma_wait3A_101 = arith.constant 0 : i32
      %dma_wait3A_102 = tpu.memref_slice %arg8[%dma_wait3A_100, %dma_wait3A_101] : memref<125x128xf32, #tpu.memory_space<vmem>> -> memref<104x128xf32, #tpu.memory_space<vmem>>
      tpu.wait_dma2 semaphore(%run_scoped3A : memref<!tpu.dma_semaphore, #tpu.memory_space<semaphore_mem>>) src(%dma_wait3A_102 : memref<104x128xf32, #tpu.memory_space<vmem>>) dst(%dma_wait3A_99 : memref<104x128xf32, #tpu.memory_space<vmem_shared>>)
      tpu.yield
    }) : () -> ()
    %mul3A_15 = arith.constant 624 : i32
    %mul3A_16 = arith.muli %arg1, %mul3A_15 : i32
    %add3A_17 = arith.constant 208 : i32
    %add3A_18 = arith.addi %mul3A_16, %add3A_17 : i32
    "tpu.region"() ({
      %run_scoped3A = tpu.sem_alloc : memref<!tpu.dma_semaphore, #tpu.memory_space<semaphore_mem>>
      %dma_start3A_84 = arith.constant 0 : i32
      %dma_start3A_85 = arith.constant 0 : i32
      %dma_start3A_86 = tpu.memref_slice %arg8[%dma_start3A_84, %dma_start3A_85] : memref<125x128xf32, #tpu.memory_space<vmem>> -> memref<104x128xf32, #tpu.memory_space<vmem>>
      %dma_start3A_87 = arith.constant 0 : i32
      %dma_start3A_88 = tpu.memref_slice %arg10[%add3A_18, %dma_start3A_87] : memref<10000x128xf32, #tpu.memory_space<vmem_shared>> -> memref<104x128xf32, #tpu.memory_space<vmem_shared>>
      %dma_start3A_89 = arith.constant 0 : i32
      %dma_start3A_90 = tpu.memref_slice %arg10[%add3A_18, %dma_start3A_89] : memref<10000x128xf32, #tpu.memory_space<vmem_shared>> -> memref<104x128xf32, #tpu.memory_space<vmem_shared>>
      %dma_start3A_91 = arith.constant 0 : i32
      %dma_start3A_92 = arith.constant 0 : i32
      %dma_start3A_93 = tpu.memref_slice %arg8[%dma_start3A_91, %dma_start3A_92] : memref<125x128xf32, #tpu.memory_space<vmem>> -> memref<104x128xf32, #tpu.memory_space<vmem>>
      tpu.enqueue_dma source(%dma_start3A_93 : memref<104x128xf32, #tpu.memory_space<vmem>>) target(%dma_start3A_90 : memref<104x128xf32, #tpu.memory_space<vmem_shared>>) target_semaphore(%run_scoped3A : memref<!tpu.dma_semaphore, #tpu.memory_space<semaphore_mem>>)
      %dma_wait3A = arith.constant 0 : i32
      %dma_wait3A_94 = arith.constant 0 : i32
      %dma_wait3A_95 = tpu.memref_slice %arg8[%dma_wait3A, %dma_wait3A_94] : memref<125x128xf32, #tpu.memory_space<vmem>> -> memref<104x128xf32, #tpu.memory_space<vmem>>
      %dma_wait3A_96 = arith.constant 0 : i32
      %dma_wait3A_97 = tpu.memref_slice %arg10[%add3A_18, %dma_wait3A_96] : memref<10000x128xf32, #tpu.memory_space<vmem_shared>> -> memref<104x128xf32, #tpu.memory_space<vmem_shared>>
      %dma_wait3A_98 = arith.constant 0 : i32
      %dma_wait3A_99 = tpu.memref_slice %arg10[%add3A_18, %dma_wait3A_98] : memref<10000x128xf32, #tpu.memory_space<vmem_shared>> -> memref<104x128xf32, #tpu.memory_space<vmem_shared>>
      %dma_wait3A_100 = arith.constant 0 : i32
      %dma_wait3A_101 = arith.constant 0 : i32
      %dma_wait3A_102 = tpu.memref_slice %arg8[%dma_wait3A_100, %dma_wait3A_101] : memref<125x128xf32, #tpu.memory_space<vmem>> -> memref<104x128xf32, #tpu.memory_space<vmem>>
      tpu.wait_dma2 semaphore(%run_scoped3A : memref<!tpu.dma_semaphore, #tpu.memory_space<semaphore_mem>>) src(%dma_wait3A_102 : memref<104x128xf32, #tpu.memory_space<vmem>>) dst(%dma_wait3A_99 : memref<104x128xf32, #tpu.memory_space<vmem_shared>>)
      tpu.yield
    }) : () -> ()
    %mul3A_19 = arith.constant 624 : i32
    %mul3A_20 = arith.muli %arg1, %mul3A_19 : i32
    %add3A_21 = arith.constant 312 : i32
    %add3A_22 = arith.addi %mul3A_20, %add3A_21 : i32
    "tpu.region"() ({
      %run_scoped3A = tpu.sem_alloc : memref<!tpu.dma_semaphore, #tpu.memory_space<semaphore_mem>>
      %dma_start3A_84 = arith.constant 0 : i32
      %dma_start3A_85 = arith.constant 0 : i32
      %dma_start3A_86 = tpu.memref_slice %arg8[%dma_start3A_84, %dma_start3A_85] : memref<125x128xf32, #tpu.memory_space<vmem>> -> memref<104x128xf32, #tpu.memory_space<vmem>>
      %dma_start3A_87 = arith.constant 0 : i32
      %dma_start3A_88 = tpu.memref_slice %arg10[%add3A_22, %dma_start3A_87] : memref<10000x128xf32, #tpu.memory_space<vmem_shared>> -> memref<104x128xf32, #tpu.memory_space<vmem_shared>>
      %dma_start3A_89 = arith.constant 0 : i32
      %dma_start3A_90 = tpu.memref_slice %arg10[%add3A_22, %dma_start3A_89] : memref<10000x128xf32, #tpu.memory_space<vmem_shared>> -> memref<104x128xf32, #tpu.memory_space<vmem_shared>>
      %dma_start3A_91 = arith.constant 0 : i32
      %dma_start3A_92 = arith.constant 0 : i32
      %dma_start3A_93 = tpu.memref_slice %arg8[%dma_start3A_91, %dma_start3A_92] : memref<125x128xf32, #tpu.memory_space<vmem>> -> memref<104x128xf32, #tpu.memory_space<vmem>>
      tpu.enqueue_dma source(%dma_start3A_93 : memref<104x128xf32, #tpu.memory_space<vmem>>) target(%dma_start3A_90 : memref<104x128xf32, #tpu.memory_space<vmem_shared>>) target_semaphore(%run_scoped3A : memref<!tpu.dma_semaphore, #tpu.memory_space<semaphore_mem>>)
      %dma_wait3A = arith.constant 0 : i32
      %dma_wait3A_94 = arith.constant 0 : i32
      %dma_wait3A_95 = tpu.memref_slice %arg8[%dma_wait3A, %dma_wait3A_94] : memref<125x128xf32, #tpu.memory_space<vmem>> -> memref<104x128xf32, #tpu.memory_space<vmem>>
      %dma_wait3A_96 = arith.constant 0 : i32
      %dma_wait3A_97 = tpu.memref_slice %arg10[%add3A_22, %dma_wait3A_96] : memref<10000x128xf32, #tpu.memory_space<vmem_shared>> -> memref<104x128xf32, #tpu.memory_space<vmem_shared>>
      %dma_wait3A_98 = arith.constant 0 : i32
      %dma_wait3A_99 = tpu.memref_slice %arg10[%add3A_22, %dma_wait3A_98] : memref<10000x128xf32, #tpu.memory_space<vmem_shared>> -> memref<104x128xf32, #tpu.memory_space<vmem_shared>>
      %dma_wait3A_100 = arith.constant 0 : i32
      %dma_wait3A_101 = arith.constant 0 : i32
      %dma_wait3A_102 = tpu.memref_slice %arg8[%dma_wait3A_100, %dma_wait3A_101] : memref<125x128xf32, #tpu.memory_space<vmem>> -> memref<104x128xf32, #tpu.memory_space<vmem>>
      tpu.wait_dma2 semaphore(%run_scoped3A : memref<!tpu.dma_semaphore, #tpu.memory_space<semaphore_mem>>) src(%dma_wait3A_102 : memref<104x128xf32, #tpu.memory_space<vmem>>) dst(%dma_wait3A_99 : memref<104x128xf32, #tpu.memory_space<vmem_shared>>)
      tpu.yield
    }) : () -> ()
    %mul3A_23 = arith.constant 624 : i32
    %mul3A_24 = arith.muli %arg1, %mul3A_23 : i32
    %add3A_25 = arith.constant 416 : i32
    %add3A_26 = arith.addi %mul3A_24, %add3A_25 : i32
    "tpu.region"() ({
      %run_scoped3A = tpu.sem_alloc : memref<!tpu.dma_semaphore, #tpu.memory_space<semaphore_mem>>
      %dma_start3A_84 = arith.constant 0 : i32
      %dma_start3A_85 = arith.constant 0 : i32
      %dma_start3A_86 = tpu.memref_slice %arg8[%dma_start3A_84, %dma_start3A_85] : memref<125x128xf32, #tpu.memory_space<vmem>> -> memref<104x128xf32, #tpu.memory_space<vmem>>
      %dma_start3A_87 = arith.constant 0 : i32
      %dma_start3A_88 = tpu.memref_slice %arg10[%add3A_26, %dma_start3A_87] : memref<10000x128xf32, #tpu.memory_space<vmem_shared>> -> memref<104x128xf32, #tpu.memory_space<vmem_shared>>
      %dma_start3A_89 = arith.constant 0 : i32
      %dma_start3A_90 = tpu.memref_slice %arg10[%add3A_26, %dma_start3A_89] : memref<10000x128xf32, #tpu.memory_space<vmem_shared>> -> memref<104x128xf32, #tpu.memory_space<vmem_shared>>
      %dma_start3A_91 = arith.constant 0 : i32
      %dma_start3A_92 = arith.constant 0 : i32
      %dma_start3A_93 = tpu.memref_slice %arg8[%dma_start3A_91, %dma_start3A_92] : memref<125x128xf32, #tpu.memory_space<vmem>> -> memref<104x128xf32, #tpu.memory_space<vmem>>
      tpu.enqueue_dma source(%dma_start3A_93 : memref<104x128xf32, #tpu.memory_space<vmem>>) target(%dma_start3A_90 : memref<104x128xf32, #tpu.memory_space<vmem_shared>>) target_semaphore(%run_scoped3A : memref<!tpu.dma_semaphore, #tpu.memory_space<semaphore_mem>>)
      %dma_wait3A = arith.constant 0 : i32
      %dma_wait3A_94 = arith.constant 0 : i32
      %dma_wait3A_95 = tpu.memref_slice %arg8[%dma_wait3A, %dma_wait3A_94] : memref<125x128xf32, #tpu.memory_space<vmem>> -> memref<104x128xf32, #tpu.memory_space<vmem>>
      %dma_wait3A_96 = arith.constant 0 : i32
      %dma_wait3A_97 = tpu.memref_slice %arg10[%add3A_26, %dma_wait3A_96] : memref<10000x128xf32, #tpu.memory_space<vmem_shared>> -> memref<104x128xf32, #tpu.memory_space<vmem_shared>>
      %dma_wait3A_98 = arith.constant 0 : i32
      %dma_wait3A_99 = tpu.memref_slice %arg10[%add3A_26, %dma_wait3A_98] : memref<10000x128xf32, #tpu.memory_space<vmem_shared>> -> memref<104x128xf32, #tpu.memory_space<vmem_shared>>
      %dma_wait3A_100 = arith.constant 0 : i32
      %dma_wait3A_101 = arith.constant 0 : i32
      %dma_wait3A_102 = tpu.memref_slice %arg8[%dma_wait3A_100, %dma_wait3A_101] : memref<125x128xf32, #tpu.memory_space<vmem>> -> memref<104x128xf32, #tpu.memory_space<vmem>>
      tpu.wait_dma2 semaphore(%run_scoped3A : memref<!tpu.dma_semaphore, #tpu.memory_space<semaphore_mem>>) src(%dma_wait3A_102 : memref<104x128xf32, #tpu.memory_space<vmem>>) dst(%dma_wait3A_99 : memref<104x128xf32, #tpu.memory_space<vmem_shared>>)
      tpu.yield
    }) : () -> ()
    %mul3A_27 = arith.constant 624 : i32
    %mul3A_28 = arith.muli %arg1, %mul3A_27 : i32
    %add3A_29 = arith.constant 520 : i32
    %add3A_30 = arith.addi %mul3A_28, %add3A_29 : i32
    "tpu.region"() ({
      %run_scoped3A = tpu.sem_alloc : memref<!tpu.dma_semaphore, #tpu.memory_space<semaphore_mem>>
      %dma_start3A_84 = arith.constant 0 : i32
      %dma_start3A_85 = arith.constant 0 : i32
      %dma_start3A_86 = tpu.memref_slice %arg8[%dma_start3A_84, %dma_start3A_85] : memref<125x128xf32, #tpu.memory_space<vmem>> -> memref<104x128xf32, #tpu.memory_space<vmem>>
      %dma_start3A_87 = arith.constant 0 : i32
      %dma_start3A_88 = tpu.memref_slice %arg10[%add3A_30, %dma_start3A_87] : memref<10000x128xf32, #tpu.memory_space<vmem_shared>> -> memref<104x128xf32, #tpu.memory_space<vmem_shared>>
      %dma_start3A_89 = arith.constant 0 : i32
      %dma_start3A_90 = tpu.memref_slice %arg10[%add3A_30, %dma_start3A_89] : memref<10000x128xf32, #tpu.memory_space<vmem_shared>> -> memref<104x128xf32, #tpu.memory_space<vmem_shared>>
      %dma_start3A_91 = arith.constant 0 : i32
      %dma_start3A_92 = arith.constant 0 : i32
      %dma_start3A_93 = tpu.memref_slice %arg8[%dma_start3A_91, %dma_start3A_92] : memref<125x128xf32, #tpu.memory_space<vmem>> -> memref<104x128xf32, #tpu.memory_space<vmem>>
      tpu.enqueue_dma source(%dma_start3A_93 : memref<104x128xf32, #tpu.memory_space<vmem>>) target(%dma_start3A_90 : memref<104x128xf32, #tpu.memory_space<vmem_shared>>) target_semaphore(%run_scoped3A : memref<!tpu.dma_semaphore, #tpu.memory_space<semaphore_mem>>)
      %dma_wait3A = arith.constant 0 : i32
      %dma_wait3A_94 = arith.constant 0 : i32
      %dma_wait3A_95 = tpu.memref_slice %arg8[%dma_wait3A, %dma_wait3A_94] : memref<125x128xf32, #tpu.memory_space<vmem>> -> memref<104x128xf32, #tpu.memory_space<vmem>>
      %dma_wait3A_96 = arith.constant 0 : i32
      %dma_wait3A_97 = tpu.memref_slice %arg10[%add3A_30, %dma_wait3A_96] : memref<10000x128xf32, #tpu.memory_space<vmem_shared>> -> memref<104x128xf32, #tpu.memory_space<vmem_shared>>
      %dma_wait3A_98 = arith.constant 0 : i32
      %dma_wait3A_99 = tpu.memref_slice %arg10[%add3A_30, %dma_wait3A_98] : memref<10000x128xf32, #tpu.memory_space<vmem_shared>> -> memref<104x128xf32, #tpu.memory_space<vmem_shared>>
      %dma_wait3A_100 = arith.constant 0 : i32
      %dma_wait3A_101 = arith.constant 0 : i32
      %dma_wait3A_102 = tpu.memref_slice %arg8[%dma_wait3A_100, %dma_wait3A_101] : memref<125x128xf32, #tpu.memory_space<vmem>> -> memref<104x128xf32, #tpu.memory_space<vmem>>
      tpu.wait_dma2 semaphore(%run_scoped3A : memref<!tpu.dma_semaphore, #tpu.memory_space<semaphore_mem>>) src(%dma_wait3A_102 : memref<104x128xf32, #tpu.memory_space<vmem>>) dst(%dma_wait3A_99 : memref<104x128xf32, #tpu.memory_space<vmem_shared>>)
      tpu.yield
    }) : () -> ()
    %eq3A = arith.constant 15 : i32
    %eq3A_31 = arith.cmpi eq, %arg1, %eq3A : i32
    %convert_element_type3A = arith.extui %eq3A_31 : i1 to i32
    %cond3A = arith.constant 0 : i32
    %cond3A_32 = arith.cmpi ne, %convert_element_type3A, %cond3A : i32
    scf.if %cond3A_32 {
      "tpu.region"() ({
        %run_scoped3A = tpu.sem_alloc : memref<!tpu.dma_semaphore, #tpu.memory_space<semaphore_mem>>
        %dma_start3A_84 = arith.constant 0 : i32
        %dma_start3A_85 = arith.constant 0 : i32
        %dma_start3A_86 = tpu.memref_slice %arg8[%dma_start3A_84, %dma_start3A_85] : memref<125x128xf32, #tpu.memory_space<vmem>> -> memref<16x128xf32, #tpu.memory_space<vmem>>
        %dma_start3A_87 = arith.constant 9984 : i32
        %dma_start3A_88 = arith.constant 0 : i32
        %dma_start3A_89 = tpu.memref_slice %arg10[%dma_start3A_87, %dma_start3A_88] : memref<10000x128xf32, #tpu.memory_space<vmem_shared>> -> memref<16x128xf32, #tpu.memory_space<vmem_shared>>
        %dma_start3A_90 = arith.constant 9984 : i32
        %dma_start3A_91 = arith.constant 0 : i32
        %dma_start3A_92 = tpu.memref_slice %arg10[%dma_start3A_90, %dma_start3A_91] : memref<10000x128xf32, #tpu.memory_space<vmem_shared>> -> memref<16x128xf32, #tpu.memory_space<vmem_shared>>
        %dma_start3A_93 = arith.constant 0 : i32
        %dma_start3A_94 = arith.constant 0 : i32
        %dma_start3A_95 = tpu.memref_slice %arg8[%dma_start3A_93, %dma_start3A_94] : memref<125x128xf32, #tpu.memory_space<vmem>> -> memref<16x128xf32, #tpu.memory_space<vmem>>
        tpu.enqueue_dma source(%dma_start3A_95 : memref<16x128xf32, #tpu.memory_space<vmem>>) target(%dma_start3A_92 : memref<16x128xf32, #tpu.memory_space<vmem_shared>>) target_semaphore(%run_scoped3A : memref<!tpu.dma_semaphore, #tpu.memory_space<semaphore_mem>>)
        %dma_wait3A = arith.constant 0 : i32
        %dma_wait3A_96 = arith.constant 0 : i32
        %dma_wait3A_97 = tpu.memref_slice %arg8[%dma_wait3A, %dma_wait3A_96] : memref<125x128xf32, #tpu.memory_space<vmem>> -> memref<16x128xf32, #tpu.memory_space<vmem>>
        %dma_wait3A_98 = arith.constant 9984 : i32
        %dma_wait3A_99 = arith.constant 0 : i32
        %dma_wait3A_100 = tpu.memref_slice %arg10[%dma_wait3A_98, %dma_wait3A_99] : memref<10000x128xf32, #tpu.memory_space<vmem_shared>> -> memref<16x128xf32, #tpu.memory_space<vmem_shared>>
        %dma_wait3A_101 = arith.constant 9984 : i32
        %dma_wait3A_102 = arith.constant 0 : i32
        %dma_wait3A_103 = tpu.memref_slice %arg10[%dma_wait3A_101, %dma_wait3A_102] : memref<10000x128xf32, #tpu.memory_space<vmem_shared>> -> memref<16x128xf32, #tpu.memory_space<vmem_shared>>
        %dma_wait3A_104 = arith.constant 0 : i32
        %dma_wait3A_105 = arith.constant 0 : i32
        %dma_wait3A_106 = tpu.memref_slice %arg8[%dma_wait3A_104, %dma_wait3A_105] : memref<125x128xf32, #tpu.memory_space<vmem>> -> memref<16x128xf32, #tpu.memory_space<vmem>>
        tpu.wait_dma2 semaphore(%run_scoped3A : memref<!tpu.dma_semaphore, #tpu.memory_space<semaphore_mem>>) src(%dma_wait3A_106 : memref<16x128xf32, #tpu.memory_space<vmem>>) dst(%dma_wait3A_103 : memref<16x128xf32, #tpu.memory_space<vmem_shared>>)
        tpu.yield
      }) : () -> ()
    } else {
    }
    %barrier3A = arith.constant 0 : index
    tpu.barrier barrier_id(%barrier3A)
    "tpu.region"() ({
      %run_scoped3A = tpu.sem_alloc : memref<!tpu.dma_semaphore, #tpu.memory_space<semaphore_mem>>
      %dma_start3A_84 = arith.constant 0 : i32
      %dma_start3A_85 = arith.constant 0 : i32
      %dma_start3A_86 = tpu.memref_slice %arg3[%add3A, %dma_start3A_84, %dma_start3A_85] : memref<32x80x125xi32, #tpu.memory_space<hbm>> -> memref<1x40x125xi32, #tpu.memory_space<hbm>>
      %dma_start3A_87 = tpu.memref_squeeze %dma_start3A_86 : memref<1x40x125xi32, #tpu.memory_space<hbm>> -> memref<40x125xi32, #tpu.memory_space<hbm>>
      %dma_start3A_88 = arith.constant 0 : i32
      %dma_start3A_89 = arith.constant 0 : i32
      %dma_start3A_90 = tpu.memref_slice %arg3[%add3A, %dma_start3A_88, %dma_start3A_89] : memref<32x80x125xi32, #tpu.memory_space<hbm>> -> memref<1x40x125xi32, #tpu.memory_space<hbm>>
      %dma_start3A_91 = tpu.memref_squeeze %dma_start3A_90 : memref<1x40x125xi32, #tpu.memory_space<hbm>> -> memref<40x125xi32, #tpu.memory_space<hbm>>
      tpu.enqueue_dma source(%dma_start3A_91 : memref<40x125xi32, #tpu.memory_space<hbm>>) target(%arg6 : memref<40x125xi32, #tpu.memory_space<vmem>>) target_semaphore(%run_scoped3A : memref<!tpu.dma_semaphore, #tpu.memory_space<semaphore_mem>>)
      %dma_wait3A = arith.constant 0 : i32
      %dma_wait3A_92 = arith.constant 0 : i32
      %dma_wait3A_93 = tpu.memref_slice %arg3[%add3A, %dma_wait3A, %dma_wait3A_92] : memref<32x80x125xi32, #tpu.memory_space<hbm>> -> memref<1x40x125xi32, #tpu.memory_space<hbm>>
      %dma_wait3A_94 = tpu.memref_squeeze %dma_wait3A_93 : memref<1x40x125xi32, #tpu.memory_space<hbm>> -> memref<40x125xi32, #tpu.memory_space<hbm>>
      %dma_wait3A_95 = arith.constant 0 : i32
      %dma_wait3A_96 = arith.constant 0 : i32
      %dma_wait3A_97 = tpu.memref_slice %arg3[%add3A, %dma_wait3A_95, %dma_wait3A_96] : memref<32x80x125xi32, #tpu.memory_space<hbm>> -> memref<1x40x125xi32, #tpu.memory_space<hbm>>
      %dma_wait3A_98 = tpu.memref_squeeze %dma_wait3A_97 : memref<1x40x125xi32, #tpu.memory_space<hbm>> -> memref<40x125xi32, #tpu.memory_space<hbm>>
      tpu.wait_dma2 semaphore(%run_scoped3A : memref<!tpu.dma_semaphore, #tpu.memory_space<semaphore_mem>>) src(%dma_wait3A_98 : memref<40x125xi32, #tpu.memory_space<hbm>>) dst(%arg6 : memref<40x125xi32, #tpu.memory_space<vmem>>)
      tpu.yield
    }) : () -> ()
    "tpu.region"() ({
      %run_scoped3A = tpu.sem_alloc : memref<!tpu.dma_semaphore, #tpu.memory_space<semaphore_mem>>
      %dma_start3A_84 = arith.constant 0 : i32
      %dma_start3A_85 = arith.constant 0 : i32
      %dma_start3A_86 = tpu.memref_slice %arg4[%add3A, %dma_start3A_84, %dma_start3A_85] : memref<32x80x125xi32, #tpu.memory_space<hbm>> -> memref<1x40x125xi32, #tpu.memory_space<hbm>>
      %dma_start3A_87 = tpu.memref_squeeze %dma_start3A_86 : memref<1x40x125xi32, #tpu.memory_space<hbm>> -> memref<40x125xi32, #tpu.memory_space<hbm>>
      %dma_start3A_88 = arith.constant 0 : i32
      %dma_start3A_89 = arith.constant 0 : i32
      %dma_start3A_90 = tpu.memref_slice %arg4[%add3A, %dma_start3A_88, %dma_start3A_89] : memref<32x80x125xi32, #tpu.memory_space<hbm>> -> memref<1x40x125xi32, #tpu.memory_space<hbm>>
      %dma_start3A_91 = tpu.memref_squeeze %dma_start3A_90 : memref<1x40x125xi32, #tpu.memory_space<hbm>> -> memref<40x125xi32, #tpu.memory_space<hbm>>
      tpu.enqueue_dma source(%dma_start3A_91 : memref<40x125xi32, #tpu.memory_space<hbm>>) target(%arg7 : memref<40x125xi32, #tpu.memory_space<vmem>>) target_semaphore(%run_scoped3A : memref<!tpu.dma_semaphore, #tpu.memory_space<semaphore_mem>>)
      %dma_wait3A = arith.constant 0 : i32
      %dma_wait3A_92 = arith.constant 0 : i32
      %dma_wait3A_93 = tpu.memref_slice %arg4[%add3A, %dma_wait3A, %dma_wait3A_92] : memref<32x80x125xi32, #tpu.memory_space<hbm>> -> memref<1x40x125xi32, #tpu.memory_space<hbm>>
      %dma_wait3A_94 = tpu.memref_squeeze %dma_wait3A_93 : memref<1x40x125xi32, #tpu.memory_space<hbm>> -> memref<40x125xi32, #tpu.memory_space<hbm>>
      %dma_wait3A_95 = arith.constant 0 : i32
      %dma_wait3A_96 = arith.constant 0 : i32
      %dma_wait3A_97 = tpu.memref_slice %arg4[%add3A, %dma_wait3A_95, %dma_wait3A_96] : memref<32x80x125xi32, #tpu.memory_space<hbm>> -> memref<1x40x125xi32, #tpu.memory_space<hbm>>
      %dma_wait3A_98 = tpu.memref_squeeze %dma_wait3A_97 : memref<1x40x125xi32, #tpu.memory_space<hbm>> -> memref<40x125xi32, #tpu.memory_space<hbm>>
      tpu.wait_dma2 semaphore(%run_scoped3A : memref<!tpu.dma_semaphore, #tpu.memory_space<semaphore_mem>>) src(%dma_wait3A_98 : memref<40x125xi32, #tpu.memory_space<hbm>>) dst(%arg7 : memref<40x125xi32, #tpu.memory_space<vmem>>)
      tpu.yield
    }) : () -> ()
    %dma_start3A = arith.constant 0 : i32
    %dma_start3A_33 = arith.constant 0 : i32
    %dma_start3A_34 = tpu.memref_slice %arg6[%dma_start3A, %dma_start3A_33] : memref<40x125xi32, #tpu.memory_space<vmem>> -> memref<1x125xi32, #tpu.memory_space<vmem>>
    %dma_start3A_35 = tpu.memref_squeeze %dma_start3A_34 : memref<1x125xi32, #tpu.memory_space<vmem>> -> memref<125xi32, #tpu.memory_space<vmem>>
    %dma_start3A_36 = arith.constant 0 : i32
    %dma_start3A_37 = arith.constant 0 : i32
    %dma_start3A_38 = tpu.memref_slice %arg2[%dma_start3A_36, %dma_start3A_37] : memref<10000x128xf32, #tpu.memory_space<hbm>> -> memref<10000x128xf32, #tpu.memory_space<hbm>>
    tpu.enqueue_indirect_dma source(%dma_start3A_38 : memref<10000x128xf32, #tpu.memory_space<hbm>>) target(%arg8 : memref<125x128xf32, #tpu.memory_space<vmem>>) offsets(%dma_start3A_35 : memref<125xi32, #tpu.memory_space<vmem>>) semaphore(%arg11 : memref<!tpu.dma_semaphore, #tpu.memory_space<semaphore_mem>>)
    %dma_start3A_39 = arith.constant 1 : i32
    %dma_start3A_40 = arith.constant 0 : i32
    %dma_start3A_41 = tpu.memref_slice %arg6[%dma_start3A_39, %dma_start3A_40] : memref<40x125xi32, #tpu.memory_space<vmem>> -> memref<1x125xi32, #tpu.memory_space<vmem>>
    %dma_start3A_42 = tpu.memref_squeeze %dma_start3A_41 : memref<1x125xi32, #tpu.memory_space<vmem>> -> memref<125xi32, #tpu.memory_space<vmem>>
    %dma_start3A_43 = arith.constant 0 : i32
    %dma_start3A_44 = arith.constant 0 : i32
    %dma_start3A_45 = tpu.memref_slice %arg2[%dma_start3A_43, %dma_start3A_44] : memref<10000x128xf32, #tpu.memory_space<hbm>> -> memref<10000x128xf32, #tpu.memory_space<hbm>>
    tpu.enqueue_indirect_dma source(%dma_start3A_45 : memref<10000x128xf32, #tpu.memory_space<hbm>>) target(%arg9 : memref<125x128xf32, #tpu.memory_space<vmem>>) offsets(%dma_start3A_42 : memref<125xi32, #tpu.memory_space<vmem>>) semaphore(%arg12 : memref<!tpu.dma_semaphore, #tpu.memory_space<semaphore_mem>>)
    %scan3A_46 = arith.constant 0 : i32
    %scan3A_47 = arith.constant 0 : i32
    %scan3A_48 = arith.constant 20 : i32
    %scan3A_49 = arith.addi %scan3A_47, %scan3A_48 : i32
    %scan3A_50 = arith.constant 1 : i32
    %scan3A_51 = scf.for %scan3A_84 = %scan3A_47 to %scan3A_49 step %scan3A_50 iter_args(%scan3A_85 = %scan3A_46) -> (i32)  : i32 {
      %mul3A_86 = arith.constant 2 : i32
      %mul3A_87 = arith.muli %mul3A_86, %scan3A_84 : i32
      %dma_wait3A = arith.constant 0 : i32
      %dma_wait3A_88 = arith.constant 0 : i32
      %dma_wait3A_89 = tpu.memref_slice %arg6[%dma_wait3A, %dma_wait3A_88] : memref<40x125xi32, #tpu.memory_space<vmem>> -> memref<1x125xi32, #tpu.memory_space<vmem>>
      %dma_wait3A_90 = tpu.memref_squeeze %dma_wait3A_89 : memref<1x125xi32, #tpu.memory_space<vmem>> -> memref<125xi32, #tpu.memory_space<vmem>>
      %dma_wait3A_91 = arith.constant 0 : i32
      %dma_wait3A_92 = arith.constant 0 : i32
      %dma_wait3A_93 = tpu.memref_slice %arg2[%dma_wait3A_91, %dma_wait3A_92] : memref<10000x128xf32, #tpu.memory_space<hbm>> -> memref<10000x128xf32, #tpu.memory_space<hbm>>
      tpu.wait_indirect_dma semaphore(%arg11 : memref<!tpu.dma_semaphore, #tpu.memory_space<semaphore_mem>>) src(%dma_wait3A_93 : memref<10000x128xf32, #tpu.memory_space<hbm>>) dst(%arg8 : memref<125x128xf32, #tpu.memory_space<vmem>>)
      %add3A_94 = arith.constant 0 : i32
      %add3A_95 = arith.addi %mul3A_87, %add3A_94 : i32
      "tpu.region"() ({
        %run_scoped3A = tpu.sem_alloc : memref<!tpu.dma_semaphore, #tpu.memory_space<semaphore_mem>>
        %dma_start3A_123 = arith.constant 0 : i32
        %dma_start3A_124 = tpu.memref_slice %arg7[%add3A_95, %dma_start3A_123] : memref<40x125xi32, #tpu.memory_space<vmem>> -> memref<1x125xi32, #tpu.memory_space<vmem>>
        %dma_start3A_125 = tpu.memref_squeeze %dma_start3A_124 : memref<1x125xi32, #tpu.memory_space<vmem>> -> memref<125xi32, #tpu.memory_space<vmem>>
        %dma_start3A_126 = arith.constant 0 : i32
        %dma_start3A_127 = arith.constant 0 : i32
        %dma_start3A_128 = tpu.memref_slice %arg10[%dma_start3A_126, %dma_start3A_127] : memref<10000x128xf32, #tpu.memory_space<vmem_shared>> -> memref<10000x128xf32, #tpu.memory_space<vmem_shared>>
        tpu.enqueue_indirect_dma source(%arg8 : memref<125x128xf32, #tpu.memory_space<vmem>>) target(%dma_start3A_128 : memref<10000x128xf32, #tpu.memory_space<vmem_shared>>) offsets(%dma_start3A_125 : memref<125xi32, #tpu.memory_space<vmem>>) semaphore(%run_scoped3A : memref<!tpu.dma_semaphore, #tpu.memory_space<semaphore_mem>>) {add = true}
        %dma_wait3A_129 = arith.constant 0 : i32
        %dma_wait3A_130 = tpu.memref_slice %arg7[%add3A_95, %dma_wait3A_129] : memref<40x125xi32, #tpu.memory_space<vmem>> -> memref<1x125xi32, #tpu.memory_space<vmem>>
        %dma_wait3A_131 = tpu.memref_squeeze %dma_wait3A_130 : memref<1x125xi32, #tpu.memory_space<vmem>> -> memref<125xi32, #tpu.memory_space<vmem>>
        %dma_wait3A_132 = arith.constant 0 : i32
        %dma_wait3A_133 = arith.constant 0 : i32
        %dma_wait3A_134 = tpu.memref_slice %arg10[%dma_wait3A_132, %dma_wait3A_133] : memref<10000x128xf32, #tpu.memory_space<vmem_shared>> -> memref<10000x128xf32, #tpu.memory_space<vmem_shared>>
        tpu.wait_indirect_dma semaphore(%run_scoped3A : memref<!tpu.dma_semaphore, #tpu.memory_space<semaphore_mem>>) src(%arg8 : memref<125x128xf32, #tpu.memory_space<vmem>>) dst(%dma_wait3A_134 : memref<10000x128xf32, #tpu.memory_space<vmem_shared>>)
        tpu.yield
      }) : () -> ()
      %add3A_96 = arith.constant 0 : i32
      %add3A_97 = arith.addi %mul3A_87, %add3A_96 : i32
      %add3A_98 = arith.constant 2 : i32
      %add3A_99 = arith.addi %add3A_97, %add3A_98 : i32
      %lt3A = arith.constant 40 : i32
      %lt3A_100 = arith.cmpi slt, %add3A_99, %lt3A : i32
      %convert_element_type3A_101 = arith.extui %lt3A_100 : i1 to i32
      %cond3A_102 = arith.constant 0 : i32
      %cond3A_103 = arith.cmpi ne, %convert_element_type3A_101, %cond3A_102 : i32
      scf.if %cond3A_103 {
        %add3A_123 = arith.constant 0 : i32
        %add3A_124 = arith.addi %mul3A_87, %add3A_123 : i32
        %add3A_125 = arith.constant 2 : i32
        %add3A_126 = arith.addi %add3A_124, %add3A_125 : i32
        %dma_start3A_127 = arith.constant 0 : i32
        %dma_start3A_128 = tpu.memref_slice %arg6[%add3A_126, %dma_start3A_127] : memref<40x125xi32, #tpu.memory_space<vmem>> -> memref<1x125xi32, #tpu.memory_space<vmem>>
        %dma_start3A_129 = tpu.memref_squeeze %dma_start3A_128 : memref<1x125xi32, #tpu.memory_space<vmem>> -> memref<125xi32, #tpu.memory_space<vmem>>
        %dma_start3A_130 = arith.constant 0 : i32
        %dma_start3A_131 = arith.constant 0 : i32
        %dma_start3A_132 = tpu.memref_slice %arg2[%dma_start3A_130, %dma_start3A_131] : memref<10000x128xf32, #tpu.memory_space<hbm>> -> memref<10000x128xf32, #tpu.memory_space<hbm>>
        tpu.enqueue_indirect_dma source(%dma_start3A_132 : memref<10000x128xf32, #tpu.memory_space<hbm>>) target(%arg8 : memref<125x128xf32, #tpu.memory_space<vmem>>) offsets(%dma_start3A_129 : memref<125xi32, #tpu.memory_space<vmem>>) semaphore(%arg11 : memref<!tpu.dma_semaphore, #tpu.memory_space<semaphore_mem>>)
      } else {
      }
      %dma_wait3A_104 = arith.constant 0 : i32
      %dma_wait3A_105 = arith.constant 0 : i32
      %dma_wait3A_106 = tpu.memref_slice %arg6[%dma_wait3A_104, %dma_wait3A_105] : memref<40x125xi32, #tpu.memory_space<vmem>> -> memref<1x125xi32, #tpu.memory_space<vmem>>
      %dma_wait3A_107 = tpu.memref_squeeze %dma_wait3A_106 : memref<1x125xi32, #tpu.memory_space<vmem>> -> memref<125xi32, #tpu.memory_space<vmem>>
      %dma_wait3A_108 = arith.constant 0 : i32
      %dma_wait3A_109 = arith.constant 0 : i32
      %dma_wait3A_110 = tpu.memref_slice %arg2[%dma_wait3A_108, %dma_wait3A_109] : memref<10000x128xf32, #tpu.memory_space<hbm>> -> memref<10000x128xf32, #tpu.memory_space<hbm>>
      tpu.wait_indirect_dma semaphore(%arg12 : memref<!tpu.dma_semaphore, #tpu.memory_space<semaphore_mem>>) src(%dma_wait3A_110 : memref<10000x128xf32, #tpu.memory_space<hbm>>) dst(%arg9 : memref<125x128xf32, #tpu.memory_space<vmem>>)
      %add3A_111 = arith.constant 1 : i32
      %add3A_112 = arith.addi %mul3A_87, %add3A_111 : i32
      "tpu.region"() ({
        %run_scoped3A = tpu.sem_alloc : memref<!tpu.dma_semaphore, #tpu.memory_space<semaphore_mem>>
        %dma_start3A_123 = arith.constant 0 : i32
        %dma_start3A_124 = tpu.memref_slice %arg7[%add3A_112, %dma_start3A_123] : memref<40x125xi32, #tpu.memory_space<vmem>> -> memref<1x125xi32, #tpu.memory_space<vmem>>
        %dma_start3A_125 = tpu.memref_squeeze %dma_start3A_124 : memref<1x125xi32, #tpu.memory_space<vmem>> -> memref<125xi32, #tpu.memory_space<vmem>>
        %dma_start3A_126 = arith.constant 0 : i32
        %dma_start3A_127 = arith.constant 0 : i32
        %dma_start3A_128 = tpu.memref_slice %arg10[%dma_start3A_126, %dma_start3A_127] : memref<10000x128xf32, #tpu.memory_space<vmem_shared>> -> memref<10000x128xf32, #tpu.memory_space<vmem_shared>>
        tpu.enqueue_indirect_dma source(%arg9 : memref<125x128xf32, #tpu.memory_space<vmem>>) target(%dma_start3A_128 : memref<10000x128xf32, #tpu.memory_space<vmem_shared>>) offsets(%dma_start3A_125 : memref<125xi32, #tpu.memory_space<vmem>>) semaphore(%run_scoped3A : memref<!tpu.dma_semaphore, #tpu.memory_space<semaphore_mem>>) {add = true}
        %dma_wait3A_129 = arith.constant 0 : i32
        %dma_wait3A_130 = tpu.memref_slice %arg7[%add3A_112, %dma_wait3A_129] : memref<40x125xi32, #tpu.memory_space<vmem>> -> memref<1x125xi32, #tpu.memory_space<vmem>>
        %dma_wait3A_131 = tpu.memref_squeeze %dma_wait3A_130 : memref<1x125xi32, #tpu.memory_space<vmem>> -> memref<125xi32, #tpu.memory_space<vmem>>
        %dma_wait3A_132 = arith.constant 0 : i32
        %dma_wait3A_133 = arith.constant 0 : i32
        %dma_wait3A_134 = tpu.memref_slice %arg10[%dma_wait3A_132, %dma_wait3A_133] : memref<10000x128xf32, #tpu.memory_space<vmem_shared>> -> memref<10000x128xf32, #tpu.memory_space<vmem_shared>>
        tpu.wait_indirect_dma semaphore(%run_scoped3A : memref<!tpu.dma_semaphore, #tpu.memory_space<semaphore_mem>>) src(%arg9 : memref<125x128xf32, #tpu.memory_space<vmem>>) dst(%dma_wait3A_134 : memref<10000x128xf32, #tpu.memory_space<vmem_shared>>)
        tpu.yield
      }) : () -> ()
      %add3A_113 = arith.constant 1 : i32
      %add3A_114 = arith.addi %mul3A_87, %add3A_113 : i32
      %add3A_115 = arith.constant 2 : i32
      %add3A_116 = arith.addi %add3A_114, %add3A_115 : i32
      %lt3A_117 = arith.constant 40 : i32
      %lt3A_118 = arith.cmpi slt, %add3A_116, %lt3A_117 : i32
      %convert_element_type3A_119 = arith.extui %lt3A_118 : i1 to i32
      %cond3A_120 = arith.constant 0 : i32
      %cond3A_121 = arith.cmpi ne, %convert_element_type3A_119, %cond3A_120 : i32
      scf.if %cond3A_121 {
        %add3A_123 = arith.constant 1 : i32
        %add3A_124 = arith.addi %mul3A_87, %add3A_123 : i32
        %add3A_125 = arith.constant 2 : i32
        %add3A_126 = arith.addi %add3A_124, %add3A_125 : i32
        %dma_start3A_127 = arith.constant 0 : i32
        %dma_start3A_128 = tpu.memref_slice %arg6[%add3A_126, %dma_start3A_127] : memref<40x125xi32, #tpu.memory_space<vmem>> -> memref<1x125xi32, #tpu.memory_space<vmem>>
        %dma_start3A_129 = tpu.memref_squeeze %dma_start3A_128 : memref<1x125xi32, #tpu.memory_space<vmem>> -> memref<125xi32, #tpu.memory_space<vmem>>
        %dma_start3A_130 = arith.constant 0 : i32
        %dma_start3A_131 = arith.constant 0 : i32
        %dma_start3A_132 = tpu.memref_slice %arg2[%dma_start3A_130, %dma_start3A_131] : memref<10000x128xf32, #tpu.memory_space<hbm>> -> memref<10000x128xf32, #tpu.memory_space<hbm>>
        tpu.enqueue_indirect_dma source(%dma_start3A_132 : memref<10000x128xf32, #tpu.memory_space<hbm>>) target(%arg9 : memref<125x128xf32, #tpu.memory_space<vmem>>) offsets(%dma_start3A_129 : memref<125xi32, #tpu.memory_space<vmem>>) semaphore(%arg12 : memref<!tpu.dma_semaphore, #tpu.memory_space<semaphore_mem>>)
      } else {
      }
      %scan3A_122 = arith.constant 0 : i32
      scf.yield %scan3A_122 : i32
    }
    %scan3A_52 = arith.constant 20 : i32
    "tpu.region"() ({
      %run_scoped3A = tpu.sem_alloc : memref<!tpu.dma_semaphore, #tpu.memory_space<semaphore_mem>>
      %dma_start3A_84 = arith.constant 40 : i32
      %dma_start3A_85 = arith.constant 0 : i32
      %dma_start3A_86 = tpu.memref_slice %arg3[%add3A, %dma_start3A_84, %dma_start3A_85] : memref<32x80x125xi32, #tpu.memory_space<hbm>> -> memref<1x40x125xi32, #tpu.memory_space<hbm>>
      %dma_start3A_87 = tpu.memref_squeeze %dma_start3A_86 : memref<1x40x125xi32, #tpu.memory_space<hbm>> -> memref<40x125xi32, #tpu.memory_space<hbm>>
      %dma_start3A_88 = arith.constant 40 : i32
      %dma_start3A_89 = arith.constant 0 : i32
      %dma_start3A_90 = tpu.memref_slice %arg3[%add3A, %dma_start3A_88, %dma_start3A_89] : memref<32x80x125xi32, #tpu.memory_space<hbm>> -> memref<1x40x125xi32, #tpu.memory_space<hbm>>
      %dma_start3A_91 = tpu.memref_squeeze %dma_start3A_90 : memref<1x40x125xi32, #tpu.memory_space<hbm>> -> memref<40x125xi32, #tpu.memory_space<hbm>>
      tpu.enqueue_dma source(%dma_start3A_91 : memref<40x125xi32, #tpu.memory_space<hbm>>) target(%arg6 : memref<40x125xi32, #tpu.memory_space<vmem>>) target_semaphore(%run_scoped3A : memref<!tpu.dma_semaphore, #tpu.memory_space<semaphore_mem>>)
      %dma_wait3A = arith.constant 40 : i32
      %dma_wait3A_92 = arith.constant 0 : i32
      %dma_wait3A_93 = tpu.memref_slice %arg3[%add3A, %dma_wait3A, %dma_wait3A_92] : memref<32x80x125xi32, #tpu.memory_space<hbm>> -> memref<1x40x125xi32, #tpu.memory_space<hbm>>
      %dma_wait3A_94 = tpu.memref_squeeze %dma_wait3A_93 : memref<1x40x125xi32, #tpu.memory_space<hbm>> -> memref<40x125xi32, #tpu.memory_space<hbm>>
      %dma_wait3A_95 = arith.constant 40 : i32
      %dma_wait3A_96 = arith.constant 0 : i32
      %dma_wait3A_97 = tpu.memref_slice %arg3[%add3A, %dma_wait3A_95, %dma_wait3A_96] : memref<32x80x125xi32, #tpu.memory_space<hbm>> -> memref<1x40x125xi32, #tpu.memory_space<hbm>>
      %dma_wait3A_98 = tpu.memref_squeeze %dma_wait3A_97 : memref<1x40x125xi32, #tpu.memory_space<hbm>> -> memref<40x125xi32, #tpu.memory_space<hbm>>
      tpu.wait_dma2 semaphore(%run_scoped3A : memref<!tpu.dma_semaphore, #tpu.memory_space<semaphore_mem>>) src(%dma_wait3A_98 : memref<40x125xi32, #tpu.memory_space<hbm>>) dst(%arg6 : memref<40x125xi32, #tpu.memory_space<vmem>>)
      tpu.yield
    }) : () -> ()
    "tpu.region"() ({
      %run_scoped3A = tpu.sem_alloc : memref<!tpu.dma_semaphore, #tpu.memory_space<semaphore_mem>>
      %dma_start3A_84 = arith.constant 40 : i32
      %dma_start3A_85 = arith.constant 0 : i32
      %dma_start3A_86 = tpu.memref_slice %arg4[%add3A, %dma_start3A_84, %dma_start3A_85] : memref<32x80x125xi32, #tpu.memory_space<hbm>> -> memref<1x40x125xi32, #tpu.memory_space<hbm>>
      %dma_start3A_87 = tpu.memref_squeeze %dma_start3A_86 : memref<1x40x125xi32, #tpu.memory_space<hbm>> -> memref<40x125xi32, #tpu.memory_space<hbm>>
      %dma_start3A_88 = arith.constant 40 : i32
      %dma_start3A_89 = arith.constant 0 : i32
      %dma_start3A_90 = tpu.memref_slice %arg4[%add3A, %dma_start3A_88, %dma_start3A_89] : memref<32x80x125xi32, #tpu.memory_space<hbm>> -> memref<1x40x125xi32, #tpu.memory_space<hbm>>
      %dma_start3A_91 = tpu.memref_squeeze %dma_start3A_90 : memref<1x40x125xi32, #tpu.memory_space<hbm>> -> memref<40x125xi32, #tpu.memory_space<hbm>>
      tpu.enqueue_dma source(%dma_start3A_91 : memref<40x125xi32, #tpu.memory_space<hbm>>) target(%arg7 : memref<40x125xi32, #tpu.memory_space<vmem>>) target_semaphore(%run_scoped3A : memref<!tpu.dma_semaphore, #tpu.memory_space<semaphore_mem>>)
      %dma_wait3A = arith.constant 40 : i32
      %dma_wait3A_92 = arith.constant 0 : i32
      %dma_wait3A_93 = tpu.memref_slice %arg4[%add3A, %dma_wait3A, %dma_wait3A_92] : memref<32x80x125xi32, #tpu.memory_space<hbm>> -> memref<1x40x125xi32, #tpu.memory_space<hbm>>
      %dma_wait3A_94 = tpu.memref_squeeze %dma_wait3A_93 : memref<1x40x125xi32, #tpu.memory_space<hbm>> -> memref<40x125xi32, #tpu.memory_space<hbm>>
      %dma_wait3A_95 = arith.constant 40 : i32
      %dma_wait3A_96 = arith.constant 0 : i32
      %dma_wait3A_97 = tpu.memref_slice %arg4[%add3A, %dma_wait3A_95, %dma_wait3A_96] : memref<32x80x125xi32, #tpu.memory_space<hbm>> -> memref<1x40x125xi32, #tpu.memory_space<hbm>>
      %dma_wait3A_98 = tpu.memref_squeeze %dma_wait3A_97 : memref<1x40x125xi32, #tpu.memory_space<hbm>> -> memref<40x125xi32, #tpu.memory_space<hbm>>
      tpu.wait_dma2 semaphore(%run_scoped3A : memref<!tpu.dma_semaphore, #tpu.memory_space<semaphore_mem>>) src(%dma_wait3A_98 : memref<40x125xi32, #tpu.memory_space<hbm>>) dst(%arg7 : memref<40x125xi32, #tpu.memory_space<vmem>>)
      tpu.yield
    }) : () -> ()
    %dma_start3A_53 = arith.constant 0 : i32
    %dma_start3A_54 = arith.constant 0 : i32
    %dma_start3A_55 = tpu.memref_slice %arg6[%dma_start3A_53, %dma_start3A_54] : memref<40x125xi32, #tpu.memory_space<vmem>> -> memref<1x125xi32, #tpu.memory_space<vmem>>
    %dma_start3A_56 = tpu.memref_squeeze %dma_start3A_55 : memref<1x125xi32, #tpu.memory_space<vmem>> -> memref<125xi32, #tpu.memory_space<vmem>>
    %dma_start3A_57 = arith.constant 0 : i32
    %dma_start3A_58 = arith.constant 0 : i32
    %dma_start3A_59 = tpu.memref_slice %arg2[%dma_start3A_57, %dma_start3A_58] : memref<10000x128xf32, #tpu.memory_space<hbm>> -> memref<10000x128xf32, #tpu.memory_space<hbm>>
    tpu.enqueue_indirect_dma source(%dma_start3A_59 : memref<10000x128xf32, #tpu.memory_space<hbm>>) target(%arg8 : memref<125x128xf32, #tpu.memory_space<vmem>>) offsets(%dma_start3A_56 : memref<125xi32, #tpu.memory_space<vmem>>) semaphore(%arg11 : memref<!tpu.dma_semaphore, #tpu.memory_space<semaphore_mem>>)
    %dma_start3A_60 = arith.constant 1 : i32
    %dma_start3A_61 = arith.constant 0 : i32
    %dma_start3A_62 = tpu.memref_slice %arg6[%dma_start3A_60, %dma_start3A_61] : memref<40x125xi32, #tpu.memory_space<vmem>> -> memref<1x125xi32, #tpu.memory_space<vmem>>
    %dma_start3A_63 = tpu.memref_squeeze %dma_start3A_62 : memref<1x125xi32, #tpu.memory_space<vmem>> -> memref<125xi32, #tpu.memory_space<vmem>>
    %dma_start3A_64 = arith.constant 0 : i32
    %dma_start3A_65 = arith.constant 0 : i32
    %dma_start3A_66 = tpu.memref_slice %arg2[%dma_start3A_64, %dma_start3A_65] : memref<10000x128xf32, #tpu.memory_space<hbm>> -> memref<10000x128xf32, #tpu.memory_space<hbm>>
    tpu.enqueue_indirect_dma source(%dma_start3A_66 : memref<10000x128xf32, #tpu.memory_space<hbm>>) target(%arg9 : memref<125x128xf32, #tpu.memory_space<vmem>>) offsets(%dma_start3A_63 : memref<125xi32, #tpu.memory_space<vmem>>) semaphore(%arg12 : memref<!tpu.dma_semaphore, #tpu.memory_space<semaphore_mem>>)
    %scan3A_67 = arith.constant 0 : i32
    %scan3A_68 = arith.constant 0 : i32
    %scan3A_69 = arith.constant 20 : i32
    %scan3A_70 = arith.addi %scan3A_68, %scan3A_69 : i32
    %scan3A_71 = arith.constant 1 : i32
    %scan3A_72 = scf.for %scan3A_84 = %scan3A_68 to %scan3A_70 step %scan3A_71 iter_args(%scan3A_85 = %scan3A_67) -> (i32)  : i32 {
      %mul3A_86 = arith.constant 2 : i32
      %mul3A_87 = arith.muli %mul3A_86, %scan3A_84 : i32
      %dma_wait3A = arith.constant 0 : i32
      %dma_wait3A_88 = arith.constant 0 : i32
      %dma_wait3A_89 = tpu.memref_slice %arg6[%dma_wait3A, %dma_wait3A_88] : memref<40x125xi32, #tpu.memory_space<vmem>> -> memref<1x125xi32, #tpu.memory_space<vmem>>
      %dma_wait3A_90 = tpu.memref_squeeze %dma_wait3A_89 : memref<1x125xi32, #tpu.memory_space<vmem>> -> memref<125xi32, #tpu.memory_space<vmem>>
      %dma_wait3A_91 = arith.constant 0 : i32
      %dma_wait3A_92 = arith.constant 0 : i32
      %dma_wait3A_93 = tpu.memref_slice %arg2[%dma_wait3A_91, %dma_wait3A_92] : memref<10000x128xf32, #tpu.memory_space<hbm>> -> memref<10000x128xf32, #tpu.memory_space<hbm>>
      tpu.wait_indirect_dma semaphore(%arg11 : memref<!tpu.dma_semaphore, #tpu.memory_space<semaphore_mem>>) src(%dma_wait3A_93 : memref<10000x128xf32, #tpu.memory_space<hbm>>) dst(%arg8 : memref<125x128xf32, #tpu.memory_space<vmem>>)
      %add3A_94 = arith.constant 0 : i32
      %add3A_95 = arith.addi %mul3A_87, %add3A_94 : i32
      "tpu.region"() ({
        %run_scoped3A = tpu.sem_alloc : memref<!tpu.dma_semaphore, #tpu.memory_space<semaphore_mem>>
        %dma_start3A_123 = arith.constant 0 : i32
        %dma_start3A_124 = tpu.memref_slice %arg7[%add3A_95, %dma_start3A_123] : memref<40x125xi32, #tpu.memory_space<vmem>> -> memref<1x125xi32, #tpu.memory_space<vmem>>
        %dma_start3A_125 = tpu.memref_squeeze %dma_start3A_124 : memref<1x125xi32, #tpu.memory_space<vmem>> -> memref<125xi32, #tpu.memory_space<vmem>>
        %dma_start3A_126 = arith.constant 0 : i32
        %dma_start3A_127 = arith.constant 0 : i32
        %dma_start3A_128 = tpu.memref_slice %arg10[%dma_start3A_126, %dma_start3A_127] : memref<10000x128xf32, #tpu.memory_space<vmem_shared>> -> memref<10000x128xf32, #tpu.memory_space<vmem_shared>>
        tpu.enqueue_indirect_dma source(%arg8 : memref<125x128xf32, #tpu.memory_space<vmem>>) target(%dma_start3A_128 : memref<10000x128xf32, #tpu.memory_space<vmem_shared>>) offsets(%dma_start3A_125 : memref<125xi32, #tpu.memory_space<vmem>>) semaphore(%run_scoped3A : memref<!tpu.dma_semaphore, #tpu.memory_space<semaphore_mem>>) {add = true}
        %dma_wait3A_129 = arith.constant 0 : i32
        %dma_wait3A_130 = tpu.memref_slice %arg7[%add3A_95, %dma_wait3A_129] : memref<40x125xi32, #tpu.memory_space<vmem>> -> memref<1x125xi32, #tpu.memory_space<vmem>>
        %dma_wait3A_131 = tpu.memref_squeeze %dma_wait3A_130 : memref<1x125xi32, #tpu.memory_space<vmem>> -> memref<125xi32, #tpu.memory_space<vmem>>
        %dma_wait3A_132 = arith.constant 0 : i32
        %dma_wait3A_133 = arith.constant 0 : i32
        %dma_wait3A_134 = tpu.memref_slice %arg10[%dma_wait3A_132, %dma_wait3A_133] : memref<10000x128xf32, #tpu.memory_space<vmem_shared>> -> memref<10000x128xf32, #tpu.memory_space<vmem_shared>>
        tpu.wait_indirect_dma semaphore(%run_scoped3A : memref<!tpu.dma_semaphore, #tpu.memory_space<semaphore_mem>>) src(%arg8 : memref<125x128xf32, #tpu.memory_space<vmem>>) dst(%dma_wait3A_134 : memref<10000x128xf32, #tpu.memory_space<vmem_shared>>)
        tpu.yield
      }) : () -> ()
      %add3A_96 = arith.constant 0 : i32
      %add3A_97 = arith.addi %mul3A_87, %add3A_96 : i32
      %add3A_98 = arith.constant 2 : i32
      %add3A_99 = arith.addi %add3A_97, %add3A_98 : i32
      %lt3A = arith.constant 40 : i32
      %lt3A_100 = arith.cmpi slt, %add3A_99, %lt3A : i32
      %convert_element_type3A_101 = arith.extui %lt3A_100 : i1 to i32
      %cond3A_102 = arith.constant 0 : i32
      %cond3A_103 = arith.cmpi ne, %convert_element_type3A_101, %cond3A_102 : i32
      scf.if %cond3A_103 {
        %add3A_123 = arith.constant 0 : i32
        %add3A_124 = arith.addi %mul3A_87, %add3A_123 : i32
        %add3A_125 = arith.constant 2 : i32
        %add3A_126 = arith.addi %add3A_124, %add3A_125 : i32
        %dma_start3A_127 = arith.constant 0 : i32
        %dma_start3A_128 = tpu.memref_slice %arg6[%add3A_126, %dma_start3A_127] : memref<40x125xi32, #tpu.memory_space<vmem>> -> memref<1x125xi32, #tpu.memory_space<vmem>>
        %dma_start3A_129 = tpu.memref_squeeze %dma_start3A_128 : memref<1x125xi32, #tpu.memory_space<vmem>> -> memref<125xi32, #tpu.memory_space<vmem>>
        %dma_start3A_130 = arith.constant 0 : i32
        %dma_start3A_131 = arith.constant 0 : i32
        %dma_start3A_132 = tpu.memref_slice %arg2[%dma_start3A_130, %dma_start3A_131] : memref<10000x128xf32, #tpu.memory_space<hbm>> -> memref<10000x128xf32, #tpu.memory_space<hbm>>
        tpu.enqueue_indirect_dma source(%dma_start3A_132 : memref<10000x128xf32, #tpu.memory_space<hbm>>) target(%arg8 : memref<125x128xf32, #tpu.memory_space<vmem>>) offsets(%dma_start3A_129 : memref<125xi32, #tpu.memory_space<vmem>>) semaphore(%arg11 : memref<!tpu.dma_semaphore, #tpu.memory_space<semaphore_mem>>)
      } else {
      }
      %dma_wait3A_104 = arith.constant 0 : i32
      %dma_wait3A_105 = arith.constant 0 : i32
      %dma_wait3A_106 = tpu.memref_slice %arg6[%dma_wait3A_104, %dma_wait3A_105] : memref<40x125xi32, #tpu.memory_space<vmem>> -> memref<1x125xi32, #tpu.memory_space<vmem>>
      %dma_wait3A_107 = tpu.memref_squeeze %dma_wait3A_106 : memref<1x125xi32, #tpu.memory_space<vmem>> -> memref<125xi32, #tpu.memory_space<vmem>>
      %dma_wait3A_108 = arith.constant 0 : i32
      %dma_wait3A_109 = arith.constant 0 : i32
      %dma_wait3A_110 = tpu.memref_slice %arg2[%dma_wait3A_108, %dma_wait3A_109] : memref<10000x128xf32, #tpu.memory_space<hbm>> -> memref<10000x128xf32, #tpu.memory_space<hbm>>
      tpu.wait_indirect_dma semaphore(%arg12 : memref<!tpu.dma_semaphore, #tpu.memory_space<semaphore_mem>>) src(%dma_wait3A_110 : memref<10000x128xf32, #tpu.memory_space<hbm>>) dst(%arg9 : memref<125x128xf32, #tpu.memory_space<vmem>>)
      %add3A_111 = arith.constant 1 : i32
      %add3A_112 = arith.addi %mul3A_87, %add3A_111 : i32
      "tpu.region"() ({
        %run_scoped3A = tpu.sem_alloc : memref<!tpu.dma_semaphore, #tpu.memory_space<semaphore_mem>>
        %dma_start3A_123 = arith.constant 0 : i32
        %dma_start3A_124 = tpu.memref_slice %arg7[%add3A_112, %dma_start3A_123] : memref<40x125xi32, #tpu.memory_space<vmem>> -> memref<1x125xi32, #tpu.memory_space<vmem>>
        %dma_start3A_125 = tpu.memref_squeeze %dma_start3A_124 : memref<1x125xi32, #tpu.memory_space<vmem>> -> memref<125xi32, #tpu.memory_space<vmem>>
        %dma_start3A_126 = arith.constant 0 : i32
        %dma_start3A_127 = arith.constant 0 : i32
        %dma_start3A_128 = tpu.memref_slice %arg10[%dma_start3A_126, %dma_start3A_127] : memref<10000x128xf32, #tpu.memory_space<vmem_shared>> -> memref<10000x128xf32, #tpu.memory_space<vmem_shared>>
        tpu.enqueue_indirect_dma source(%arg9 : memref<125x128xf32, #tpu.memory_space<vmem>>) target(%dma_start3A_128 : memref<10000x128xf32, #tpu.memory_space<vmem_shared>>) offsets(%dma_start3A_125 : memref<125xi32, #tpu.memory_space<vmem>>) semaphore(%run_scoped3A : memref<!tpu.dma_semaphore, #tpu.memory_space<semaphore_mem>>) {add = true}
        %dma_wait3A_129 = arith.constant 0 : i32
        %dma_wait3A_130 = tpu.memref_slice %arg7[%add3A_112, %dma_wait3A_129] : memref<40x125xi32, #tpu.memory_space<vmem>> -> memref<1x125xi32, #tpu.memory_space<vmem>>
        %dma_wait3A_131 = tpu.memref_squeeze %dma_wait3A_130 : memref<1x125xi32, #tpu.memory_space<vmem>> -> memref<125xi32, #tpu.memory_space<vmem>>
        %dma_wait3A_132 = arith.constant 0 : i32
        %dma_wait3A_133 = arith.constant 0 : i32
        %dma_wait3A_134 = tpu.memref_slice %arg10[%dma_wait3A_132, %dma_wait3A_133] : memref<10000x128xf32, #tpu.memory_space<vmem_shared>> -> memref<10000x128xf32, #tpu.memory_space<vmem_shared>>
        tpu.wait_indirect_dma semaphore(%run_scoped3A : memref<!tpu.dma_semaphore, #tpu.memory_space<semaphore_mem>>) src(%arg9 : memref<125x128xf32, #tpu.memory_space<vmem>>) dst(%dma_wait3A_134 : memref<10000x128xf32, #tpu.memory_space<vmem_shared>>)
        tpu.yield
      }) : () -> ()
      %add3A_113 = arith.constant 1 : i32
      %add3A_114 = arith.addi %mul3A_87, %add3A_113 : i32
      %add3A_115 = arith.constant 2 : i32
      %add3A_116 = arith.addi %add3A_114, %add3A_115 : i32
      %lt3A_117 = arith.constant 40 : i32
      %lt3A_118 = arith.cmpi slt, %add3A_116, %lt3A_117 : i32
      %convert_element_type3A_119 = arith.extui %lt3A_118 : i1 to i32
      %cond3A_120 = arith.constant 0 : i32
      %cond3A_121 = arith.cmpi ne, %convert_element_type3A_119, %cond3A_120 : i32
      scf.if %cond3A_121 {
        %add3A_123 = arith.constant 1 : i32
        %add3A_124 = arith.addi %mul3A_87, %add3A_123 : i32
        %add3A_125 = arith.constant 2 : i32
        %add3A_126 = arith.addi %add3A_124, %add3A_125 : i32
        %dma_start3A_127 = arith.constant 0 : i32
        %dma_start3A_128 = tpu.memref_slice %arg6[%add3A_126, %dma_start3A_127] : memref<40x125xi32, #tpu.memory_space<vmem>> -> memref<1x125xi32, #tpu.memory_space<vmem>>
        %dma_start3A_129 = tpu.memref_squeeze %dma_start3A_128 : memref<1x125xi32, #tpu.memory_space<vmem>> -> memref<125xi32, #tpu.memory_space<vmem>>
        %dma_start3A_130 = arith.constant 0 : i32
        %dma_start3A_131 = arith.constant 0 : i32
        %dma_start3A_132 = tpu.memref_slice %arg2[%dma_start3A_130, %dma_start3A_131] : memref<10000x128xf32, #tpu.memory_space<hbm>> -> memref<10000x128xf32, #tpu.memory_space<hbm>>
        tpu.enqueue_indirect_dma source(%dma_start3A_132 : memref<10000x128xf32, #tpu.memory_space<hbm>>) target(%arg9 : memref<125x128xf32, #tpu.memory_space<vmem>>) offsets(%dma_start3A_129 : memref<125xi32, #tpu.memory_space<vmem>>) semaphore(%arg12 : memref<!tpu.dma_semaphore, #tpu.memory_space<semaphore_mem>>)
      } else {
      }
      %scan3A_122 = arith.constant 0 : i32
      scf.yield %scan3A_122 : i32
    }
    %scan3A_73 = arith.constant 20 : i32
    %barrier3A_74 = arith.constant 0 : index
    tpu.barrier barrier_id(%barrier3A_74)
    %mul3A_75 = arith.constant 624 : i32
    %mul3A_76 = arith.muli %arg1, %mul3A_75 : i32
    %mul3A_77 = arith.constant 624 : i32
    %mul3A_78 = arith.muli %arg1, %mul3A_77 : i32
    "tpu.region"() ({
      %run_scoped3A = tpu.sem_alloc : memref<!tpu.dma_semaphore, #tpu.memory_space<semaphore_mem>>
      %dma_start3A_84 = arith.constant 0 : i32
      %dma_start3A_85 = tpu.memref_slice %arg5[%arg0, %mul3A_78, %dma_start3A_84] : memref<2x10000x128xf32, #tpu.memory_space<hbm>> -> memref<1x624x128xf32, #tpu.memory_space<hbm>>
      %dma_start3A_86 = tpu.memref_squeeze %dma_start3A_85 : memref<1x624x128xf32, #tpu.memory_space<hbm>> -> memref<624x128xf32, #tpu.memory_space<hbm>>
      %dma_start3A_87 = arith.constant 0 : i32
      %dma_start3A_88 = tpu.memref_slice %arg10[%mul3A_76, %dma_start3A_87] : memref<10000x128xf32, #tpu.memory_space<vmem_shared>> -> memref<624x128xf32, #tpu.memory_space<vmem_shared>>
      tpu.enqueue_dma source(%dma_start3A_88 : memref<624x128xf32, #tpu.memory_space<vmem_shared>>) target(%dma_start3A_86 : memref<624x128xf32, #tpu.memory_space<hbm>>) target_semaphore(%run_scoped3A : memref<!tpu.dma_semaphore, #tpu.memory_space<semaphore_mem>>)
      %dma_wait3A = arith.constant 0 : i32
      %dma_wait3A_89 = tpu.memref_slice %arg5[%arg0, %mul3A_78, %dma_wait3A] : memref<2x10000x128xf32, #tpu.memory_space<hbm>> -> memref<1x624x128xf32, #tpu.memory_space<hbm>>
      %dma_wait3A_90 = tpu.memref_squeeze %dma_wait3A_89 : memref<1x624x128xf32, #tpu.memory_space<hbm>> -> memref<624x128xf32, #tpu.memory_space<hbm>>
      %dma_wait3A_91 = arith.constant 0 : i32
      %dma_wait3A_92 = tpu.memref_slice %arg10[%mul3A_76, %dma_wait3A_91] : memref<10000x128xf32, #tpu.memory_space<vmem_shared>> -> memref<624x128xf32, #tpu.memory_space<vmem_shared>>
      tpu.wait_dma2 semaphore(%run_scoped3A : memref<!tpu.dma_semaphore, #tpu.memory_space<semaphore_mem>>) src(%dma_wait3A_92 : memref<624x128xf32, #tpu.memory_space<vmem_shared>>) dst(%dma_wait3A_90 : memref<624x128xf32, #tpu.memory_space<hbm>>)
      tpu.yield
    }) : () -> ()
    %eq3A_79 = arith.constant 15 : i32
    %eq3A_80 = arith.cmpi eq, %arg1, %eq3A_79 : i32
    %convert_element_type3A_81 = arith.extui %eq3A_80 : i1 to i32
    %cond3A_82 = arith.constant 0 : i32
    %cond3A_83 = arith.cmpi ne, %convert_element_type3A_81, %cond3A_82 : i32
    scf.if %cond3A_83 {
      "tpu.region"() ({
        %run_scoped3A = tpu.sem_alloc : memref<!tpu.dma_semaphore, #tpu.memory_space<semaphore_mem>>
        %dma_start3A_84 = arith.constant 9984 : i32
        %dma_start3A_85 = arith.constant 0 : i32
        %dma_start3A_86 = tpu.memref_slice %arg5[%arg0, %dma_start3A_84, %dma_start3A_85] : memref<2x10000x128xf32, #tpu.memory_space<hbm>> -> memref<1x16x128xf32, #tpu.memory_space<hbm>>
        %dma_start3A_87 = tpu.memref_squeeze %dma_start3A_86 : memref<1x16x128xf32, #tpu.memory_space<hbm>> -> memref<16x128xf32, #tpu.memory_space<hbm>>
        %dma_start3A_88 = arith.constant 9984 : i32
        %dma_start3A_89 = arith.constant 0 : i32
        %dma_start3A_90 = tpu.memref_slice %arg10[%dma_start3A_88, %dma_start3A_89] : memref<10000x128xf32, #tpu.memory_space<vmem_shared>> -> memref<16x128xf32, #tpu.memory_space<vmem_shared>>
        tpu.enqueue_dma source(%dma_start3A_90 : memref<16x128xf32, #tpu.memory_space<vmem_shared>>) target(%dma_start3A_87 : memref<16x128xf32, #tpu.memory_space<hbm>>) target_semaphore(%run_scoped3A : memref<!tpu.dma_semaphore, #tpu.memory_space<semaphore_mem>>)
        %dma_wait3A = arith.constant 9984 : i32
        %dma_wait3A_91 = arith.constant 0 : i32
        %dma_wait3A_92 = tpu.memref_slice %arg5[%arg0, %dma_wait3A, %dma_wait3A_91] : memref<2x10000x128xf32, #tpu.memory_space<hbm>> -> memref<1x16x128xf32, #tpu.memory_space<hbm>>
        %dma_wait3A_93 = tpu.memref_squeeze %dma_wait3A_92 : memref<1x16x128xf32, #tpu.memory_space<hbm>> -> memref<16x128xf32, #tpu.memory_space<hbm>>
        %dma_wait3A_94 = arith.constant 9984 : i32
        %dma_wait3A_95 = arith.constant 0 : i32
        %dma_wait3A_96 = tpu.memref_slice %arg10[%dma_wait3A_94, %dma_wait3A_95] : memref<10000x128xf32, #tpu.memory_space<vmem_shared>> -> memref<16x128xf32, #tpu.memory_space<vmem_shared>>
        tpu.wait_dma2 semaphore(%run_scoped3A : memref<!tpu.dma_semaphore, #tpu.memory_space<semaphore_mem>>) src(%dma_wait3A_96 : memref<16x128xf32, #tpu.memory_space<vmem_shared>>) dst(%dma_wait3A_93 : memref<16x128xf32, #tpu.memory_space<hbm>>)
        tpu.yield
      }) : () -> ()
    } else {
    }
    return
  }
}

#map = affine_map<(d0, d1) -> (0, 0)>
#map1 = affine_map<(d0, d1) -> (0, 0, 0)>
module attributes {stable_mosaic.version = 14 : i64} {
  func.func @_sc_agg_body(%arg0: i32, %arg1: i32, %arg2: memref<10000x128xf32, #tpu.memory_space<hbm>>, %arg3: memref<32x80x125xi32, #tpu.memory_space<hbm>>, %arg4: memref<32x80x125xi32, #tpu.memory_space<hbm>>, %arg5: memref<2x10000x128xf32, #tpu.memory_space<hbm>>, %arg6: memref<40x125xi32, #tpu.memory_space<vmem>>, %arg7: memref<40x125xi32, #tpu.memory_space<vmem>>, %arg8: memref<125x128xf32, #tpu.memory_space<vmem>>, %arg9: memref<125x128xf32, #tpu.memory_space<vmem>>, %arg10: memref<10000x128xf32, #tpu.memory_space<vmem_shared>>, %arg11: memref<!tpu.dma_semaphore, #tpu.memory_space<semaphore_mem>>, %arg12: memref<!tpu.dma_semaphore, #tpu.memory_space<semaphore_mem>>) attributes {dimension_semantics = [#tpu.dimension_semantics<core_parallel>, #tpu.dimension_semantics<subcore_parallel>], iteration_bounds = array<i64: 2, 16>, scalar_prefetch = 0 : i64, scratch_operands = 7 : i64, tpu.core_type = #tpu.core_type<sc_vector_subcore>, window_params = [{transform_indices = #map}, {transform_indices = #map1}, {transform_indices = #map1}, {transform_indices = #map1}]} {
    %mul3A = arith.constant 2 : i32
    %mul3A_0 = arith.muli %arg1, %mul3A : i32
    %add3A = arith.addi %mul3A_0, %arg0 : i32
    %scan3A = arith.constant 0 : i32
    %scan3A_1 = arith.constant 0 : i32
    %scan3A_2 = arith.constant 104 : i32
    %scan3A_3 = arith.addi %scan3A_1, %scan3A_2 : i32
    %scan3A_4 = arith.constant 1 : i32
    %scan3A_5 = scf.for %scan3A_84 = %scan3A_1 to %scan3A_3 step %scan3A_4 iter_args(%scan3A_85 = %scan3A) -> (i32)  : i32 {
      %broadcast_in_dim3A = arith.constant 0.000000e+00 : f32
      %broadcast_in_dim3A_86 = vector.broadcast %broadcast_in_dim3A : f32 to vector<16xf32>
      %swap3A = arith.index_cast %scan3A_84 : i32 to index
      %swap3A_87 = arith.constant 0 : index
      %swap3A_88 = tpu.vector_load %arg8[%swap3A, %swap3A_87] {strides = array<i32>} : memref<125x128xf32, #tpu.memory_space<vmem>>, vector<1x16xf32>,
      %swap3A_89 = vector.shape_cast %swap3A_88 : vector<1x16xf32> to vector<16xf32>
      %swap3A_90 = vector.shape_cast %broadcast_in_dim3A_86 : vector<16xf32> to vector<1x16xf32>
      tpu.vector_store %arg8[%swap3A, %swap3A_87], %swap3A_90 {strides = array<i32>} : memref<125x128xf32, #tpu.memory_space<vmem>>, vector<1x16xf32>,
      %broadcast_in_dim3A_91 = arith.constant 0.000000e+00 : f32
      %broadcast_in_dim3A_92 = vector.broadcast %broadcast_in_dim3A_91 : f32 to vector<16xf32>
      %swap3A_93 = arith.index_cast %scan3A_84 : i32 to index
      %swap3A_94 = arith.constant 16 : index
      %swap3A_95 = tpu.vector_load %arg8[%swap3A_93, %swap3A_94] {strides = array<i32>} : memref<125x128xf32, #tpu.memory_space<vmem>>, vector<1x16xf32>,
      %swap3A_96 = vector.shape_cast %swap3A_95 : vector<1x16xf32> to vector<16xf32>
      %swap3A_97 = vector.shape_cast %broadcast_in_dim3A_92 : vector<16xf32> to vector<1x16xf32>
      tpu.vector_store %arg8[%swap3A_93, %swap3A_94], %swap3A_97 {strides = array<i32>} : memref<125x128xf32, #tpu.memory_space<vmem>>, vector<1x16xf32>,
      %broadcast_in_dim3A_98 = arith.constant 0.000000e+00 : f32
      %broadcast_in_dim3A_99 = vector.broadcast %broadcast_in_dim3A_98 : f32 to vector<16xf32>
      %swap3A_100 = arith.index_cast %scan3A_84 : i32 to index
      %swap3A_101 = arith.constant 32 : index
      %swap3A_102 = tpu.vector_load %arg8[%swap3A_100, %swap3A_101] {strides = array<i32>} : memref<125x128xf32, #tpu.memory_space<vmem>>, vector<1x16xf32>,
      %swap3A_103 = vector.shape_cast %swap3A_102 : vector<1x16xf32> to vector<16xf32>
      %swap3A_104 = vector.shape_cast %broadcast_in_dim3A_99 : vector<16xf32> to vector<1x16xf32>
      tpu.vector_store %arg8[%swap3A_100, %swap3A_101], %swap3A_104 {strides = array<i32>} : memref<125x128xf32, #tpu.memory_space<vmem>>, vector<1x16xf32>,
      %broadcast_in_dim3A_105 = arith.constant 0.000000e+00 : f32
      %broadcast_in_dim3A_106 = vector.broadcast %broadcast_in_dim3A_105 : f32 to vector<16xf32>
      %swap3A_107 = arith.index_cast %scan3A_84 : i32 to index
      %swap3A_108 = arith.constant 48 : index
      %swap3A_109 = tpu.vector_load %arg8[%swap3A_107, %swap3A_108] {strides = array<i32>} : memref<125x128xf32, #tpu.memory_space<vmem>>, vector<1x16xf32>,
      %swap3A_110 = vector.shape_cast %swap3A_109 : vector<1x16xf32> to vector<16xf32>
      %swap3A_111 = vector.shape_cast %broadcast_in_dim3A_106 : vector<16xf32> to vector<1x16xf32>
      tpu.vector_store %arg8[%swap3A_107, %swap3A_108], %swap3A_111 {strides = array<i32>} : memref<125x128xf32, #tpu.memory_space<vmem>>, vector<1x16xf32>,
      %broadcast_in_dim3A_112 = arith.constant 0.000000e+00 : f32
      %broadcast_in_dim3A_113 = vector.broadcast %broadcast_in_dim3A_112 : f32 to vector<16xf32>
      %swap3A_114 = arith.index_cast %scan3A_84 : i32 to index
      %swap3A_115 = arith.constant 64 : index
      %swap3A_116 = tpu.vector_load %arg8[%swap3A_114, %swap3A_115] {strides = array<i32>} : memref<125x128xf32, #tpu.memory_space<vmem>>, vector<1x16xf32>,
      %swap3A_117 = vector.shape_cast %swap3A_116 : vector<1x16xf32> to vector<16xf32>
      %swap3A_118 = vector.shape_cast %broadcast_in_dim3A_113 : vector<16xf32> to vector<1x16xf32>
      tpu.vector_store %arg8[%swap3A_114, %swap3A_115], %swap3A_118 {strides = array<i32>} : memref<125x128xf32, #tpu.memory_space<vmem>>, vector<1x16xf32>,
      %broadcast_in_dim3A_119 = arith.constant 0.000000e+00 : f32
      %broadcast_in_dim3A_120 = vector.broadcast %broadcast_in_dim3A_119 : f32 to vector<16xf32>
      %swap3A_121 = arith.index_cast %scan3A_84 : i32 to index
      %swap3A_122 = arith.constant 80 : index
      %swap3A_123 = tpu.vector_load %arg8[%swap3A_121, %swap3A_122] {strides = array<i32>} : memref<125x128xf32, #tpu.memory_space<vmem>>, vector<1x16xf32>,
      %swap3A_124 = vector.shape_cast %swap3A_123 : vector<1x16xf32> to vector<16xf32>
      %swap3A_125 = vector.shape_cast %broadcast_in_dim3A_120 : vector<16xf32> to vector<1x16xf32>
      tpu.vector_store %arg8[%swap3A_121, %swap3A_122], %swap3A_125 {strides = array<i32>} : memref<125x128xf32, #tpu.memory_space<vmem>>, vector<1x16xf32>,
      %broadcast_in_dim3A_126 = arith.constant 0.000000e+00 : f32
      %broadcast_in_dim3A_127 = vector.broadcast %broadcast_in_dim3A_126 : f32 to vector<16xf32>
      %swap3A_128 = arith.index_cast %scan3A_84 : i32 to index
      %swap3A_129 = arith.constant 96 : index
      %swap3A_130 = tpu.vector_load %arg8[%swap3A_128, %swap3A_129] {strides = array<i32>} : memref<125x128xf32, #tpu.memory_space<vmem>>, vector<1x16xf32>,
      %swap3A_131 = vector.shape_cast %swap3A_130 : vector<1x16xf32> to vector<16xf32>
      %swap3A_132 = vector.shape_cast %broadcast_in_dim3A_127 : vector<16xf32> to vector<1x16xf32>
      tpu.vector_store %arg8[%swap3A_128, %swap3A_129], %swap3A_132 {strides = array<i32>} : memref<125x128xf32, #tpu.memory_space<vmem>>, vector<1x16xf32>,
      %broadcast_in_dim3A_133 = arith.constant 0.000000e+00 : f32
      %broadcast_in_dim3A_134 = vector.broadcast %broadcast_in_dim3A_133 : f32 to vector<16xf32>
      %swap3A_135 = arith.index_cast %scan3A_84 : i32 to index
      %swap3A_136 = arith.constant 112 : index
      %swap3A_137 = tpu.vector_load %arg8[%swap3A_135, %swap3A_136] {strides = array<i32>} : memref<125x128xf32, #tpu.memory_space<vmem>>, vector<1x16xf32>,
      %swap3A_138 = vector.shape_cast %swap3A_137 : vector<1x16xf32> to vector<16xf32>
      %swap3A_139 = vector.shape_cast %broadcast_in_dim3A_134 : vector<16xf32> to vector<1x16xf32>
      tpu.vector_store %arg8[%swap3A_135, %swap3A_136], %swap3A_139 {strides = array<i32>} : memref<125x128xf32, #tpu.memory_space<vmem>>, vector<1x16xf32>,
      %scan3A_140 = arith.constant 0 : i32
      scf.yield %scan3A_140 : i32
    }
    %scan3A_6 = arith.constant 104 : i32
    %mul3A_7 = arith.constant 624 : i32
    %mul3A_8 = arith.muli %arg1, %mul3A_7 : i32
    %add3A_9 = arith.constant 0 : i32
    %add3A_10 = arith.addi %mul3A_8, %add3A_9 : i32
    "tpu.region"() ({
      %run_scoped3A = tpu.sem_alloc : memref<!tpu.dma_semaphore, #tpu.memory_space<semaphore_mem>>
      %dma_start3A_84 = arith.constant 0 : i32
      %dma_start3A_85 = arith.constant 0 : i32
      %dma_start3A_86 = tpu.memref_slice %arg8[%dma_start3A_84, %dma_start3A_85] : memref<125x128xf32, #tpu.memory_space<vmem>> -> memref<104x128xf32, #tpu.memory_space<vmem>>
      %dma_start3A_87 = arith.constant 0 : i32
      %dma_start3A_88 = tpu.memref_slice %arg10[%add3A_10, %dma_start3A_87] : memref<10000x128xf32, #tpu.memory_space<vmem_shared>> -> memref<104x128xf32, #tpu.memory_space<vmem_shared>>
      %dma_start3A_89 = arith.constant 0 : i32
      %dma_start3A_90 = tpu.memref_slice %arg10[%add3A_10, %dma_start3A_89] : memref<10000x128xf32, #tpu.memory_space<vmem_shared>> -> memref<104x128xf32, #tpu.memory_space<vmem_shared>>
      %dma_start3A_91 = arith.constant 0 : i32
      %dma_start3A_92 = arith.constant 0 : i32
      %dma_start3A_93 = tpu.memref_slice %arg8[%dma_start3A_91, %dma_start3A_92] : memref<125x128xf32, #tpu.memory_space<vmem>> -> memref<104x128xf32, #tpu.memory_space<vmem>>
      tpu.enqueue_dma source(%dma_start3A_93 : memref<104x128xf32, #tpu.memory_space<vmem>>) target(%dma_start3A_90 : memref<104x128xf32, #tpu.memory_space<vmem_shared>>) target_semaphore(%run_scoped3A : memref<!tpu.dma_semaphore, #tpu.memory_space<semaphore_mem>>)
      %dma_wait3A = arith.constant 0 : i32
      %dma_wait3A_94 = arith.constant 0 : i32
      %dma_wait3A_95 = tpu.memref_slice %arg8[%dma_wait3A, %dma_wait3A_94] : memref<125x128xf32, #tpu.memory_space<vmem>> -> memref<104x128xf32, #tpu.memory_space<vmem>>
      %dma_wait3A_96 = arith.constant 0 : i32
      %dma_wait3A_97 = tpu.memref_slice %arg10[%add3A_10, %dma_wait3A_96] : memref<10000x128xf32, #tpu.memory_space<vmem_shared>> -> memref<104x128xf32, #tpu.memory_space<vmem_shared>>
      %dma_wait3A_98 = arith.constant 0 : i32
      %dma_wait3A_99 = tpu.memref_slice %arg10[%add3A_10, %dma_wait3A_98] : memref<10000x128xf32, #tpu.memory_space<vmem_shared>> -> memref<104x128xf32, #tpu.memory_space<vmem_shared>>
      %dma_wait3A_100 = arith.constant 0 : i32
      %dma_wait3A_101 = arith.constant 0 : i32
      %dma_wait3A_102 = tpu.memref_slice %arg8[%dma_wait3A_100, %dma_wait3A_101] : memref<125x128xf32, #tpu.memory_space<vmem>> -> memref<104x128xf32, #tpu.memory_space<vmem>>
      tpu.wait_dma2 semaphore(%run_scoped3A : memref<!tpu.dma_semaphore, #tpu.memory_space<semaphore_mem>>) src(%dma_wait3A_102 : memref<104x128xf32, #tpu.memory_space<vmem>>) dst(%dma_wait3A_99 : memref<104x128xf32, #tpu.memory_space<vmem_shared>>)
      tpu.yield
    }) : () -> ()
    %mul3A_11 = arith.constant 624 : i32
    %mul3A_12 = arith.muli %arg1, %mul3A_11 : i32
    %add3A_13 = arith.constant 104 : i32
    %add3A_14 = arith.addi %mul3A_12, %add3A_13 : i32
    "tpu.region"() ({
      %run_scoped3A = tpu.sem_alloc : memref<!tpu.dma_semaphore, #tpu.memory_space<semaphore_mem>>
      %dma_start3A_84 = arith.constant 0 : i32
      %dma_start3A_85 = arith.constant 0 : i32
      %dma_start3A_86 = tpu.memref_slice %arg8[%dma_start3A_84, %dma_start3A_85] : memref<125x128xf32, #tpu.memory_space<vmem>> -> memref<104x128xf32, #tpu.memory_space<vmem>>
      %dma_start3A_87 = arith.constant 0 : i32
      %dma_start3A_88 = tpu.memref_slice %arg10[%add3A_14, %dma_start3A_87] : memref<10000x128xf32, #tpu.memory_space<vmem_shared>> -> memref<104x128xf32, #tpu.memory_space<vmem_shared>>
      %dma_start3A_89 = arith.constant 0 : i32
      %dma_start3A_90 = tpu.memref_slice %arg10[%add3A_14, %dma_start3A_89] : memref<10000x128xf32, #tpu.memory_space<vmem_shared>> -> memref<104x128xf32, #tpu.memory_space<vmem_shared>>
      %dma_start3A_91 = arith.constant 0 : i32
      %dma_start3A_92 = arith.constant 0 : i32
      %dma_start3A_93 = tpu.memref_slice %arg8[%dma_start3A_91, %dma_start3A_92] : memref<125x128xf32, #tpu.memory_space<vmem>> -> memref<104x128xf32, #tpu.memory_space<vmem>>
      tpu.enqueue_dma source(%dma_start3A_93 : memref<104x128xf32, #tpu.memory_space<vmem>>) target(%dma_start3A_90 : memref<104x128xf32, #tpu.memory_space<vmem_shared>>) target_semaphore(%run_scoped3A : memref<!tpu.dma_semaphore, #tpu.memory_space<semaphore_mem>>)
      %dma_wait3A = arith.constant 0 : i32
      %dma_wait3A_94 = arith.constant 0 : i32
      %dma_wait3A_95 = tpu.memref_slice %arg8[%dma_wait3A, %dma_wait3A_94] : memref<125x128xf32, #tpu.memory_space<vmem>> -> memref<104x128xf32, #tpu.memory_space<vmem>>
      %dma_wait3A_96 = arith.constant 0 : i32
      %dma_wait3A_97 = tpu.memref_slice %arg10[%add3A_14, %dma_wait3A_96] : memref<10000x128xf32, #tpu.memory_space<vmem_shared>> -> memref<104x128xf32, #tpu.memory_space<vmem_shared>>
      %dma_wait3A_98 = arith.constant 0 : i32
      %dma_wait3A_99 = tpu.memref_slice %arg10[%add3A_14, %dma_wait3A_98] : memref<10000x128xf32, #tpu.memory_space<vmem_shared>> -> memref<104x128xf32, #tpu.memory_space<vmem_shared>>
      %dma_wait3A_100 = arith.constant 0 : i32
      %dma_wait3A_101 = arith.constant 0 : i32
      %dma_wait3A_102 = tpu.memref_slice %arg8[%dma_wait3A_100, %dma_wait3A_101] : memref<125x128xf32, #tpu.memory_space<vmem>> -> memref<104x128xf32, #tpu.memory_space<vmem>>
      tpu.wait_dma2 semaphore(%run_scoped3A : memref<!tpu.dma_semaphore, #tpu.memory_space<semaphore_mem>>) src(%dma_wait3A_102 : memref<104x128xf32, #tpu.memory_space<vmem>>) dst(%dma_wait3A_99 : memref<104x128xf32, #tpu.memory_space<vmem_shared>>)
      tpu.yield
    }) : () -> ()
    %mul3A_15 = arith.constant 624 : i32
    %mul3A_16 = arith.muli %arg1, %mul3A_15 : i32
    %add3A_17 = arith.constant 208 : i32
    %add3A_18 = arith.addi %mul3A_16, %add3A_17 : i32
    "tpu.region"() ({
      %run_scoped3A = tpu.sem_alloc : memref<!tpu.dma_semaphore, #tpu.memory_space<semaphore_mem>>
      %dma_start3A_84 = arith.constant 0 : i32
      %dma_start3A_85 = arith.constant 0 : i32
      %dma_start3A_86 = tpu.memref_slice %arg8[%dma_start3A_84, %dma_start3A_85] : memref<125x128xf32, #tpu.memory_space<vmem>> -> memref<104x128xf32, #tpu.memory_space<vmem>>
      %dma_start3A_87 = arith.constant 0 : i32
      %dma_start3A_88 = tpu.memref_slice %arg10[%add3A_18, %dma_start3A_87] : memref<10000x128xf32, #tpu.memory_space<vmem_shared>> -> memref<104x128xf32, #tpu.memory_space<vmem_shared>>
      %dma_start3A_89 = arith.constant 0 : i32
      %dma_start3A_90 = tpu.memref_slice %arg10[%add3A_18, %dma_start3A_89] : memref<10000x128xf32, #tpu.memory_space<vmem_shared>> -> memref<104x128xf32, #tpu.memory_space<vmem_shared>>
      %dma_start3A_91 = arith.constant 0 : i32
      %dma_start3A_92 = arith.constant 0 : i32
      %dma_start3A_93 = tpu.memref_slice %arg8[%dma_start3A_91, %dma_start3A_92] : memref<125x128xf32, #tpu.memory_space<vmem>> -> memref<104x128xf32, #tpu.memory_space<vmem>>
      tpu.enqueue_dma source(%dma_start3A_93 : memref<104x128xf32, #tpu.memory_space<vmem>>) target(%dma_start3A_90 : memref<104x128xf32, #tpu.memory_space<vmem_shared>>) target_semaphore(%run_scoped3A : memref<!tpu.dma_semaphore, #tpu.memory_space<semaphore_mem>>)
      %dma_wait3A = arith.constant 0 : i32
      %dma_wait3A_94 = arith.constant 0 : i32
      %dma_wait3A_95 = tpu.memref_slice %arg8[%dma_wait3A, %dma_wait3A_94] : memref<125x128xf32, #tpu.memory_space<vmem>> -> memref<104x128xf32, #tpu.memory_space<vmem>>
      %dma_wait3A_96 = arith.constant 0 : i32
      %dma_wait3A_97 = tpu.memref_slice %arg10[%add3A_18, %dma_wait3A_96] : memref<10000x128xf32, #tpu.memory_space<vmem_shared>> -> memref<104x128xf32, #tpu.memory_space<vmem_shared>>
      %dma_wait3A_98 = arith.constant 0 : i32
      %dma_wait3A_99 = tpu.memref_slice %arg10[%add3A_18, %dma_wait3A_98] : memref<10000x128xf32, #tpu.memory_space<vmem_shared>> -> memref<104x128xf32, #tpu.memory_space<vmem_shared>>
      %dma_wait3A_100 = arith.constant 0 : i32
      %dma_wait3A_101 = arith.constant 0 : i32
      %dma_wait3A_102 = tpu.memref_slice %arg8[%dma_wait3A_100, %dma_wait3A_101] : memref<125x128xf32, #tpu.memory_space<vmem>> -> memref<104x128xf32, #tpu.memory_space<vmem>>
      tpu.wait_dma2 semaphore(%run_scoped3A : memref<!tpu.dma_semaphore, #tpu.memory_space<semaphore_mem>>) src(%dma_wait3A_102 : memref<104x128xf32, #tpu.memory_space<vmem>>) dst(%dma_wait3A_99 : memref<104x128xf32, #tpu.memory_space<vmem_shared>>)
      tpu.yield
    }) : () -> ()
    %mul3A_19 = arith.constant 624 : i32
    %mul3A_20 = arith.muli %arg1, %mul3A_19 : i32
    %add3A_21 = arith.constant 312 : i32
    %add3A_22 = arith.addi %mul3A_20, %add3A_21 : i32
    "tpu.region"() ({
      %run_scoped3A = tpu.sem_alloc : memref<!tpu.dma_semaphore, #tpu.memory_space<semaphore_mem>>
      %dma_start3A_84 = arith.constant 0 : i32
      %dma_start3A_85 = arith.constant 0 : i32
      %dma_start3A_86 = tpu.memref_slice %arg8[%dma_start3A_84, %dma_start3A_85] : memref<125x128xf32, #tpu.memory_space<vmem>> -> memref<104x128xf32, #tpu.memory_space<vmem>>
      %dma_start3A_87 = arith.constant 0 : i32
      %dma_start3A_88 = tpu.memref_slice %arg10[%add3A_22, %dma_start3A_87] : memref<10000x128xf32, #tpu.memory_space<vmem_shared>> -> memref<104x128xf32, #tpu.memory_space<vmem_shared>>
      %dma_start3A_89 = arith.constant 0 : i32
      %dma_start3A_90 = tpu.memref_slice %arg10[%add3A_22, %dma_start3A_89] : memref<10000x128xf32, #tpu.memory_space<vmem_shared>> -> memref<104x128xf32, #tpu.memory_space<vmem_shared>>
      %dma_start3A_91 = arith.constant 0 : i32
      %dma_start3A_92 = arith.constant 0 : i32
      %dma_start3A_93 = tpu.memref_slice %arg8[%dma_start3A_91, %dma_start3A_92] : memref<125x128xf32, #tpu.memory_space<vmem>> -> memref<104x128xf32, #tpu.memory_space<vmem>>
      tpu.enqueue_dma source(%dma_start3A_93 : memref<104x128xf32, #tpu.memory_space<vmem>>) target(%dma_start3A_90 : memref<104x128xf32, #tpu.memory_space<vmem_shared>>) target_semaphore(%run_scoped3A : memref<!tpu.dma_semaphore, #tpu.memory_space<semaphore_mem>>)
      %dma_wait3A = arith.constant 0 : i32
      %dma_wait3A_94 = arith.constant 0 : i32
      %dma_wait3A_95 = tpu.memref_slice %arg8[%dma_wait3A, %dma_wait3A_94] : memref<125x128xf32, #tpu.memory_space<vmem>> -> memref<104x128xf32, #tpu.memory_space<vmem>>
      %dma_wait3A_96 = arith.constant 0 : i32
      %dma_wait3A_97 = tpu.memref_slice %arg10[%add3A_22, %dma_wait3A_96] : memref<10000x128xf32, #tpu.memory_space<vmem_shared>> -> memref<104x128xf32, #tpu.memory_space<vmem_shared>>
      %dma_wait3A_98 = arith.constant 0 : i32
      %dma_wait3A_99 = tpu.memref_slice %arg10[%add3A_22, %dma_wait3A_98] : memref<10000x128xf32, #tpu.memory_space<vmem_shared>> -> memref<104x128xf32, #tpu.memory_space<vmem_shared>>
      %dma_wait3A_100 = arith.constant 0 : i32
      %dma_wait3A_101 = arith.constant 0 : i32
      %dma_wait3A_102 = tpu.memref_slice %arg8[%dma_wait3A_100, %dma_wait3A_101] : memref<125x128xf32, #tpu.memory_space<vmem>> -> memref<104x128xf32, #tpu.memory_space<vmem>>
      tpu.wait_dma2 semaphore(%run_scoped3A : memref<!tpu.dma_semaphore, #tpu.memory_space<semaphore_mem>>) src(%dma_wait3A_102 : memref<104x128xf32, #tpu.memory_space<vmem>>) dst(%dma_wait3A_99 : memref<104x128xf32, #tpu.memory_space<vmem_shared>>)
      tpu.yield
    }) : () -> ()
    %mul3A_23 = arith.constant 624 : i32
    %mul3A_24 = arith.muli %arg1, %mul3A_23 : i32
    %add3A_25 = arith.constant 416 : i32
    %add3A_26 = arith.addi %mul3A_24, %add3A_25 : i32
    "tpu.region"() ({
      %run_scoped3A = tpu.sem_alloc : memref<!tpu.dma_semaphore, #tpu.memory_space<semaphore_mem>>
      %dma_start3A_84 = arith.constant 0 : i32
      %dma_start3A_85 = arith.constant 0 : i32
      %dma_start3A_86 = tpu.memref_slice %arg8[%dma_start3A_84, %dma_start3A_85] : memref<125x128xf32, #tpu.memory_space<vmem>> -> memref<104x128xf32, #tpu.memory_space<vmem>>
      %dma_start3A_87 = arith.constant 0 : i32
      %dma_start3A_88 = tpu.memref_slice %arg10[%add3A_26, %dma_start3A_87] : memref<10000x128xf32, #tpu.memory_space<vmem_shared>> -> memref<104x128xf32, #tpu.memory_space<vmem_shared>>
      %dma_start3A_89 = arith.constant 0 : i32
      %dma_start3A_90 = tpu.memref_slice %arg10[%add3A_26, %dma_start3A_89] : memref<10000x128xf32, #tpu.memory_space<vmem_shared>> -> memref<104x128xf32, #tpu.memory_space<vmem_shared>>
      %dma_start3A_91 = arith.constant 0 : i32
      %dma_start3A_92 = arith.constant 0 : i32
      %dma_start3A_93 = tpu.memref_slice %arg8[%dma_start3A_91, %dma_start3A_92] : memref<125x128xf32, #tpu.memory_space<vmem>> -> memref<104x128xf32, #tpu.memory_space<vmem>>
      tpu.enqueue_dma source(%dma_start3A_93 : memref<104x128xf32, #tpu.memory_space<vmem>>) target(%dma_start3A_90 : memref<104x128xf32, #tpu.memory_space<vmem_shared>>) target_semaphore(%run_scoped3A : memref<!tpu.dma_semaphore, #tpu.memory_space<semaphore_mem>>)
      %dma_wait3A = arith.constant 0 : i32
      %dma_wait3A_94 = arith.constant 0 : i32
      %dma_wait3A_95 = tpu.memref_slice %arg8[%dma_wait3A, %dma_wait3A_94] : memref<125x128xf32, #tpu.memory_space<vmem>> -> memref<104x128xf32, #tpu.memory_space<vmem>>
      %dma_wait3A_96 = arith.constant 0 : i32
      %dma_wait3A_97 = tpu.memref_slice %arg10[%add3A_26, %dma_wait3A_96] : memref<10000x128xf32, #tpu.memory_space<vmem_shared>> -> memref<104x128xf32, #tpu.memory_space<vmem_shared>>
      %dma_wait3A_98 = arith.constant 0 : i32
      %dma_wait3A_99 = tpu.memref_slice %arg10[%add3A_26, %dma_wait3A_98] : memref<10000x128xf32, #tpu.memory_space<vmem_shared>> -> memref<104x128xf32, #tpu.memory_space<vmem_shared>>
      %dma_wait3A_100 = arith.constant 0 : i32
      %dma_wait3A_101 = arith.constant 0 : i32
      %dma_wait3A_102 = tpu.memref_slice %arg8[%dma_wait3A_100, %dma_wait3A_101] : memref<125x128xf32, #tpu.memory_space<vmem>> -> memref<104x128xf32, #tpu.memory_space<vmem>>
      tpu.wait_dma2 semaphore(%run_scoped3A : memref<!tpu.dma_semaphore, #tpu.memory_space<semaphore_mem>>) src(%dma_wait3A_102 : memref<104x128xf32, #tpu.memory_space<vmem>>) dst(%dma_wait3A_99 : memref<104x128xf32, #tpu.memory_space<vmem_shared>>)
      tpu.yield
    }) : () -> ()
    %mul3A_27 = arith.constant 624 : i32
    %mul3A_28 = arith.muli %arg1, %mul3A_27 : i32
    %add3A_29 = arith.constant 520 : i32
    %add3A_30 = arith.addi %mul3A_28, %add3A_29 : i32
    "tpu.region"() ({
      %run_scoped3A = tpu.sem_alloc : memref<!tpu.dma_semaphore, #tpu.memory_space<semaphore_mem>>
      %dma_start3A_84 = arith.constant 0 : i32
      %dma_start3A_85 = arith.constant 0 : i32
      %dma_start3A_86 = tpu.memref_slice %arg8[%dma_start3A_84, %dma_start3A_85] : memref<125x128xf32, #tpu.memory_space<vmem>> -> memref<104x128xf32, #tpu.memory_space<vmem>>
      %dma_start3A_87 = arith.constant 0 : i32
      %dma_start3A_88 = tpu.memref_slice %arg10[%add3A_30, %dma_start3A_87] : memref<10000x128xf32, #tpu.memory_space<vmem_shared>> -> memref<104x128xf32, #tpu.memory_space<vmem_shared>>
      %dma_start3A_89 = arith.constant 0 : i32
      %dma_start3A_90 = tpu.memref_slice %arg10[%add3A_30, %dma_start3A_89] : memref<10000x128xf32, #tpu.memory_space<vmem_shared>> -> memref<104x128xf32, #tpu.memory_space<vmem_shared>>
      %dma_start3A_91 = arith.constant 0 : i32
      %dma_start3A_92 = arith.constant 0 : i32
      %dma_start3A_93 = tpu.memref_slice %arg8[%dma_start3A_91, %dma_start3A_92] : memref<125x128xf32, #tpu.memory_space<vmem>> -> memref<104x128xf32, #tpu.memory_space<vmem>>
      tpu.enqueue_dma source(%dma_start3A_93 : memref<104x128xf32, #tpu.memory_space<vmem>>) target(%dma_start3A_90 : memref<104x128xf32, #tpu.memory_space<vmem_shared>>) target_semaphore(%run_scoped3A : memref<!tpu.dma_semaphore, #tpu.memory_space<semaphore_mem>>)
      %dma_wait3A = arith.constant 0 : i32
      %dma_wait3A_94 = arith.constant 0 : i32
      %dma_wait3A_95 = tpu.memref_slice %arg8[%dma_wait3A, %dma_wait3A_94] : memref<125x128xf32, #tpu.memory_space<vmem>> -> memref<104x128xf32, #tpu.memory_space<vmem>>
      %dma_wait3A_96 = arith.constant 0 : i32
      %dma_wait3A_97 = tpu.memref_slice %arg10[%add3A_30, %dma_wait3A_96] : memref<10000x128xf32, #tpu.memory_space<vmem_shared>> -> memref<104x128xf32, #tpu.memory_space<vmem_shared>>
      %dma_wait3A_98 = arith.constant 0 : i32
      %dma_wait3A_99 = tpu.memref_slice %arg10[%add3A_30, %dma_wait3A_98] : memref<10000x128xf32, #tpu.memory_space<vmem_shared>> -> memref<104x128xf32, #tpu.memory_space<vmem_shared>>
      %dma_wait3A_100 = arith.constant 0 : i32
      %dma_wait3A_101 = arith.constant 0 : i32
      %dma_wait3A_102 = tpu.memref_slice %arg8[%dma_wait3A_100, %dma_wait3A_101] : memref<125x128xf32, #tpu.memory_space<vmem>> -> memref<104x128xf32, #tpu.memory_space<vmem>>
      tpu.wait_dma2 semaphore(%run_scoped3A : memref<!tpu.dma_semaphore, #tpu.memory_space<semaphore_mem>>) src(%dma_wait3A_102 : memref<104x128xf32, #tpu.memory_space<vmem>>) dst(%dma_wait3A_99 : memref<104x128xf32, #tpu.memory_space<vmem_shared>>)
      tpu.yield
    }) : () -> ()
    %eq3A = arith.constant 15 : i32
    %eq3A_31 = arith.cmpi eq, %arg1, %eq3A : i32
    %convert_element_type3A = arith.extui %eq3A_31 : i1 to i32
    %cond3A = arith.constant 0 : i32
    %cond3A_32 = arith.cmpi ne, %convert_element_type3A, %cond3A : i32
    scf.if %cond3A_32 {
      "tpu.region"() ({
        %run_scoped3A = tpu.sem_alloc : memref<!tpu.dma_semaphore, #tpu.memory_space<semaphore_mem>>
        %dma_start3A_84 = arith.constant 0 : i32
        %dma_start3A_85 = arith.constant 0 : i32
        %dma_start3A_86 = tpu.memref_slice %arg8[%dma_start3A_84, %dma_start3A_85] : memref<125x128xf32, #tpu.memory_space<vmem>> -> memref<16x128xf32, #tpu.memory_space<vmem>>
        %dma_start3A_87 = arith.constant 9984 : i32
        %dma_start3A_88 = arith.constant 0 : i32
        %dma_start3A_89 = tpu.memref_slice %arg10[%dma_start3A_87, %dma_start3A_88] : memref<10000x128xf32, #tpu.memory_space<vmem_shared>> -> memref<16x128xf32, #tpu.memory_space<vmem_shared>>
        %dma_start3A_90 = arith.constant 9984 : i32
        %dma_start3A_91 = arith.constant 0 : i32
        %dma_start3A_92 = tpu.memref_slice %arg10[%dma_start3A_90, %dma_start3A_91] : memref<10000x128xf32, #tpu.memory_space<vmem_shared>> -> memref<16x128xf32, #tpu.memory_space<vmem_shared>>
        %dma_start3A_93 = arith.constant 0 : i32
        %dma_start3A_94 = arith.constant 0 : i32
        %dma_start3A_95 = tpu.memref_slice %arg8[%dma_start3A_93, %dma_start3A_94] : memref<125x128xf32, #tpu.memory_space<vmem>> -> memref<16x128xf32, #tpu.memory_space<vmem>>
        tpu.enqueue_dma source(%dma_start3A_95 : memref<16x128xf32, #tpu.memory_space<vmem>>) target(%dma_start3A_92 : memref<16x128xf32, #tpu.memory_space<vmem_shared>>) target_semaphore(%run_scoped3A : memref<!tpu.dma_semaphore, #tpu.memory_space<semaphore_mem>>)
        %dma_wait3A = arith.constant 0 : i32
        %dma_wait3A_96 = arith.constant 0 : i32
        %dma_wait3A_97 = tpu.memref_slice %arg8[%dma_wait3A, %dma_wait3A_96] : memref<125x128xf32, #tpu.memory_space<vmem>> -> memref<16x128xf32, #tpu.memory_space<vmem>>
        %dma_wait3A_98 = arith.constant 9984 : i32
        %dma_wait3A_99 = arith.constant 0 : i32
        %dma_wait3A_100 = tpu.memref_slice %arg10[%dma_wait3A_98, %dma_wait3A_99] : memref<10000x128xf32, #tpu.memory_space<vmem_shared>> -> memref<16x128xf32, #tpu.memory_space<vmem_shared>>
        %dma_wait3A_101 = arith.constant 9984 : i32
        %dma_wait3A_102 = arith.constant 0 : i32
        %dma_wait3A_103 = tpu.memref_slice %arg10[%dma_wait3A_101, %dma_wait3A_102] : memref<10000x128xf32, #tpu.memory_space<vmem_shared>> -> memref<16x128xf32, #tpu.memory_space<vmem_shared>>
        %dma_wait3A_104 = arith.constant 0 : i32
        %dma_wait3A_105 = arith.constant 0 : i32
        %dma_wait3A_106 = tpu.memref_slice %arg8[%dma_wait3A_104, %dma_wait3A_105] : memref<125x128xf32, #tpu.memory_space<vmem>> -> memref<16x128xf32, #tpu.memory_space<vmem>>
        tpu.wait_dma2 semaphore(%run_scoped3A : memref<!tpu.dma_semaphore, #tpu.memory_space<semaphore_mem>>) src(%dma_wait3A_106 : memref<16x128xf32, #tpu.memory_space<vmem>>) dst(%dma_wait3A_103 : memref<16x128xf32, #tpu.memory_space<vmem_shared>>)
        tpu.yield
      }) : () -> ()
    } else {
    }
    %barrier3A = arith.constant 0 : index
    tpu.barrier barrier_id(%barrier3A)
    "tpu.region"() ({
      %run_scoped3A = tpu.sem_alloc : memref<!tpu.dma_semaphore, #tpu.memory_space<semaphore_mem>>
      %dma_start3A_84 = arith.constant 0 : i32
      %dma_start3A_85 = arith.constant 0 : i32
      %dma_start3A_86 = tpu.memref_slice %arg3[%add3A, %dma_start3A_84, %dma_start3A_85] : memref<32x80x125xi32, #tpu.memory_space<hbm>> -> memref<1x40x125xi32, #tpu.memory_space<hbm>>
      %dma_start3A_87 = tpu.memref_squeeze %dma_start3A_86 : memref<1x40x125xi32, #tpu.memory_space<hbm>> -> memref<40x125xi32, #tpu.memory_space<hbm>>
      %dma_start3A_88 = arith.constant 0 : i32
      %dma_start3A_89 = arith.constant 0 : i32
      %dma_start3A_90 = tpu.memref_slice %arg3[%add3A, %dma_start3A_88, %dma_start3A_89] : memref<32x80x125xi32, #tpu.memory_space<hbm>> -> memref<1x40x125xi32, #tpu.memory_space<hbm>>
      %dma_start3A_91 = tpu.memref_squeeze %dma_start3A_90 : memref<1x40x125xi32, #tpu.memory_space<hbm>> -> memref<40x125xi32, #tpu.memory_space<hbm>>
      tpu.enqueue_dma source(%dma_start3A_91 : memref<40x125xi32, #tpu.memory_space<hbm>>) target(%arg6 : memref<40x125xi32, #tpu.memory_space<vmem>>) target_semaphore(%run_scoped3A : memref<!tpu.dma_semaphore, #tpu.memory_space<semaphore_mem>>)
      %dma_wait3A = arith.constant 0 : i32
      %dma_wait3A_92 = arith.constant 0 : i32
      %dma_wait3A_93 = tpu.memref_slice %arg3[%add3A, %dma_wait3A, %dma_wait3A_92] : memref<32x80x125xi32, #tpu.memory_space<hbm>> -> memref<1x40x125xi32, #tpu.memory_space<hbm>>
      %dma_wait3A_94 = tpu.memref_squeeze %dma_wait3A_93 : memref<1x40x125xi32, #tpu.memory_space<hbm>> -> memref<40x125xi32, #tpu.memory_space<hbm>>
      %dma_wait3A_95 = arith.constant 0 : i32
      %dma_wait3A_96 = arith.constant 0 : i32
      %dma_wait3A_97 = tpu.memref_slice %arg3[%add3A, %dma_wait3A_95, %dma_wait3A_96] : memref<32x80x125xi32, #tpu.memory_space<hbm>> -> memref<1x40x125xi32, #tpu.memory_space<hbm>>
      %dma_wait3A_98 = tpu.memref_squeeze %dma_wait3A_97 : memref<1x40x125xi32, #tpu.memory_space<hbm>> -> memref<40x125xi32, #tpu.memory_space<hbm>>
      tpu.wait_dma2 semaphore(%run_scoped3A : memref<!tpu.dma_semaphore, #tpu.memory_space<semaphore_mem>>) src(%dma_wait3A_98 : memref<40x125xi32, #tpu.memory_space<hbm>>) dst(%arg6 : memref<40x125xi32, #tpu.memory_space<vmem>>)
      tpu.yield
    }) : () -> ()
    "tpu.region"() ({
      %run_scoped3A = tpu.sem_alloc : memref<!tpu.dma_semaphore, #tpu.memory_space<semaphore_mem>>
      %dma_start3A_84 = arith.constant 0 : i32
      %dma_start3A_85 = arith.constant 0 : i32
      %dma_start3A_86 = tpu.memref_slice %arg4[%add3A, %dma_start3A_84, %dma_start3A_85] : memref<32x80x125xi32, #tpu.memory_space<hbm>> -> memref<1x40x125xi32, #tpu.memory_space<hbm>>
      %dma_start3A_87 = tpu.memref_squeeze %dma_start3A_86 : memref<1x40x125xi32, #tpu.memory_space<hbm>> -> memref<40x125xi32, #tpu.memory_space<hbm>>
      %dma_start3A_88 = arith.constant 0 : i32
      %dma_start3A_89 = arith.constant 0 : i32
      %dma_start3A_90 = tpu.memref_slice %arg4[%add3A, %dma_start3A_88, %dma_start3A_89] : memref<32x80x125xi32, #tpu.memory_space<hbm>> -> memref<1x40x125xi32, #tpu.memory_space<hbm>>
      %dma_start3A_91 = tpu.memref_squeeze %dma_start3A_90 : memref<1x40x125xi32, #tpu.memory_space<hbm>> -> memref<40x125xi32, #tpu.memory_space<hbm>>
      tpu.enqueue_dma source(%dma_start3A_91 : memref<40x125xi32, #tpu.memory_space<hbm>>) target(%arg7 : memref<40x125xi32, #tpu.memory_space<vmem>>) target_semaphore(%run_scoped3A : memref<!tpu.dma_semaphore, #tpu.memory_space<semaphore_mem>>)
      %dma_wait3A = arith.constant 0 : i32
      %dma_wait3A_92 = arith.constant 0 : i32
      %dma_wait3A_93 = tpu.memref_slice %arg4[%add3A, %dma_wait3A, %dma_wait3A_92] : memref<32x80x125xi32, #tpu.memory_space<hbm>> -> memref<1x40x125xi32, #tpu.memory_space<hbm>>
      %dma_wait3A_94 = tpu.memref_squeeze %dma_wait3A_93 : memref<1x40x125xi32, #tpu.memory_space<hbm>> -> memref<40x125xi32, #tpu.memory_space<hbm>>
      %dma_wait3A_95 = arith.constant 0 : i32
      %dma_wait3A_96 = arith.constant 0 : i32
      %dma_wait3A_97 = tpu.memref_slice %arg4[%add3A, %dma_wait3A_95, %dma_wait3A_96] : memref<32x80x125xi32, #tpu.memory_space<hbm>> -> memref<1x40x125xi32, #tpu.memory_space<hbm>>
      %dma_wait3A_98 = tpu.memref_squeeze %dma_wait3A_97 : memref<1x40x125xi32, #tpu.memory_space<hbm>> -> memref<40x125xi32, #tpu.memory_space<hbm>>
      tpu.wait_dma2 semaphore(%run_scoped3A : memref<!tpu.dma_semaphore, #tpu.memory_space<semaphore_mem>>) src(%dma_wait3A_98 : memref<40x125xi32, #tpu.memory_space<hbm>>) dst(%arg7 : memref<40x125xi32, #tpu.memory_space<vmem>>)
      tpu.yield
    }) : () -> ()
    %dma_start3A = arith.constant 0 : i32
    %dma_start3A_33 = arith.constant 0 : i32
    %dma_start3A_34 = tpu.memref_slice %arg6[%dma_start3A, %dma_start3A_33] : memref<40x125xi32, #tpu.memory_space<vmem>> -> memref<1x125xi32, #tpu.memory_space<vmem>>
    %dma_start3A_35 = tpu.memref_squeeze %dma_start3A_34 : memref<1x125xi32, #tpu.memory_space<vmem>> -> memref<125xi32, #tpu.memory_space<vmem>>
    %dma_start3A_36 = arith.constant 0 : i32
    %dma_start3A_37 = arith.constant 0 : i32
    %dma_start3A_38 = tpu.memref_slice %arg2[%dma_start3A_36, %dma_start3A_37] : memref<10000x128xf32, #tpu.memory_space<hbm>> -> memref<10000x128xf32, #tpu.memory_space<hbm>>
    tpu.enqueue_indirect_dma source(%dma_start3A_38 : memref<10000x128xf32, #tpu.memory_space<hbm>>) target(%arg8 : memref<125x128xf32, #tpu.memory_space<vmem>>) offsets(%dma_start3A_35 : memref<125xi32, #tpu.memory_space<vmem>>) semaphore(%arg11 : memref<!tpu.dma_semaphore, #tpu.memory_space<semaphore_mem>>)
    %dma_start3A_39 = arith.constant 1 : i32
    %dma_start3A_40 = arith.constant 0 : i32
    %dma_start3A_41 = tpu.memref_slice %arg6[%dma_start3A_39, %dma_start3A_40] : memref<40x125xi32, #tpu.memory_space<vmem>> -> memref<1x125xi32, #tpu.memory_space<vmem>>
    %dma_start3A_42 = tpu.memref_squeeze %dma_start3A_41 : memref<1x125xi32, #tpu.memory_space<vmem>> -> memref<125xi32, #tpu.memory_space<vmem>>
    %dma_start3A_43 = arith.constant 0 : i32
    %dma_start3A_44 = arith.constant 0 : i32
    %dma_start3A_45 = tpu.memref_slice %arg2[%dma_start3A_43, %dma_start3A_44] : memref<10000x128xf32, #tpu.memory_space<hbm>> -> memref<10000x128xf32, #tpu.memory_space<hbm>>
    tpu.enqueue_indirect_dma source(%dma_start3A_45 : memref<10000x128xf32, #tpu.memory_space<hbm>>) target(%arg9 : memref<125x128xf32, #tpu.memory_space<vmem>>) offsets(%dma_start3A_42 : memref<125xi32, #tpu.memory_space<vmem>>) semaphore(%arg12 : memref<!tpu.dma_semaphore, #tpu.memory_space<semaphore_mem>>)
    %scan3A_46 = arith.constant 0 : i32
    %scan3A_47 = arith.constant 0 : i32
    %scan3A_48 = arith.constant 20 : i32
    %scan3A_49 = arith.addi %scan3A_47, %scan3A_48 : i32
    %scan3A_50 = arith.constant 1 : i32
    %scan3A_51 = scf.for %scan3A_84 = %scan3A_47 to %scan3A_49 step %scan3A_50 iter_args(%scan3A_85 = %scan3A_46) -> (i32)  : i32 {
      %mul3A_86 = arith.constant 2 : i32
      %mul3A_87 = arith.muli %mul3A_86, %scan3A_84 : i32
      %dma_wait3A = arith.constant 0 : i32
      %dma_wait3A_88 = arith.constant 0 : i32
      %dma_wait3A_89 = tpu.memref_slice %arg6[%dma_wait3A, %dma_wait3A_88] : memref<40x125xi32, #tpu.memory_space<vmem>> -> memref<1x125xi32, #tpu.memory_space<vmem>>
      %dma_wait3A_90 = tpu.memref_squeeze %dma_wait3A_89 : memref<1x125xi32, #tpu.memory_space<vmem>> -> memref<125xi32, #tpu.memory_space<vmem>>
      %dma_wait3A_91 = arith.constant 0 : i32
      %dma_wait3A_92 = arith.constant 0 : i32
      %dma_wait3A_93 = tpu.memref_slice %arg2[%dma_wait3A_91, %dma_wait3A_92] : memref<10000x128xf32, #tpu.memory_space<hbm>> -> memref<10000x128xf32, #tpu.memory_space<hbm>>
      tpu.wait_indirect_dma semaphore(%arg11 : memref<!tpu.dma_semaphore, #tpu.memory_space<semaphore_mem>>) src(%dma_wait3A_93 : memref<10000x128xf32, #tpu.memory_space<hbm>>) dst(%arg8 : memref<125x128xf32, #tpu.memory_space<vmem>>)
      %add3A_94 = arith.constant 0 : i32
      %add3A_95 = arith.addi %mul3A_87, %add3A_94 : i32
      "tpu.region"() ({
        %run_scoped3A = tpu.sem_alloc : memref<!tpu.dma_semaphore, #tpu.memory_space<semaphore_mem>>
        %dma_start3A_123 = arith.constant 0 : i32
        %dma_start3A_124 = tpu.memref_slice %arg7[%add3A_95, %dma_start3A_123] : memref<40x125xi32, #tpu.memory_space<vmem>> -> memref<1x125xi32, #tpu.memory_space<vmem>>
        %dma_start3A_125 = tpu.memref_squeeze %dma_start3A_124 : memref<1x125xi32, #tpu.memory_space<vmem>> -> memref<125xi32, #tpu.memory_space<vmem>>
        %dma_start3A_126 = arith.constant 0 : i32
        %dma_start3A_127 = arith.constant 0 : i32
        %dma_start3A_128 = tpu.memref_slice %arg10[%dma_start3A_126, %dma_start3A_127] : memref<10000x128xf32, #tpu.memory_space<vmem_shared>> -> memref<10000x128xf32, #tpu.memory_space<vmem_shared>>
        tpu.enqueue_indirect_dma source(%arg8 : memref<125x128xf32, #tpu.memory_space<vmem>>) target(%dma_start3A_128 : memref<10000x128xf32, #tpu.memory_space<vmem_shared>>) offsets(%dma_start3A_125 : memref<125xi32, #tpu.memory_space<vmem>>) semaphore(%run_scoped3A : memref<!tpu.dma_semaphore, #tpu.memory_space<semaphore_mem>>) {add = true}
        %dma_wait3A_129 = arith.constant 0 : i32
        %dma_wait3A_130 = tpu.memref_slice %arg7[%add3A_95, %dma_wait3A_129] : memref<40x125xi32, #tpu.memory_space<vmem>> -> memref<1x125xi32, #tpu.memory_space<vmem>>
        %dma_wait3A_131 = tpu.memref_squeeze %dma_wait3A_130 : memref<1x125xi32, #tpu.memory_space<vmem>> -> memref<125xi32, #tpu.memory_space<vmem>>
        %dma_wait3A_132 = arith.constant 0 : i32
        %dma_wait3A_133 = arith.constant 0 : i32
        %dma_wait3A_134 = tpu.memref_slice %arg10[%dma_wait3A_132, %dma_wait3A_133] : memref<10000x128xf32, #tpu.memory_space<vmem_shared>> -> memref<10000x128xf32, #tpu.memory_space<vmem_shared>>
        tpu.wait_indirect_dma semaphore(%run_scoped3A : memref<!tpu.dma_semaphore, #tpu.memory_space<semaphore_mem>>) src(%arg8 : memref<125x128xf32, #tpu.memory_space<vmem>>) dst(%dma_wait3A_134 : memref<10000x128xf32, #tpu.memory_space<vmem_shared>>)
        tpu.yield
      }) : () -> ()
      %add3A_96 = arith.constant 0 : i32
      %add3A_97 = arith.addi %mul3A_87, %add3A_96 : i32
      %add3A_98 = arith.constant 2 : i32
      %add3A_99 = arith.addi %add3A_97, %add3A_98 : i32
      %lt3A = arith.constant 40 : i32
      %lt3A_100 = arith.cmpi slt, %add3A_99, %lt3A : i32
      %convert_element_type3A_101 = arith.extui %lt3A_100 : i1 to i32
      %cond3A_102 = arith.constant 0 : i32
      %cond3A_103 = arith.cmpi ne, %convert_element_type3A_101, %cond3A_102 : i32
      scf.if %cond3A_103 {
        %add3A_123 = arith.constant 0 : i32
        %add3A_124 = arith.addi %mul3A_87, %add3A_123 : i32
        %add3A_125 = arith.constant 2 : i32
        %add3A_126 = arith.addi %add3A_124, %add3A_125 : i32
        %dma_start3A_127 = arith.constant 0 : i32
        %dma_start3A_128 = tpu.memref_slice %arg6[%add3A_126, %dma_start3A_127] : memref<40x125xi32, #tpu.memory_space<vmem>> -> memref<1x125xi32, #tpu.memory_space<vmem>>
        %dma_start3A_129 = tpu.memref_squeeze %dma_start3A_128 : memref<1x125xi32, #tpu.memory_space<vmem>> -> memref<125xi32, #tpu.memory_space<vmem>>
        %dma_start3A_130 = arith.constant 0 : i32
        %dma_start3A_131 = arith.constant 0 : i32
        %dma_start3A_132 = tpu.memref_slice %arg2[%dma_start3A_130, %dma_start3A_131] : memref<10000x128xf32, #tpu.memory_space<hbm>> -> memref<10000x128xf32, #tpu.memory_space<hbm>>
        tpu.enqueue_indirect_dma source(%dma_start3A_132 : memref<10000x128xf32, #tpu.memory_space<hbm>>) target(%arg8 : memref<125x128xf32, #tpu.memory_space<vmem>>) offsets(%dma_start3A_129 : memref<125xi32, #tpu.memory_space<vmem>>) semaphore(%arg11 : memref<!tpu.dma_semaphore, #tpu.memory_space<semaphore_mem>>)
      } else {
      }
      %dma_wait3A_104 = arith.constant 0 : i32
      %dma_wait3A_105 = arith.constant 0 : i32
      %dma_wait3A_106 = tpu.memref_slice %arg6[%dma_wait3A_104, %dma_wait3A_105] : memref<40x125xi32, #tpu.memory_space<vmem>> -> memref<1x125xi32, #tpu.memory_space<vmem>>
      %dma_wait3A_107 = tpu.memref_squeeze %dma_wait3A_106 : memref<1x125xi32, #tpu.memory_space<vmem>> -> memref<125xi32, #tpu.memory_space<vmem>>
      %dma_wait3A_108 = arith.constant 0 : i32
      %dma_wait3A_109 = arith.constant 0 : i32
      %dma_wait3A_110 = tpu.memref_slice %arg2[%dma_wait3A_108, %dma_wait3A_109] : memref<10000x128xf32, #tpu.memory_space<hbm>> -> memref<10000x128xf32, #tpu.memory_space<hbm>>
      tpu.wait_indirect_dma semaphore(%arg12 : memref<!tpu.dma_semaphore, #tpu.memory_space<semaphore_mem>>) src(%dma_wait3A_110 : memref<10000x128xf32, #tpu.memory_space<hbm>>) dst(%arg9 : memref<125x128xf32, #tpu.memory_space<vmem>>)
      %add3A_111 = arith.constant 1 : i32
      %add3A_112 = arith.addi %mul3A_87, %add3A_111 : i32
      "tpu.region"() ({
        %run_scoped3A = tpu.sem_alloc : memref<!tpu.dma_semaphore, #tpu.memory_space<semaphore_mem>>
        %dma_start3A_123 = arith.constant 0 : i32
        %dma_start3A_124 = tpu.memref_slice %arg7[%add3A_112, %dma_start3A_123] : memref<40x125xi32, #tpu.memory_space<vmem>> -> memref<1x125xi32, #tpu.memory_space<vmem>>
        %dma_start3A_125 = tpu.memref_squeeze %dma_start3A_124 : memref<1x125xi32, #tpu.memory_space<vmem>> -> memref<125xi32, #tpu.memory_space<vmem>>
        %dma_start3A_126 = arith.constant 0 : i32
        %dma_start3A_127 = arith.constant 0 : i32
        %dma_start3A_128 = tpu.memref_slice %arg10[%dma_start3A_126, %dma_start3A_127] : memref<10000x128xf32, #tpu.memory_space<vmem_shared>> -> memref<10000x128xf32, #tpu.memory_space<vmem_shared>>
        tpu.enqueue_indirect_dma source(%arg9 : memref<125x128xf32, #tpu.memory_space<vmem>>) target(%dma_start3A_128 : memref<10000x128xf32, #tpu.memory_space<vmem_shared>>) offsets(%dma_start3A_125 : memref<125xi32, #tpu.memory_space<vmem>>) semaphore(%run_scoped3A : memref<!tpu.dma_semaphore, #tpu.memory_space<semaphore_mem>>) {add = true}
        %dma_wait3A_129 = arith.constant 0 : i32
        %dma_wait3A_130 = tpu.memref_slice %arg7[%add3A_112, %dma_wait3A_129] : memref<40x125xi32, #tpu.memory_space<vmem>> -> memref<1x125xi32, #tpu.memory_space<vmem>>
        %dma_wait3A_131 = tpu.memref_squeeze %dma_wait3A_130 : memref<1x125xi32, #tpu.memory_space<vmem>> -> memref<125xi32, #tpu.memory_space<vmem>>
        %dma_wait3A_132 = arith.constant 0 : i32
        %dma_wait3A_133 = arith.constant 0 : i32
        %dma_wait3A_134 = tpu.memref_slice %arg10[%dma_wait3A_132, %dma_wait3A_133] : memref<10000x128xf32, #tpu.memory_space<vmem_shared>> -> memref<10000x128xf32, #tpu.memory_space<vmem_shared>>
        tpu.wait_indirect_dma semaphore(%run_scoped3A : memref<!tpu.dma_semaphore, #tpu.memory_space<semaphore_mem>>) src(%arg9 : memref<125x128xf32, #tpu.memory_space<vmem>>) dst(%dma_wait3A_134 : memref<10000x128xf32, #tpu.memory_space<vmem_shared>>)
        tpu.yield
      }) : () -> ()
      %add3A_113 = arith.constant 1 : i32
      %add3A_114 = arith.addi %mul3A_87, %add3A_113 : i32
      %add3A_115 = arith.constant 2 : i32
      %add3A_116 = arith.addi %add3A_114, %add3A_115 : i32
      %lt3A_117 = arith.constant 40 : i32
      %lt3A_118 = arith.cmpi slt, %add3A_116, %lt3A_117 : i32
      %convert_element_type3A_119 = arith.extui %lt3A_118 : i1 to i32
      %cond3A_120 = arith.constant 0 : i32
      %cond3A_121 = arith.cmpi ne, %convert_element_type3A_119, %cond3A_120 : i32
      scf.if %cond3A_121 {
        %add3A_123 = arith.constant 1 : i32
        %add3A_124 = arith.addi %mul3A_87, %add3A_123 : i32
        %add3A_125 = arith.constant 2 : i32
        %add3A_126 = arith.addi %add3A_124, %add3A_125 : i32
        %dma_start3A_127 = arith.constant 0 : i32
        %dma_start3A_128 = tpu.memref_slice %arg6[%add3A_126, %dma_start3A_127] : memref<40x125xi32, #tpu.memory_space<vmem>> -> memref<1x125xi32, #tpu.memory_space<vmem>>
        %dma_start3A_129 = tpu.memref_squeeze %dma_start3A_128 : memref<1x125xi32, #tpu.memory_space<vmem>> -> memref<125xi32, #tpu.memory_space<vmem>>
        %dma_start3A_130 = arith.constant 0 : i32
        %dma_start3A_131 = arith.constant 0 : i32
        %dma_start3A_132 = tpu.memref_slice %arg2[%dma_start3A_130, %dma_start3A_131] : memref<10000x128xf32, #tpu.memory_space<hbm>> -> memref<10000x128xf32, #tpu.memory_space<hbm>>
        tpu.enqueue_indirect_dma source(%dma_start3A_132 : memref<10000x128xf32, #tpu.memory_space<hbm>>) target(%arg9 : memref<125x128xf32, #tpu.memory_space<vmem>>) offsets(%dma_start3A_129 : memref<125xi32, #tpu.memory_space<vmem>>) semaphore(%arg12 : memref<!tpu.dma_semaphore, #tpu.memory_space<semaphore_mem>>)
      } else {
      }
      %scan3A_122 = arith.constant 0 : i32
      scf.yield %scan3A_122 : i32
    }
    %scan3A_52 = arith.constant 20 : i32
    "tpu.region"() ({
      %run_scoped3A = tpu.sem_alloc : memref<!tpu.dma_semaphore, #tpu.memory_space<semaphore_mem>>
      %dma_start3A_84 = arith.constant 40 : i32
      %dma_start3A_85 = arith.constant 0 : i32
      %dma_start3A_86 = tpu.memref_slice %arg3[%add3A, %dma_start3A_84, %dma_start3A_85] : memref<32x80x125xi32, #tpu.memory_space<hbm>> -> memref<1x40x125xi32, #tpu.memory_space<hbm>>
      %dma_start3A_87 = tpu.memref_squeeze %dma_start3A_86 : memref<1x40x125xi32, #tpu.memory_space<hbm>> -> memref<40x125xi32, #tpu.memory_space<hbm>>
      %dma_start3A_88 = arith.constant 40 : i32
      %dma_start3A_89 = arith.constant 0 : i32
      %dma_start3A_90 = tpu.memref_slice %arg3[%add3A, %dma_start3A_88, %dma_start3A_89] : memref<32x80x125xi32, #tpu.memory_space<hbm>> -> memref<1x40x125xi32, #tpu.memory_space<hbm>>
      %dma_start3A_91 = tpu.memref_squeeze %dma_start3A_90 : memref<1x40x125xi32, #tpu.memory_space<hbm>> -> memref<40x125xi32, #tpu.memory_space<hbm>>
      tpu.enqueue_dma source(%dma_start3A_91 : memref<40x125xi32, #tpu.memory_space<hbm>>) target(%arg6 : memref<40x125xi32, #tpu.memory_space<vmem>>) target_semaphore(%run_scoped3A : memref<!tpu.dma_semaphore, #tpu.memory_space<semaphore_mem>>)
      %dma_wait3A = arith.constant 40 : i32
      %dma_wait3A_92 = arith.constant 0 : i32
      %dma_wait3A_93 = tpu.memref_slice %arg3[%add3A, %dma_wait3A, %dma_wait3A_92] : memref<32x80x125xi32, #tpu.memory_space<hbm>> -> memref<1x40x125xi32, #tpu.memory_space<hbm>>
      %dma_wait3A_94 = tpu.memref_squeeze %dma_wait3A_93 : memref<1x40x125xi32, #tpu.memory_space<hbm>> -> memref<40x125xi32, #tpu.memory_space<hbm>>
      %dma_wait3A_95 = arith.constant 40 : i32
      %dma_wait3A_96 = arith.constant 0 : i32
      %dma_wait3A_97 = tpu.memref_slice %arg3[%add3A, %dma_wait3A_95, %dma_wait3A_96] : memref<32x80x125xi32, #tpu.memory_space<hbm>> -> memref<1x40x125xi32, #tpu.memory_space<hbm>>
      %dma_wait3A_98 = tpu.memref_squeeze %dma_wait3A_97 : memref<1x40x125xi32, #tpu.memory_space<hbm>> -> memref<40x125xi32, #tpu.memory_space<hbm>>
      tpu.wait_dma2 semaphore(%run_scoped3A : memref<!tpu.dma_semaphore, #tpu.memory_space<semaphore_mem>>) src(%dma_wait3A_98 : memref<40x125xi32, #tpu.memory_space<hbm>>) dst(%arg6 : memref<40x125xi32, #tpu.memory_space<vmem>>)
      tpu.yield
    }) : () -> ()
    "tpu.region"() ({
      %run_scoped3A = tpu.sem_alloc : memref<!tpu.dma_semaphore, #tpu.memory_space<semaphore_mem>>
      %dma_start3A_84 = arith.constant 40 : i32
      %dma_start3A_85 = arith.constant 0 : i32
      %dma_start3A_86 = tpu.memref_slice %arg4[%add3A, %dma_start3A_84, %dma_start3A_85] : memref<32x80x125xi32, #tpu.memory_space<hbm>> -> memref<1x40x125xi32, #tpu.memory_space<hbm>>
      %dma_start3A_87 = tpu.memref_squeeze %dma_start3A_86 : memref<1x40x125xi32, #tpu.memory_space<hbm>> -> memref<40x125xi32, #tpu.memory_space<hbm>>
      %dma_start3A_88 = arith.constant 40 : i32
      %dma_start3A_89 = arith.constant 0 : i32
      %dma_start3A_90 = tpu.memref_slice %arg4[%add3A, %dma_start3A_88, %dma_start3A_89] : memref<32x80x125xi32, #tpu.memory_space<hbm>> -> memref<1x40x125xi32, #tpu.memory_space<hbm>>
      %dma_start3A_91 = tpu.memref_squeeze %dma_start3A_90 : memref<1x40x125xi32, #tpu.memory_space<hbm>> -> memref<40x125xi32, #tpu.memory_space<hbm>>
      tpu.enqueue_dma source(%dma_start3A_91 : memref<40x125xi32, #tpu.memory_space<hbm>>) target(%arg7 : memref<40x125xi32, #tpu.memory_space<vmem>>) target_semaphore(%run_scoped3A : memref<!tpu.dma_semaphore, #tpu.memory_space<semaphore_mem>>)
      %dma_wait3A = arith.constant 40 : i32
      %dma_wait3A_92 = arith.constant 0 : i32
      %dma_wait3A_93 = tpu.memref_slice %arg4[%add3A, %dma_wait3A, %dma_wait3A_92] : memref<32x80x125xi32, #tpu.memory_space<hbm>> -> memref<1x40x125xi32, #tpu.memory_space<hbm>>
      %dma_wait3A_94 = tpu.memref_squeeze %dma_wait3A_93 : memref<1x40x125xi32, #tpu.memory_space<hbm>> -> memref<40x125xi32, #tpu.memory_space<hbm>>
      %dma_wait3A_95 = arith.constant 40 : i32
      %dma_wait3A_96 = arith.constant 0 : i32
      %dma_wait3A_97 = tpu.memref_slice %arg4[%add3A, %dma_wait3A_95, %dma_wait3A_96] : memref<32x80x125xi32, #tpu.memory_space<hbm>> -> memref<1x40x125xi32, #tpu.memory_space<hbm>>
      %dma_wait3A_98 = tpu.memref_squeeze %dma_wait3A_97 : memref<1x40x125xi32, #tpu.memory_space<hbm>> -> memref<40x125xi32, #tpu.memory_space<hbm>>
      tpu.wait_dma2 semaphore(%run_scoped3A : memref<!tpu.dma_semaphore, #tpu.memory_space<semaphore_mem>>) src(%dma_wait3A_98 : memref<40x125xi32, #tpu.memory_space<hbm>>) dst(%arg7 : memref<40x125xi32, #tpu.memory_space<vmem>>)
      tpu.yield
    }) : () -> ()
    %dma_start3A_53 = arith.constant 0 : i32
    %dma_start3A_54 = arith.constant 0 : i32
    %dma_start3A_55 = tpu.memref_slice %arg6[%dma_start3A_53, %dma_start3A_54] : memref<40x125xi32, #tpu.memory_space<vmem>> -> memref<1x125xi32, #tpu.memory_space<vmem>>
    %dma_start3A_56 = tpu.memref_squeeze %dma_start3A_55 : memref<1x125xi32, #tpu.memory_space<vmem>> -> memref<125xi32, #tpu.memory_space<vmem>>
    %dma_start3A_57 = arith.constant 0 : i32
    %dma_start3A_58 = arith.constant 0 : i32
    %dma_start3A_59 = tpu.memref_slice %arg2[%dma_start3A_57, %dma_start3A_58] : memref<10000x128xf32, #tpu.memory_space<hbm>> -> memref<10000x128xf32, #tpu.memory_space<hbm>>
    tpu.enqueue_indirect_dma source(%dma_start3A_59 : memref<10000x128xf32, #tpu.memory_space<hbm>>) target(%arg8 : memref<125x128xf32, #tpu.memory_space<vmem>>) offsets(%dma_start3A_56 : memref<125xi32, #tpu.memory_space<vmem>>) semaphore(%arg11 : memref<!tpu.dma_semaphore, #tpu.memory_space<semaphore_mem>>)
    %dma_start3A_60 = arith.constant 1 : i32
    %dma_start3A_61 = arith.constant 0 : i32
    %dma_start3A_62 = tpu.memref_slice %arg6[%dma_start3A_60, %dma_start3A_61] : memref<40x125xi32, #tpu.memory_space<vmem>> -> memref<1x125xi32, #tpu.memory_space<vmem>>
    %dma_start3A_63 = tpu.memref_squeeze %dma_start3A_62 : memref<1x125xi32, #tpu.memory_space<vmem>> -> memref<125xi32, #tpu.memory_space<vmem>>
    %dma_start3A_64 = arith.constant 0 : i32
    %dma_start3A_65 = arith.constant 0 : i32
    %dma_start3A_66 = tpu.memref_slice %arg2[%dma_start3A_64, %dma_start3A_65] : memref<10000x128xf32, #tpu.memory_space<hbm>> -> memref<10000x128xf32, #tpu.memory_space<hbm>>
    tpu.enqueue_indirect_dma source(%dma_start3A_66 : memref<10000x128xf32, #tpu.memory_space<hbm>>) target(%arg9 : memref<125x128xf32, #tpu.memory_space<vmem>>) offsets(%dma_start3A_63 : memref<125xi32, #tpu.memory_space<vmem>>) semaphore(%arg12 : memref<!tpu.dma_semaphore, #tpu.memory_space<semaphore_mem>>)
    %scan3A_67 = arith.constant 0 : i32
    %scan3A_68 = arith.constant 0 : i32
    %scan3A_69 = arith.constant 20 : i32
    %scan3A_70 = arith.addi %scan3A_68, %scan3A_69 : i32
    %scan3A_71 = arith.constant 1 : i32
    %scan3A_72 = scf.for %scan3A_84 = %scan3A_68 to %scan3A_70 step %scan3A_71 iter_args(%scan3A_85 = %scan3A_67) -> (i32)  : i32 {
      %mul3A_86 = arith.constant 2 : i32
      %mul3A_87 = arith.muli %mul3A_86, %scan3A_84 : i32
      %dma_wait3A = arith.constant 0 : i32
      %dma_wait3A_88 = arith.constant 0 : i32
      %dma_wait3A_89 = tpu.memref_slice %arg6[%dma_wait3A, %dma_wait3A_88] : memref<40x125xi32, #tpu.memory_space<vmem>> -> memref<1x125xi32, #tpu.memory_space<vmem>>
      %dma_wait3A_90 = tpu.memref_squeeze %dma_wait3A_89 : memref<1x125xi32, #tpu.memory_space<vmem>> -> memref<125xi32, #tpu.memory_space<vmem>>
      %dma_wait3A_91 = arith.constant 0 : i32
      %dma_wait3A_92 = arith.constant 0 : i32
      %dma_wait3A_93 = tpu.memref_slice %arg2[%dma_wait3A_91, %dma_wait3A_92] : memref<10000x128xf32, #tpu.memory_space<hbm>> -> memref<10000x128xf32, #tpu.memory_space<hbm>>
      tpu.wait_indirect_dma semaphore(%arg11 : memref<!tpu.dma_semaphore, #tpu.memory_space<semaphore_mem>>) src(%dma_wait3A_93 : memref<10000x128xf32, #tpu.memory_space<hbm>>) dst(%arg8 : memref<125x128xf32, #tpu.memory_space<vmem>>)
      %add3A_94 = arith.constant 0 : i32
      %add3A_95 = arith.addi %mul3A_87, %add3A_94 : i32
      "tpu.region"() ({
        %run_scoped3A = tpu.sem_alloc : memref<!tpu.dma_semaphore, #tpu.memory_space<semaphore_mem>>
        %dma_start3A_123 = arith.constant 0 : i32
        %dma_start3A_124 = tpu.memref_slice %arg7[%add3A_95, %dma_start3A_123] : memref<40x125xi32, #tpu.memory_space<vmem>> -> memref<1x125xi32, #tpu.memory_space<vmem>>
        %dma_start3A_125 = tpu.memref_squeeze %dma_start3A_124 : memref<1x125xi32, #tpu.memory_space<vmem>> -> memref<125xi32, #tpu.memory_space<vmem>>
        %dma_start3A_126 = arith.constant 0 : i32
        %dma_start3A_127 = arith.constant 0 : i32
        %dma_start3A_128 = tpu.memref_slice %arg10[%dma_start3A_126, %dma_start3A_127] : memref<10000x128xf32, #tpu.memory_space<vmem_shared>> -> memref<10000x128xf32, #tpu.memory_space<vmem_shared>>
        tpu.enqueue_indirect_dma source(%arg8 : memref<125x128xf32, #tpu.memory_space<vmem>>) target(%dma_start3A_128 : memref<10000x128xf32, #tpu.memory_space<vmem_shared>>) offsets(%dma_start3A_125 : memref<125xi32, #tpu.memory_space<vmem>>) semaphore(%run_scoped3A : memref<!tpu.dma_semaphore, #tpu.memory_space<semaphore_mem>>) {add = true}
        %dma_wait3A_129 = arith.constant 0 : i32
        %dma_wait3A_130 = tpu.memref_slice %arg7[%add3A_95, %dma_wait3A_129] : memref<40x125xi32, #tpu.memory_space<vmem>> -> memref<1x125xi32, #tpu.memory_space<vmem>>
        %dma_wait3A_131 = tpu.memref_squeeze %dma_wait3A_130 : memref<1x125xi32, #tpu.memory_space<vmem>> -> memref<125xi32, #tpu.memory_space<vmem>>
        %dma_wait3A_132 = arith.constant 0 : i32
        %dma_wait3A_133 = arith.constant 0 : i32
        %dma_wait3A_134 = tpu.memref_slice %arg10[%dma_wait3A_132, %dma_wait3A_133] : memref<10000x128xf32, #tpu.memory_space<vmem_shared>> -> memref<10000x128xf32, #tpu.memory_space<vmem_shared>>
        tpu.wait_indirect_dma semaphore(%run_scoped3A : memref<!tpu.dma_semaphore, #tpu.memory_space<semaphore_mem>>) src(%arg8 : memref<125x128xf32, #tpu.memory_space<vmem>>) dst(%dma_wait3A_134 : memref<10000x128xf32, #tpu.memory_space<vmem_shared>>)
        tpu.yield
      }) : () -> ()
      %add3A_96 = arith.constant 0 : i32
      %add3A_97 = arith.addi %mul3A_87, %add3A_96 : i32
      %add3A_98 = arith.constant 2 : i32
      %add3A_99 = arith.addi %add3A_97, %add3A_98 : i32
      %lt3A = arith.constant 40 : i32
      %lt3A_100 = arith.cmpi slt, %add3A_99, %lt3A : i32
      %convert_element_type3A_101 = arith.extui %lt3A_100 : i1 to i32
      %cond3A_102 = arith.constant 0 : i32
      %cond3A_103 = arith.cmpi ne, %convert_element_type3A_101, %cond3A_102 : i32
      scf.if %cond3A_103 {
        %add3A_123 = arith.constant 0 : i32
        %add3A_124 = arith.addi %mul3A_87, %add3A_123 : i32
        %add3A_125 = arith.constant 2 : i32
        %add3A_126 = arith.addi %add3A_124, %add3A_125 : i32
        %dma_start3A_127 = arith.constant 0 : i32
        %dma_start3A_128 = tpu.memref_slice %arg6[%add3A_126, %dma_start3A_127] : memref<40x125xi32, #tpu.memory_space<vmem>> -> memref<1x125xi32, #tpu.memory_space<vmem>>
        %dma_start3A_129 = tpu.memref_squeeze %dma_start3A_128 : memref<1x125xi32, #tpu.memory_space<vmem>> -> memref<125xi32, #tpu.memory_space<vmem>>
        %dma_start3A_130 = arith.constant 0 : i32
        %dma_start3A_131 = arith.constant 0 : i32
        %dma_start3A_132 = tpu.memref_slice %arg2[%dma_start3A_130, %dma_start3A_131] : memref<10000x128xf32, #tpu.memory_space<hbm>> -> memref<10000x128xf32, #tpu.memory_space<hbm>>
        tpu.enqueue_indirect_dma source(%dma_start3A_132 : memref<10000x128xf32, #tpu.memory_space<hbm>>) target(%arg8 : memref<125x128xf32, #tpu.memory_space<vmem>>) offsets(%dma_start3A_129 : memref<125xi32, #tpu.memory_space<vmem>>) semaphore(%arg11 : memref<!tpu.dma_semaphore, #tpu.memory_space<semaphore_mem>>)
      } else {
      }
      %dma_wait3A_104 = arith.constant 0 : i32
      %dma_wait3A_105 = arith.constant 0 : i32
      %dma_wait3A_106 = tpu.memref_slice %arg6[%dma_wait3A_104, %dma_wait3A_105] : memref<40x125xi32, #tpu.memory_space<vmem>> -> memref<1x125xi32, #tpu.memory_space<vmem>>
      %dma_wait3A_107 = tpu.memref_squeeze %dma_wait3A_106 : memref<1x125xi32, #tpu.memory_space<vmem>> -> memref<125xi32, #tpu.memory_space<vmem>>
      %dma_wait3A_108 = arith.constant 0 : i32
      %dma_wait3A_109 = arith.constant 0 : i32
      %dma_wait3A_110 = tpu.memref_slice %arg2[%dma_wait3A_108, %dma_wait3A_109] : memref<10000x128xf32, #tpu.memory_space<hbm>> -> memref<10000x128xf32, #tpu.memory_space<hbm>>
      tpu.wait_indirect_dma semaphore(%arg12 : memref<!tpu.dma_semaphore, #tpu.memory_space<semaphore_mem>>) src(%dma_wait3A_110 : memref<10000x128xf32, #tpu.memory_space<hbm>>) dst(%arg9 : memref<125x128xf32, #tpu.memory_space<vmem>>)
      %add3A_111 = arith.constant 1 : i32
      %add3A_112 = arith.addi %mul3A_87, %add3A_111 : i32
      "tpu.region"() ({
        %run_scoped3A = tpu.sem_alloc : memref<!tpu.dma_semaphore, #tpu.memory_space<semaphore_mem>>
        %dma_start3A_123 = arith.constant 0 : i32
        %dma_start3A_124 = tpu.memref_slice %arg7[%add3A_112, %dma_start3A_123] : memref<40x125xi32, #tpu.memory_space<vmem>> -> memref<1x125xi32, #tpu.memory_space<vmem>>
        %dma_start3A_125 = tpu.memref_squeeze %dma_start3A_124 : memref<1x125xi32, #tpu.memory_space<vmem>> -> memref<125xi32, #tpu.memory_space<vmem>>
        %dma_start3A_126 = arith.constant 0 : i32
        %dma_start3A_127 = arith.constant 0 : i32
        %dma_start3A_128 = tpu.memref_slice %arg10[%dma_start3A_126, %dma_start3A_127] : memref<10000x128xf32, #tpu.memory_space<vmem_shared>> -> memref<10000x128xf32, #tpu.memory_space<vmem_shared>>
        tpu.enqueue_indirect_dma source(%arg9 : memref<125x128xf32, #tpu.memory_space<vmem>>) target(%dma_start3A_128 : memref<10000x128xf32, #tpu.memory_space<vmem_shared>>) offsets(%dma_start3A_125 : memref<125xi32, #tpu.memory_space<vmem>>) semaphore(%run_scoped3A : memref<!tpu.dma_semaphore, #tpu.memory_space<semaphore_mem>>) {add = true}
        %dma_wait3A_129 = arith.constant 0 : i32
        %dma_wait3A_130 = tpu.memref_slice %arg7[%add3A_112, %dma_wait3A_129] : memref<40x125xi32, #tpu.memory_space<vmem>> -> memref<1x125xi32, #tpu.memory_space<vmem>>
        %dma_wait3A_131 = tpu.memref_squeeze %dma_wait3A_130 : memref<1x125xi32, #tpu.memory_space<vmem>> -> memref<125xi32, #tpu.memory_space<vmem>>
        %dma_wait3A_132 = arith.constant 0 : i32
        %dma_wait3A_133 = arith.constant 0 : i32
        %dma_wait3A_134 = tpu.memref_slice %arg10[%dma_wait3A_132, %dma_wait3A_133] : memref<10000x128xf32, #tpu.memory_space<vmem_shared>> -> memref<10000x128xf32, #tpu.memory_space<vmem_shared>>
        tpu.wait_indirect_dma semaphore(%run_scoped3A : memref<!tpu.dma_semaphore, #tpu.memory_space<semaphore_mem>>) src(%arg9 : memref<125x128xf32, #tpu.memory_space<vmem>>) dst(%dma_wait3A_134 : memref<10000x128xf32, #tpu.memory_space<vmem_shared>>)
        tpu.yield
      }) : () -> ()
      %add3A_113 = arith.constant 1 : i32
      %add3A_114 = arith.addi %mul3A_87, %add3A_113 : i32
      %add3A_115 = arith.constant 2 : i32
      %add3A_116 = arith.addi %add3A_114, %add3A_115 : i32
      %lt3A_117 = arith.constant 40 : i32
      %lt3A_118 = arith.cmpi slt, %add3A_116, %lt3A_117 : i32
      %convert_element_type3A_119 = arith.extui %lt3A_118 : i1 to i32
      %cond3A_120 = arith.constant 0 : i32
      %cond3A_121 = arith.cmpi ne, %convert_element_type3A_119, %cond3A_120 : i32
      scf.if %cond3A_121 {
        %add3A_123 = arith.constant 1 : i32
        %add3A_124 = arith.addi %mul3A_87, %add3A_123 : i32
        %add3A_125 = arith.constant 2 : i32
        %add3A_126 = arith.addi %add3A_124, %add3A_125 : i32
        %dma_start3A_127 = arith.constant 0 : i32
        %dma_start3A_128 = tpu.memref_slice %arg6[%add3A_126, %dma_start3A_127] : memref<40x125xi32, #tpu.memory_space<vmem>> -> memref<1x125xi32, #tpu.memory_space<vmem>>
        %dma_start3A_129 = tpu.memref_squeeze %dma_start3A_128 : memref<1x125xi32, #tpu.memory_space<vmem>> -> memref<125xi32, #tpu.memory_space<vmem>>
        %dma_start3A_130 = arith.constant 0 : i32
        %dma_start3A_131 = arith.constant 0 : i32
        %dma_start3A_132 = tpu.memref_slice %arg2[%dma_start3A_130, %dma_start3A_131] : memref<10000x128xf32, #tpu.memory_space<hbm>> -> memref<10000x128xf32, #tpu.memory_space<hbm>>
        tpu.enqueue_indirect_dma source(%dma_start3A_132 : memref<10000x128xf32, #tpu.memory_space<hbm>>) target(%arg9 : memref<125x128xf32, #tpu.memory_space<vmem>>) offsets(%dma_start3A_129 : memref<125xi32, #tpu.memory_space<vmem>>) semaphore(%arg12 : memref<!tpu.dma_semaphore, #tpu.memory_space<semaphore_mem>>)
      } else {
      }
      %scan3A_122 = arith.constant 0 : i32
      scf.yield %scan3A_122 : i32
    }
    %scan3A_73 = arith.constant 20 : i32
    %barrier3A_74 = arith.constant 0 : index
    tpu.barrier barrier_id(%barrier3A_74)
    %mul3A_75 = arith.constant 624 : i32
    %mul3A_76 = arith.muli %arg1, %mul3A_75 : i32
    %mul3A_77 = arith.constant 624 : i32
    %mul3A_78 = arith.muli %arg1, %mul3A_77 : i32
    "tpu.region"() ({
      %run_scoped3A = tpu.sem_alloc : memref<!tpu.dma_semaphore, #tpu.memory_space<semaphore_mem>>
      %dma_start3A_84 = arith.constant 0 : i32
      %dma_start3A_85 = tpu.memref_slice %arg5[%arg0, %mul3A_78, %dma_start3A_84] : memref<2x10000x128xf32, #tpu.memory_space<hbm>> -> memref<1x624x128xf32, #tpu.memory_space<hbm>>
      %dma_start3A_86 = tpu.memref_squeeze %dma_start3A_85 : memref<1x624x128xf32, #tpu.memory_space<hbm>> -> memref<624x128xf32, #tpu.memory_space<hbm>>
      %dma_start3A_87 = arith.constant 0 : i32
      %dma_start3A_88 = tpu.memref_slice %arg10[%mul3A_76, %dma_start3A_87] : memref<10000x128xf32, #tpu.memory_space<vmem_shared>> -> memref<624x128xf32, #tpu.memory_space<vmem_shared>>
      tpu.enqueue_dma source(%dma_start3A_88 : memref<624x128xf32, #tpu.memory_space<vmem_shared>>) target(%dma_start3A_86 : memref<624x128xf32, #tpu.memory_space<hbm>>) target_semaphore(%run_scoped3A : memref<!tpu.dma_semaphore, #tpu.memory_space<semaphore_mem>>)
      %dma_wait3A = arith.constant 0 : i32
      %dma_wait3A_89 = tpu.memref_slice %arg5[%arg0, %mul3A_78, %dma_wait3A] : memref<2x10000x128xf32, #tpu.memory_space<hbm>> -> memref<1x624x128xf32, #tpu.memory_space<hbm>>
      %dma_wait3A_90 = tpu.memref_squeeze %dma_wait3A_89 : memref<1x624x128xf32, #tpu.memory_space<hbm>> -> memref<624x128xf32, #tpu.memory_space<hbm>>
      %dma_wait3A_91 = arith.constant 0 : i32
      %dma_wait3A_92 = tpu.memref_slice %arg10[%mul3A_76, %dma_wait3A_91] : memref<10000x128xf32, #tpu.memory_space<vmem_shared>> -> memref<624x128xf32, #tpu.memory_space<vmem_shared>>
      tpu.wait_dma2 semaphore(%run_scoped3A : memref<!tpu.dma_semaphore, #tpu.memory_space<semaphore_mem>>) src(%dma_wait3A_92 : memref<624x128xf32, #tpu.memory_space<vmem_shared>>) dst(%dma_wait3A_90 : memref<624x128xf32, #tpu.memory_space<hbm>>)
      tpu.yield
    }) : () -> ()
    %eq3A_79 = arith.constant 15 : i32
    %eq3A_80 = arith.cmpi eq, %arg1, %eq3A_79 : i32
    %convert_element_type3A_81 = arith.extui %eq3A_80 : i1 to i32
    %cond3A_82 = arith.constant 0 : i32
    %cond3A_83 = arith.cmpi ne, %convert_element_type3A_81, %cond3A_82 : i32
    scf.if %cond3A_83 {
      "tpu.region"() ({
        %run_scoped3A = tpu.sem_alloc : memref<!tpu.dma_semaphore, #tpu.memory_space<semaphore_mem>>
        %dma_start3A_84 = arith.constant 9984 : i32
        %dma_start3A_85 = arith.constant 0 : i32
        %dma_start3A_86 = tpu.memref_slice %arg5[%arg0, %dma_start3A_84, %dma_start3A_85] : memref<2x10000x128xf32, #tpu.memory_space<hbm>> -> memref<1x16x128xf32, #tpu.memory_space<hbm>>
        %dma_start3A_87 = tpu.memref_squeeze %dma_start3A_86 : memref<1x16x128xf32, #tpu.memory_space<hbm>> -> memref<16x128xf32, #tpu.memory_space<hbm>>
        %dma_start3A_88 = arith.constant 9984 : i32
        %dma_start3A_89 = arith.constant 0 : i32
        %dma_start3A_90 = tpu.memref_slice %arg10[%dma_start3A_88, %dma_start3A_89] : memref<10000x128xf32, #tpu.memory_space<vmem_shared>> -> memref<16x128xf32, #tpu.memory_space<vmem_shared>>
        tpu.enqueue_dma source(%dma_start3A_90 : memref<16x128xf32, #tpu.memory_space<vmem_shared>>) target(%dma_start3A_87 : memref<16x128xf32, #tpu.memory_space<hbm>>) target_semaphore(%run_scoped3A : memref<!tpu.dma_semaphore, #tpu.memory_space<semaphore_mem>>)
        %dma_wait3A = arith.constant 9984 : i32
        %dma_wait3A_91 = arith.constant 0 : i32
        %dma_wait3A_92 = tpu.memref_slice %arg5[%arg0, %dma_wait3A, %dma_wait3A_91] : memref<2x10000x128xf32, #tpu.memory_space<hbm>> -> memref<1x16x128xf32, #tpu.memory_space<hbm>>
        %dma_wait3A_93 = tpu.memref_squeeze %dma_wait3A_92 : memref<1x16x128xf32, #tpu.memory_space<hbm>> -> memref<16x128xf32, #tpu.memory_space<hbm>>
        %dma_wait3A_94 = arith.constant 9984 : i32
        %dma_wait3A_95 = arith.constant 0 : i32
        %dma_wait3A_96 = tpu.memref_slice %arg10[%dma_wait3A_94, %dma_wait3A_95] : memref<10000x128xf32, #tpu.memory_space<vmem_shared>> -> memref<16x128xf32, #tpu.memory_space<vmem_shared>>
        tpu.wait_dma2 semaphore(%run_scoped3A : memref<!tpu.dma_semaphore, #tpu.memory_space<semaphore_mem>>) src(%dma_wait3A_96 : memref<16x128xf32, #tpu.memory_space<vmem_shared>>) dst(%dma_wait3A_93 : memref<16x128xf32, #tpu.memory_space<hbm>>)
        tpu.yield
      }) : () -> ()
    } else {
    }
    return
  }
}

#map = affine_map<(d0, d1) -> (0, 0)>
#map1 = affine_map<(d0, d1) -> (0, 0, 0)>
module attributes {stable_mosaic.version = 14 : i64} {
  func.func @_sc_agg_body(%arg0: i32, %arg1: i32, %arg2: memref<10000x128xf32, #tpu.memory_space<hbm>>, %arg3: memref<32x80x125xi32, #tpu.memory_space<hbm>>, %arg4: memref<32x80x125xi32, #tpu.memory_space<hbm>>, %arg5: memref<2x10000x128xf32, #tpu.memory_space<hbm>>, %arg6: memref<40x125xi32, #tpu.memory_space<vmem>>, %arg7: memref<40x125xi32, #tpu.memory_space<vmem>>, %arg8: memref<125x128xf32, #tpu.memory_space<vmem>>, %arg9: memref<125x128xf32, #tpu.memory_space<vmem>>, %arg10: memref<10000x128xf32, #tpu.memory_space<vmem_shared>>, %arg11: memref<!tpu.dma_semaphore, #tpu.memory_space<semaphore_mem>>, %arg12: memref<!tpu.dma_semaphore, #tpu.memory_space<semaphore_mem>>) attributes {dimension_semantics = [#tpu.dimension_semantics<core_parallel>, #tpu.dimension_semantics<subcore_parallel>], iteration_bounds = array<i64: 2, 16>, scalar_prefetch = 0 : i64, scratch_operands = 7 : i64, tpu.core_type = #tpu.core_type<sc_vector_subcore>, window_params = [{transform_indices = #map}, {transform_indices = #map1}, {transform_indices = #map1}, {transform_indices = #map1}]} {
    %mul3A = arith.constant 2 : i32
    %mul3A_0 = arith.muli %arg1, %mul3A : i32
    %add3A = arith.addi %mul3A_0, %arg0 : i32
    %scan3A = arith.constant 0 : i32
    %scan3A_1 = arith.constant 0 : i32
    %scan3A_2 = arith.constant 104 : i32
    %scan3A_3 = arith.addi %scan3A_1, %scan3A_2 : i32
    %scan3A_4 = arith.constant 1 : i32
    %scan3A_5 = scf.for %scan3A_84 = %scan3A_1 to %scan3A_3 step %scan3A_4 iter_args(%scan3A_85 = %scan3A) -> (i32)  : i32 {
      %broadcast_in_dim3A = arith.constant 0.000000e+00 : f32
      %broadcast_in_dim3A_86 = vector.broadcast %broadcast_in_dim3A : f32 to vector<16xf32>
      %swap3A = arith.index_cast %scan3A_84 : i32 to index
      %swap3A_87 = arith.constant 0 : index
      %swap3A_88 = tpu.vector_load %arg8[%swap3A, %swap3A_87] {strides = array<i32>} : memref<125x128xf32, #tpu.memory_space<vmem>>, vector<1x16xf32>,
      %swap3A_89 = vector.shape_cast %swap3A_88 : vector<1x16xf32> to vector<16xf32>
      %swap3A_90 = vector.shape_cast %broadcast_in_dim3A_86 : vector<16xf32> to vector<1x16xf32>
      tpu.vector_store %arg8[%swap3A, %swap3A_87], %swap3A_90 {strides = array<i32>} : memref<125x128xf32, #tpu.memory_space<vmem>>, vector<1x16xf32>,
      %broadcast_in_dim3A_91 = arith.constant 0.000000e+00 : f32
      %broadcast_in_dim3A_92 = vector.broadcast %broadcast_in_dim3A_91 : f32 to vector<16xf32>
      %swap3A_93 = arith.index_cast %scan3A_84 : i32 to index
      %swap3A_94 = arith.constant 16 : index
      %swap3A_95 = tpu.vector_load %arg8[%swap3A_93, %swap3A_94] {strides = array<i32>} : memref<125x128xf32, #tpu.memory_space<vmem>>, vector<1x16xf32>,
      %swap3A_96 = vector.shape_cast %swap3A_95 : vector<1x16xf32> to vector<16xf32>
      %swap3A_97 = vector.shape_cast %broadcast_in_dim3A_92 : vector<16xf32> to vector<1x16xf32>
      tpu.vector_store %arg8[%swap3A_93, %swap3A_94], %swap3A_97 {strides = array<i32>} : memref<125x128xf32, #tpu.memory_space<vmem>>, vector<1x16xf32>,
      %broadcast_in_dim3A_98 = arith.constant 0.000000e+00 : f32
      %broadcast_in_dim3A_99 = vector.broadcast %broadcast_in_dim3A_98 : f32 to vector<16xf32>
      %swap3A_100 = arith.index_cast %scan3A_84 : i32 to index
      %swap3A_101 = arith.constant 32 : index
      %swap3A_102 = tpu.vector_load %arg8[%swap3A_100, %swap3A_101] {strides = array<i32>} : memref<125x128xf32, #tpu.memory_space<vmem>>, vector<1x16xf32>,
      %swap3A_103 = vector.shape_cast %swap3A_102 : vector<1x16xf32> to vector<16xf32>
      %swap3A_104 = vector.shape_cast %broadcast_in_dim3A_99 : vector<16xf32> to vector<1x16xf32>
      tpu.vector_store %arg8[%swap3A_100, %swap3A_101], %swap3A_104 {strides = array<i32>} : memref<125x128xf32, #tpu.memory_space<vmem>>, vector<1x16xf32>,
      %broadcast_in_dim3A_105 = arith.constant 0.000000e+00 : f32
      %broadcast_in_dim3A_106 = vector.broadcast %broadcast_in_dim3A_105 : f32 to vector<16xf32>
      %swap3A_107 = arith.index_cast %scan3A_84 : i32 to index
      %swap3A_108 = arith.constant 48 : index
      %swap3A_109 = tpu.vector_load %arg8[%swap3A_107, %swap3A_108] {strides = array<i32>} : memref<125x128xf32, #tpu.memory_space<vmem>>, vector<1x16xf32>,
      %swap3A_110 = vector.shape_cast %swap3A_109 : vector<1x16xf32> to vector<16xf32>
      %swap3A_111 = vector.shape_cast %broadcast_in_dim3A_106 : vector<16xf32> to vector<1x16xf32>
      tpu.vector_store %arg8[%swap3A_107, %swap3A_108], %swap3A_111 {strides = array<i32>} : memref<125x128xf32, #tpu.memory_space<vmem>>, vector<1x16xf32>,
      %broadcast_in_dim3A_112 = arith.constant 0.000000e+00 : f32
      %broadcast_in_dim3A_113 = vector.broadcast %broadcast_in_dim3A_112 : f32 to vector<16xf32>
      %swap3A_114 = arith.index_cast %scan3A_84 : i32 to index
      %swap3A_115 = arith.constant 64 : index
      %swap3A_116 = tpu.vector_load %arg8[%swap3A_114, %swap3A_115] {strides = array<i32>} : memref<125x128xf32, #tpu.memory_space<vmem>>, vector<1x16xf32>,
      %swap3A_117 = vector.shape_cast %swap3A_116 : vector<1x16xf32> to vector<16xf32>
      %swap3A_118 = vector.shape_cast %broadcast_in_dim3A_113 : vector<16xf32> to vector<1x16xf32>
      tpu.vector_store %arg8[%swap3A_114, %swap3A_115], %swap3A_118 {strides = array<i32>} : memref<125x128xf32, #tpu.memory_space<vmem>>, vector<1x16xf32>,
      %broadcast_in_dim3A_119 = arith.constant 0.000000e+00 : f32
      %broadcast_in_dim3A_120 = vector.broadcast %broadcast_in_dim3A_119 : f32 to vector<16xf32>
      %swap3A_121 = arith.index_cast %scan3A_84 : i32 to index
      %swap3A_122 = arith.constant 80 : index
      %swap3A_123 = tpu.vector_load %arg8[%swap3A_121, %swap3A_122] {strides = array<i32>} : memref<125x128xf32, #tpu.memory_space<vmem>>, vector<1x16xf32>,
      %swap3A_124 = vector.shape_cast %swap3A_123 : vector<1x16xf32> to vector<16xf32>
      %swap3A_125 = vector.shape_cast %broadcast_in_dim3A_120 : vector<16xf32> to vector<1x16xf32>
      tpu.vector_store %arg8[%swap3A_121, %swap3A_122], %swap3A_125 {strides = array<i32>} : memref<125x128xf32, #tpu.memory_space<vmem>>, vector<1x16xf32>,
      %broadcast_in_dim3A_126 = arith.constant 0.000000e+00 : f32
      %broadcast_in_dim3A_127 = vector.broadcast %broadcast_in_dim3A_126 : f32 to vector<16xf32>
      %swap3A_128 = arith.index_cast %scan3A_84 : i32 to index
      %swap3A_129 = arith.constant 96 : index
      %swap3A_130 = tpu.vector_load %arg8[%swap3A_128, %swap3A_129] {strides = array<i32>} : memref<125x128xf32, #tpu.memory_space<vmem>>, vector<1x16xf32>,
      %swap3A_131 = vector.shape_cast %swap3A_130 : vector<1x16xf32> to vector<16xf32>
      %swap3A_132 = vector.shape_cast %broadcast_in_dim3A_127 : vector<16xf32> to vector<1x16xf32>
      tpu.vector_store %arg8[%swap3A_128, %swap3A_129], %swap3A_132 {strides = array<i32>} : memref<125x128xf32, #tpu.memory_space<vmem>>, vector<1x16xf32>,
      %broadcast_in_dim3A_133 = arith.constant 0.000000e+00 : f32
      %broadcast_in_dim3A_134 = vector.broadcast %broadcast_in_dim3A_133 : f32 to vector<16xf32>
      %swap3A_135 = arith.index_cast %scan3A_84 : i32 to index
      %swap3A_136 = arith.constant 112 : index
      %swap3A_137 = tpu.vector_load %arg8[%swap3A_135, %swap3A_136] {strides = array<i32>} : memref<125x128xf32, #tpu.memory_space<vmem>>, vector<1x16xf32>,
      %swap3A_138 = vector.shape_cast %swap3A_137 : vector<1x16xf32> to vector<16xf32>
      %swap3A_139 = vector.shape_cast %broadcast_in_dim3A_134 : vector<16xf32> to vector<1x16xf32>
      tpu.vector_store %arg8[%swap3A_135, %swap3A_136], %swap3A_139 {strides = array<i32>} : memref<125x128xf32, #tpu.memory_space<vmem>>, vector<1x16xf32>,
      %scan3A_140 = arith.constant 0 : i32
      scf.yield %scan3A_140 : i32
    }
    %scan3A_6 = arith.constant 104 : i32
    %mul3A_7 = arith.constant 624 : i32
    %mul3A_8 = arith.muli %arg1, %mul3A_7 : i32
    %add3A_9 = arith.constant 0 : i32
    %add3A_10 = arith.addi %mul3A_8, %add3A_9 : i32
    "tpu.region"() ({
      %run_scoped3A = tpu.sem_alloc : memref<!tpu.dma_semaphore, #tpu.memory_space<semaphore_mem>>
      %dma_start3A_84 = arith.constant 0 : i32
      %dma_start3A_85 = arith.constant 0 : i32
      %dma_start3A_86 = tpu.memref_slice %arg8[%dma_start3A_84, %dma_start3A_85] : memref<125x128xf32, #tpu.memory_space<vmem>> -> memref<104x128xf32, #tpu.memory_space<vmem>>
      %dma_start3A_87 = arith.constant 0 : i32
      %dma_start3A_88 = tpu.memref_slice %arg10[%add3A_10, %dma_start3A_87] : memref<10000x128xf32, #tpu.memory_space<vmem_shared>> -> memref<104x128xf32, #tpu.memory_space<vmem_shared>>
      %dma_start3A_89 = arith.constant 0 : i32
      %dma_start3A_90 = tpu.memref_slice %arg10[%add3A_10, %dma_start3A_89] : memref<10000x128xf32, #tpu.memory_space<vmem_shared>> -> memref<104x128xf32, #tpu.memory_space<vmem_shared>>
      %dma_start3A_91 = arith.constant 0 : i32
      %dma_start3A_92 = arith.constant 0 : i32
      %dma_start3A_93 = tpu.memref_slice %arg8[%dma_start3A_91, %dma_start3A_92] : memref<125x128xf32, #tpu.memory_space<vmem>> -> memref<104x128xf32, #tpu.memory_space<vmem>>
      tpu.enqueue_dma source(%dma_start3A_93 : memref<104x128xf32, #tpu.memory_space<vmem>>) target(%dma_start3A_90 : memref<104x128xf32, #tpu.memory_space<vmem_shared>>) target_semaphore(%run_scoped3A : memref<!tpu.dma_semaphore, #tpu.memory_space<semaphore_mem>>)
      %dma_wait3A = arith.constant 0 : i32
      %dma_wait3A_94 = arith.constant 0 : i32
      %dma_wait3A_95 = tpu.memref_slice %arg8[%dma_wait3A, %dma_wait3A_94] : memref<125x128xf32, #tpu.memory_space<vmem>> -> memref<104x128xf32, #tpu.memory_space<vmem>>
      %dma_wait3A_96 = arith.constant 0 : i32
      %dma_wait3A_97 = tpu.memref_slice %arg10[%add3A_10, %dma_wait3A_96] : memref<10000x128xf32, #tpu.memory_space<vmem_shared>> -> memref<104x128xf32, #tpu.memory_space<vmem_shared>>
      %dma_wait3A_98 = arith.constant 0 : i32
      %dma_wait3A_99 = tpu.memref_slice %arg10[%add3A_10, %dma_wait3A_98] : memref<10000x128xf32, #tpu.memory_space<vmem_shared>> -> memref<104x128xf32, #tpu.memory_space<vmem_shared>>
      %dma_wait3A_100 = arith.constant 0 : i32
      %dma_wait3A_101 = arith.constant 0 : i32
      %dma_wait3A_102 = tpu.memref_slice %arg8[%dma_wait3A_100, %dma_wait3A_101] : memref<125x128xf32, #tpu.memory_space<vmem>> -> memref<104x128xf32, #tpu.memory_space<vmem>>
      tpu.wait_dma2 semaphore(%run_scoped3A : memref<!tpu.dma_semaphore, #tpu.memory_space<semaphore_mem>>) src(%dma_wait3A_102 : memref<104x128xf32, #tpu.memory_space<vmem>>) dst(%dma_wait3A_99 : memref<104x128xf32, #tpu.memory_space<vmem_shared>>)
      tpu.yield
    }) : () -> ()
    %mul3A_11 = arith.constant 624 : i32
    %mul3A_12 = arith.muli %arg1, %mul3A_11 : i32
    %add3A_13 = arith.constant 104 : i32
    %add3A_14 = arith.addi %mul3A_12, %add3A_13 : i32
    "tpu.region"() ({
      %run_scoped3A = tpu.sem_alloc : memref<!tpu.dma_semaphore, #tpu.memory_space<semaphore_mem>>
      %dma_start3A_84 = arith.constant 0 : i32
      %dma_start3A_85 = arith.constant 0 : i32
      %dma_start3A_86 = tpu.memref_slice %arg8[%dma_start3A_84, %dma_start3A_85] : memref<125x128xf32, #tpu.memory_space<vmem>> -> memref<104x128xf32, #tpu.memory_space<vmem>>
      %dma_start3A_87 = arith.constant 0 : i32
      %dma_start3A_88 = tpu.memref_slice %arg10[%add3A_14, %dma_start3A_87] : memref<10000x128xf32, #tpu.memory_space<vmem_shared>> -> memref<104x128xf32, #tpu.memory_space<vmem_shared>>
      %dma_start3A_89 = arith.constant 0 : i32
      %dma_start3A_90 = tpu.memref_slice %arg10[%add3A_14, %dma_start3A_89] : memref<10000x128xf32, #tpu.memory_space<vmem_shared>> -> memref<104x128xf32, #tpu.memory_space<vmem_shared>>
      %dma_start3A_91 = arith.constant 0 : i32
      %dma_start3A_92 = arith.constant 0 : i32
      %dma_start3A_93 = tpu.memref_slice %arg8[%dma_start3A_91, %dma_start3A_92] : memref<125x128xf32, #tpu.memory_space<vmem>> -> memref<104x128xf32, #tpu.memory_space<vmem>>
      tpu.enqueue_dma source(%dma_start3A_93 : memref<104x128xf32, #tpu.memory_space<vmem>>) target(%dma_start3A_90 : memref<104x128xf32, #tpu.memory_space<vmem_shared>>) target_semaphore(%run_scoped3A : memref<!tpu.dma_semaphore, #tpu.memory_space<semaphore_mem>>)
      %dma_wait3A = arith.constant 0 : i32
      %dma_wait3A_94 = arith.constant 0 : i32
      %dma_wait3A_95 = tpu.memref_slice %arg8[%dma_wait3A, %dma_wait3A_94] : memref<125x128xf32, #tpu.memory_space<vmem>> -> memref<104x128xf32, #tpu.memory_space<vmem>>
      %dma_wait3A_96 = arith.constant 0 : i32
      %dma_wait3A_97 = tpu.memref_slice %arg10[%add3A_14, %dma_wait3A_96] : memref<10000x128xf32, #tpu.memory_space<vmem_shared>> -> memref<104x128xf32, #tpu.memory_space<vmem_shared>>
      %dma_wait3A_98 = arith.constant 0 : i32
      %dma_wait3A_99 = tpu.memref_slice %arg10[%add3A_14, %dma_wait3A_98] : memref<10000x128xf32, #tpu.memory_space<vmem_shared>> -> memref<104x128xf32, #tpu.memory_space<vmem_shared>>
      %dma_wait3A_100 = arith.constant 0 : i32
      %dma_wait3A_101 = arith.constant 0 : i32
      %dma_wait3A_102 = tpu.memref_slice %arg8[%dma_wait3A_100, %dma_wait3A_101] : memref<125x128xf32, #tpu.memory_space<vmem>> -> memref<104x128xf32, #tpu.memory_space<vmem>>
      tpu.wait_dma2 semaphore(%run_scoped3A : memref<!tpu.dma_semaphore, #tpu.memory_space<semaphore_mem>>) src(%dma_wait3A_102 : memref<104x128xf32, #tpu.memory_space<vmem>>) dst(%dma_wait3A_99 : memref<104x128xf32, #tpu.memory_space<vmem_shared>>)
      tpu.yield
    }) : () -> ()
    %mul3A_15 = arith.constant 624 : i32
    %mul3A_16 = arith.muli %arg1, %mul3A_15 : i32
    %add3A_17 = arith.constant 208 : i32
    %add3A_18 = arith.addi %mul3A_16, %add3A_17 : i32
    "tpu.region"() ({
      %run_scoped3A = tpu.sem_alloc : memref<!tpu.dma_semaphore, #tpu.memory_space<semaphore_mem>>
      %dma_start3A_84 = arith.constant 0 : i32
      %dma_start3A_85 = arith.constant 0 : i32
      %dma_start3A_86 = tpu.memref_slice %arg8[%dma_start3A_84, %dma_start3A_85] : memref<125x128xf32, #tpu.memory_space<vmem>> -> memref<104x128xf32, #tpu.memory_space<vmem>>
      %dma_start3A_87 = arith.constant 0 : i32
      %dma_start3A_88 = tpu.memref_slice %arg10[%add3A_18, %dma_start3A_87] : memref<10000x128xf32, #tpu.memory_space<vmem_shared>> -> memref<104x128xf32, #tpu.memory_space<vmem_shared>>
      %dma_start3A_89 = arith.constant 0 : i32
      %dma_start3A_90 = tpu.memref_slice %arg10[%add3A_18, %dma_start3A_89] : memref<10000x128xf32, #tpu.memory_space<vmem_shared>> -> memref<104x128xf32, #tpu.memory_space<vmem_shared>>
      %dma_start3A_91 = arith.constant 0 : i32
      %dma_start3A_92 = arith.constant 0 : i32
      %dma_start3A_93 = tpu.memref_slice %arg8[%dma_start3A_91, %dma_start3A_92] : memref<125x128xf32, #tpu.memory_space<vmem>> -> memref<104x128xf32, #tpu.memory_space<vmem>>
      tpu.enqueue_dma source(%dma_start3A_93 : memref<104x128xf32, #tpu.memory_space<vmem>>) target(%dma_start3A_90 : memref<104x128xf32, #tpu.memory_space<vmem_shared>>) target_semaphore(%run_scoped3A : memref<!tpu.dma_semaphore, #tpu.memory_space<semaphore_mem>>)
      %dma_wait3A = arith.constant 0 : i32
      %dma_wait3A_94 = arith.constant 0 : i32
      %dma_wait3A_95 = tpu.memref_slice %arg8[%dma_wait3A, %dma_wait3A_94] : memref<125x128xf32, #tpu.memory_space<vmem>> -> memref<104x128xf32, #tpu.memory_space<vmem>>
      %dma_wait3A_96 = arith.constant 0 : i32
      %dma_wait3A_97 = tpu.memref_slice %arg10[%add3A_18, %dma_wait3A_96] : memref<10000x128xf32, #tpu.memory_space<vmem_shared>> -> memref<104x128xf32, #tpu.memory_space<vmem_shared>>
      %dma_wait3A_98 = arith.constant 0 : i32
      %dma_wait3A_99 = tpu.memref_slice %arg10[%add3A_18, %dma_wait3A_98] : memref<10000x128xf32, #tpu.memory_space<vmem_shared>> -> memref<104x128xf32, #tpu.memory_space<vmem_shared>>
      %dma_wait3A_100 = arith.constant 0 : i32
      %dma_wait3A_101 = arith.constant 0 : i32
      %dma_wait3A_102 = tpu.memref_slice %arg8[%dma_wait3A_100, %dma_wait3A_101] : memref<125x128xf32, #tpu.memory_space<vmem>> -> memref<104x128xf32, #tpu.memory_space<vmem>>
      tpu.wait_dma2 semaphore(%run_scoped3A : memref<!tpu.dma_semaphore, #tpu.memory_space<semaphore_mem>>) src(%dma_wait3A_102 : memref<104x128xf32, #tpu.memory_space<vmem>>) dst(%dma_wait3A_99 : memref<104x128xf32, #tpu.memory_space<vmem_shared>>)
      tpu.yield
    }) : () -> ()
    %mul3A_19 = arith.constant 624 : i32
    %mul3A_20 = arith.muli %arg1, %mul3A_19 : i32
    %add3A_21 = arith.constant 312 : i32
    %add3A_22 = arith.addi %mul3A_20, %add3A_21 : i32
    "tpu.region"() ({
      %run_scoped3A = tpu.sem_alloc : memref<!tpu.dma_semaphore, #tpu.memory_space<semaphore_mem>>
      %dma_start3A_84 = arith.constant 0 : i32
      %dma_start3A_85 = arith.constant 0 : i32
      %dma_start3A_86 = tpu.memref_slice %arg8[%dma_start3A_84, %dma_start3A_85] : memref<125x128xf32, #tpu.memory_space<vmem>> -> memref<104x128xf32, #tpu.memory_space<vmem>>
      %dma_start3A_87 = arith.constant 0 : i32
      %dma_start3A_88 = tpu.memref_slice %arg10[%add3A_22, %dma_start3A_87] : memref<10000x128xf32, #tpu.memory_space<vmem_shared>> -> memref<104x128xf32, #tpu.memory_space<vmem_shared>>
      %dma_start3A_89 = arith.constant 0 : i32
      %dma_start3A_90 = tpu.memref_slice %arg10[%add3A_22, %dma_start3A_89] : memref<10000x128xf32, #tpu.memory_space<vmem_shared>> -> memref<104x128xf32, #tpu.memory_space<vmem_shared>>
      %dma_start3A_91 = arith.constant 0 : i32
      %dma_start3A_92 = arith.constant 0 : i32
      %dma_start3A_93 = tpu.memref_slice %arg8[%dma_start3A_91, %dma_start3A_92] : memref<125x128xf32, #tpu.memory_space<vmem>> -> memref<104x128xf32, #tpu.memory_space<vmem>>
      tpu.enqueue_dma source(%dma_start3A_93 : memref<104x128xf32, #tpu.memory_space<vmem>>) target(%dma_start3A_90 : memref<104x128xf32, #tpu.memory_space<vmem_shared>>) target_semaphore(%run_scoped3A : memref<!tpu.dma_semaphore, #tpu.memory_space<semaphore_mem>>)
      %dma_wait3A = arith.constant 0 : i32
      %dma_wait3A_94 = arith.constant 0 : i32
      %dma_wait3A_95 = tpu.memref_slice %arg8[%dma_wait3A, %dma_wait3A_94] : memref<125x128xf32, #tpu.memory_space<vmem>> -> memref<104x128xf32, #tpu.memory_space<vmem>>
      %dma_wait3A_96 = arith.constant 0 : i32
      %dma_wait3A_97 = tpu.memref_slice %arg10[%add3A_22, %dma_wait3A_96] : memref<10000x128xf32, #tpu.memory_space<vmem_shared>> -> memref<104x128xf32, #tpu.memory_space<vmem_shared>>
      %dma_wait3A_98 = arith.constant 0 : i32
      %dma_wait3A_99 = tpu.memref_slice %arg10[%add3A_22, %dma_wait3A_98] : memref<10000x128xf32, #tpu.memory_space<vmem_shared>> -> memref<104x128xf32, #tpu.memory_space<vmem_shared>>
      %dma_wait3A_100 = arith.constant 0 : i32
      %dma_wait3A_101 = arith.constant 0 : i32
      %dma_wait3A_102 = tpu.memref_slice %arg8[%dma_wait3A_100, %dma_wait3A_101] : memref<125x128xf32, #tpu.memory_space<vmem>> -> memref<104x128xf32, #tpu.memory_space<vmem>>
      tpu.wait_dma2 semaphore(%run_scoped3A : memref<!tpu.dma_semaphore, #tpu.memory_space<semaphore_mem>>) src(%dma_wait3A_102 : memref<104x128xf32, #tpu.memory_space<vmem>>) dst(%dma_wait3A_99 : memref<104x128xf32, #tpu.memory_space<vmem_shared>>)
      tpu.yield
    }) : () -> ()
    %mul3A_23 = arith.constant 624 : i32
    %mul3A_24 = arith.muli %arg1, %mul3A_23 : i32
    %add3A_25 = arith.constant 416 : i32
    %add3A_26 = arith.addi %mul3A_24, %add3A_25 : i32
    "tpu.region"() ({
      %run_scoped3A = tpu.sem_alloc : memref<!tpu.dma_semaphore, #tpu.memory_space<semaphore_mem>>
      %dma_start3A_84 = arith.constant 0 : i32
      %dma_start3A_85 = arith.constant 0 : i32
      %dma_start3A_86 = tpu.memref_slice %arg8[%dma_start3A_84, %dma_start3A_85] : memref<125x128xf32, #tpu.memory_space<vmem>> -> memref<104x128xf32, #tpu.memory_space<vmem>>
      %dma_start3A_87 = arith.constant 0 : i32
      %dma_start3A_88 = tpu.memref_slice %arg10[%add3A_26, %dma_start3A_87] : memref<10000x128xf32, #tpu.memory_space<vmem_shared>> -> memref<104x128xf32, #tpu.memory_space<vmem_shared>>
      %dma_start3A_89 = arith.constant 0 : i32
      %dma_start3A_90 = tpu.memref_slice %arg10[%add3A_26, %dma_start3A_89] : memref<10000x128xf32, #tpu.memory_space<vmem_shared>> -> memref<104x128xf32, #tpu.memory_space<vmem_shared>>
      %dma_start3A_91 = arith.constant 0 : i32
      %dma_start3A_92 = arith.constant 0 : i32
      %dma_start3A_93 = tpu.memref_slice %arg8[%dma_start3A_91, %dma_start3A_92] : memref<125x128xf32, #tpu.memory_space<vmem>> -> memref<104x128xf32, #tpu.memory_space<vmem>>
      tpu.enqueue_dma source(%dma_start3A_93 : memref<104x128xf32, #tpu.memory_space<vmem>>) target(%dma_start3A_90 : memref<104x128xf32, #tpu.memory_space<vmem_shared>>) target_semaphore(%run_scoped3A : memref<!tpu.dma_semaphore, #tpu.memory_space<semaphore_mem>>)
      %dma_wait3A = arith.constant 0 : i32
      %dma_wait3A_94 = arith.constant 0 : i32
      %dma_wait3A_95 = tpu.memref_slice %arg8[%dma_wait3A, %dma_wait3A_94] : memref<125x128xf32, #tpu.memory_space<vmem>> -> memref<104x128xf32, #tpu.memory_space<vmem>>
      %dma_wait3A_96 = arith.constant 0 : i32
      %dma_wait3A_97 = tpu.memref_slice %arg10[%add3A_26, %dma_wait3A_96] : memref<10000x128xf32, #tpu.memory_space<vmem_shared>> -> memref<104x128xf32, #tpu.memory_space<vmem_shared>>
      %dma_wait3A_98 = arith.constant 0 : i32
      %dma_wait3A_99 = tpu.memref_slice %arg10[%add3A_26, %dma_wait3A_98] : memref<10000x128xf32, #tpu.memory_space<vmem_shared>> -> memref<104x128xf32, #tpu.memory_space<vmem_shared>>
      %dma_wait3A_100 = arith.constant 0 : i32
      %dma_wait3A_101 = arith.constant 0 : i32
      %dma_wait3A_102 = tpu.memref_slice %arg8[%dma_wait3A_100, %dma_wait3A_101] : memref<125x128xf32, #tpu.memory_space<vmem>> -> memref<104x128xf32, #tpu.memory_space<vmem>>
      tpu.wait_dma2 semaphore(%run_scoped3A : memref<!tpu.dma_semaphore, #tpu.memory_space<semaphore_mem>>) src(%dma_wait3A_102 : memref<104x128xf32, #tpu.memory_space<vmem>>) dst(%dma_wait3A_99 : memref<104x128xf32, #tpu.memory_space<vmem_shared>>)
      tpu.yield
    }) : () -> ()
    %mul3A_27 = arith.constant 624 : i32
    %mul3A_28 = arith.muli %arg1, %mul3A_27 : i32
    %add3A_29 = arith.constant 520 : i32
    %add3A_30 = arith.addi %mul3A_28, %add3A_29 : i32
    "tpu.region"() ({
      %run_scoped3A = tpu.sem_alloc : memref<!tpu.dma_semaphore, #tpu.memory_space<semaphore_mem>>
      %dma_start3A_84 = arith.constant 0 : i32
      %dma_start3A_85 = arith.constant 0 : i32
      %dma_start3A_86 = tpu.memref_slice %arg8[%dma_start3A_84, %dma_start3A_85] : memref<125x128xf32, #tpu.memory_space<vmem>> -> memref<104x128xf32, #tpu.memory_space<vmem>>
      %dma_start3A_87 = arith.constant 0 : i32
      %dma_start3A_88 = tpu.memref_slice %arg10[%add3A_30, %dma_start3A_87] : memref<10000x128xf32, #tpu.memory_space<vmem_shared>> -> memref<104x128xf32, #tpu.memory_space<vmem_shared>>
      %dma_start3A_89 = arith.constant 0 : i32
      %dma_start3A_90 = tpu.memref_slice %arg10[%add3A_30, %dma_start3A_89] : memref<10000x128xf32, #tpu.memory_space<vmem_shared>> -> memref<104x128xf32, #tpu.memory_space<vmem_shared>>
      %dma_start3A_91 = arith.constant 0 : i32
      %dma_start3A_92 = arith.constant 0 : i32
      %dma_start3A_93 = tpu.memref_slice %arg8[%dma_start3A_91, %dma_start3A_92] : memref<125x128xf32, #tpu.memory_space<vmem>> -> memref<104x128xf32, #tpu.memory_space<vmem>>
      tpu.enqueue_dma source(%dma_start3A_93 : memref<104x128xf32, #tpu.memory_space<vmem>>) target(%dma_start3A_90 : memref<104x128xf32, #tpu.memory_space<vmem_shared>>) target_semaphore(%run_scoped3A : memref<!tpu.dma_semaphore, #tpu.memory_space<semaphore_mem>>)
      %dma_wait3A = arith.constant 0 : i32
      %dma_wait3A_94 = arith.constant 0 : i32
      %dma_wait3A_95 = tpu.memref_slice %arg8[%dma_wait3A, %dma_wait3A_94] : memref<125x128xf32, #tpu.memory_space<vmem>> -> memref<104x128xf32, #tpu.memory_space<vmem>>
      %dma_wait3A_96 = arith.constant 0 : i32
      %dma_wait3A_97 = tpu.memref_slice %arg10[%add3A_30, %dma_wait3A_96] : memref<10000x128xf32, #tpu.memory_space<vmem_shared>> -> memref<104x128xf32, #tpu.memory_space<vmem_shared>>
      %dma_wait3A_98 = arith.constant 0 : i32
      %dma_wait3A_99 = tpu.memref_slice %arg10[%add3A_30, %dma_wait3A_98] : memref<10000x128xf32, #tpu.memory_space<vmem_shared>> -> memref<104x128xf32, #tpu.memory_space<vmem_shared>>
      %dma_wait3A_100 = arith.constant 0 : i32
      %dma_wait3A_101 = arith.constant 0 : i32
      %dma_wait3A_102 = tpu.memref_slice %arg8[%dma_wait3A_100, %dma_wait3A_101] : memref<125x128xf32, #tpu.memory_space<vmem>> -> memref<104x128xf32, #tpu.memory_space<vmem>>
      tpu.wait_dma2 semaphore(%run_scoped3A : memref<!tpu.dma_semaphore, #tpu.memory_space<semaphore_mem>>) src(%dma_wait3A_102 : memref<104x128xf32, #tpu.memory_space<vmem>>) dst(%dma_wait3A_99 : memref<104x128xf32, #tpu.memory_space<vmem_shared>>)
      tpu.yield
    }) : () -> ()
    %eq3A = arith.constant 15 : i32
    %eq3A_31 = arith.cmpi eq, %arg1, %eq3A : i32
    %convert_element_type3A = arith.extui %eq3A_31 : i1 to i32
    %cond3A = arith.constant 0 : i32
    %cond3A_32 = arith.cmpi ne, %convert_element_type3A, %cond3A : i32
    scf.if %cond3A_32 {
      "tpu.region"() ({
        %run_scoped3A = tpu.sem_alloc : memref<!tpu.dma_semaphore, #tpu.memory_space<semaphore_mem>>
        %dma_start3A_84 = arith.constant 0 : i32
        %dma_start3A_85 = arith.constant 0 : i32
        %dma_start3A_86 = tpu.memref_slice %arg8[%dma_start3A_84, %dma_start3A_85] : memref<125x128xf32, #tpu.memory_space<vmem>> -> memref<16x128xf32, #tpu.memory_space<vmem>>
        %dma_start3A_87 = arith.constant 9984 : i32
        %dma_start3A_88 = arith.constant 0 : i32
        %dma_start3A_89 = tpu.memref_slice %arg10[%dma_start3A_87, %dma_start3A_88] : memref<10000x128xf32, #tpu.memory_space<vmem_shared>> -> memref<16x128xf32, #tpu.memory_space<vmem_shared>>
        %dma_start3A_90 = arith.constant 9984 : i32
        %dma_start3A_91 = arith.constant 0 : i32
        %dma_start3A_92 = tpu.memref_slice %arg10[%dma_start3A_90, %dma_start3A_91] : memref<10000x128xf32, #tpu.memory_space<vmem_shared>> -> memref<16x128xf32, #tpu.memory_space<vmem_shared>>
        %dma_start3A_93 = arith.constant 0 : i32
        %dma_start3A_94 = arith.constant 0 : i32
        %dma_start3A_95 = tpu.memref_slice %arg8[%dma_start3A_93, %dma_start3A_94] : memref<125x128xf32, #tpu.memory_space<vmem>> -> memref<16x128xf32, #tpu.memory_space<vmem>>
        tpu.enqueue_dma source(%dma_start3A_95 : memref<16x128xf32, #tpu.memory_space<vmem>>) target(%dma_start3A_92 : memref<16x128xf32, #tpu.memory_space<vmem_shared>>) target_semaphore(%run_scoped3A : memref<!tpu.dma_semaphore, #tpu.memory_space<semaphore_mem>>)
        %dma_wait3A = arith.constant 0 : i32
        %dma_wait3A_96 = arith.constant 0 : i32
        %dma_wait3A_97 = tpu.memref_slice %arg8[%dma_wait3A, %dma_wait3A_96] : memref<125x128xf32, #tpu.memory_space<vmem>> -> memref<16x128xf32, #tpu.memory_space<vmem>>
        %dma_wait3A_98 = arith.constant 9984 : i32
        %dma_wait3A_99 = arith.constant 0 : i32
        %dma_wait3A_100 = tpu.memref_slice %arg10[%dma_wait3A_98, %dma_wait3A_99] : memref<10000x128xf32, #tpu.memory_space<vmem_shared>> -> memref<16x128xf32, #tpu.memory_space<vmem_shared>>
        %dma_wait3A_101 = arith.constant 9984 : i32
        %dma_wait3A_102 = arith.constant 0 : i32
        %dma_wait3A_103 = tpu.memref_slice %arg10[%dma_wait3A_101, %dma_wait3A_102] : memref<10000x128xf32, #tpu.memory_space<vmem_shared>> -> memref<16x128xf32, #tpu.memory_space<vmem_shared>>
        %dma_wait3A_104 = arith.constant 0 : i32
        %dma_wait3A_105 = arith.constant 0 : i32
        %dma_wait3A_106 = tpu.memref_slice %arg8[%dma_wait3A_104, %dma_wait3A_105] : memref<125x128xf32, #tpu.memory_space<vmem>> -> memref<16x128xf32, #tpu.memory_space<vmem>>
        tpu.wait_dma2 semaphore(%run_scoped3A : memref<!tpu.dma_semaphore, #tpu.memory_space<semaphore_mem>>) src(%dma_wait3A_106 : memref<16x128xf32, #tpu.memory_space<vmem>>) dst(%dma_wait3A_103 : memref<16x128xf32, #tpu.memory_space<vmem_shared>>)
        tpu.yield
      }) : () -> ()
    } else {
    }
    %barrier3A = arith.constant 0 : index
    tpu.barrier barrier_id(%barrier3A)
    "tpu.region"() ({
      %run_scoped3A = tpu.sem_alloc : memref<!tpu.dma_semaphore, #tpu.memory_space<semaphore_mem>>
      %dma_start3A_84 = arith.constant 0 : i32
      %dma_start3A_85 = arith.constant 0 : i32
      %dma_start3A_86 = tpu.memref_slice %arg3[%add3A, %dma_start3A_84, %dma_start3A_85] : memref<32x80x125xi32, #tpu.memory_space<hbm>> -> memref<1x40x125xi32, #tpu.memory_space<hbm>>
      %dma_start3A_87 = tpu.memref_squeeze %dma_start3A_86 : memref<1x40x125xi32, #tpu.memory_space<hbm>> -> memref<40x125xi32, #tpu.memory_space<hbm>>
      %dma_start3A_88 = arith.constant 0 : i32
      %dma_start3A_89 = arith.constant 0 : i32
      %dma_start3A_90 = tpu.memref_slice %arg3[%add3A, %dma_start3A_88, %dma_start3A_89] : memref<32x80x125xi32, #tpu.memory_space<hbm>> -> memref<1x40x125xi32, #tpu.memory_space<hbm>>
      %dma_start3A_91 = tpu.memref_squeeze %dma_start3A_90 : memref<1x40x125xi32, #tpu.memory_space<hbm>> -> memref<40x125xi32, #tpu.memory_space<hbm>>
      tpu.enqueue_dma source(%dma_start3A_91 : memref<40x125xi32, #tpu.memory_space<hbm>>) target(%arg6 : memref<40x125xi32, #tpu.memory_space<vmem>>) target_semaphore(%run_scoped3A : memref<!tpu.dma_semaphore, #tpu.memory_space<semaphore_mem>>)
      %dma_wait3A = arith.constant 0 : i32
      %dma_wait3A_92 = arith.constant 0 : i32
      %dma_wait3A_93 = tpu.memref_slice %arg3[%add3A, %dma_wait3A, %dma_wait3A_92] : memref<32x80x125xi32, #tpu.memory_space<hbm>> -> memref<1x40x125xi32, #tpu.memory_space<hbm>>
      %dma_wait3A_94 = tpu.memref_squeeze %dma_wait3A_93 : memref<1x40x125xi32, #tpu.memory_space<hbm>> -> memref<40x125xi32, #tpu.memory_space<hbm>>
      %dma_wait3A_95 = arith.constant 0 : i32
      %dma_wait3A_96 = arith.constant 0 : i32
      %dma_wait3A_97 = tpu.memref_slice %arg3[%add3A, %dma_wait3A_95, %dma_wait3A_96] : memref<32x80x125xi32, #tpu.memory_space<hbm>> -> memref<1x40x125xi32, #tpu.memory_space<hbm>>
      %dma_wait3A_98 = tpu.memref_squeeze %dma_wait3A_97 : memref<1x40x125xi32, #tpu.memory_space<hbm>> -> memref<40x125xi32, #tpu.memory_space<hbm>>
      tpu.wait_dma2 semaphore(%run_scoped3A : memref<!tpu.dma_semaphore, #tpu.memory_space<semaphore_mem>>) src(%dma_wait3A_98 : memref<40x125xi32, #tpu.memory_space<hbm>>) dst(%arg6 : memref<40x125xi32, #tpu.memory_space<vmem>>)
      tpu.yield
    }) : () -> ()
    "tpu.region"() ({
      %run_scoped3A = tpu.sem_alloc : memref<!tpu.dma_semaphore, #tpu.memory_space<semaphore_mem>>
      %dma_start3A_84 = arith.constant 0 : i32
      %dma_start3A_85 = arith.constant 0 : i32
      %dma_start3A_86 = tpu.memref_slice %arg4[%add3A, %dma_start3A_84, %dma_start3A_85] : memref<32x80x125xi32, #tpu.memory_space<hbm>> -> memref<1x40x125xi32, #tpu.memory_space<hbm>>
      %dma_start3A_87 = tpu.memref_squeeze %dma_start3A_86 : memref<1x40x125xi32, #tpu.memory_space<hbm>> -> memref<40x125xi32, #tpu.memory_space<hbm>>
      %dma_start3A_88 = arith.constant 0 : i32
      %dma_start3A_89 = arith.constant 0 : i32
      %dma_start3A_90 = tpu.memref_slice %arg4[%add3A, %dma_start3A_88, %dma_start3A_89] : memref<32x80x125xi32, #tpu.memory_space<hbm>> -> memref<1x40x125xi32, #tpu.memory_space<hbm>>
      %dma_start3A_91 = tpu.memref_squeeze %dma_start3A_90 : memref<1x40x125xi32, #tpu.memory_space<hbm>> -> memref<40x125xi32, #tpu.memory_space<hbm>>
      tpu.enqueue_dma source(%dma_start3A_91 : memref<40x125xi32, #tpu.memory_space<hbm>>) target(%arg7 : memref<40x125xi32, #tpu.memory_space<vmem>>) target_semaphore(%run_scoped3A : memref<!tpu.dma_semaphore, #tpu.memory_space<semaphore_mem>>)
      %dma_wait3A = arith.constant 0 : i32
      %dma_wait3A_92 = arith.constant 0 : i32
      %dma_wait3A_93 = tpu.memref_slice %arg4[%add3A, %dma_wait3A, %dma_wait3A_92] : memref<32x80x125xi32, #tpu.memory_space<hbm>> -> memref<1x40x125xi32, #tpu.memory_space<hbm>>
      %dma_wait3A_94 = tpu.memref_squeeze %dma_wait3A_93 : memref<1x40x125xi32, #tpu.memory_space<hbm>> -> memref<40x125xi32, #tpu.memory_space<hbm>>
      %dma_wait3A_95 = arith.constant 0 : i32
      %dma_wait3A_96 = arith.constant 0 : i32
      %dma_wait3A_97 = tpu.memref_slice %arg4[%add3A, %dma_wait3A_95, %dma_wait3A_96] : memref<32x80x125xi32, #tpu.memory_space<hbm>> -> memref<1x40x125xi32, #tpu.memory_space<hbm>>
      %dma_wait3A_98 = tpu.memref_squeeze %dma_wait3A_97 : memref<1x40x125xi32, #tpu.memory_space<hbm>> -> memref<40x125xi32, #tpu.memory_space<hbm>>
      tpu.wait_dma2 semaphore(%run_scoped3A : memref<!tpu.dma_semaphore, #tpu.memory_space<semaphore_mem>>) src(%dma_wait3A_98 : memref<40x125xi32, #tpu.memory_space<hbm>>) dst(%arg7 : memref<40x125xi32, #tpu.memory_space<vmem>>)
      tpu.yield
    }) : () -> ()
    %dma_start3A = arith.constant 0 : i32
    %dma_start3A_33 = arith.constant 0 : i32
    %dma_start3A_34 = tpu.memref_slice %arg6[%dma_start3A, %dma_start3A_33] : memref<40x125xi32, #tpu.memory_space<vmem>> -> memref<1x125xi32, #tpu.memory_space<vmem>>
    %dma_start3A_35 = tpu.memref_squeeze %dma_start3A_34 : memref<1x125xi32, #tpu.memory_space<vmem>> -> memref<125xi32, #tpu.memory_space<vmem>>
    %dma_start3A_36 = arith.constant 0 : i32
    %dma_start3A_37 = arith.constant 0 : i32
    %dma_start3A_38 = tpu.memref_slice %arg2[%dma_start3A_36, %dma_start3A_37] : memref<10000x128xf32, #tpu.memory_space<hbm>> -> memref<10000x128xf32, #tpu.memory_space<hbm>>
    tpu.enqueue_indirect_dma source(%dma_start3A_38 : memref<10000x128xf32, #tpu.memory_space<hbm>>) target(%arg8 : memref<125x128xf32, #tpu.memory_space<vmem>>) offsets(%dma_start3A_35 : memref<125xi32, #tpu.memory_space<vmem>>) semaphore(%arg11 : memref<!tpu.dma_semaphore, #tpu.memory_space<semaphore_mem>>)
    %dma_start3A_39 = arith.constant 1 : i32
    %dma_start3A_40 = arith.constant 0 : i32
    %dma_start3A_41 = tpu.memref_slice %arg6[%dma_start3A_39, %dma_start3A_40] : memref<40x125xi32, #tpu.memory_space<vmem>> -> memref<1x125xi32, #tpu.memory_space<vmem>>
    %dma_start3A_42 = tpu.memref_squeeze %dma_start3A_41 : memref<1x125xi32, #tpu.memory_space<vmem>> -> memref<125xi32, #tpu.memory_space<vmem>>
    %dma_start3A_43 = arith.constant 0 : i32
    %dma_start3A_44 = arith.constant 0 : i32
    %dma_start3A_45 = tpu.memref_slice %arg2[%dma_start3A_43, %dma_start3A_44] : memref<10000x128xf32, #tpu.memory_space<hbm>> -> memref<10000x128xf32, #tpu.memory_space<hbm>>
    tpu.enqueue_indirect_dma source(%dma_start3A_45 : memref<10000x128xf32, #tpu.memory_space<hbm>>) target(%arg9 : memref<125x128xf32, #tpu.memory_space<vmem>>) offsets(%dma_start3A_42 : memref<125xi32, #tpu.memory_space<vmem>>) semaphore(%arg12 : memref<!tpu.dma_semaphore, #tpu.memory_space<semaphore_mem>>)
    %scan3A_46 = arith.constant 0 : i32
    %scan3A_47 = arith.constant 0 : i32
    %scan3A_48 = arith.constant 20 : i32
    %scan3A_49 = arith.addi %scan3A_47, %scan3A_48 : i32
    %scan3A_50 = arith.constant 1 : i32
    %scan3A_51 = scf.for %scan3A_84 = %scan3A_47 to %scan3A_49 step %scan3A_50 iter_args(%scan3A_85 = %scan3A_46) -> (i32)  : i32 {
      %mul3A_86 = arith.constant 2 : i32
      %mul3A_87 = arith.muli %mul3A_86, %scan3A_84 : i32
      %dma_wait3A = arith.constant 0 : i32
      %dma_wait3A_88 = arith.constant 0 : i32
      %dma_wait3A_89 = tpu.memref_slice %arg6[%dma_wait3A, %dma_wait3A_88] : memref<40x125xi32, #tpu.memory_space<vmem>> -> memref<1x125xi32, #tpu.memory_space<vmem>>
      %dma_wait3A_90 = tpu.memref_squeeze %dma_wait3A_89 : memref<1x125xi32, #tpu.memory_space<vmem>> -> memref<125xi32, #tpu.memory_space<vmem>>
      %dma_wait3A_91 = arith.constant 0 : i32
      %dma_wait3A_92 = arith.constant 0 : i32
      %dma_wait3A_93 = tpu.memref_slice %arg2[%dma_wait3A_91, %dma_wait3A_92] : memref<10000x128xf32, #tpu.memory_space<hbm>> -> memref<10000x128xf32, #tpu.memory_space<hbm>>
      tpu.wait_indirect_dma semaphore(%arg11 : memref<!tpu.dma_semaphore, #tpu.memory_space<semaphore_mem>>) src(%dma_wait3A_93 : memref<10000x128xf32, #tpu.memory_space<hbm>>) dst(%arg8 : memref<125x128xf32, #tpu.memory_space<vmem>>)
      %add3A_94 = arith.constant 0 : i32
      %add3A_95 = arith.addi %mul3A_87, %add3A_94 : i32
      "tpu.region"() ({
        %run_scoped3A = tpu.sem_alloc : memref<!tpu.dma_semaphore, #tpu.memory_space<semaphore_mem>>
        %dma_start3A_123 = arith.constant 0 : i32
        %dma_start3A_124 = tpu.memref_slice %arg7[%add3A_95, %dma_start3A_123] : memref<40x125xi32, #tpu.memory_space<vmem>> -> memref<1x125xi32, #tpu.memory_space<vmem>>
        %dma_start3A_125 = tpu.memref_squeeze %dma_start3A_124 : memref<1x125xi32, #tpu.memory_space<vmem>> -> memref<125xi32, #tpu.memory_space<vmem>>
        %dma_start3A_126 = arith.constant 0 : i32
        %dma_start3A_127 = arith.constant 0 : i32
        %dma_start3A_128 = tpu.memref_slice %arg10[%dma_start3A_126, %dma_start3A_127] : memref<10000x128xf32, #tpu.memory_space<vmem_shared>> -> memref<10000x128xf32, #tpu.memory_space<vmem_shared>>
        tpu.enqueue_indirect_dma source(%arg8 : memref<125x128xf32, #tpu.memory_space<vmem>>) target(%dma_start3A_128 : memref<10000x128xf32, #tpu.memory_space<vmem_shared>>) offsets(%dma_start3A_125 : memref<125xi32, #tpu.memory_space<vmem>>) semaphore(%run_scoped3A : memref<!tpu.dma_semaphore, #tpu.memory_space<semaphore_mem>>) {add = true}
        %dma_wait3A_129 = arith.constant 0 : i32
        %dma_wait3A_130 = tpu.memref_slice %arg7[%add3A_95, %dma_wait3A_129] : memref<40x125xi32, #tpu.memory_space<vmem>> -> memref<1x125xi32, #tpu.memory_space<vmem>>
        %dma_wait3A_131 = tpu.memref_squeeze %dma_wait3A_130 : memref<1x125xi32, #tpu.memory_space<vmem>> -> memref<125xi32, #tpu.memory_space<vmem>>
        %dma_wait3A_132 = arith.constant 0 : i32
        %dma_wait3A_133 = arith.constant 0 : i32
        %dma_wait3A_134 = tpu.memref_slice %arg10[%dma_wait3A_132, %dma_wait3A_133] : memref<10000x128xf32, #tpu.memory_space<vmem_shared>> -> memref<10000x128xf32, #tpu.memory_space<vmem_shared>>
        tpu.wait_indirect_dma semaphore(%run_scoped3A : memref<!tpu.dma_semaphore, #tpu.memory_space<semaphore_mem>>) src(%arg8 : memref<125x128xf32, #tpu.memory_space<vmem>>) dst(%dma_wait3A_134 : memref<10000x128xf32, #tpu.memory_space<vmem_shared>>)
        tpu.yield
      }) : () -> ()
      %add3A_96 = arith.constant 0 : i32
      %add3A_97 = arith.addi %mul3A_87, %add3A_96 : i32
      %add3A_98 = arith.constant 2 : i32
      %add3A_99 = arith.addi %add3A_97, %add3A_98 : i32
      %lt3A = arith.constant 40 : i32
      %lt3A_100 = arith.cmpi slt, %add3A_99, %lt3A : i32
      %convert_element_type3A_101 = arith.extui %lt3A_100 : i1 to i32
      %cond3A_102 = arith.constant 0 : i32
      %cond3A_103 = arith.cmpi ne, %convert_element_type3A_101, %cond3A_102 : i32
      scf.if %cond3A_103 {
        %add3A_123 = arith.constant 0 : i32
        %add3A_124 = arith.addi %mul3A_87, %add3A_123 : i32
        %add3A_125 = arith.constant 2 : i32
        %add3A_126 = arith.addi %add3A_124, %add3A_125 : i32
        %dma_start3A_127 = arith.constant 0 : i32
        %dma_start3A_128 = tpu.memref_slice %arg6[%add3A_126, %dma_start3A_127] : memref<40x125xi32, #tpu.memory_space<vmem>> -> memref<1x125xi32, #tpu.memory_space<vmem>>
        %dma_start3A_129 = tpu.memref_squeeze %dma_start3A_128 : memref<1x125xi32, #tpu.memory_space<vmem>> -> memref<125xi32, #tpu.memory_space<vmem>>
        %dma_start3A_130 = arith.constant 0 : i32
        %dma_start3A_131 = arith.constant 0 : i32
        %dma_start3A_132 = tpu.memref_slice %arg2[%dma_start3A_130, %dma_start3A_131] : memref<10000x128xf32, #tpu.memory_space<hbm>> -> memref<10000x128xf32, #tpu.memory_space<hbm>>
        tpu.enqueue_indirect_dma source(%dma_start3A_132 : memref<10000x128xf32, #tpu.memory_space<hbm>>) target(%arg8 : memref<125x128xf32, #tpu.memory_space<vmem>>) offsets(%dma_start3A_129 : memref<125xi32, #tpu.memory_space<vmem>>) semaphore(%arg11 : memref<!tpu.dma_semaphore, #tpu.memory_space<semaphore_mem>>)
      } else {
      }
      %dma_wait3A_104 = arith.constant 0 : i32
      %dma_wait3A_105 = arith.constant 0 : i32
      %dma_wait3A_106 = tpu.memref_slice %arg6[%dma_wait3A_104, %dma_wait3A_105] : memref<40x125xi32, #tpu.memory_space<vmem>> -> memref<1x125xi32, #tpu.memory_space<vmem>>
      %dma_wait3A_107 = tpu.memref_squeeze %dma_wait3A_106 : memref<1x125xi32, #tpu.memory_space<vmem>> -> memref<125xi32, #tpu.memory_space<vmem>>
      %dma_wait3A_108 = arith.constant 0 : i32
      %dma_wait3A_109 = arith.constant 0 : i32
      %dma_wait3A_110 = tpu.memref_slice %arg2[%dma_wait3A_108, %dma_wait3A_109] : memref<10000x128xf32, #tpu.memory_space<hbm>> -> memref<10000x128xf32, #tpu.memory_space<hbm>>
      tpu.wait_indirect_dma semaphore(%arg12 : memref<!tpu.dma_semaphore, #tpu.memory_space<semaphore_mem>>) src(%dma_wait3A_110 : memref<10000x128xf32, #tpu.memory_space<hbm>>) dst(%arg9 : memref<125x128xf32, #tpu.memory_space<vmem>>)
      %add3A_111 = arith.constant 1 : i32
      %add3A_112 = arith.addi %mul3A_87, %add3A_111 : i32
      "tpu.region"() ({
        %run_scoped3A = tpu.sem_alloc : memref<!tpu.dma_semaphore, #tpu.memory_space<semaphore_mem>>
        %dma_start3A_123 = arith.constant 0 : i32
        %dma_start3A_124 = tpu.memref_slice %arg7[%add3A_112, %dma_start3A_123] : memref<40x125xi32, #tpu.memory_space<vmem>> -> memref<1x125xi32, #tpu.memory_space<vmem>>
        %dma_start3A_125 = tpu.memref_squeeze %dma_start3A_124 : memref<1x125xi32, #tpu.memory_space<vmem>> -> memref<125xi32, #tpu.memory_space<vmem>>
        %dma_start3A_126 = arith.constant 0 : i32
        %dma_start3A_127 = arith.constant 0 : i32
        %dma_start3A_128 = tpu.memref_slice %arg10[%dma_start3A_126, %dma_start3A_127] : memref<10000x128xf32, #tpu.memory_space<vmem_shared>> -> memref<10000x128xf32, #tpu.memory_space<vmem_shared>>
        tpu.enqueue_indirect_dma source(%arg9 : memref<125x128xf32, #tpu.memory_space<vmem>>) target(%dma_start3A_128 : memref<10000x128xf32, #tpu.memory_space<vmem_shared>>) offsets(%dma_start3A_125 : memref<125xi32, #tpu.memory_space<vmem>>) semaphore(%run_scoped3A : memref<!tpu.dma_semaphore, #tpu.memory_space<semaphore_mem>>) {add = true}
        %dma_wait3A_129 = arith.constant 0 : i32
        %dma_wait3A_130 = tpu.memref_slice %arg7[%add3A_112, %dma_wait3A_129] : memref<40x125xi32, #tpu.memory_space<vmem>> -> memref<1x125xi32, #tpu.memory_space<vmem>>
        %dma_wait3A_131 = tpu.memref_squeeze %dma_wait3A_130 : memref<1x125xi32, #tpu.memory_space<vmem>> -> memref<125xi32, #tpu.memory_space<vmem>>
        %dma_wait3A_132 = arith.constant 0 : i32
        %dma_wait3A_133 = arith.constant 0 : i32
        %dma_wait3A_134 = tpu.memref_slice %arg10[%dma_wait3A_132, %dma_wait3A_133] : memref<10000x128xf32, #tpu.memory_space<vmem_shared>> -> memref<10000x128xf32, #tpu.memory_space<vmem_shared>>
        tpu.wait_indirect_dma semaphore(%run_scoped3A : memref<!tpu.dma_semaphore, #tpu.memory_space<semaphore_mem>>) src(%arg9 : memref<125x128xf32, #tpu.memory_space<vmem>>) dst(%dma_wait3A_134 : memref<10000x128xf32, #tpu.memory_space<vmem_shared>>)
        tpu.yield
      }) : () -> ()
      %add3A_113 = arith.constant 1 : i32
      %add3A_114 = arith.addi %mul3A_87, %add3A_113 : i32
      %add3A_115 = arith.constant 2 : i32
      %add3A_116 = arith.addi %add3A_114, %add3A_115 : i32
      %lt3A_117 = arith.constant 40 : i32
      %lt3A_118 = arith.cmpi slt, %add3A_116, %lt3A_117 : i32
      %convert_element_type3A_119 = arith.extui %lt3A_118 : i1 to i32
      %cond3A_120 = arith.constant 0 : i32
      %cond3A_121 = arith.cmpi ne, %convert_element_type3A_119, %cond3A_120 : i32
      scf.if %cond3A_121 {
        %add3A_123 = arith.constant 1 : i32
        %add3A_124 = arith.addi %mul3A_87, %add3A_123 : i32
        %add3A_125 = arith.constant 2 : i32
        %add3A_126 = arith.addi %add3A_124, %add3A_125 : i32
        %dma_start3A_127 = arith.constant 0 : i32
        %dma_start3A_128 = tpu.memref_slice %arg6[%add3A_126, %dma_start3A_127] : memref<40x125xi32, #tpu.memory_space<vmem>> -> memref<1x125xi32, #tpu.memory_space<vmem>>
        %dma_start3A_129 = tpu.memref_squeeze %dma_start3A_128 : memref<1x125xi32, #tpu.memory_space<vmem>> -> memref<125xi32, #tpu.memory_space<vmem>>
        %dma_start3A_130 = arith.constant 0 : i32
        %dma_start3A_131 = arith.constant 0 : i32
        %dma_start3A_132 = tpu.memref_slice %arg2[%dma_start3A_130, %dma_start3A_131] : memref<10000x128xf32, #tpu.memory_space<hbm>> -> memref<10000x128xf32, #tpu.memory_space<hbm>>
        tpu.enqueue_indirect_dma source(%dma_start3A_132 : memref<10000x128xf32, #tpu.memory_space<hbm>>) target(%arg9 : memref<125x128xf32, #tpu.memory_space<vmem>>) offsets(%dma_start3A_129 : memref<125xi32, #tpu.memory_space<vmem>>) semaphore(%arg12 : memref<!tpu.dma_semaphore, #tpu.memory_space<semaphore_mem>>)
      } else {
      }
      %scan3A_122 = arith.constant 0 : i32
      scf.yield %scan3A_122 : i32
    }
    %scan3A_52 = arith.constant 20 : i32
    "tpu.region"() ({
      %run_scoped3A = tpu.sem_alloc : memref<!tpu.dma_semaphore, #tpu.memory_space<semaphore_mem>>
      %dma_start3A_84 = arith.constant 40 : i32
      %dma_start3A_85 = arith.constant 0 : i32
      %dma_start3A_86 = tpu.memref_slice %arg3[%add3A, %dma_start3A_84, %dma_start3A_85] : memref<32x80x125xi32, #tpu.memory_space<hbm>> -> memref<1x40x125xi32, #tpu.memory_space<hbm>>
      %dma_start3A_87 = tpu.memref_squeeze %dma_start3A_86 : memref<1x40x125xi32, #tpu.memory_space<hbm>> -> memref<40x125xi32, #tpu.memory_space<hbm>>
      %dma_start3A_88 = arith.constant 40 : i32
      %dma_start3A_89 = arith.constant 0 : i32
      %dma_start3A_90 = tpu.memref_slice %arg3[%add3A, %dma_start3A_88, %dma_start3A_89] : memref<32x80x125xi32, #tpu.memory_space<hbm>> -> memref<1x40x125xi32, #tpu.memory_space<hbm>>
      %dma_start3A_91 = tpu.memref_squeeze %dma_start3A_90 : memref<1x40x125xi32, #tpu.memory_space<hbm>> -> memref<40x125xi32, #tpu.memory_space<hbm>>
      tpu.enqueue_dma source(%dma_start3A_91 : memref<40x125xi32, #tpu.memory_space<hbm>>) target(%arg6 : memref<40x125xi32, #tpu.memory_space<vmem>>) target_semaphore(%run_scoped3A : memref<!tpu.dma_semaphore, #tpu.memory_space<semaphore_mem>>)
      %dma_wait3A = arith.constant 40 : i32
      %dma_wait3A_92 = arith.constant 0 : i32
      %dma_wait3A_93 = tpu.memref_slice %arg3[%add3A, %dma_wait3A, %dma_wait3A_92] : memref<32x80x125xi32, #tpu.memory_space<hbm>> -> memref<1x40x125xi32, #tpu.memory_space<hbm>>
      %dma_wait3A_94 = tpu.memref_squeeze %dma_wait3A_93 : memref<1x40x125xi32, #tpu.memory_space<hbm>> -> memref<40x125xi32, #tpu.memory_space<hbm>>
      %dma_wait3A_95 = arith.constant 40 : i32
      %dma_wait3A_96 = arith.constant 0 : i32
      %dma_wait3A_97 = tpu.memref_slice %arg3[%add3A, %dma_wait3A_95, %dma_wait3A_96] : memref<32x80x125xi32, #tpu.memory_space<hbm>> -> memref<1x40x125xi32, #tpu.memory_space<hbm>>
      %dma_wait3A_98 = tpu.memref_squeeze %dma_wait3A_97 : memref<1x40x125xi32, #tpu.memory_space<hbm>> -> memref<40x125xi32, #tpu.memory_space<hbm>>
      tpu.wait_dma2 semaphore(%run_scoped3A : memref<!tpu.dma_semaphore, #tpu.memory_space<semaphore_mem>>) src(%dma_wait3A_98 : memref<40x125xi32, #tpu.memory_space<hbm>>) dst(%arg6 : memref<40x125xi32, #tpu.memory_space<vmem>>)
      tpu.yield
    }) : () -> ()
    "tpu.region"() ({
      %run_scoped3A = tpu.sem_alloc : memref<!tpu.dma_semaphore, #tpu.memory_space<semaphore_mem>>
      %dma_start3A_84 = arith.constant 40 : i32
      %dma_start3A_85 = arith.constant 0 : i32
      %dma_start3A_86 = tpu.memref_slice %arg4[%add3A, %dma_start3A_84, %dma_start3A_85] : memref<32x80x125xi32, #tpu.memory_space<hbm>> -> memref<1x40x125xi32, #tpu.memory_space<hbm>>
      %dma_start3A_87 = tpu.memref_squeeze %dma_start3A_86 : memref<1x40x125xi32, #tpu.memory_space<hbm>> -> memref<40x125xi32, #tpu.memory_space<hbm>>
      %dma_start3A_88 = arith.constant 40 : i32
      %dma_start3A_89 = arith.constant 0 : i32
      %dma_start3A_90 = tpu.memref_slice %arg4[%add3A, %dma_start3A_88, %dma_start3A_89] : memref<32x80x125xi32, #tpu.memory_space<hbm>> -> memref<1x40x125xi32, #tpu.memory_space<hbm>>
      %dma_start3A_91 = tpu.memref_squeeze %dma_start3A_90 : memref<1x40x125xi32, #tpu.memory_space<hbm>> -> memref<40x125xi32, #tpu.memory_space<hbm>>
      tpu.enqueue_dma source(%dma_start3A_91 : memref<40x125xi32, #tpu.memory_space<hbm>>) target(%arg7 : memref<40x125xi32, #tpu.memory_space<vmem>>) target_semaphore(%run_scoped3A : memref<!tpu.dma_semaphore, #tpu.memory_space<semaphore_mem>>)
      %dma_wait3A = arith.constant 40 : i32
      %dma_wait3A_92 = arith.constant 0 : i32
      %dma_wait3A_93 = tpu.memref_slice %arg4[%add3A, %dma_wait3A, %dma_wait3A_92] : memref<32x80x125xi32, #tpu.memory_space<hbm>> -> memref<1x40x125xi32, #tpu.memory_space<hbm>>
      %dma_wait3A_94 = tpu.memref_squeeze %dma_wait3A_93 : memref<1x40x125xi32, #tpu.memory_space<hbm>> -> memref<40x125xi32, #tpu.memory_space<hbm>>
      %dma_wait3A_95 = arith.constant 40 : i32
      %dma_wait3A_96 = arith.constant 0 : i32
      %dma_wait3A_97 = tpu.memref_slice %arg4[%add3A, %dma_wait3A_95, %dma_wait3A_96] : memref<32x80x125xi32, #tpu.memory_space<hbm>> -> memref<1x40x125xi32, #tpu.memory_space<hbm>>
      %dma_wait3A_98 = tpu.memref_squeeze %dma_wait3A_97 : memref<1x40x125xi32, #tpu.memory_space<hbm>> -> memref<40x125xi32, #tpu.memory_space<hbm>>
      tpu.wait_dma2 semaphore(%run_scoped3A : memref<!tpu.dma_semaphore, #tpu.memory_space<semaphore_mem>>) src(%dma_wait3A_98 : memref<40x125xi32, #tpu.memory_space<hbm>>) dst(%arg7 : memref<40x125xi32, #tpu.memory_space<vmem>>)
      tpu.yield
    }) : () -> ()
    %dma_start3A_53 = arith.constant 0 : i32
    %dma_start3A_54 = arith.constant 0 : i32
    %dma_start3A_55 = tpu.memref_slice %arg6[%dma_start3A_53, %dma_start3A_54] : memref<40x125xi32, #tpu.memory_space<vmem>> -> memref<1x125xi32, #tpu.memory_space<vmem>>
    %dma_start3A_56 = tpu.memref_squeeze %dma_start3A_55 : memref<1x125xi32, #tpu.memory_space<vmem>> -> memref<125xi32, #tpu.memory_space<vmem>>
    %dma_start3A_57 = arith.constant 0 : i32
    %dma_start3A_58 = arith.constant 0 : i32
    %dma_start3A_59 = tpu.memref_slice %arg2[%dma_start3A_57, %dma_start3A_58] : memref<10000x128xf32, #tpu.memory_space<hbm>> -> memref<10000x128xf32, #tpu.memory_space<hbm>>
    tpu.enqueue_indirect_dma source(%dma_start3A_59 : memref<10000x128xf32, #tpu.memory_space<hbm>>) target(%arg8 : memref<125x128xf32, #tpu.memory_space<vmem>>) offsets(%dma_start3A_56 : memref<125xi32, #tpu.memory_space<vmem>>) semaphore(%arg11 : memref<!tpu.dma_semaphore, #tpu.memory_space<semaphore_mem>>)
    %dma_start3A_60 = arith.constant 1 : i32
    %dma_start3A_61 = arith.constant 0 : i32
    %dma_start3A_62 = tpu.memref_slice %arg6[%dma_start3A_60, %dma_start3A_61] : memref<40x125xi32, #tpu.memory_space<vmem>> -> memref<1x125xi32, #tpu.memory_space<vmem>>
    %dma_start3A_63 = tpu.memref_squeeze %dma_start3A_62 : memref<1x125xi32, #tpu.memory_space<vmem>> -> memref<125xi32, #tpu.memory_space<vmem>>
    %dma_start3A_64 = arith.constant 0 : i32
    %dma_start3A_65 = arith.constant 0 : i32
    %dma_start3A_66 = tpu.memref_slice %arg2[%dma_start3A_64, %dma_start3A_65] : memref<10000x128xf32, #tpu.memory_space<hbm>> -> memref<10000x128xf32, #tpu.memory_space<hbm>>
    tpu.enqueue_indirect_dma source(%dma_start3A_66 : memref<10000x128xf32, #tpu.memory_space<hbm>>) target(%arg9 : memref<125x128xf32, #tpu.memory_space<vmem>>) offsets(%dma_start3A_63 : memref<125xi32, #tpu.memory_space<vmem>>) semaphore(%arg12 : memref<!tpu.dma_semaphore, #tpu.memory_space<semaphore_mem>>)
    %scan3A_67 = arith.constant 0 : i32
    %scan3A_68 = arith.constant 0 : i32
    %scan3A_69 = arith.constant 20 : i32
    %scan3A_70 = arith.addi %scan3A_68, %scan3A_69 : i32
    %scan3A_71 = arith.constant 1 : i32
    %scan3A_72 = scf.for %scan3A_84 = %scan3A_68 to %scan3A_70 step %scan3A_71 iter_args(%scan3A_85 = %scan3A_67) -> (i32)  : i32 {
      %mul3A_86 = arith.constant 2 : i32
      %mul3A_87 = arith.muli %mul3A_86, %scan3A_84 : i32
      %dma_wait3A = arith.constant 0 : i32
      %dma_wait3A_88 = arith.constant 0 : i32
      %dma_wait3A_89 = tpu.memref_slice %arg6[%dma_wait3A, %dma_wait3A_88] : memref<40x125xi32, #tpu.memory_space<vmem>> -> memref<1x125xi32, #tpu.memory_space<vmem>>
      %dma_wait3A_90 = tpu.memref_squeeze %dma_wait3A_89 : memref<1x125xi32, #tpu.memory_space<vmem>> -> memref<125xi32, #tpu.memory_space<vmem>>
      %dma_wait3A_91 = arith.constant 0 : i32
      %dma_wait3A_92 = arith.constant 0 : i32
      %dma_wait3A_93 = tpu.memref_slice %arg2[%dma_wait3A_91, %dma_wait3A_92] : memref<10000x128xf32, #tpu.memory_space<hbm>> -> memref<10000x128xf32, #tpu.memory_space<hbm>>
      tpu.wait_indirect_dma semaphore(%arg11 : memref<!tpu.dma_semaphore, #tpu.memory_space<semaphore_mem>>) src(%dma_wait3A_93 : memref<10000x128xf32, #tpu.memory_space<hbm>>) dst(%arg8 : memref<125x128xf32, #tpu.memory_space<vmem>>)
      %add3A_94 = arith.constant 0 : i32
      %add3A_95 = arith.addi %mul3A_87, %add3A_94 : i32
      "tpu.region"() ({
        %run_scoped3A = tpu.sem_alloc : memref<!tpu.dma_semaphore, #tpu.memory_space<semaphore_mem>>
        %dma_start3A_123 = arith.constant 0 : i32
        %dma_start3A_124 = tpu.memref_slice %arg7[%add3A_95, %dma_start3A_123] : memref<40x125xi32, #tpu.memory_space<vmem>> -> memref<1x125xi32, #tpu.memory_space<vmem>>
        %dma_start3A_125 = tpu.memref_squeeze %dma_start3A_124 : memref<1x125xi32, #tpu.memory_space<vmem>> -> memref<125xi32, #tpu.memory_space<vmem>>
        %dma_start3A_126 = arith.constant 0 : i32
        %dma_start3A_127 = arith.constant 0 : i32
        %dma_start3A_128 = tpu.memref_slice %arg10[%dma_start3A_126, %dma_start3A_127] : memref<10000x128xf32, #tpu.memory_space<vmem_shared>> -> memref<10000x128xf32, #tpu.memory_space<vmem_shared>>
        tpu.enqueue_indirect_dma source(%arg8 : memref<125x128xf32, #tpu.memory_space<vmem>>) target(%dma_start3A_128 : memref<10000x128xf32, #tpu.memory_space<vmem_shared>>) offsets(%dma_start3A_125 : memref<125xi32, #tpu.memory_space<vmem>>) semaphore(%run_scoped3A : memref<!tpu.dma_semaphore, #tpu.memory_space<semaphore_mem>>) {add = true}
        %dma_wait3A_129 = arith.constant 0 : i32
        %dma_wait3A_130 = tpu.memref_slice %arg7[%add3A_95, %dma_wait3A_129] : memref<40x125xi32, #tpu.memory_space<vmem>> -> memref<1x125xi32, #tpu.memory_space<vmem>>
        %dma_wait3A_131 = tpu.memref_squeeze %dma_wait3A_130 : memref<1x125xi32, #tpu.memory_space<vmem>> -> memref<125xi32, #tpu.memory_space<vmem>>
        %dma_wait3A_132 = arith.constant 0 : i32
        %dma_wait3A_133 = arith.constant 0 : i32
        %dma_wait3A_134 = tpu.memref_slice %arg10[%dma_wait3A_132, %dma_wait3A_133] : memref<10000x128xf32, #tpu.memory_space<vmem_shared>> -> memref<10000x128xf32, #tpu.memory_space<vmem_shared>>
        tpu.wait_indirect_dma semaphore(%run_scoped3A : memref<!tpu.dma_semaphore, #tpu.memory_space<semaphore_mem>>) src(%arg8 : memref<125x128xf32, #tpu.memory_space<vmem>>) dst(%dma_wait3A_134 : memref<10000x128xf32, #tpu.memory_space<vmem_shared>>)
        tpu.yield
      }) : () -> ()
      %add3A_96 = arith.constant 0 : i32
      %add3A_97 = arith.addi %mul3A_87, %add3A_96 : i32
      %add3A_98 = arith.constant 2 : i32
      %add3A_99 = arith.addi %add3A_97, %add3A_98 : i32
      %lt3A = arith.constant 40 : i32
      %lt3A_100 = arith.cmpi slt, %add3A_99, %lt3A : i32
      %convert_element_type3A_101 = arith.extui %lt3A_100 : i1 to i32
      %cond3A_102 = arith.constant 0 : i32
      %cond3A_103 = arith.cmpi ne, %convert_element_type3A_101, %cond3A_102 : i32
      scf.if %cond3A_103 {
        %add3A_123 = arith.constant 0 : i32
        %add3A_124 = arith.addi %mul3A_87, %add3A_123 : i32
        %add3A_125 = arith.constant 2 : i32
        %add3A_126 = arith.addi %add3A_124, %add3A_125 : i32
        %dma_start3A_127 = arith.constant 0 : i32
        %dma_start3A_128 = tpu.memref_slice %arg6[%add3A_126, %dma_start3A_127] : memref<40x125xi32, #tpu.memory_space<vmem>> -> memref<1x125xi32, #tpu.memory_space<vmem>>
        %dma_start3A_129 = tpu.memref_squeeze %dma_start3A_128 : memref<1x125xi32, #tpu.memory_space<vmem>> -> memref<125xi32, #tpu.memory_space<vmem>>
        %dma_start3A_130 = arith.constant 0 : i32
        %dma_start3A_131 = arith.constant 0 : i32
        %dma_start3A_132 = tpu.memref_slice %arg2[%dma_start3A_130, %dma_start3A_131] : memref<10000x128xf32, #tpu.memory_space<hbm>> -> memref<10000x128xf32, #tpu.memory_space<hbm>>
        tpu.enqueue_indirect_dma source(%dma_start3A_132 : memref<10000x128xf32, #tpu.memory_space<hbm>>) target(%arg8 : memref<125x128xf32, #tpu.memory_space<vmem>>) offsets(%dma_start3A_129 : memref<125xi32, #tpu.memory_space<vmem>>) semaphore(%arg11 : memref<!tpu.dma_semaphore, #tpu.memory_space<semaphore_mem>>)
      } else {
      }
      %dma_wait3A_104 = arith.constant 0 : i32
      %dma_wait3A_105 = arith.constant 0 : i32
      %dma_wait3A_106 = tpu.memref_slice %arg6[%dma_wait3A_104, %dma_wait3A_105] : memref<40x125xi32, #tpu.memory_space<vmem>> -> memref<1x125xi32, #tpu.memory_space<vmem>>
      %dma_wait3A_107 = tpu.memref_squeeze %dma_wait3A_106 : memref<1x125xi32, #tpu.memory_space<vmem>> -> memref<125xi32, #tpu.memory_space<vmem>>
      %dma_wait3A_108 = arith.constant 0 : i32
      %dma_wait3A_109 = arith.constant 0 : i32
      %dma_wait3A_110 = tpu.memref_slice %arg2[%dma_wait3A_108, %dma_wait3A_109] : memref<10000x128xf32, #tpu.memory_space<hbm>> -> memref<10000x128xf32, #tpu.memory_space<hbm>>
      tpu.wait_indirect_dma semaphore(%arg12 : memref<!tpu.dma_semaphore, #tpu.memory_space<semaphore_mem>>) src(%dma_wait3A_110 : memref<10000x128xf32, #tpu.memory_space<hbm>>) dst(%arg9 : memref<125x128xf32, #tpu.memory_space<vmem>>)
      %add3A_111 = arith.constant 1 : i32
      %add3A_112 = arith.addi %mul3A_87, %add3A_111 : i32
      "tpu.region"() ({
        %run_scoped3A = tpu.sem_alloc : memref<!tpu.dma_semaphore, #tpu.memory_space<semaphore_mem>>
        %dma_start3A_123 = arith.constant 0 : i32
        %dma_start3A_124 = tpu.memref_slice %arg7[%add3A_112, %dma_start3A_123] : memref<40x125xi32, #tpu.memory_space<vmem>> -> memref<1x125xi32, #tpu.memory_space<vmem>>
        %dma_start3A_125 = tpu.memref_squeeze %dma_start3A_124 : memref<1x125xi32, #tpu.memory_space<vmem>> -> memref<125xi32, #tpu.memory_space<vmem>>
        %dma_start3A_126 = arith.constant 0 : i32
        %dma_start3A_127 = arith.constant 0 : i32
        %dma_start3A_128 = tpu.memref_slice %arg10[%dma_start3A_126, %dma_start3A_127] : memref<10000x128xf32, #tpu.memory_space<vmem_shared>> -> memref<10000x128xf32, #tpu.memory_space<vmem_shared>>
        tpu.enqueue_indirect_dma source(%arg9 : memref<125x128xf32, #tpu.memory_space<vmem>>) target(%dma_start3A_128 : memref<10000x128xf32, #tpu.memory_space<vmem_shared>>) offsets(%dma_start3A_125 : memref<125xi32, #tpu.memory_space<vmem>>) semaphore(%run_scoped3A : memref<!tpu.dma_semaphore, #tpu.memory_space<semaphore_mem>>) {add = true}
        %dma_wait3A_129 = arith.constant 0 : i32
        %dma_wait3A_130 = tpu.memref_slice %arg7[%add3A_112, %dma_wait3A_129] : memref<40x125xi32, #tpu.memory_space<vmem>> -> memref<1x125xi32, #tpu.memory_space<vmem>>
        %dma_wait3A_131 = tpu.memref_squeeze %dma_wait3A_130 : memref<1x125xi32, #tpu.memory_space<vmem>> -> memref<125xi32, #tpu.memory_space<vmem>>
        %dma_wait3A_132 = arith.constant 0 : i32
        %dma_wait3A_133 = arith.constant 0 : i32
        %dma_wait3A_134 = tpu.memref_slice %arg10[%dma_wait3A_132, %dma_wait3A_133] : memref<10000x128xf32, #tpu.memory_space<vmem_shared>> -> memref<10000x128xf32, #tpu.memory_space<vmem_shared>>
        tpu.wait_indirect_dma semaphore(%run_scoped3A : memref<!tpu.dma_semaphore, #tpu.memory_space<semaphore_mem>>) src(%arg9 : memref<125x128xf32, #tpu.memory_space<vmem>>) dst(%dma_wait3A_134 : memref<10000x128xf32, #tpu.memory_space<vmem_shared>>)
        tpu.yield
      }) : () -> ()
      %add3A_113 = arith.constant 1 : i32
      %add3A_114 = arith.addi %mul3A_87, %add3A_113 : i32
      %add3A_115 = arith.constant 2 : i32
      %add3A_116 = arith.addi %add3A_114, %add3A_115 : i32
      %lt3A_117 = arith.constant 40 : i32
      %lt3A_118 = arith.cmpi slt, %add3A_116, %lt3A_117 : i32
      %convert_element_type3A_119 = arith.extui %lt3A_118 : i1 to i32
      %cond3A_120 = arith.constant 0 : i32
      %cond3A_121 = arith.cmpi ne, %convert_element_type3A_119, %cond3A_120 : i32
      scf.if %cond3A_121 {
        %add3A_123 = arith.constant 1 : i32
        %add3A_124 = arith.addi %mul3A_87, %add3A_123 : i32
        %add3A_125 = arith.constant 2 : i32
        %add3A_126 = arith.addi %add3A_124, %add3A_125 : i32
        %dma_start3A_127 = arith.constant 0 : i32
        %dma_start3A_128 = tpu.memref_slice %arg6[%add3A_126, %dma_start3A_127] : memref<40x125xi32, #tpu.memory_space<vmem>> -> memref<1x125xi32, #tpu.memory_space<vmem>>
        %dma_start3A_129 = tpu.memref_squeeze %dma_start3A_128 : memref<1x125xi32, #tpu.memory_space<vmem>> -> memref<125xi32, #tpu.memory_space<vmem>>
        %dma_start3A_130 = arith.constant 0 : i32
        %dma_start3A_131 = arith.constant 0 : i32
        %dma_start3A_132 = tpu.memref_slice %arg2[%dma_start3A_130, %dma_start3A_131] : memref<10000x128xf32, #tpu.memory_space<hbm>> -> memref<10000x128xf32, #tpu.memory_space<hbm>>
        tpu.enqueue_indirect_dma source(%dma_start3A_132 : memref<10000x128xf32, #tpu.memory_space<hbm>>) target(%arg9 : memref<125x128xf32, #tpu.memory_space<vmem>>) offsets(%dma_start3A_129 : memref<125xi32, #tpu.memory_space<vmem>>) semaphore(%arg12 : memref<!tpu.dma_semaphore, #tpu.memory_space<semaphore_mem>>)
      } else {
      }
      %scan3A_122 = arith.constant 0 : i32
      scf.yield %scan3A_122 : i32
    }
    %scan3A_73 = arith.constant 20 : i32
    %barrier3A_74 = arith.constant 0 : index
    tpu.barrier barrier_id(%barrier3A_74)
    %mul3A_75 = arith.constant 624 : i32
    %mul3A_76 = arith.muli %arg1, %mul3A_75 : i32
    %mul3A_77 = arith.constant 624 : i32
    %mul3A_78 = arith.muli %arg1, %mul3A_77 : i32
    "tpu.region"() ({
      %run_scoped3A = tpu.sem_alloc : memref<!tpu.dma_semaphore, #tpu.memory_space<semaphore_mem>>
      %dma_start3A_84 = arith.constant 0 : i32
      %dma_start3A_85 = tpu.memref_slice %arg5[%arg0, %mul3A_78, %dma_start3A_84] : memref<2x10000x128xf32, #tpu.memory_space<hbm>> -> memref<1x624x128xf32, #tpu.memory_space<hbm>>
      %dma_start3A_86 = tpu.memref_squeeze %dma_start3A_85 : memref<1x624x128xf32, #tpu.memory_space<hbm>> -> memref<624x128xf32, #tpu.memory_space<hbm>>
      %dma_start3A_87 = arith.constant 0 : i32
      %dma_start3A_88 = tpu.memref_slice %arg10[%mul3A_76, %dma_start3A_87] : memref<10000x128xf32, #tpu.memory_space<vmem_shared>> -> memref<624x128xf32, #tpu.memory_space<vmem_shared>>
      tpu.enqueue_dma source(%dma_start3A_88 : memref<624x128xf32, #tpu.memory_space<vmem_shared>>) target(%dma_start3A_86 : memref<624x128xf32, #tpu.memory_space<hbm>>) target_semaphore(%run_scoped3A : memref<!tpu.dma_semaphore, #tpu.memory_space<semaphore_mem>>)
      %dma_wait3A = arith.constant 0 : i32
      %dma_wait3A_89 = tpu.memref_slice %arg5[%arg0, %mul3A_78, %dma_wait3A] : memref<2x10000x128xf32, #tpu.memory_space<hbm>> -> memref<1x624x128xf32, #tpu.memory_space<hbm>>
      %dma_wait3A_90 = tpu.memref_squeeze %dma_wait3A_89 : memref<1x624x128xf32, #tpu.memory_space<hbm>> -> memref<624x128xf32, #tpu.memory_space<hbm>>
      %dma_wait3A_91 = arith.constant 0 : i32
      %dma_wait3A_92 = tpu.memref_slice %arg10[%mul3A_76, %dma_wait3A_91] : memref<10000x128xf32, #tpu.memory_space<vmem_shared>> -> memref<624x128xf32, #tpu.memory_space<vmem_shared>>
      tpu.wait_dma2 semaphore(%run_scoped3A : memref<!tpu.dma_semaphore, #tpu.memory_space<semaphore_mem>>) src(%dma_wait3A_92 : memref<624x128xf32, #tpu.memory_space<vmem_shared>>) dst(%dma_wait3A_90 : memref<624x128xf32, #tpu.memory_space<hbm>>)
      tpu.yield
    }) : () -> ()
    %eq3A_79 = arith.constant 15 : i32
    %eq3A_80 = arith.cmpi eq, %arg1, %eq3A_79 : i32
    %convert_element_type3A_81 = arith.extui %eq3A_80 : i1 to i32
    %cond3A_82 = arith.constant 0 : i32
    %cond3A_83 = arith.cmpi ne, %convert_element_type3A_81, %cond3A_82 : i32
    scf.if %cond3A_83 {
      "tpu.region"() ({
        %run_scoped3A = tpu.sem_alloc : memref<!tpu.dma_semaphore, #tpu.memory_space<semaphore_mem>>
        %dma_start3A_84 = arith.constant 9984 : i32
        %dma_start3A_85 = arith.constant 0 : i32
        %dma_start3A_86 = tpu.memref_slice %arg5[%arg0, %dma_start3A_84, %dma_start3A_85] : memref<2x10000x128xf32, #tpu.memory_space<hbm>> -> memref<1x16x128xf32, #tpu.memory_space<hbm>>
        %dma_start3A_87 = tpu.memref_squeeze %dma_start3A_86 : memref<1x16x128xf32, #tpu.memory_space<hbm>> -> memref<16x128xf32, #tpu.memory_space<hbm>>
        %dma_start3A_88 = arith.constant 9984 : i32
        %dma_start3A_89 = arith.constant 0 : i32
        %dma_start3A_90 = tpu.memref_slice %arg10[%dma_start3A_88, %dma_start3A_89] : memref<10000x128xf32, #tpu.memory_space<vmem_shared>> -> memref<16x128xf32, #tpu.memory_space<vmem_shared>>
        tpu.enqueue_dma source(%dma_start3A_90 : memref<16x128xf32, #tpu.memory_space<vmem_shared>>) target(%dma_start3A_87 : memref<16x128xf32, #tpu.memory_space<hbm>>) target_semaphore(%run_scoped3A : memref<!tpu.dma_semaphore, #tpu.memory_space<semaphore_mem>>)
        %dma_wait3A = arith.constant 9984 : i32
        %dma_wait3A_91 = arith.constant 0 : i32
        %dma_wait3A_92 = tpu.memref_slice %arg5[%arg0, %dma_wait3A, %dma_wait3A_91] : memref<2x10000x128xf32, #tpu.memory_space<hbm>> -> memref<1x16x128xf32, #tpu.memory_space<hbm>>
        %dma_wait3A_93 = tpu.memref_squeeze %dma_wait3A_92 : memref<1x16x128xf32, #tpu.memory_space<hbm>> -> memref<16x128xf32, #tpu.memory_space<hbm>>
        %dma_wait3A_94 = arith.constant 9984 : i32
        %dma_wait3A_95 = arith.constant 0 : i32
        %dma_wait3A_96 = tpu.memref_slice %arg10[%dma_wait3A_94, %dma_wait3A_95] : memref<10000x128xf32, #tpu.memory_space<vmem_shared>> -> memref<16x128xf32, #tpu.memory_space<vmem_shared>>
        tpu.wait_dma2 semaphore(%run_scoped3A : memref<!tpu.dma_semaphore, #tpu.memory_space<semaphore_mem>>) src(%dma_wait3A_96 : memref<16x128xf32, #tpu.memory_space<vmem_shared>>) dst(%dma_wait3A_93 : memref<16x128xf32, #tpu.memory_space<hbm>>)
        tpu.yield
      }) : () -> ()
    } else {
    }
    return
  }
}

module attributes {stable_mosaic.version = 14 : i64} {
  func.func @_gin_layer_body(%arg0: i32, %arg1: i32, %arg2: memref<2000x128xf32, #tpu.memory_space<vmem>>, %arg3: memref<2000x128xf32, #tpu.memory_space<vmem>>, %arg4: memref<2000x128xf32, #tpu.memory_space<vmem>>, %arg5: memref<128x128xf32, #tpu.memory_space<vmem>>, %arg6: memref<1x128xf32, #tpu.memory_space<vmem>>, %arg7: memref<128x128xf32, #tpu.memory_space<vmem>>, %arg8: memref<1x128xf32, #tpu.memory_space<vmem>>, %arg9: memref<1x128xf32, #tpu.memory_space<vmem>>, %arg10: memref<1x128xf32, #tpu.memory_space<vmem>>, %arg11: memref<2000x128xf32, #tpu.memory_space<vmem>>, %arg12: memref<10000x128xf32, #tpu.memory_space<vmem>>, %arg13: memref<1x128xf32, #tpu.memory_space<vmem>>, %arg14: memref<1x128xf32, #tpu.memory_space<vmem>>) attributes {dimension_semantics = [#tpu.dimension_semantics<arbitrary>, #tpu.dimension_semantics<arbitrary>], iteration_bounds = array<i64: 2, 5>, scalar_prefetch = 0 : i64, scratch_operands = 3 : i64, tpu.core_type = #tpu.core_type<tc>, window_params = [{transform_indices = @transform_0, window_bounds = array<i64: 2000, 128>}, {transform_indices = @transform_1, window_bounds = array<i64: 2000, 128>}, {transform_indices = @transform_2, window_bounds = array<i64: 2000, 128>}, {pipeline_mode = #tpu.pipeline_mode<synchronous>, transform_indices = @transform_3, window_bounds = array<i64: 128, 128>}, {pipeline_mode = #tpu.pipeline_mode<synchronous>, transform_indices = @transform_4, window_bounds = array<i64: 1, 128>}, {pipeline_mode = #tpu.pipeline_mode<synchronous>, transform_indices = @transform_5, window_bounds = array<i64: 128, 128>}, {pipeline_mode = #tpu.pipeline_mode<synchronous>, transform_indices = @transform_6, window_bounds = array<i64: 1, 128>}, {pipeline_mode = #tpu.pipeline_mode<synchronous>, transform_indices = @transform_7, window_bounds = array<i64: 1, 128>}, {pipeline_mode = #tpu.pipeline_mode<synchronous>, transform_indices = @transform_8, window_bounds = array<i64: 1, 128>}, {transform_indices = @transform_9, window_bounds = array<i64: 2000, 128>}]} {
    %eq3A = arith.constant 0 : i32
    %eq3A_0 = arith.cmpi eq, %arg0, %eq3A : i32
    %convert_element_type3A = arith.extui %eq3A_0 : i1 to i32
    %cond3A = arith.constant 0 : i32
    %cond3A_1 = arith.cmpi ne, %convert_element_type3A, %cond3A : i32
    scf.if %cond3A_1 {
      %get3A = arith.constant 0 : index
      %get3A_7 = arith.constant 0 : index
      %get3A_8 = vector.load %arg2[%get3A, %get3A_7] : memref<2000x128xf32, #tpu.memory_space<vmem>>, vector<2000x128xf32>
      %get3A_9 = arith.constant 0 : index
      %get3A_10 = arith.constant 0 : index
      %get3A_11 = vector.load %arg3[%get3A_9, %get3A_10] : memref<2000x128xf32, #tpu.memory_space<vmem>>, vector<2000x128xf32>
      %add3A = arith.addf %get3A_8, %get3A_11 : vector<2000x128xf32>
      %get3A_12 = arith.constant 0 : index
      %get3A_13 = arith.constant 0 : index
      %get3A_14 = vector.load %arg4[%get3A_12, %get3A_13] : memref<2000x128xf32, #tpu.memory_space<vmem>>, vector<2000x128xf32>
      %add3A_15 = arith.addf %add3A, %get3A_14 : vector<2000x128xf32>
      %get3A_16 = arith.constant 0 : index
      %get3A_17 = arith.constant 0 : index
      %get3A_18 = vector.load %arg5[%get3A_16, %get3A_17] : memref<128x128xf32, #tpu.memory_space<vmem>>, vector<128x128xf32>
      %dot_general3A = arith.constant dense<0.000000e+00> : vector<2000x128xf32>
      %dot_general3A_19 = tpu.matmul %add3A_15, %get3A_18, %dot_general3A {dimension_numbers = #tpu.dot_dimension_numbers<[1], [0], [0], [1], [0, 0, 1, 1], [], []>, transpose_lhs_hint = false} : vector<2000x128xf32>, vector<128x128xf32>, vector<2000x128xf32> -> vector<2000x128xf32>
      %get3A_20 = arith.constant 0 : index
      %get3A_21 = arith.constant 0 : index
      %get3A_22 = vector.load %arg6[%get3A_20, %get3A_21] : memref<1x128xf32, #tpu.memory_space<vmem>>, vector<1x128xf32>
      %add3A_23 = vector.broadcast %get3A_22 : vector<1x128xf32> to vector<2000x128xf32>
      %add3A_24 = arith.addf %dot_general3A_19, %add3A_23 : vector<2000x128xf32>
      %max3A = arith.constant 0.000000e+00 : f32
      %max3A_25 = vector.broadcast %max3A : f32 to vector<2000x128xf32>
      %max3A_26 = arith.maximumf %add3A_24, %max3A_25 : vector<2000x128xf32>
      %get3A_27 = arith.constant 0 : index
      %get3A_28 = arith.constant 0 : index
      %get3A_29 = vector.load %arg7[%get3A_27, %get3A_28] : memref<128x128xf32, #tpu.memory_space<vmem>>, vector<128x128xf32>
      %dot_general3A_30 = arith.constant dense<0.000000e+00> : vector<2000x128xf32>
      %dot_general3A_31 = tpu.matmul %max3A_26, %get3A_29, %dot_general3A_30 {dimension_numbers = #tpu.dot_dimension_numbers<[1], [0], [0], [1], [0, 0, 1, 1], [], []>, transpose_lhs_hint = false} : vector<2000x128xf32>, vector<128x128xf32>, vector<2000x128xf32> -> vector<2000x128xf32>
      %get3A_32 = arith.constant 0 : index
      %get3A_33 = arith.constant 0 : index
      %get3A_34 = vector.load %arg8[%get3A_32, %get3A_33] : memref<1x128xf32, #tpu.memory_space<vmem>>, vector<1x128xf32>
      %add3A_35 = vector.broadcast %get3A_34 : vector<1x128xf32> to vector<2000x128xf32>
      %add3A_36 = arith.addf %dot_general3A_31, %add3A_35 : vector<2000x128xf32>
      %max3A_37 = arith.constant 0.000000e+00 : f32
      %max3A_38 = vector.broadcast %max3A_37 : f32 to vector<2000x128xf32>
      %max3A_39 = arith.maximumf %add3A_36, %max3A_38 : vector<2000x128xf32>
      %mul3A = arith.constant 2000 : i32
      %mul3A_40 = arith.muli %arg1, %mul3A : i32
      %swap3A = arith.index_cast %mul3A_40 : i32 to index
      %swap3A_41 = arith.constant 0 : index
      %swap3A_42 = vector.load %arg12[%swap3A, %swap3A_41] : memref<10000x128xf32, #tpu.memory_space<vmem>>, vector<2000x128xf32>
      tpu.vector_store %arg12[%swap3A, %swap3A_41], %max3A_39 {strides = array<i32>} : memref<10000x128xf32, #tpu.memory_space<vmem>>, vector<2000x128xf32>,
      %reduce_sum3A = arith.constant dense<0.000000e+00> : vector<128xf32>
      %reduce_sum3A_43 = vector.multi_reduction <add>, %max3A_39, %reduce_sum3A [0] : vector<2000x128xf32> to vector<128xf32>
      %broadcast_in_dim3A = vector.shape_cast %reduce_sum3A_43 : vector<128xf32> to vector<1x128xf32>
      %div3A = arith.constant 2.000000e+03 : f32
      %div3A_44 = vector.broadcast %div3A : f32 to vector<1x128xf32>
      %div3A_45 = arith.divf %broadcast_in_dim3A, %div3A_44 : vector<1x128xf32>
      %sub3A = vector.broadcast %div3A_45 : vector<1x128xf32> to vector<2000x128xf32>
      %sub3A_46 = arith.subf %max3A_39, %sub3A : vector<2000x128xf32>
      %sub3A_47 = vector.broadcast %div3A_45 : vector<1x128xf32> to vector<2000x128xf32>
      %sub3A_48 = arith.subf %max3A_39, %sub3A_47 : vector<2000x128xf32>
      %mul3A_49 = arith.mulf %sub3A_46, %sub3A_48 : vector<2000x128xf32>
      %reduce_sum3A_50 = arith.constant dense<0.000000e+00> : vector<128xf32>
      %reduce_sum3A_51 = vector.multi_reduction <add>, %mul3A_49, %reduce_sum3A_50 [0] : vector<2000x128xf32> to vector<128xf32>
      %broadcast_in_dim3A_52 = vector.shape_cast %reduce_sum3A_51 : vector<128xf32> to vector<1x128xf32>
      %eq3A_53 = arith.constant 0 : i32
      %eq3A_54 = arith.cmpi eq, %arg1, %eq3A_53 : i32
      %convert_element_type3A_55 = arith.extui %eq3A_54 : i1 to i32
      %cond3A_56 = arith.constant 0 : i32
      %cond3A_57 = arith.cmpi ne, %convert_element_type3A_55, %cond3A_56 : i32
      scf.if %cond3A_57 {
        %swap3A_62 = arith.constant 0 : index
        %swap3A_63 = arith.constant 0 : index
        %swap3A_64 = vector.load %arg13[%swap3A_62, %swap3A_63] : memref<1x128xf32, #tpu.memory_space<vmem>>, vector<1x128xf32>
        tpu.vector_store %arg13[%swap3A_62, %swap3A_63], %div3A_45 {strides = array<i32>} : memref<1x128xf32, #tpu.memory_space<vmem>>, vector<1x128xf32>,
        %swap3A_65 = arith.constant 0 : index
        %swap3A_66 = arith.constant 0 : index
        %swap3A_67 = vector.load %arg14[%swap3A_65, %swap3A_66] : memref<1x128xf32, #tpu.memory_space<vmem>>, vector<1x128xf32>
        tpu.vector_store %arg14[%swap3A_65, %swap3A_66], %broadcast_in_dim3A_52 {strides = array<i32>} : memref<1x128xf32, #tpu.memory_space<vmem>>, vector<1x128xf32>,
      } else {
      }
      %gt3A = arith.constant 0 : i32
      %gt3A_58 = arith.cmpi sgt, %arg1, %gt3A : i32
      %convert_element_type3A_59 = arith.extui %gt3A_58 : i1 to i32
      %cond3A_60 = arith.constant 0 : i32
      %cond3A_61 = arith.cmpi ne, %convert_element_type3A_59, %cond3A_60 : i32
      scf.if %cond3A_61 {
        %convert_element_type3A_62 = arith.sitofp %arg1 : i32 to f32
        %mul3A_63 = arith.constant 2.000000e+03 : f32
        %mul3A_64 = arith.mulf %convert_element_type3A_62, %mul3A_63 : f32
        %add3A_65 = arith.constant 2.000000e+03 : f32
        %add3A_66 = arith.addf %mul3A_64, %add3A_65 : f32
        %get3A_67 = arith.constant 0 : index
        %get3A_68 = arith.constant 0 : index
        %get3A_69 = vector.load %arg13[%get3A_67, %get3A_68] : memref<1x128xf32, #tpu.memory_space<vmem>>, vector<1x128xf32>
        %sub3A_70 = arith.subf %div3A_45, %get3A_69 : vector<1x128xf32>
        %get3A_71 = arith.constant 0 : index
        %get3A_72 = arith.constant 0 : index
        %get3A_73 = vector.load %arg13[%get3A_71, %get3A_72] : memref<1x128xf32, #tpu.memory_space<vmem>>, vector<1x128xf32>
        %div3A_74 = arith.constant 2.000000e+03 : f32
        %div3A_75 = arith.divf %div3A_74, %add3A_66 : f32
        %mul3A_76 = vector.broadcast %div3A_75 : f32 to vector<1x128xf32>
        %mul3A_77 = arith.mulf %sub3A_70, %mul3A_76 : vector<1x128xf32>
        %add3A_78 = arith.addf %get3A_73, %mul3A_77 : vector<1x128xf32>
        %swap3A_79 = arith.constant 0 : index
        %swap3A_80 = arith.constant 0 : index
        %swap3A_81 = vector.load %arg13[%swap3A_79, %swap3A_80] : memref<1x128xf32, #tpu.memory_space<vmem>>, vector<1x128xf32>
        tpu.vector_store %arg13[%swap3A_79, %swap3A_80], %add3A_78 {strides = array<i32>} : memref<1x128xf32, #tpu.memory_space<vmem>>, vector<1x128xf32>,
        %get3A_82 = arith.constant 0 : index
        %get3A_83 = arith.constant 0 : index
        %get3A_84 = vector.load %arg14[%get3A_82, %get3A_83] : memref<1x128xf32, #tpu.memory_space<vmem>>, vector<1x128xf32>
        %mul3A_85 = arith.mulf %sub3A_70, %sub3A_70 : vector<1x128xf32>
        %mul3A_86 = arith.constant 2.000000e+03 : f32
        %mul3A_87 = arith.mulf %mul3A_64, %mul3A_86 : f32
        %div3A_88 = arith.divf %mul3A_87, %add3A_66 : f32
        %mul3A_89 = vector.broadcast %div3A_88 : f32 to vector<1x128xf32>
        %mul3A_90 = arith.mulf %mul3A_85, %mul3A_89 : vector<1x128xf32>
        %add3A_91 = arith.addf %broadcast_in_dim3A_52, %mul3A_90 : vector<1x128xf32>
        %add3A_92 = arith.addf %get3A_84, %add3A_91 : vector<1x128xf32>
        %swap3A_93 = arith.constant 0 : index
        %swap3A_94 = arith.constant 0 : index
        %swap3A_95 = vector.load %arg14[%swap3A_93, %swap3A_94] : memref<1x128xf32, #tpu.memory_space<vmem>>, vector<1x128xf32>
        tpu.vector_store %arg14[%swap3A_93, %swap3A_94], %add3A_92 {strides = array<i32>} : memref<1x128xf32, #tpu.memory_space<vmem>>, vector<1x128xf32>,
      } else {
      }
    } else {
    }
    %eq3A_2 = arith.constant 1 : i32
    %eq3A_3 = arith.cmpi eq, %arg0, %eq3A_2 : i32
    %convert_element_type3A_4 = arith.extui %eq3A_3 : i1 to i32
    %cond3A_5 = arith.constant 0 : i32
    %cond3A_6 = arith.cmpi ne, %convert_element_type3A_4, %cond3A_5 : i32
    scf.if %cond3A_6 {
      %get3A = arith.constant 0 : index
      %get3A_7 = arith.constant 0 : index
      %get3A_8 = vector.load %arg9[%get3A, %get3A_7] : memref<1x128xf32, #tpu.memory_space<vmem>>, vector<1x128xf32>
      %get3A_9 = arith.constant 0 : index
      %get3A_10 = arith.constant 0 : index
      %get3A_11 = vector.load %arg14[%get3A_9, %get3A_10] : memref<1x128xf32, #tpu.memory_space<vmem>>, vector<1x128xf32>
      %div3A = arith.constant 1.000000e+04 : f32
      %div3A_12 = vector.broadcast %div3A : f32 to vector<1x128xf32>
      %div3A_13 = arith.divf %get3A_11, %div3A_12 : vector<1x128xf32>
      %add3A = arith.constant 9.99999974E-6 : f32
      %add3A_14 = vector.broadcast %add3A : f32 to vector<1x128xf32>
      %add3A_15 = arith.addf %div3A_13, %add3A_14 : vector<1x128xf32>
      %rsqrt3A = math.rsqrt %add3A_15 : vector<1x128xf32>
      %mul3A = arith.mulf %get3A_8, %rsqrt3A : vector<1x128xf32>
      %get3A_16 = arith.constant 0 : index
      %get3A_17 = arith.constant 0 : index
      %get3A_18 = vector.load %arg10[%get3A_16, %get3A_17] : memref<1x128xf32, #tpu.memory_space<vmem>>, vector<1x128xf32>
      %get3A_19 = arith.constant 0 : index
      %get3A_20 = arith.constant 0 : index
      %get3A_21 = vector.load %arg13[%get3A_19, %get3A_20] : memref<1x128xf32, #tpu.memory_space<vmem>>, vector<1x128xf32>
      %mul3A_22 = arith.mulf %get3A_21, %mul3A : vector<1x128xf32>
      %sub3A = arith.subf %get3A_18, %mul3A_22 : vector<1x128xf32>
      %mul3A_23 = arith.constant 2000 : i32
      %mul3A_24 = arith.muli %arg1, %mul3A_23 : i32
      %get3A_25 = arith.index_cast %mul3A_24 : i32 to index
      %get3A_26 = arith.constant 0 : index
      %get3A_27 = vector.load %arg12[%get3A_25, %get3A_26] : memref<10000x128xf32, #tpu.memory_space<vmem>>, vector<2000x128xf32>
      %mul3A_28 = vector.broadcast %mul3A : vector<1x128xf32> to vector<2000x128xf32>
      %mul3A_29 = arith.mulf %get3A_27, %mul3A_28 : vector<2000x128xf32>
      %add3A_30 = vector.broadcast %sub3A : vector<1x128xf32> to vector<2000x128xf32>
      %add3A_31 = arith.addf %mul3A_29, %add3A_30 : vector<2000x128xf32>
      %swap3A = arith.constant 0 : index
      %swap3A_32 = arith.constant 0 : index
      %swap3A_33 = vector.load %arg11[%swap3A, %swap3A_32] : memref<2000x128xf32, #tpu.memory_space<vmem>>, vector<2000x128xf32>
      tpu.vector_store %arg11[%swap3A, %swap3A_32], %add3A_31 {strides = array<i32>} : memref<2000x128xf32, #tpu.memory_space<vmem>>, vector<2000x128xf32>,
    } else {
    }
    return
  }
  func.func @transform_0(%arg0: i32, %arg1: i32) -> (i32, i32) {
    %sub3A = arith.constant 1 : i32
    %sub3A_0 = arith.subi %sub3A, %arg0 : i32
    %mul3A = arith.muli %arg1, %sub3A_0 : i32
    %mul3A_1 = arith.constant 4 : i32
    %mul3A_2 = arith.muli %mul3A_1, %arg0 : i32
    %add3A = arith.addi %mul3A, %mul3A_2 : i32
    %c0_i32 = arith.constant 0 : i32
    %c0_i32_3 = arith.constant 0 : i32
    return %add3A, %c0_i32 : i32, i32
  }
  func.func @transform_1(%arg0: i32, %arg1: i32) -> (i32, i32) {
    %sub3A = arith.constant 1 : i32
    %sub3A_0 = arith.subi %sub3A, %arg0 : i32
    %mul3A = arith.muli %arg1, %sub3A_0 : i32
    %mul3A_1 = arith.constant 4 : i32
    %mul3A_2 = arith.muli %mul3A_1, %arg0 : i32
    %add3A = arith.addi %mul3A, %mul3A_2 : i32
    %c0_i32 = arith.constant 0 : i32
    %c0_i32_3 = arith.constant 0 : i32
    return %add3A, %c0_i32 : i32, i32
  }
  func.func @transform_2(%arg0: i32, %arg1: i32) -> (i32, i32) {
    %sub3A = arith.constant 1 : i32
    %sub3A_0 = arith.subi %sub3A, %arg0 : i32
    %mul3A = arith.muli %arg1, %sub3A_0 : i32
    %mul3A_1 = arith.constant 4 : i32
    %mul3A_2 = arith.muli %mul3A_1, %arg0 : i32
    %add3A = arith.addi %mul3A, %mul3A_2 : i32
    %c0_i32 = arith.constant 0 : i32
    %c0_i32_3 = arith.constant 0 : i32
    return %add3A, %c0_i32 : i32, i32
  }
  func.func @transform_3(%arg0: i32, %arg1: i32) -> (i32, i32) {
    %c0_i32 = arith.constant 0 : i32
    %c0_i32_0 = arith.constant 0 : i32
    %c0_i32_1 = arith.constant 0 : i32
    return %c0_i32, %c0_i32_0 : i32, i32
  }
  func.func @transform_4(%arg0: i32, %arg1: i32) -> (i32, i32) {
    %c0_i32 = arith.constant 0 : i32
    %c0_i32_0 = arith.constant 0 : i32
    %c0_i32_1 = arith.constant 0 : i32
    return %c0_i32, %c0_i32_0 : i32, i32
  }
  func.func @transform_5(%arg0: i32, %arg1: i32) -> (i32, i32) {
    %c0_i32 = arith.constant 0 : i32
    %c0_i32_0 = arith.constant 0 : i32
    %c0_i32_1 = arith.constant 0 : i32
    return %c0_i32, %c0_i32_0 : i32, i32
  }
  func.func @transform_6(%arg0: i32, %arg1: i32) -> (i32, i32) {
    %c0_i32 = arith.constant 0 : i32
    %c0_i32_0 = arith.constant 0 : i32
    %c0_i32_1 = arith.constant 0 : i32
    return %c0_i32, %c0_i32_0 : i32, i32
  }
  func.func @transform_7(%arg0: i32, %arg1: i32) -> (i32, i32) {
    %c0_i32 = arith.constant 0 : i32
    %c0_i32_0 = arith.constant 0 : i32
    %c0_i32_1 = arith.constant 0 : i32
    return %c0_i32, %c0_i32_0 : i32, i32
  }
  func.func @transform_8(%arg0: i32, %arg1: i32) -> (i32, i32) {
    %c0_i32 = arith.constant 0 : i32
    %c0_i32_0 = arith.constant 0 : i32
    %c0_i32_1 = arith.constant 0 : i32
    return %c0_i32, %c0_i32_0 : i32, i32
  }
  func.func @transform_9(%arg0: i32, %arg1: i32) -> (i32, i32) {
    %mul3A = arith.muli %arg1, %arg0 : i32
    %c0_i32 = arith.constant 0 : i32
    %c0_i32_0 = arith.constant 0 : i32
    return %mul3A, %c0_i32 : i32, i32
  }
}

module attributes {stable_mosaic.version = 14 : i64} {
  func.func @_pool_body(%arg0: i32, %arg1: memref<200x128xf32, #tpu.memory_space<vmem>>, %arg2: memref<1x1x200xi32, #tpu.memory_space<vmem>>, %arg3: memref<128x128xf32, #tpu.memory_space<vmem>>, %arg4: memref<1x128xf32, #tpu.memory_space<vmem>>, %arg5: memref<128x128xf32, #tpu.memory_space<vmem>>, %arg6: memref<1x128xf32, #tpu.memory_space<vmem>>, %arg7: memref<128x128xf32, #tpu.memory_space<vmem>>, %arg8: memref<1x128xf32, #tpu.memory_space<vmem>>, %arg9: memref<128x128xf32, #tpu.memory_space<vmem>>, %arg10: memref<1x128xf32, #tpu.memory_space<vmem>>, %arg11: memref<128x128xf32, #tpu.memory_space<vmem>>, %arg12: memref<128x128xf32, #tpu.memory_space<vmem>>, %arg13: memref<128x128xf32, #tpu.memory_space<vmem>>, %arg14: memref<128x1xf32, #tpu.memory_space<vmem>>) attributes {dimension_semantics = [#tpu.dimension_semantics<arbitrary>], iteration_bounds = array<i64: 50>, scalar_prefetch = 0 : i64, scratch_operands = 2 : i64, tpu.core_type = #tpu.core_type<tc>, window_params = [{transform_indices = @transform_0, window_bounds = array<i64: 200, 128>}, {transform_indices = @transform_1, window_bounds = array<i64: 1, 1, 200>}, {pipeline_mode = #tpu.pipeline_mode<synchronous>, transform_indices = @transform_2, window_bounds = array<i64: 128, 128>}, {pipeline_mode = #tpu.pipeline_mode<synchronous>, transform_indices = @transform_3, window_bounds = array<i64: 1, 128>}, {pipeline_mode = #tpu.pipeline_mode<synchronous>, transform_indices = @transform_4, window_bounds = array<i64: 128, 128>}, {pipeline_mode = #tpu.pipeline_mode<synchronous>, transform_indices = @transform_5, window_bounds = array<i64: 1, 128>}, {pipeline_mode = #tpu.pipeline_mode<synchronous>, transform_indices = @transform_6, window_bounds = array<i64: 128, 128>}, {pipeline_mode = #tpu.pipeline_mode<synchronous>, transform_indices = @transform_7, window_bounds = array<i64: 1, 128>}, {pipeline_mode = #tpu.pipeline_mode<synchronous>, transform_indices = @transform_8, window_bounds = array<i64: 128, 128>}, {pipeline_mode = #tpu.pipeline_mode<synchronous>, transform_indices = @transform_9, window_bounds = array<i64: 1, 128>}, {pipeline_mode = #tpu.pipeline_mode<synchronous>, transform_indices = @transform_10, window_bounds = array<i64: 128, 128>}, {pipeline_mode = #tpu.pipeline_mode<synchronous>, transform_indices = @transform_11, window_bounds = array<i64: 128, 128>}]} {
    %get3A = arith.constant 0 : index
    %get3A_0 = arith.constant 0 : index
    %get3A_1 = arith.constant 0 : index
    %get3A_2 = vector.load %arg2[%get3A, %get3A_0, %get3A_1] : memref<1x1x200xi32, #tpu.memory_space<vmem>>, vector<1x1x200xi32>
    %reshape3A = vector.shape_cast %get3A_2 : vector<1x1x200xi32> to vector<1x200xi32>
    %iota3A = tpu.iota {dimensions = array<i32: 0>} : vector<128x200xi32>
    %eq3A = vector.broadcast %reshape3A : vector<1x200xi32> to vector<128x200xi32>
    %eq3A_3 = arith.cmpi eq, %eq3A, %iota3A : vector<128x200xi32>
    %jit3A = arith.constant 1.000000e+00 : f32
    %jit3A_4 = arith.constant 0.000000e+00 : f32
    %broadcast_in_dim3A = vector.broadcast %jit3A : f32 to vector<128x200xf32>
    %broadcast_in_dim3A_5 = vector.broadcast %jit3A_4 : f32 to vector<128x200xf32>
    %select_n3A = arith.select %eq3A_3, %broadcast_in_dim3A, %broadcast_in_dim3A_5 : vector<128x200xi1>, vector<128x200xf32>
    %get3A_6 = arith.constant 0 : index
    %get3A_7 = arith.constant 0 : index
    %get3A_8 = vector.load %arg1[%get3A_6, %get3A_7] : memref<200x128xf32, #tpu.memory_space<vmem>>, vector<200x128xf32>
    %dot_general3A = arith.constant dense<0.000000e+00> : vector<128x128xf32>
    %dot_general3A_9 = tpu.matmul %select_n3A, %get3A_8, %dot_general3A {dimension_numbers = #tpu.dot_dimension_numbers<[1], [0], [0], [1], [0, 0, 1, 1], [], []>, transpose_lhs_hint = false} : vector<128x200xf32>, vector<200x128xf32>, vector<128x128xf32> -> vector<128x128xf32>
    %reduce_sum3A = arith.constant dense<0.000000e+00> : vector<128xf32>
    %reduce_sum3A_10 = vector.multi_reduction <add>, %select_n3A, %reduce_sum3A [1] : vector<128x200xf32> to vector<128xf32>
    %broadcast_in_dim3A_11 = vector.shape_cast %reduce_sum3A_10 : vector<128xf32> to vector<128x1xf32>
    %eq3A_12 = arith.constant 0 : i32
    %eq3A_13 = arith.cmpi eq, %arg0, %eq3A_12 : i32
    %convert_element_type3A = arith.extui %eq3A_13 : i1 to i32
    %cond3A = arith.constant 0 : i32
    %cond3A_14 = arith.cmpi ne, %convert_element_type3A, %cond3A : i32
    scf.if %cond3A_14 {
      %broadcast_in_dim3A_32 = arith.constant 0.000000e+00 : f32
      %broadcast_in_dim3A_33 = vector.broadcast %broadcast_in_dim3A_32 : f32 to vector<128x128xf32>
      %swap3A_34 = arith.constant 0 : index
      %swap3A_35 = arith.constant 0 : index
      %swap3A_36 = vector.load %arg13[%swap3A_34, %swap3A_35] : memref<128x128xf32, #tpu.memory_space<vmem>>, vector<128x128xf32>
      tpu.vector_store %arg13[%swap3A_34, %swap3A_35], %broadcast_in_dim3A_33 {strides = array<i32>} : memref<128x128xf32, #tpu.memory_space<vmem>>, vector<128x128xf32>,
      %broadcast_in_dim3A_37 = arith.constant 0.000000e+00 : f32
      %broadcast_in_dim3A_38 = vector.broadcast %broadcast_in_dim3A_37 : f32 to vector<128x1xf32>
      %swap3A_39 = arith.constant 0 : index
      %swap3A_40 = arith.constant 0 : index
      %swap3A_41 = vector.load %arg14[%swap3A_39, %swap3A_40] : memref<128x1xf32, #tpu.memory_space<vmem>>, vector<128x1xf32>
      tpu.vector_store %arg14[%swap3A_39, %swap3A_40], %broadcast_in_dim3A_38 {strides = array<i32>} : memref<128x1xf32, #tpu.memory_space<vmem>>, vector<128x1xf32>,
    } else {
    }
    %get3A_15 = arith.constant 0 : index
    %get3A_16 = arith.constant 0 : index
    %get3A_17 = vector.load %arg13[%get3A_15, %get3A_16] : memref<128x128xf32, #tpu.memory_space<vmem>>, vector<128x128xf32>
    %add3A = arith.addf %get3A_17, %dot_general3A_9 : vector<128x128xf32>
    %swap3A = arith.constant 0 : index
    %swap3A_18 = arith.constant 0 : index
    %swap3A_19 = vector.load %arg13[%swap3A, %swap3A_18] : memref<128x128xf32, #tpu.memory_space<vmem>>, vector<128x128xf32>
    tpu.vector_store %arg13[%swap3A, %swap3A_18], %add3A {strides = array<i32>} : memref<128x128xf32, #tpu.memory_space<vmem>>, vector<128x128xf32>,
    %get3A_20 = arith.constant 0 : index
    %get3A_21 = arith.constant 0 : index
    %get3A_22 = vector.load %arg14[%get3A_20, %get3A_21] : memref<128x1xf32, #tpu.memory_space<vmem>>, vector<128x1xf32>
    %add3A_23 = arith.addf %get3A_22, %broadcast_in_dim3A_11 : vector<128x1xf32>
    %swap3A_24 = arith.constant 0 : index
    %swap3A_25 = arith.constant 0 : index
    %swap3A_26 = vector.load %arg14[%swap3A_24, %swap3A_25] : memref<128x1xf32, #tpu.memory_space<vmem>>, vector<128x1xf32>
    tpu.vector_store %arg14[%swap3A_24, %swap3A_25], %add3A_23 {strides = array<i32>} : memref<128x1xf32, #tpu.memory_space<vmem>>, vector<128x1xf32>,
    %eq3A_27 = arith.constant 49 : i32
    %eq3A_28 = arith.cmpi eq, %arg0, %eq3A_27 : i32
    %convert_element_type3A_29 = arith.extui %eq3A_28 : i1 to i32
    %cond3A_30 = arith.constant 0 : i32
    %cond3A_31 = arith.cmpi ne, %convert_element_type3A_29, %cond3A_30 : i32
    scf.if %cond3A_31 {
      %get3A_32 = arith.constant 0 : index
      %get3A_33 = arith.constant 0 : index
      %get3A_34 = vector.load %arg13[%get3A_32, %get3A_33] : memref<128x128xf32, #tpu.memory_space<vmem>>, vector<128x128xf32>
      %get3A_35 = arith.constant 0 : index
      %get3A_36 = arith.constant 0 : index
      %get3A_37 = vector.load %arg14[%get3A_35, %get3A_36] : memref<128x1xf32, #tpu.memory_space<vmem>>, vector<128x1xf32>
      %max3A = arith.constant 1.000000e+00 : f32
      %max3A_38 = vector.broadcast %max3A : f32 to vector<128x1xf32>
      %max3A_39 = arith.maximumf %get3A_37, %max3A_38 : vector<128x1xf32>
      %div3A = arith.constant 1.000000e+00 : f32
      %div3A_40 = vector.broadcast %div3A : f32 to vector<128x1xf32>
      %div3A_41 = arith.divf %div3A_40, %max3A_39 : vector<128x1xf32>
      %mul3A = vector.broadcast %div3A_41 : vector<128x1xf32> to vector<128x128xf32>
      %mul3A_42 = arith.mulf %get3A_34, %mul3A : vector<128x128xf32>
      %get3A_43 = arith.constant 0 : index
      %get3A_44 = arith.constant 0 : index
      %get3A_45 = vector.load %arg3[%get3A_43, %get3A_44] : memref<128x128xf32, #tpu.memory_space<vmem>>, vector<128x128xf32>
      %dot_general3A_46 = arith.constant dense<0.000000e+00> : vector<128x128xf32>
      %dot_general3A_47 = tpu.matmul %mul3A_42, %get3A_45, %dot_general3A_46 {dimension_numbers = #tpu.dot_dimension_numbers<[1], [0], [0], [1], [0, 0, 1, 1], [], []>, transpose_lhs_hint = false} : vector<128x128xf32>, vector<128x128xf32>, vector<128x128xf32> -> vector<128x128xf32>
      %get3A_48 = arith.constant 0 : index
      %get3A_49 = arith.constant 0 : index
      %get3A_50 = vector.load %arg4[%get3A_48, %get3A_49] : memref<1x128xf32, #tpu.memory_space<vmem>>, vector<1x128xf32>
      %add3A_51 = vector.broadcast %get3A_50 : vector<1x128xf32> to vector<128x128xf32>
      %add3A_52 = arith.addf %dot_general3A_47, %add3A_51 : vector<128x128xf32>
      %max3A_53 = arith.constant 0.000000e+00 : f32
      %max3A_54 = vector.broadcast %max3A_53 : f32 to vector<128x128xf32>
      %max3A_55 = arith.maximumf %add3A_52, %max3A_54 : vector<128x128xf32>
      %get3A_56 = arith.constant 0 : index
      %get3A_57 = arith.constant 0 : index
      %get3A_58 = vector.load %arg5[%get3A_56, %get3A_57] : memref<128x128xf32, #tpu.memory_space<vmem>>, vector<128x128xf32>
      %dot_general3A_59 = arith.constant dense<0.000000e+00> : vector<128x128xf32>
      %dot_general3A_60 = tpu.matmul %max3A_55, %get3A_58, %dot_general3A_59 {dimension_numbers = #tpu.dot_dimension_numbers<[1], [0], [0], [1], [0, 0, 1, 1], [], []>, transpose_lhs_hint = false} : vector<128x128xf32>, vector<128x128xf32>, vector<128x128xf32> -> vector<128x128xf32>
      %get3A_61 = arith.constant 0 : index
      %get3A_62 = arith.constant 0 : index
      %get3A_63 = vector.load %arg6[%get3A_61, %get3A_62] : memref<1x128xf32, #tpu.memory_space<vmem>>, vector<1x128xf32>
      %add3A_64 = vector.broadcast %get3A_63 : vector<1x128xf32> to vector<128x128xf32>
      %add3A_65 = arith.addf %dot_general3A_60, %add3A_64 : vector<128x128xf32>
      %max3A_66 = arith.constant 0.000000e+00 : f32
      %max3A_67 = vector.broadcast %max3A_66 : f32 to vector<128x128xf32>
      %max3A_68 = arith.maximumf %add3A_65, %max3A_67 : vector<128x128xf32>
      %swap3A_69 = arith.constant 0 : index
      %swap3A_70 = arith.constant 0 : index
      %swap3A_71 = vector.load %arg11[%swap3A_69, %swap3A_70] : memref<128x128xf32, #tpu.memory_space<vmem>>, vector<128x128xf32>
      tpu.vector_store %arg11[%swap3A_69, %swap3A_70], %max3A_68 {strides = array<i32>} : memref<128x128xf32, #tpu.memory_space<vmem>>, vector<128x128xf32>,
      %get3A_72 = arith.constant 0 : index
      %get3A_73 = arith.constant 0 : index
      %get3A_74 = vector.load %arg7[%get3A_72, %get3A_73] : memref<128x128xf32, #tpu.memory_space<vmem>>, vector<128x128xf32>
      %dot_general3A_75 = arith.constant dense<0.000000e+00> : vector<128x128xf32>
      %dot_general3A_76 = tpu.matmul %mul3A_42, %get3A_74, %dot_general3A_75 {dimension_numbers = #tpu.dot_dimension_numbers<[1], [0], [0], [1], [0, 0, 1, 1], [], []>, transpose_lhs_hint = false} : vector<128x128xf32>, vector<128x128xf32>, vector<128x128xf32> -> vector<128x128xf32>
      %get3A_77 = arith.constant 0 : index
      %get3A_78 = arith.constant 0 : index
      %get3A_79 = vector.load %arg8[%get3A_77, %get3A_78] : memref<1x128xf32, #tpu.memory_space<vmem>>, vector<1x128xf32>
      %add3A_80 = vector.broadcast %get3A_79 : vector<1x128xf32> to vector<128x128xf32>
      %add3A_81 = arith.addf %dot_general3A_76, %add3A_80 : vector<128x128xf32>
      %max3A_82 = arith.constant 0.000000e+00 : f32
      %max3A_83 = vector.broadcast %max3A_82 : f32 to vector<128x128xf32>
      %max3A_84 = arith.maximumf %add3A_81, %max3A_83 : vector<128x128xf32>
      %get3A_85 = arith.constant 0 : index
      %get3A_86 = arith.constant 0 : index
      %get3A_87 = vector.load %arg9[%get3A_85, %get3A_86] : memref<128x128xf32, #tpu.memory_space<vmem>>, vector<128x128xf32>
      %dot_general3A_88 = arith.constant dense<0.000000e+00> : vector<128x128xf32>
      %dot_general3A_89 = tpu.matmul %max3A_84, %get3A_87, %dot_general3A_88 {dimension_numbers = #tpu.dot_dimension_numbers<[1], [0], [0], [1], [0, 0, 1, 1], [], []>, transpose_lhs_hint = false} : vector<128x128xf32>, vector<128x128xf32>, vector<128x128xf32> -> vector<128x128xf32>
      %get3A_90 = arith.constant 0 : index
      %get3A_91 = arith.constant 0 : index
      %get3A_92 = vector.load %arg10[%get3A_90, %get3A_91] : memref<1x128xf32, #tpu.memory_space<vmem>>, vector<1x128xf32>
      %add3A_93 = vector.broadcast %get3A_92 : vector<1x128xf32> to vector<128x128xf32>
      %add3A_94 = arith.addf %dot_general3A_89, %add3A_93 : vector<128x128xf32>
      %max3A_95 = arith.constant 0.000000e+00 : f32
      %max3A_96 = vector.broadcast %max3A_95 : f32 to vector<128x128xf32>
      %max3A_97 = arith.maximumf %add3A_94, %max3A_96 : vector<128x128xf32>
      %swap3A_98 = arith.constant 0 : index
      %swap3A_99 = arith.constant 0 : index
      %swap3A_100 = vector.load %arg12[%swap3A_98, %swap3A_99] : memref<128x128xf32, #tpu.memory_space<vmem>>, vector<128x128xf32>
      tpu.vector_store %arg12[%swap3A_98, %swap3A_99], %max3A_97 {strides = array<i32>} : memref<128x128xf32, #tpu.memory_space<vmem>>, vector<128x128xf32>,
    } else {
    }
    return
  }
  func.func @transform_0(%arg0: i32) -> (i32, i32) {
    %c0_i32 = arith.constant 0 : i32
    %c0_i32_0 = arith.constant 0 : i32
    return %arg0, %c0_i32 : i32, i32
  }
  func.func @transform_1(%arg0: i32) -> (i32, i32, i32) {
    %c0_i32 = arith.constant 0 : i32
    %c0_i32_0 = arith.constant 0 : i32
    %c0_i32_1 = arith.constant 0 : i32
    return %arg0, %c0_i32, %c0_i32_0 : i32, i32, i32
  }
  func.func @transform_2(%arg0: i32) -> (i32, i32) {
    %c0_i32 = arith.constant 0 : i32
    %c0_i32_0 = arith.constant 0 : i32
    %c0_i32_1 = arith.constant 0 : i32
    return %c0_i32, %c0_i32_0 : i32, i32
  }
  func.func @transform_3(%arg0: i32) -> (i32, i32) {
    %c0_i32 = arith.constant 0 : i32
    %c0_i32_0 = arith.constant 0 : i32
    %c0_i32_1 = arith.constant 0 : i32
    return %c0_i32, %c0_i32_0 : i32, i32
  }
  func.func @transform_4(%arg0: i32) -> (i32, i32) {
    %c0_i32 = arith.constant 0 : i32
    %c0_i32_0 = arith.constant 0 : i32
    %c0_i32_1 = arith.constant 0 : i32
    return %c0_i32, %c0_i32_0 : i32, i32
  }
  func.func @transform_5(%arg0: i32) -> (i32, i32) {
    %c0_i32 = arith.constant 0 : i32
    %c0_i32_0 = arith.constant 0 : i32
    %c0_i32_1 = arith.constant 0 : i32
    return %c0_i32, %c0_i32_0 : i32, i32
  }
  func.func @transform_6(%arg0: i32) -> (i32, i32) {
    %c0_i32 = arith.constant 0 : i32
    %c0_i32_0 = arith.constant 0 : i32
    %c0_i32_1 = arith.constant 0 : i32
    return %c0_i32, %c0_i32_0 : i32, i32
  }
  func.func @transform_7(%arg0: i32) -> (i32, i32) {
    %c0_i32 = arith.constant 0 : i32
    %c0_i32_0 = arith.constant 0 : i32
    %c0_i32_1 = arith.constant 0 : i32
    return %c0_i32, %c0_i32_0 : i32, i32
  }
  func.func @transform_8(%arg0: i32) -> (i32, i32) {
    %c0_i32 = arith.constant 0 : i32
    %c0_i32_0 = arith.constant 0 : i32
    %c0_i32_1 = arith.constant 0 : i32
    return %c0_i32, %c0_i32_0 : i32, i32
  }
  func.func @transform_9(%arg0: i32) -> (i32, i32) {
    %c0_i32 = arith.constant 0 : i32
    %c0_i32_0 = arith.constant 0 : i32
    %c0_i32_1 = arith.constant 0 : i32
    return %c0_i32, %c0_i32_0 : i32, i32
  }
  func.func @transform_10(%arg0: i32) -> (i32, i32) {
    %c0_i32 = arith.constant 0 : i32
    %c0_i32_0 = arith.constant 0 : i32
    %c0_i32_1 = arith.constant 0 : i32
    return %c0_i32, %c0_i32_0 : i32, i32
  }
  func.func @transform_11(%arg0: i32) -> (i32, i32) {
    %c0_i32 = arith.constant 0 : i32
    %c0_i32_0 = arith.constant 0 : i32
    %c0_i32_1 = arith.constant 0 : i32
    return %c0_i32, %c0_i32_0 : i32, i32
  }
}

module attributes {stable_mosaic.version = 14 : i64} {
  func.func @_gin_heads_body(%arg0: i32, %arg1: i32, %arg2: memref<2000x128xf32, #tpu.memory_space<vmem>>, %arg3: memref<2000x128xf32, #tpu.memory_space<vmem>>, %arg4: memref<2000x128xf32, #tpu.memory_space<vmem>>, %arg5: memref<128x128xf32, #tpu.memory_space<vmem>>, %arg6: memref<1x128xf32, #tpu.memory_space<vmem>>, %arg7: memref<128x128xf32, #tpu.memory_space<vmem>>, %arg8: memref<1x128xf32, #tpu.memory_space<vmem>>, %arg9: memref<1x128xf32, #tpu.memory_space<vmem>>, %arg10: memref<1x128xf32, #tpu.memory_space<vmem>>, %arg11: memref<128x128xf32, #tpu.memory_space<vmem>>, %arg12: memref<1x128xf32, #tpu.memory_space<vmem>>, %arg13: memref<128x128xf32, #tpu.memory_space<vmem>>, %arg14: memref<1x128xf32, #tpu.memory_space<vmem>>, %arg15: memref<1x128xf32, #tpu.memory_space<vmem>>, %arg16: memref<1x128xf32, #tpu.memory_space<vmem>>, %arg17: memref<2000x128xf32, #tpu.memory_space<vmem>>, %arg18: memref<2000x128xf32, #tpu.memory_space<vmem>>, %arg19: memref<10000x128xf32, #tpu.memory_space<vmem>>, %arg20: memref<10000x128xf32, #tpu.memory_space<vmem>>, %arg21: memref<1x128xf32, #tpu.memory_space<vmem>>, %arg22: memref<1x128xf32, #tpu.memory_space<vmem>>, %arg23: memref<1x128xf32, #tpu.memory_space<vmem>>, %arg24: memref<1x128xf32, #tpu.memory_space<vmem>>) attributes {dimension_semantics = [#tpu.dimension_semantics<arbitrary>, #tpu.dimension_semantics<arbitrary>], iteration_bounds = array<i64: 2, 5>, scalar_prefetch = 0 : i64, scratch_operands = 6 : i64, tpu.core_type = #tpu.core_type<tc>, window_params = [{transform_indices = @transform_0, window_bounds = array<i64: 2000, 128>}, {transform_indices = @transform_1, window_bounds = array<i64: 2000, 128>}, {transform_indices = @transform_2, window_bounds = array<i64: 2000, 128>}, {pipeline_mode = #tpu.pipeline_mode<synchronous>, transform_indices = @transform_3, window_bounds = array<i64: 128, 128>}, {pipeline_mode = #tpu.pipeline_mode<synchronous>, transform_indices = @transform_4, window_bounds = array<i64: 1, 128>}, {pipeline_mode = #tpu.pipeline_mode<synchronous>, transform_indices = @transform_5, window_bounds = array<i64: 128, 128>}, {pipeline_mode = #tpu.pipeline_mode<synchronous>, transform_indices = @transform_6, window_bounds = array<i64: 1, 128>}, {pipeline_mode = #tpu.pipeline_mode<synchronous>, transform_indices = @transform_7, window_bounds = array<i64: 1, 128>}, {pipeline_mode = #tpu.pipeline_mode<synchronous>, transform_indices = @transform_8, window_bounds = array<i64: 1, 128>}, {pipeline_mode = #tpu.pipeline_mode<synchronous>, transform_indices = @transform_9, window_bounds = array<i64: 128, 128>}, {pipeline_mode = #tpu.pipeline_mode<synchronous>, transform_indices = @transform_10, window_bounds = array<i64: 1, 128>}, {pipeline_mode = #tpu.pipeline_mode<synchronous>, transform_indices = @transform_11, window_bounds = array<i64: 128, 128>}, {pipeline_mode = #tpu.pipeline_mode<synchronous>, transform_indices = @transform_12, window_bounds = array<i64: 1, 128>}, {pipeline_mode = #tpu.pipeline_mode<synchronous>, transform_indices = @transform_13, window_bounds = array<i64: 1, 128>}, {pipeline_mode = #tpu.pipeline_mode<synchronous>, transform_indices = @transform_14, window_bounds = array<i64: 1, 128>}, {transform_indices = @transform_15, window_bounds = array<i64: 2000, 128>}, {transform_indices = @transform_16, window_bounds = array<i64: 2000, 128>}]} {
    %eq3A = arith.constant 0 : i32
    %eq3A_0 = arith.cmpi eq, %arg0, %eq3A : i32
    %convert_element_type3A = arith.extui %eq3A_0 : i1 to i32
    %cond3A = arith.constant 0 : i32
    %cond3A_1 = arith.cmpi ne, %convert_element_type3A, %cond3A : i32
    scf.if %cond3A_1 {
      %get3A = arith.constant 0 : index
      %get3A_7 = arith.constant 0 : index
      %get3A_8 = vector.load %arg2[%get3A, %get3A_7] : memref<2000x128xf32, #tpu.memory_space<vmem>>, vector<2000x128xf32>
      %get3A_9 = arith.constant 0 : index
      %get3A_10 = arith.constant 0 : index
      %get3A_11 = vector.load %arg3[%get3A_9, %get3A_10] : memref<2000x128xf32, #tpu.memory_space<vmem>>, vector<2000x128xf32>
      %add3A = arith.addf %get3A_8, %get3A_11 : vector<2000x128xf32>
      %get3A_12 = arith.constant 0 : index
      %get3A_13 = arith.constant 0 : index
      %get3A_14 = vector.load %arg4[%get3A_12, %get3A_13] : memref<2000x128xf32, #tpu.memory_space<vmem>>, vector<2000x128xf32>
      %add3A_15 = arith.addf %add3A, %get3A_14 : vector<2000x128xf32>
      %get3A_16 = arith.constant 0 : index
      %get3A_17 = arith.constant 0 : index
      %get3A_18 = vector.load %arg5[%get3A_16, %get3A_17] : memref<128x128xf32, #tpu.memory_space<vmem>>, vector<128x128xf32>
      %dot_general3A = arith.constant dense<0.000000e+00> : vector<2000x128xf32>
      %dot_general3A_19 = tpu.matmul %add3A_15, %get3A_18, %dot_general3A {dimension_numbers = #tpu.dot_dimension_numbers<[1], [0], [0], [1], [0, 0, 1, 1], [], []>, transpose_lhs_hint = false} : vector<2000x128xf32>, vector<128x128xf32>, vector<2000x128xf32> -> vector<2000x128xf32>
      %get3A_20 = arith.constant 0 : index
      %get3A_21 = arith.constant 0 : index
      %get3A_22 = vector.load %arg6[%get3A_20, %get3A_21] : memref<1x128xf32, #tpu.memory_space<vmem>>, vector<1x128xf32>
      %add3A_23 = vector.broadcast %get3A_22 : vector<1x128xf32> to vector<2000x128xf32>
      %add3A_24 = arith.addf %dot_general3A_19, %add3A_23 : vector<2000x128xf32>
      %max3A = arith.constant 0.000000e+00 : f32
      %max3A_25 = vector.broadcast %max3A : f32 to vector<2000x128xf32>
      %max3A_26 = arith.maximumf %add3A_24, %max3A_25 : vector<2000x128xf32>
      %get3A_27 = arith.constant 0 : index
      %get3A_28 = arith.constant 0 : index
      %get3A_29 = vector.load %arg7[%get3A_27, %get3A_28] : memref<128x128xf32, #tpu.memory_space<vmem>>, vector<128x128xf32>
      %dot_general3A_30 = arith.constant dense<0.000000e+00> : vector<2000x128xf32>
      %dot_general3A_31 = tpu.matmul %max3A_26, %get3A_29, %dot_general3A_30 {dimension_numbers = #tpu.dot_dimension_numbers<[1], [0], [0], [1], [0, 0, 1, 1], [], []>, transpose_lhs_hint = false} : vector<2000x128xf32>, vector<128x128xf32>, vector<2000x128xf32> -> vector<2000x128xf32>
      %get3A_32 = arith.constant 0 : index
      %get3A_33 = arith.constant 0 : index
      %get3A_34 = vector.load %arg8[%get3A_32, %get3A_33] : memref<1x128xf32, #tpu.memory_space<vmem>>, vector<1x128xf32>
      %add3A_35 = vector.broadcast %get3A_34 : vector<1x128xf32> to vector<2000x128xf32>
      %add3A_36 = arith.addf %dot_general3A_31, %add3A_35 : vector<2000x128xf32>
      %max3A_37 = arith.constant 0.000000e+00 : f32
      %max3A_38 = vector.broadcast %max3A_37 : f32 to vector<2000x128xf32>
      %max3A_39 = arith.maximumf %add3A_36, %max3A_38 : vector<2000x128xf32>
      %mul3A = arith.constant 2000 : i32
      %mul3A_40 = arith.muli %arg1, %mul3A : i32
      %swap3A = arith.index_cast %mul3A_40 : i32 to index
      %swap3A_41 = arith.constant 0 : index
      %swap3A_42 = vector.load %arg19[%swap3A, %swap3A_41] : memref<10000x128xf32, #tpu.memory_space<vmem>>, vector<2000x128xf32>
      tpu.vector_store %arg19[%swap3A, %swap3A_41], %max3A_39 {strides = array<i32>} : memref<10000x128xf32, #tpu.memory_space<vmem>>, vector<2000x128xf32>,
      %reduce_sum3A = arith.constant dense<0.000000e+00> : vector<128xf32>
      %reduce_sum3A_43 = vector.multi_reduction <add>, %max3A_39, %reduce_sum3A [0] : vector<2000x128xf32> to vector<128xf32>
      %broadcast_in_dim3A = vector.shape_cast %reduce_sum3A_43 : vector<128xf32> to vector<1x128xf32>
      %div3A = arith.constant 2.000000e+03 : f32
      %div3A_44 = vector.broadcast %div3A : f32 to vector<1x128xf32>
      %div3A_45 = arith.divf %broadcast_in_dim3A, %div3A_44 : vector<1x128xf32>
      %sub3A = vector.broadcast %div3A_45 : vector<1x128xf32> to vector<2000x128xf32>
      %sub3A_46 = arith.subf %max3A_39, %sub3A : vector<2000x128xf32>
      %sub3A_47 = vector.broadcast %div3A_45 : vector<1x128xf32> to vector<2000x128xf32>
      %sub3A_48 = arith.subf %max3A_39, %sub3A_47 : vector<2000x128xf32>
      %mul3A_49 = arith.mulf %sub3A_46, %sub3A_48 : vector<2000x128xf32>
      %reduce_sum3A_50 = arith.constant dense<0.000000e+00> : vector<128xf32>
      %reduce_sum3A_51 = vector.multi_reduction <add>, %mul3A_49, %reduce_sum3A_50 [0] : vector<2000x128xf32> to vector<128xf32>
      %broadcast_in_dim3A_52 = vector.shape_cast %reduce_sum3A_51 : vector<128xf32> to vector<1x128xf32>
      %eq3A_53 = arith.constant 0 : i32
      %eq3A_54 = arith.cmpi eq, %arg1, %eq3A_53 : i32
      %convert_element_type3A_55 = arith.extui %eq3A_54 : i1 to i32
      %cond3A_56 = arith.constant 0 : i32
      %cond3A_57 = arith.cmpi ne, %convert_element_type3A_55, %cond3A_56 : i32
      scf.if %cond3A_57 {
        %swap3A_117 = arith.constant 0 : index
        %swap3A_118 = arith.constant 0 : index
        %swap3A_119 = vector.load %arg21[%swap3A_117, %swap3A_118] : memref<1x128xf32, #tpu.memory_space<vmem>>, vector<1x128xf32>
        tpu.vector_store %arg21[%swap3A_117, %swap3A_118], %div3A_45 {strides = array<i32>} : memref<1x128xf32, #tpu.memory_space<vmem>>, vector<1x128xf32>,
        %swap3A_120 = arith.constant 0 : index
        %swap3A_121 = arith.constant 0 : index
        %swap3A_122 = vector.load %arg22[%swap3A_120, %swap3A_121] : memref<1x128xf32, #tpu.memory_space<vmem>>, vector<1x128xf32>
        tpu.vector_store %arg22[%swap3A_120, %swap3A_121], %broadcast_in_dim3A_52 {strides = array<i32>} : memref<1x128xf32, #tpu.memory_space<vmem>>, vector<1x128xf32>,
      } else {
      }
      %gt3A = arith.constant 0 : i32
      %gt3A_58 = arith.cmpi sgt, %arg1, %gt3A : i32
      %convert_element_type3A_59 = arith.extui %gt3A_58 : i1 to i32
      %cond3A_60 = arith.constant 0 : i32
      %cond3A_61 = arith.cmpi ne, %convert_element_type3A_59, %cond3A_60 : i32
      scf.if %cond3A_61 {
        %convert_element_type3A_117 = arith.sitofp %arg1 : i32 to f32
        %mul3A_118 = arith.constant 2.000000e+03 : f32
        %mul3A_119 = arith.mulf %convert_element_type3A_117, %mul3A_118 : f32
        %add3A_120 = arith.constant 2.000000e+03 : f32
        %add3A_121 = arith.addf %mul3A_119, %add3A_120 : f32
        %get3A_122 = arith.constant 0 : index
        %get3A_123 = arith.constant 0 : index
        %get3A_124 = vector.load %arg21[%get3A_122, %get3A_123] : memref<1x128xf32, #tpu.memory_space<vmem>>, vector<1x128xf32>
        %sub3A_125 = arith.subf %div3A_45, %get3A_124 : vector<1x128xf32>
        %get3A_126 = arith.constant 0 : index
        %get3A_127 = arith.constant 0 : index
        %get3A_128 = vector.load %arg21[%get3A_126, %get3A_127] : memref<1x128xf32, #tpu.memory_space<vmem>>, vector<1x128xf32>
        %div3A_129 = arith.constant 2.000000e+03 : f32
        %div3A_130 = arith.divf %div3A_129, %add3A_121 : f32
        %mul3A_131 = vector.broadcast %div3A_130 : f32 to vector<1x128xf32>
        %mul3A_132 = arith.mulf %sub3A_125, %mul3A_131 : vector<1x128xf32>
        %add3A_133 = arith.addf %get3A_128, %mul3A_132 : vector<1x128xf32>
        %swap3A_134 = arith.constant 0 : index
        %swap3A_135 = arith.constant 0 : index
        %swap3A_136 = vector.load %arg21[%swap3A_134, %swap3A_135] : memref<1x128xf32, #tpu.memory_space<vmem>>, vector<1x128xf32>
        tpu.vector_store %arg21[%swap3A_134, %swap3A_135], %add3A_133 {strides = array<i32>} : memref<1x128xf32, #tpu.memory_space<vmem>>, vector<1x128xf32>,
        %get3A_137 = arith.constant 0 : index
        %get3A_138 = arith.constant 0 : index
        %get3A_139 = vector.load %arg22[%get3A_137, %get3A_138] : memref<1x128xf32, #tpu.memory_space<vmem>>, vector<1x128xf32>
        %mul3A_140 = arith.mulf %sub3A_125, %sub3A_125 : vector<1x128xf32>
        %mul3A_141 = arith.constant 2.000000e+03 : f32
        %mul3A_142 = arith.mulf %mul3A_119, %mul3A_141 : f32
        %div3A_143 = arith.divf %mul3A_142, %add3A_121 : f32
        %mul3A_144 = vector.broadcast %div3A_143 : f32 to vector<1x128xf32>
        %mul3A_145 = arith.mulf %mul3A_140, %mul3A_144 : vector<1x128xf32>
        %add3A_146 = arith.addf %broadcast_in_dim3A_52, %mul3A_145 : vector<1x128xf32>
        %add3A_147 = arith.addf %get3A_139, %add3A_146 : vector<1x128xf32>
        %swap3A_148 = arith.constant 0 : index
        %swap3A_149 = arith.constant 0 : index
        %swap3A_150 = vector.load %arg22[%swap3A_148, %swap3A_149] : memref<1x128xf32, #tpu.memory_space<vmem>>, vector<1x128xf32>
        tpu.vector_store %arg22[%swap3A_148, %swap3A_149], %add3A_147 {strides = array<i32>} : memref<1x128xf32, #tpu.memory_space<vmem>>, vector<1x128xf32>,
      } else {
      }
      %get3A_62 = arith.constant 0 : index
      %get3A_63 = arith.constant 0 : index
      %get3A_64 = vector.load %arg11[%get3A_62, %get3A_63] : memref<128x128xf32, #tpu.memory_space<vmem>>, vector<128x128xf32>
      %dot_general3A_65 = arith.constant dense<0.000000e+00> : vector<2000x128xf32>
      %dot_general3A_66 = tpu.matmul %add3A_15, %get3A_64, %dot_general3A_65 {dimension_numbers = #tpu.dot_dimension_numbers<[1], [0], [0], [1], [0, 0, 1, 1], [], []>, transpose_lhs_hint = false} : vector<2000x128xf32>, vector<128x128xf32>, vector<2000x128xf32> -> vector<2000x128xf32>
      %get3A_67 = arith.constant 0 : index
      %get3A_68 = arith.constant 0 : index
      %get3A_69 = vector.load %arg12[%get3A_67, %get3A_68] : memref<1x128xf32, #tpu.memory_space<vmem>>, vector<1x128xf32>
      %add3A_70 = vector.broadcast %get3A_69 : vector<1x128xf32> to vector<2000x128xf32>
      %add3A_71 = arith.addf %dot_general3A_66, %add3A_70 : vector<2000x128xf32>
      %max3A_72 = arith.constant 0.000000e+00 : f32
      %max3A_73 = vector.broadcast %max3A_72 : f32 to vector<2000x128xf32>
      %max3A_74 = arith.maximumf %add3A_71, %max3A_73 : vector<2000x128xf32>
      %get3A_75 = arith.constant 0 : index
      %get3A_76 = arith.constant 0 : index
      %get3A_77 = vector.load %arg13[%get3A_75, %get3A_76] : memref<128x128xf32, #tpu.memory_space<vmem>>, vector<128x128xf32>
      %dot_general3A_78 = arith.constant dense<0.000000e+00> : vector<2000x128xf32>
      %dot_general3A_79 = tpu.matmul %max3A_74, %get3A_77, %dot_general3A_78 {dimension_numbers = #tpu.dot_dimension_numbers<[1], [0], [0], [1], [0, 0, 1, 1], [], []>, transpose_lhs_hint = false} : vector<2000x128xf32>, vector<128x128xf32>, vector<2000x128xf32> -> vector<2000x128xf32>
      %get3A_80 = arith.constant 0 : index
      %get3A_81 = arith.constant 0 : index
      %get3A_82 = vector.load %arg14[%get3A_80, %get3A_81] : memref<1x128xf32, #tpu.memory_space<vmem>>, vector<1x128xf32>
      %add3A_83 = vector.broadcast %get3A_82 : vector<1x128xf32> to vector<2000x128xf32>
      %add3A_84 = arith.addf %dot_general3A_79, %add3A_83 : vector<2000x128xf32>
      %max3A_85 = arith.constant 0.000000e+00 : f32
      %max3A_86 = vector.broadcast %max3A_85 : f32 to vector<2000x128xf32>
      %max3A_87 = arith.maximumf %add3A_84, %max3A_86 : vector<2000x128xf32>
      %mul3A_88 = arith.constant 2000 : i32
      %mul3A_89 = arith.muli %arg1, %mul3A_88 : i32
      %swap3A_90 = arith.index_cast %mul3A_89 : i32 to index
      %swap3A_91 = arith.constant 0 : index
      %swap3A_92 = vector.load %arg20[%swap3A_90, %swap3A_91] : memref<10000x128xf32, #tpu.memory_space<vmem>>, vector<2000x128xf32>
      tpu.vector_store %arg20[%swap3A_90, %swap3A_91], %max3A_87 {strides = array<i32>} : memref<10000x128xf32, #tpu.memory_space<vmem>>, vector<2000x128xf32>,
      %reduce_sum3A_93 = arith.constant dense<0.000000e+00> : vector<128xf32>
      %reduce_sum3A_94 = vector.multi_reduction <add>, %max3A_87, %reduce_sum3A_93 [0] : vector<2000x128xf32> to vector<128xf32>
      %broadcast_in_dim3A_95 = vector.shape_cast %reduce_sum3A_94 : vector<128xf32> to vector<1x128xf32>
      %div3A_96 = arith.constant 2.000000e+03 : f32
      %div3A_97 = vector.broadcast %div3A_96 : f32 to vector<1x128xf32>
      %div3A_98 = arith.divf %broadcast_in_dim3A_95, %div3A_97 : vector<1x128xf32>
      %sub3A_99 = vector.broadcast %div3A_98 : vector<1x128xf32> to vector<2000x128xf32>
      %sub3A_100 = arith.subf %max3A_87, %sub3A_99 : vector<2000x128xf32>
      %sub3A_101 = vector.broadcast %div3A_98 : vector<1x128xf32> to vector<2000x128xf32>
      %sub3A_102 = arith.subf %max3A_87, %sub3A_101 : vector<2000x128xf32>
      %mul3A_103 = arith.mulf %sub3A_100, %sub3A_102 : vector<2000x128xf32>
      %reduce_sum3A_104 = arith.constant dense<0.000000e+00> : vector<128xf32>
      %reduce_sum3A_105 = vector.multi_reduction <add>, %mul3A_103, %reduce_sum3A_104 [0] : vector<2000x128xf32> to vector<128xf32>
      %broadcast_in_dim3A_106 = vector.shape_cast %reduce_sum3A_105 : vector<128xf32> to vector<1x128xf32>
      %eq3A_107 = arith.constant 0 : i32
      %eq3A_108 = arith.cmpi eq, %arg1, %eq3A_107 : i32
      %convert_element_type3A_109 = arith.extui %eq3A_108 : i1 to i32
      %cond3A_110 = arith.constant 0 : i32
      %cond3A_111 = arith.cmpi ne, %convert_element_type3A_109, %cond3A_110 : i32
      scf.if %cond3A_111 {
        %swap3A_117 = arith.constant 0 : index
        %swap3A_118 = arith.constant 0 : index
        %swap3A_119 = vector.load %arg23[%swap3A_117, %swap3A_118] : memref<1x128xf32, #tpu.memory_space<vmem>>, vector<1x128xf32>
        tpu.vector_store %arg23[%swap3A_117, %swap3A_118], %div3A_98 {strides = array<i32>} : memref<1x128xf32, #tpu.memory_space<vmem>>, vector<1x128xf32>,
        %swap3A_120 = arith.constant 0 : index
        %swap3A_121 = arith.constant 0 : index
        %swap3A_122 = vector.load %arg24[%swap3A_120, %swap3A_121] : memref<1x128xf32, #tpu.memory_space<vmem>>, vector<1x128xf32>
        tpu.vector_store %arg24[%swap3A_120, %swap3A_121], %broadcast_in_dim3A_106 {strides = array<i32>} : memref<1x128xf32, #tpu.memory_space<vmem>>, vector<1x128xf32>,
      } else {
      }
      %gt3A_112 = arith.constant 0 : i32
      %gt3A_113 = arith.cmpi sgt, %arg1, %gt3A_112 : i32
      %convert_element_type3A_114 = arith.extui %gt3A_113 : i1 to i32
      %cond3A_115 = arith.constant 0 : i32
      %cond3A_116 = arith.cmpi ne, %convert_element_type3A_114, %cond3A_115 : i32
      scf.if %cond3A_116 {
        %convert_element_type3A_117 = arith.sitofp %arg1 : i32 to f32
        %mul3A_118 = arith.constant 2.000000e+03 : f32
        %mul3A_119 = arith.mulf %convert_element_type3A_117, %mul3A_118 : f32
        %add3A_120 = arith.constant 2.000000e+03 : f32
        %add3A_121 = arith.addf %mul3A_119, %add3A_120 : f32
        %get3A_122 = arith.constant 0 : index
        %get3A_123 = arith.constant 0 : index
        %get3A_124 = vector.load %arg23[%get3A_122, %get3A_123] : memref<1x128xf32, #tpu.memory_space<vmem>>, vector<1x128xf32>
        %sub3A_125 = arith.subf %div3A_98, %get3A_124 : vector<1x128xf32>
        %get3A_126 = arith.constant 0 : index
        %get3A_127 = arith.constant 0 : index
        %get3A_128 = vector.load %arg23[%get3A_126, %get3A_127] : memref<1x128xf32, #tpu.memory_space<vmem>>, vector<1x128xf32>
        %div3A_129 = arith.constant 2.000000e+03 : f32
        %div3A_130 = arith.divf %div3A_129, %add3A_121 : f32
        %mul3A_131 = vector.broadcast %div3A_130 : f32 to vector<1x128xf32>
        %mul3A_132 = arith.mulf %sub3A_125, %mul3A_131 : vector<1x128xf32>
        %add3A_133 = arith.addf %get3A_128, %mul3A_132 : vector<1x128xf32>
        %swap3A_134 = arith.constant 0 : index
        %swap3A_135 = arith.constant 0 : index
        %swap3A_136 = vector.load %arg23[%swap3A_134, %swap3A_135] : memref<1x128xf32, #tpu.memory_space<vmem>>, vector<1x128xf32>
        tpu.vector_store %arg23[%swap3A_134, %swap3A_135], %add3A_133 {strides = array<i32>} : memref<1x128xf32, #tpu.memory_space<vmem>>, vector<1x128xf32>,
        %get3A_137 = arith.constant 0 : index
        %get3A_138 = arith.constant 0 : index
        %get3A_139 = vector.load %arg24[%get3A_137, %get3A_138] : memref<1x128xf32, #tpu.memory_space<vmem>>, vector<1x128xf32>
        %mul3A_140 = arith.mulf %sub3A_125, %sub3A_125 : vector<1x128xf32>
        %mul3A_141 = arith.constant 2.000000e+03 : f32
        %mul3A_142 = arith.mulf %mul3A_119, %mul3A_141 : f32
        %div3A_143 = arith.divf %mul3A_142, %add3A_121 : f32
        %mul3A_144 = vector.broadcast %div3A_143 : f32 to vector<1x128xf32>
        %mul3A_145 = arith.mulf %mul3A_140, %mul3A_144 : vector<1x128xf32>
        %add3A_146 = arith.addf %broadcast_in_dim3A_106, %mul3A_145 : vector<1x128xf32>
        %add3A_147 = arith.addf %get3A_139, %add3A_146 : vector<1x128xf32>
        %swap3A_148 = arith.constant 0 : index
        %swap3A_149 = arith.constant 0 : index
        %swap3A_150 = vector.load %arg24[%swap3A_148, %swap3A_149] : memref<1x128xf32, #tpu.memory_space<vmem>>, vector<1x128xf32>
        tpu.vector_store %arg24[%swap3A_148, %swap3A_149], %add3A_147 {strides = array<i32>} : memref<1x128xf32, #tpu.memory_space<vmem>>, vector<1x128xf32>,
      } else {
      }
    } else {
    }
    %eq3A_2 = arith.constant 1 : i32
    %eq3A_3 = arith.cmpi eq, %arg0, %eq3A_2 : i32
    %convert_element_type3A_4 = arith.extui %eq3A_3 : i1 to i32
    %cond3A_5 = arith.constant 0 : i32
    %cond3A_6 = arith.cmpi ne, %convert_element_type3A_4, %cond3A_5 : i32
    scf.if %cond3A_6 {
      %get3A = arith.constant 0 : index
      %get3A_7 = arith.constant 0 : index
      %get3A_8 = vector.load %arg9[%get3A, %get3A_7] : memref<1x128xf32, #tpu.memory_space<vmem>>, vector<1x128xf32>
      %get3A_9 = arith.constant 0 : index
      %get3A_10 = arith.constant 0 : index
      %get3A_11 = vector.load %arg22[%get3A_9, %get3A_10] : memref<1x128xf32, #tpu.memory_space<vmem>>, vector<1x128xf32>
      %div3A = arith.constant 1.000000e+04 : f32
      %div3A_12 = vector.broadcast %div3A : f32 to vector<1x128xf32>
      %div3A_13 = arith.divf %get3A_11, %div3A_12 : vector<1x128xf32>
      %add3A = arith.constant 9.99999974E-6 : f32
      %add3A_14 = vector.broadcast %add3A : f32 to vector<1x128xf32>
      %add3A_15 = arith.addf %div3A_13, %add3A_14 : vector<1x128xf32>
      %rsqrt3A = math.rsqrt %add3A_15 : vector<1x128xf32>
      %mul3A = arith.mulf %get3A_8, %rsqrt3A : vector<1x128xf32>
      %get3A_16 = arith.constant 0 : index
      %get3A_17 = arith.constant 0 : index
      %get3A_18 = vector.load %arg10[%get3A_16, %get3A_17] : memref<1x128xf32, #tpu.memory_space<vmem>>, vector<1x128xf32>
      %get3A_19 = arith.constant 0 : index
      %get3A_20 = arith.constant 0 : index
      %get3A_21 = vector.load %arg21[%get3A_19, %get3A_20] : memref<1x128xf32, #tpu.memory_space<vmem>>, vector<1x128xf32>
      %mul3A_22 = arith.mulf %get3A_21, %mul3A : vector<1x128xf32>
      %sub3A = arith.subf %get3A_18, %mul3A_22 : vector<1x128xf32>
      %mul3A_23 = arith.constant 2000 : i32
      %mul3A_24 = arith.muli %arg1, %mul3A_23 : i32
      %get3A_25 = arith.index_cast %mul3A_24 : i32 to index
      %get3A_26 = arith.constant 0 : index
      %get3A_27 = vector.load %arg19[%get3A_25, %get3A_26] : memref<10000x128xf32, #tpu.memory_space<vmem>>, vector<2000x128xf32>
      %mul3A_28 = vector.broadcast %mul3A : vector<1x128xf32> to vector<2000x128xf32>
      %mul3A_29 = arith.mulf %get3A_27, %mul3A_28 : vector<2000x128xf32>
      %add3A_30 = vector.broadcast %sub3A : vector<1x128xf32> to vector<2000x128xf32>
      %add3A_31 = arith.addf %mul3A_29, %add3A_30 : vector<2000x128xf32>
      %swap3A = arith.constant 0 : index
      %swap3A_32 = arith.constant 0 : index
      %swap3A_33 = vector.load %arg17[%swap3A, %swap3A_32] : memref<2000x128xf32, #tpu.memory_space<vmem>>, vector<2000x128xf32>
      tpu.vector_store %arg17[%swap3A, %swap3A_32], %add3A_31 {strides = array<i32>} : memref<2000x128xf32, #tpu.memory_space<vmem>>, vector<2000x128xf32>,
      %get3A_34 = arith.constant 0 : index
      %get3A_35 = arith.constant 0 : index
      %get3A_36 = vector.load %arg15[%get3A_34, %get3A_35] : memref<1x128xf32, #tpu.memory_space<vmem>>, vector<1x128xf32>
      %get3A_37 = arith.constant 0 : index
      %get3A_38 = arith.constant 0 : index
      %get3A_39 = vector.load %arg24[%get3A_37, %get3A_38] : memref<1x128xf32, #tpu.memory_space<vmem>>, vector<1x128xf32>
      %div3A_40 = arith.constant 1.000000e+04 : f32
      %div3A_41 = vector.broadcast %div3A_40 : f32 to vector<1x128xf32>
      %div3A_42 = arith.divf %get3A_39, %div3A_41 : vector<1x128xf32>
      %add3A_43 = arith.constant 9.99999974E-6 : f32
      %add3A_44 = vector.broadcast %add3A_43 : f32 to vector<1x128xf32>
      %add3A_45 = arith.addf %div3A_42, %add3A_44 : vector<1x128xf32>
      %rsqrt3A_46 = math.rsqrt %add3A_45 : vector<1x128xf32>
      %mul3A_47 = arith.mulf %get3A_36, %rsqrt3A_46 : vector<1x128xf32>
      %get3A_48 = arith.constant 0 : index
      %get3A_49 = arith.constant 0 : index
      %get3A_50 = vector.load %arg16[%get3A_48, %get3A_49] : memref<1x128xf32, #tpu.memory_space<vmem>>, vector<1x128xf32>
      %get3A_51 = arith.constant 0 : index
      %get3A_52 = arith.constant 0 : index
      %get3A_53 = vector.load %arg23[%get3A_51, %get3A_52] : memref<1x128xf32, #tpu.memory_space<vmem>>, vector<1x128xf32>
      %mul3A_54 = arith.mulf %get3A_53, %mul3A_47 : vector<1x128xf32>
      %sub3A_55 = arith.subf %get3A_50, %mul3A_54 : vector<1x128xf32>
      %mul3A_56 = arith.constant 2000 : i32
      %mul3A_57 = arith.muli %arg1, %mul3A_56 : i32
      %get3A_58 = arith.index_cast %mul3A_57 : i32 to index
      %get3A_59 = arith.constant 0 : index
      %get3A_60 = vector.load %arg20[%get3A_58, %get3A_59] : memref<10000x128xf32, #tpu.memory_space<vmem>>, vector<2000x128xf32>
      %mul3A_61 = vector.broadcast %mul3A_47 : vector<1x128xf32> to vector<2000x128xf32>
      %mul3A_62 = arith.mulf %get3A_60, %mul3A_61 : vector<2000x128xf32>
      %add3A_63 = vector.broadcast %sub3A_55 : vector<1x128xf32> to vector<2000x128xf32>
      %add3A_64 = arith.addf %mul3A_62, %add3A_63 : vector<2000x128xf32>
      %swap3A_65 = arith.constant 0 : index
      %swap3A_66 = arith.constant 0 : index
      %swap3A_67 = vector.load %arg18[%swap3A_65, %swap3A_66] : memref<2000x128xf32, #tpu.memory_space<vmem>>, vector<2000x128xf32>
      tpu.vector_store %arg18[%swap3A_65, %swap3A_66], %add3A_64 {strides = array<i32>} : memref<2000x128xf32, #tpu.memory_space<vmem>>, vector<2000x128xf32>,
    } else {
    }
    return
  }
  func.func @transform_0(%arg0: i32, %arg1: i32) -> (i32, i32) {
    %sub3A = arith.constant 1 : i32
    %sub3A_0 = arith.subi %sub3A, %arg0 : i32
    %mul3A = arith.muli %arg1, %sub3A_0 : i32
    %mul3A_1 = arith.constant 4 : i32
    %mul3A_2 = arith.muli %mul3A_1, %arg0 : i32
    %add3A = arith.addi %mul3A, %mul3A_2 : i32
    %c0_i32 = arith.constant 0 : i32
    %c0_i32_3 = arith.constant 0 : i32
    return %add3A, %c0_i32 : i32, i32
  }
  func.func @transform_1(%arg0: i32, %arg1: i32) -> (i32, i32) {
    %sub3A = arith.constant 1 : i32
    %sub3A_0 = arith.subi %sub3A, %arg0 : i32
    %mul3A = arith.muli %arg1, %sub3A_0 : i32
    %mul3A_1 = arith.constant 4 : i32
    %mul3A_2 = arith.muli %mul3A_1, %arg0 : i32
    %add3A = arith.addi %mul3A, %mul3A_2 : i32
    %c0_i32 = arith.constant 0 : i32
    %c0_i32_3 = arith.constant 0 : i32
    return %add3A, %c0_i32 : i32, i32
  }
  func.func @transform_2(%arg0: i32, %arg1: i32) -> (i32, i32) {
    %sub3A = arith.constant 1 : i32
    %sub3A_0 = arith.subi %sub3A, %arg0 : i32
    %mul3A = arith.muli %arg1, %sub3A_0 : i32
    %mul3A_1 = arith.constant 4 : i32
    %mul3A_2 = arith.muli %mul3A_1, %arg0 : i32
    %add3A = arith.addi %mul3A, %mul3A_2 : i32
    %c0_i32 = arith.constant 0 : i32
    %c0_i32_3 = arith.constant 0 : i32
    return %add3A, %c0_i32 : i32, i32
  }
  func.func @transform_3(%arg0: i32, %arg1: i32) -> (i32, i32) {
    %c0_i32 = arith.constant 0 : i32
    %c0_i32_0 = arith.constant 0 : i32
    %c0_i32_1 = arith.constant 0 : i32
    return %c0_i32, %c0_i32_0 : i32, i32
  }
  func.func @transform_4(%arg0: i32, %arg1: i32) -> (i32, i32) {
    %c0_i32 = arith.constant 0 : i32
    %c0_i32_0 = arith.constant 0 : i32
    %c0_i32_1 = arith.constant 0 : i32
    return %c0_i32, %c0_i32_0 : i32, i32
  }
  func.func @transform_5(%arg0: i32, %arg1: i32) -> (i32, i32) {
    %c0_i32 = arith.constant 0 : i32
    %c0_i32_0 = arith.constant 0 : i32
    %c0_i32_1 = arith.constant 0 : i32
    return %c0_i32, %c0_i32_0 : i32, i32
  }
  func.func @transform_6(%arg0: i32, %arg1: i32) -> (i32, i32) {
    %c0_i32 = arith.constant 0 : i32
    %c0_i32_0 = arith.constant 0 : i32
    %c0_i32_1 = arith.constant 0 : i32
    return %c0_i32, %c0_i32_0 : i32, i32
  }
  func.func @transform_7(%arg0: i32, %arg1: i32) -> (i32, i32) {
    %c0_i32 = arith.constant 0 : i32
    %c0_i32_0 = arith.constant 0 : i32
    %c0_i32_1 = arith.constant 0 : i32
    return %c0_i32, %c0_i32_0 : i32, i32
  }
  func.func @transform_8(%arg0: i32, %arg1: i32) -> (i32, i32) {
    %c0_i32 = arith.constant 0 : i32
    %c0_i32_0 = arith.constant 0 : i32
    %c0_i32_1 = arith.constant 0 : i32
    return %c0_i32, %c0_i32_0 : i32, i32
  }
  func.func @transform_9(%arg0: i32, %arg1: i32) -> (i32, i32) {
    %c0_i32 = arith.constant 0 : i32
    %c0_i32_0 = arith.constant 0 : i32
    %c0_i32_1 = arith.constant 0 : i32
    return %c0_i32, %c0_i32_0 : i32, i32
  }
  func.func @transform_10(%arg0: i32, %arg1: i32) -> (i32, i32) {
    %c0_i32 = arith.constant 0 : i32
    %c0_i32_0 = arith.constant 0 : i32
    %c0_i32_1 = arith.constant 0 : i32
    return %c0_i32, %c0_i32_0 : i32, i32
  }
  func.func @transform_11(%arg0: i32, %arg1: i32) -> (i32, i32) {
    %c0_i32 = arith.constant 0 : i32
    %c0_i32_0 = arith.constant 0 : i32
    %c0_i32_1 = arith.constant 0 : i32
    return %c0_i32, %c0_i32_0 : i32, i32
  }
  func.func @transform_12(%arg0: i32, %arg1: i32) -> (i32, i32) {
    %c0_i32 = arith.constant 0 : i32
    %c0_i32_0 = arith.constant 0 : i32
    %c0_i32_1 = arith.constant 0 : i32
    return %c0_i32, %c0_i32_0 : i32, i32
  }
  func.func @transform_13(%arg0: i32, %arg1: i32) -> (i32, i32) {
    %c0_i32 = arith.constant 0 : i32
    %c0_i32_0 = arith.constant 0 : i32
    %c0_i32_1 = arith.constant 0 : i32
    return %c0_i32, %c0_i32_0 : i32, i32
  }
  func.func @transform_14(%arg0: i32, %arg1: i32) -> (i32, i32) {
    %c0_i32 = arith.constant 0 : i32
    %c0_i32_0 = arith.constant 0 : i32
    %c0_i32_1 = arith.constant 0 : i32
    return %c0_i32, %c0_i32_0 : i32, i32
  }
  func.func @transform_15(%arg0: i32, %arg1: i32) -> (i32, i32) {
    %mul3A = arith.muli %arg1, %arg0 : i32
    %c0_i32 = arith.constant 0 : i32
    %c0_i32_0 = arith.constant 0 : i32
    return %mul3A, %c0_i32 : i32, i32
  }
  func.func @transform_16(%arg0: i32, %arg1: i32) -> (i32, i32) {
    %mul3A = arith.muli %arg1, %arg0 : i32
    %c0_i32 = arith.constant 0 : i32
    %c0_i32_0 = arith.constant 0 : i32
    return %mul3A, %c0_i32 : i32, i32
  }
}

</mosaic_0001>

<sc_bundles>
// kernel: kernel.11.cloned.1.call-start
scs
__scs_entry_jumppad:
0x0: {  	(pc) =	sbr.rel $0x88, $3  }
0x1: {  	(tag) =	ssettag $0x0;
	lr =	simm.s32 $0x1  }
0x2: {  	[smem:$0x3F78] =	sst lr;
	_ =	strace $0xD0000000  }
0x3: {  	_ = 	snop  }
0x4: {  	_ = 	snop  }
0x5: {  	_ = 	snop  }
0x6: {  	_ = 	snop  }
0x7: {  	_ = 	snop  }
__scs_overlays_trampoline_lowered:
0x8: {  	[smem:$0x3F87] =	sst s0  }
0x9: {  	[smem:$0x3F88] =	sst s1  }
0xa: {  	[smem:$0x3F89] =	sst s2  }
0xb: {  	[smem:$0x3F8A] =	sst s3  }
0xc: {  	[smem:$0x3F8B] =	sst s4  }
0xd: {  	[smem:$0x3F8C] =	sst s5  }
0xe: {  	[smem:$0x3F8D] =	sst s6  }
0xf: {  	[smem:$0x3F8E] =	sst s7  }
0x10: {  	[smem:$0x3F8F] =	sst s8  }
0x11: {  	[smem:$0x3F90] =	sst s9;
	s0 =	simm.s32 @!p0 $0x0  }
0x12: {  	s1 =	sld [smem:$0x3F76];
	s0 =	simm.s32 @p0 $0x1  }
0x13: {  	[smem:$0x3F91] =	sst s0;
	s0 =	simm.s32 @!p1 $0x0  }
0x14: {  	s2 =	sld [smem:$0x3F75];
	s0 =	simm.s32 @p1 $0x1  }
0x15: {  	[smem:$0x3F92] =	sst s0;
	s0 =	simm.s32 @!p2 $0x0  }
0x16: {  	s3 =	sld [smem:$0x3FDB];
	s0 =	simm.s32 @p2 $0x1  }
0x17: {  	s4 =	simm.s32 $0x1BF5;
	[smem:$0x3F94] =	sst s0  }
0x18: {  	s0 =	sld [smem:$0x3F77];
	_ =	swait.ge [sflag:s4], $0x0  }
0x19: {  	s7 =	sld [smem:$0x3F78]  }
0x1a: {  	s8 =	sadd.s32 $0xFFFFE003, lr  }
0x1b: {  	s9 =	sadd.s32 $0xFFFFFEF7, lr;
	s5 =	simm.s32 $0xFFFFFFFF;
	p2 =	slt.u32 s8, $0xFFFFF086  }
0x1c: {  	p1 =	slt.u32 s9, $0xF7A;
	s5 =	simm.s32 @!p2 $0x0  }
0x1d: {  	s5 =	simm.s32 @p1 $0x1;
	p0 =	seq.s32 s7, s2  }
0x1e: {  	s7 =	smul.u32 @!p0 $0xF7A, s2;
	p2 =	seq.s32 @!p0 s5, $0x0  }
0x1f: {  	s9 =	smul.u32 $0xF7A, s1;
	s8 =	simm.s32 @!p0 $0x1BF5;
	p2 =	por !p2, p0  }
0x20: {  	[sflag:s8] =	ssyncset.s32 @!p0 $0xFFFFF086;
	s6 =	sadd.s32 @!p0 s3, s7;
	s7 =	simm.s32 @!p0 $0x108  }
0x21: {  	s3 =	sadd.s32 s3, s9;
	s6 =	sadd.s32 @!p0 $0x88, s6;
	s7 =	simm.s32 @p2 $0x1082  }
0x22: {  	[simem:s7], [sflag:s8] =	dma.local @!p0 [hbm:s6], $0xF7A  }
0x23: {  	s9 =	sor.u32 $0xD0000000, s2;
	s6 =	simm.s32 $0x108;
	_ =	swait.ge @!p0 [sflag:s8], $0x0  }
0x24: {  	s3 =	sadd.s32 $0x88, s3;
	s6 =	simm.s32 @!p1 $0x1082;
	[sflag:s4] =	ssyncset.s32 $0xFFFFF086  }
0x25: {  	[simem:s6], [sflag:s4] =	dma.local [hbm:s3], $0xF7A  }
0x26: {  	[smem:$0x3F78] =	sst s1;
	(tag) =	ssettag s2;
	_ =	strace s9  }
0x27: {  	s1 =	sld [smem:$0x3F88]  }
0x28: {  	s2 =	sld [smem:$0x3F89]  }
0x29: {  	s4 =	sld [smem:$0x3F8B]  }
0x2a: {  	p0 =	seq.s32 s5, $0x0;
	s5 =	sld [smem:$0x3F8C]  }
0x2b: {  	s6 =	sld [smem:$0x3F8D]  }
0x2c: {  	s7 =	sld [smem:$0x3F8E]  }
0x2d: {  	s3 =	simm.s32 $0x108;
	s8 =	sld [smem:$0x3F8F]  }
0x2e: {  	s3 =	simm.s32 @!p0 $0x1082;
	s9 =	sld [smem:$0x3F90]  }
0x2f: {  	lr =	sadd.s32 s0, s3;
	s0 =	sld [smem:$0x3F87]  }
0x30: {  	s3 =	sld [smem:$0x3F8A]  }
0x31: {  	[smem:$0x3F93] =	sst s10  }
0x32: {  	s10 =	sld [smem:$0x3F91];
	_ =	sdelay $0x3  }
0x33: {  	p0 =	seq.s32 s10, $0x1;
	s10 =	sld [smem:$0x3F93];
	_ =	sdelay $0x3  }
0x34: {  	[smem:$0x3F93] =	sst s10  }
0x35: {  	s10 =	sld [smem:$0x3F92];
	_ =	sdelay $0x3  }
0x36: {  	p1 =	seq.s32 s10, $0x1;
	s10 =	sld [smem:$0x3F93];
	_ =	sdelay $0x3  }
0x37: {  	[smem:$0x3F93] =	sst s10  }
0x38: {  	s10 =	sld [smem:$0x3F94]  }
0x39: {  	_ = 	snop;
	(pc) =	sbr.ind lr, $3  }
0x3a: {  	_ = 	snop  }
0x3b: {  	_ = 	snop  }
0x3c: {  	p2 =	seq.s32 s10, $0x1;
	s10 =	sld [smem:$0x3F93]  }
0x3d: {  	_ =	shalt  }
0x3e: {  	_ =	shalt  }
0x3f: {  	_ =	shalt  }
0x40: {  	_ =	shalt  }
0x41: {  	_ =	shalt  }
0x42: {  	_ =	shalt  }
0x43: {  	_ =	shalt  }
0x44: {  	_ =	shalt  }
0x45: {  	_ =	shalt  }
0x46: {  	_ =	shalt  }
0x47: {  	_ =	shalt  }
0x48: {  	_ =	shalt  }
0x49: {  	_ =	shalt  }
0x4a: {  	_ =	shalt  }
0x4b: {  	_ =	shalt  }
0x4c: {  	_ =	shalt  }
0x4d: {  	_ =	shalt  }
0x4e: {  	_ =	shalt  }
0x4f: {  	_ =	shalt  }
0x50: {  	_ =	shalt  }
0x51: {  	_ =	shalt  }
0x52: {  	_ =	shalt  }
0x53: {  	_ =	shalt  }
0x54: {  	_ =	shalt  }
0x55: {  	_ =	shalt  }
0x56: {  	_ =	shalt  }
0x57: {  	_ =	shalt  }
0x58: {  	_ =	shalt  }
0x59: {  	_ =	shalt  }
0x5a: {  	_ =	shalt  }
0x5b: {  	_ =	shalt  }
0x5c: {  	_ =	shalt  }
0x5d: {  	_ =	shalt  }
0x5e: {  	_ =	shalt  }
0x5f: {  	_ =	shalt  }
0x60: {  	_ =	shalt  }
0x61: {  	_ =	shalt  }
0x62: {  	_ =	shalt  }
0x63: {  	_ =	shalt  }
0x64: {  	_ =	shalt  }
0x65: {  	_ =	shalt  }
0x66: {  	_ =	shalt  }
0x67: {  	_ =	shalt  }
0x68: {  	_ =	shalt  }
0x69: {  	_ =	shalt  }
0x6a: {  	_ =	shalt  }
0x6b: {  	_ =	shalt  }
0x6c: {  	_ =	shalt  }
0x6d: {  	_ =	shalt  }
0x6e: {  	_ =	shalt  }
0x6f: {  	_ =	shalt  }
0x70: {  	_ =	shalt  }
0x71: {  	_ =	shalt  }
0x72: {  	_ =	shalt  }
0x73: {  	_ =	shalt  }
0x74: {  	_ =	shalt  }
0x75: {  	_ =	shalt  }
0x76: {  	_ =	shalt  }
0x77: {  	_ =	shalt  }
0x78: {  	_ =	shalt  }
0x79: {  	_ =	shalt  }
0x7a: {  	_ =	shalt  }
0x7b: {  	_ =	shalt  }
0x7c: {  	_ =	shalt  }
0x7d: {  	_ =	shalt  }
0x7e: {  	_ =	shalt  }
0x7f: {  	_ =	shalt  }
0x80: {  	_ =	shalt  }
0x81: {  	_ =	shalt  }
0x82: {  	_ =	shalt  }
0x83: {  	_ =	shalt  }
0x84: {  	_ =	shalt  }
0x85: {  	_ =	shalt  }
0x86: {  	_ =	shalt  }
0x87: {  	_ =	shalt  }
.Lfunc_end0:
.L_simem_size_0:
called_computation_lowered:
.L_overlay_start_0:
0x88: {  	s2 =	sld [smem:$0x3FD9]  }
0x89: {  	s3 =	sld [smem:$0x3FFE];
	_ =	sdelay $0x1  }
0x8a: {  	s1 =	srdreg.scid  }
0x8b: {  	s0 =	sand.u32 $0x1, s1  }
0x8c: {  	s14 =	sshll.u32 s0, $0xA;
	s2 =	sadd.s32 s3, s2  }
0x8d: {  	s2 =	sadd.s32 s2, s14  }
0x8e: {  	[smem:$0x3F9F] =	sst s2  }
0x8f: {  	_ = 	snop  }
0x90: {  	s2 =	sld [smem:$0x3FD0];
	_ =	sdelay $0x2  }
0x91: {  	s4 =	simm.s32 $0xA;
	s5 =	simm.s32 $0x10;
	s15 =	sld [smem:$0x3FC9]  }
0x92: {  	[smem:s5], [sflag:s4] =	dma.local [hbm:s2], $0x1  }
0x93: {  	_ =	swait.eq [sflag:s4], $0x1  }
0x94: {  	[sflag:s4] =	ssyncset.done $0x0  }
0x95: {  	[sflag:s4] =	ssyncadd.s32 $0xFFFFFFFF  }
0x96: {  	s16 =	sld [smem:$0x10];
	(tm) =	ssettm $0x1  }
0x97: {  	s17 =	sld [smem:$0x3FFB];
	_ =	sdelay $0x3  }
0x98: {  	_ =	strace s17  }
0x99: {  	s4 =	sld [smem:$0x3FFC];
	_ =	sdelay $0x3  }
0x9a: {  	_ =	strace s4  }
0x9b: {  	s4 =	sld [smem:$0x3FFD];
	_ =	sdelay $0x3  }
0x9c: {  	_ =	strace s4  }
0x9d: {  	_ =	strace $0x8FFFFFFF  }
0x9e: {  	s18 =	sld [smem:$0x3FDB];
	_ =	sdelay $0x1  }
0x9f: {  	s19 =	simm.s32 $_scs_section_size  }
0xa0: {  	s6 =	simm.s32 $_size__tile_overlayer_lowered;
	s7 =	simm.s32 $_tile_overlayer_lowered  }
0xa1: {  	s22 =	simm.s32 $0x1BFF;
	s21 =	sshll.u32 s7, $0x1;
	s4 =	sadd.s32 s19, s18  }
0xa2: {  	s8 =	simm.s32 $0x0;
	s20 =	sshll.u32 s6, $0x1;
	s6 =	sadd.s32 s21, s4  }
0xa3: {  	[timem:s8], [sflag:s22] =	dma.local [hbm:s6], s20  }
0xa4: {  	_ =	swait.ge [sflag:s22], s20  }
0xa5: {  	s5 =	ssub.s32 $0x0, s20;
	[sflag:s22] =	ssyncset.done $0x0  }
0xa6: {  	[sflag:s22] =	ssyncadd.s32 s5;
	_ =	sdelay $0x1  }
0xa7: {  	s23 =	simm.s32 $0x1B8B  }
0xa8: {  	_ =	swait.ge [sflag:s23], $0x1  }
0xa9: {  	[sflag:s23] =	ssyncset.done $0x0  }
0xaa: {  	s25 =	simm.s32 $0x1B8E;
	s24 =	sld [smem:$0x3FFE];
	[sflag:s23] =	ssyncadd.s32 $0xFFFFFFFF  }
0xab: {  	s26 =	simm.s32 $execute0_lowered;
	[smem:$0x3FD2] =	sst s25  }
0xac: {  	s6 =	sshll.u32 s26, $0x1;
	_ =	strace $0x80000046;
	[dreg:$0x1] =	wrdreg $0xFFFFFFFF  }
0xad: {  	s28 =	simm.s32 $_size_execute0_lowered;
	s4 =	sadd.s32 s4, s6;
	[dreg:$0x0] =	wrdreg $0x0  }
0xae: {  	s6 =	sshll.u32 s28, $0x1;
	[dreg:$0x2] =	wrdreg s4  }
0xaf: {  	[dreg:$0x3] =	wrdreg s6  }
0xb0: {  	[dreg:$0x4] =	wrdreg $0xC0  }
0xb1: {  	_ =	task [dreg:s8], $0x5FFFF  }
0xb2: {  	[dreg:$0x1] =	wrdreg $0xFFFFFFFF  }
0xb3: {  	[dreg:$0x0] =	wrdreg $0x60  }
0xb4: {  	[dreg:$0x2] =	wrdreg s15  }
0xb5: {  	[dreg:$0x3] =	wrdreg s16  }
0xb6: {  	[dreg:$0x4] =	wrdreg s24  }
0xb7: {  	[dreg:$0x5] =	wrdreg $0xA8000  }
0xb8: {  	[dreg:$0x6] =	wrdreg $0x9  }
0xb9: {  	_ =	task.clear_ibuf [dreg:s8], $0x7FFFF;
	_ =	strace $0x90000046  }
0xba: {  	s29 =	simm.s32 $0x9;
	_ =	strace $0x80000048  }
0xbb: {  	_ =	swait.ge [sflag:s29], $0x1  }
0xbc: {  	[sflag:s29] =	ssyncadd.s32 $0xFFFFFFFF  }
0xbd: {  	_ =	strace $0x90000048  }
0xbe: {  	_ =	sfence  }
0xbf: {  	s30 =	sld [smem:$0x0];
	_ =	sdelay $0x2  }
0xc0: {  	s31 =	sshll.u32 s1, $0xD;
	s1 =	sshrl.u32 s1, $0x2  }
0xc1: {  	s3 =	sand.u32 $0x4000, s31;
	s1 =	sadd.s32 s1, s30  }
0xc2: {  	s0 =	sor.u32 s3, s0;
	s1 =	sshll.u32 s1, $0x11  }
0xc3: {  	s0 =	sor.u32 s1, s0  }
0xc4: {  	s0 =	sadd.s32 $0x8F2B, s0  }
0xc5: {  	[sflag:s0] =	ssyncadd.remote.s32 $0x1  }
0xc6: {  	_ =	sfence.sel $0xFFFF  }
0xc7: {  	[dreg:$0x0] =	wrdreg $0xFFFFFFFF;
	(pc) =	sbr.abs _section_cstart, $3  }
0xc8: {  	[dreg:$0x1] =	wrdreg $0xFFFFFFFF  }
0xc9: {  	_ =	task.clear_ibuf [dreg:s8], $0x2FFFF;
	_ =	strace $0x9FFFFFFF  }
0xca: {  	(tm) =	ssettm $0x7FFFFFFF  }
0xcb: {  	_ =	shalt  }
tec
execute0_lowered:
.L_overlay_start_1:
0x0: {  	(tag) =	ssettag $0x1  }
0x1: {  	s1 =	rddreg [dreg:$0x0]  }
0x2: {  	s14 =	rddreg [dreg:$0x1]  }
0x3: {  	s5 =	rddreg [dreg:$0x2]  }
0x4: {  	s2 =	rddreg [dreg:$0x3];
	s4 =	simm.s32 $0x0  }
0x5: {  	s6 =	srdreg.scid;
	s3 =	stileid.u32;
	s21 =	simm.s32 $0x1400  }
0x6: {  	s22 =	simm.s32 $0x7D;
	s23 =	simm.s32 $0x80;
	s24 =	simm.s32 $0x6800  }
0x7: {  	s25 =	simm.s32 $0x1;
	s26 =	simm.s32 $0x2;
	s28 =	simm.s32 $0x2700  }
0x8: {  	s29 =	simm.s32 $0x2780;
	[smem:$0x7FF] =	sst s4;
	s10 =	sand.u32 $0x1, s6  }
0x9: {  	s30 =	smul.u32 $0x4E000, s3;
	s15 =	sadd.s32 $0x8200, s5;
	s16 =	sadd.s32 $0x12200, s5  }
0xa: {  	s8 =	sshll.u32 s3, $0x1;
	s20 =	smul.u32 $0x13800, s3;
	p0 =	sne.s32 s3, $0xF  }
0xb: {  	_ =	strace $0x80000047;
	s31 =	ssub.s32 $0x2, s10;
	s8 =	sor.u32 s10, s8  }
0xc: {  	s17 =	smul.u32 $0x138800, s10;
	s7 =	sshrl.u32 s31, $0x1;
	s6 =	sshrl.u32 s30, $0x2  }
0xd: {  	s11 =	smul.u32 $0x2800, s8;
	s18 =	ssub.s32 s31, s7;
	s5 =	sadd.s32 s6, s2  }
0xe: {  	s20 =	sadd.s32 s20, s17;
	s17 =	sshrl.u32 s17, $0x3;
	s6 =	sadd.s32 $0x3400, s5  }
0xf: {  	s7 =	sadd.s32 $0x6800, s5;
	s8 =	sadd.s32 $0x9C00, s5;
	s9 =	sadd.s32 $0xD000, s5  }
0x10: {  	s10 =	sadd.s32 $0x10400, s5;
	s19 =	sshrl.u32 s11, $0x3;
	s11 =	sadd.s32 $0x138000, s2  }
0x11: {  	s20 =	sshrl.u32 s20, $0x3;
	s17 =	sadd.s32 s16, s17;
	s18 =	smax.u32 s18, $0x1  }
0x12: {  	s12 =	sadd.s32 s14, s19;
	s13 =	sadd.s32 s15, s19;
	s19 =	sadd.s32 $0x280, s19  }
0x13: {  	s16 =	sadd.s32 s16, s20;
	s17 =	sadd.s32 $0x27000, s17;
	s20 =	simm.s32 $0x3  }
0x14: {  	v0 =	vimm.f32 $0.0e+00;
	s14 =	sadd.s32 s14, s19;
	s15 =	sadd.s32 s15, s19;
	s19 =	simm.s32 $0x2800  }
.LBB2_1:
0x15: {  	s30 =	simm.s32 $0x0;
	s31 =	simm.s32 $0x200  }
.LBB2_2:
0x16: {  	p1 =	sne.s32 s31, $0xCE00;
	[tilespmem:s30+$0x2870] =	vst v0  }
0x17: {  	[tilespmem:s30+$0x2800] =	vst v0  }
0x18: {  	[tilespmem:s30+$0x2810] =	vst v0  }
.Ltmp0:
0x19: {  	[tilespmem:s30+$0x2820] =	vst v0;
	(pc) =	sbr.rel @p1 .LBB2_2-.Ltmp0, $4  }
0x1a: {  	[tilespmem:s30+$0x2830] =	vst v0  }
0x1b: {  	[tilespmem:s30+$0x2840] =	vst v0  }
0x1c: {  	[tilespmem:s30+$0x2850] =	vst v0  }
0x1d: {  	[tilespmem:s30+$0x2860] =	vst v0;
	s30 =	sshra.s32 s31, $0x2;
	s31 =	sadd.s32 $0x200, s31  }
0x1e: {  	[tilespmem:s30+$0x2870] =	vst v0  }
0x1f: {  	[tilespmem:s30+$0x2800] =	vst v0  }
0x20: {  	[tilespmem:s30+$0x2810] =	vst v0  }
0x21: {  	[tilespmem:s30+$0x2820] =	vst v0  }
0x22: {  	[tilespmem:s30+$0x2830] =	vst v0  }
0x23: {  	[tilespmem:s30+$0x2840] =	vst v0  }
0x24: {  	[tilespmem:s30+$0x2850] =	vst v0  }
0x25: {  	[tilespmem:s30+$0x2860] =	vst v0  }
0x26: {  	[spmem:s5] =	stream.linear.scatter [tilespmem:s19], [sflag:$0x3], $0x3400, $0x38;
	[tilespmem:$0x1E080] =	vst v63  }
0x27: {  	_ =	swait.ge [sflag:s20], $0x3400  }
0x28: {  	[sflag:s20] =	ssyncset.done $0x0  }
0x29: {  	[sflag:s20] =	ssyncadd.s32 $0xFFFFCC00  }
0x2a: {  	[spmem:s6] =	stream.linear.scatter [tilespmem:s19], [sflag:$0x3], $0x3400, $0x38;
	[tilespmem:$0x1E080] =	vst v63  }
0x2b: {  	_ =	swait.ge [sflag:s20], $0x3400  }
0x2c: {  	[sflag:s20] =	ssyncset.done $0x0  }
0x2d: {  	[sflag:s20] =	ssyncadd.s32 $0xFFFFCC00  }
0x2e: {  	[spmem:s7] =	stream.linear.scatter [tilespmem:s19], [sflag:$0x3], $0x3400, $0x38;
	[tilespmem:$0x1E080] =	vst v63  }
0x2f: {  	_ =	swait.ge [sflag:s20], $0x3400  }
0x30: {  	[sflag:s20] =	ssyncset.done $0x0  }
0x31: {  	[sflag:s20] =	ssyncadd.s32 $0xFFFFCC00  }
0x32: {  	[spmem:s8] =	stream.linear.scatter [tilespmem:s19], [sflag:$0x3], $0x3400, $0x38;
	[tilespmem:$0x1E080] =	vst v63  }
0x33: {  	_ =	swait.ge [sflag:s20], $0x3400  }
0x34: {  	[sflag:s20] =	ssyncset.done $0x0  }
0x35: {  	[sflag:s20] =	ssyncadd.s32 $0xFFFFCC00  }
0x36: {  	[spmem:s9] =	stream.linear.scatter [tilespmem:s19], [sflag:$0x3], $0x3400, $0x38;
	[tilespmem:$0x1E080] =	vst v63  }
0x37: {  	_ =	swait.ge [sflag:s20], $0x3400  }
0x38: {  	[sflag:s20] =	ssyncset.done $0x0  }
0x39: {  	[sflag:s20] =	ssyncadd.s32 $0xFFFFCC00  }
0x3a: {  	[spmem:s10] =	stream.linear.scatter [tilespmem:s19], [sflag:$0x3], $0x3400, $0x38;
	[tilespmem:$0x1E080] =	vst v63  }
0x3b: {  	_ =	swait.ge [sflag:s20], $0x3400  }
0x3c: {  	[sflag:s20] =	ssyncset.done $0x0  }
0x3d: {  	s30 =	simm.s32 @!p0 $0x2800;
	[sflag:s20] =	ssyncadd.s32 $0xFFFFCC00  }
0x3e: {  	[spmem:s11] =	stream.linear.scatter @!p0 [tilespmem:s30], [sflag:$0x3], $0x800, $0x38;
	[tilespmem:$0x1E080] =	vst v63  }
0x3f: {  	s30 =	simm.s32 @!p0 $0x3  }
0x40: {  	_ =	swait.ge @!p0 [sflag:s30], $0x800  }
0x41: {  	[sflag:s30] =	ssyncset.done @!p0 $0x0  }
0x42: {  	[sflag:s30] =	ssyncadd.s32 @!p0 $0xFFFFF800  }
0x43: {  	s30 =	simm.s32 $0x0;
	[bflag:$0x0] =	sbarrier.arrive $0xFFFF  }
0x44: {  	[tilespmem:s30], [sflag:$0x3] =	stream.linear.gather [hbm4b:s12+s30], $0x1400, $0x38;
	[tilespmem:$0x1E080] =	vst v63  }
0x45: {  	_ =	swait.ge [sflag:s20], $0x1400  }
0x46: {  	[sflag:s20] =	ssyncset.done $0x0  }
0x47: {  	[sflag:s20] =	ssyncadd.s32 $0xFFFFEC00  }
0x48: {  	[tilespmem:s21], [sflag:$0x3] =	stream.linear.gather [hbm4b:s13+s30], $0x1400, $0x38;
	[tilespmem:$0x1E080] =	vst v63  }
0x49: {  	_ =	swait.ge [sflag:s20], $0x1400  }
0x4a: {  	[sflag:s20] =	ssyncset.done $0x0  }
0x4b: {  	[sflag:s20] =	ssyncadd.s32 $0xFFFFEC00  }
0x4c: {  	[tilespmem:s19], [sflag:$0x1] =	stream.indirect.gather [hbm4b:s1+s22], $0x80, s30, s22, $0xb8;
	[tilespmem:$0x1E080] =	vst v63  }
0x4d: {  	_ = 	snop  }
0x4e: {  	[tilespmem:s24], [sflag:$0x2] =	stream.indirect.gather [hbm4b:s1+s22], $0x80, s23, s22, $0xb8;
	[tilespmem:$0x1E080] =	vst v63  }
0x4f: {  	_ =	swait.ge [sflag:s25], $0x3E80  }
0x50: {  	[sflag:s25] =	ssyncset.done $0x0  }
0x51: {  	s30 =	simm.s32 $0x1400;
	[sflag:s25] =	ssyncadd.s32 $0xFFFFC180  }
0x52: {  	[spmem:s2] =	stream.indirect.scatter.add.f32 [tilespmem:s19], [sflag:$0x3], $0x80, s30, s22, $0xb8;
	[tilespmem:$0x1E080] =	vst v63  }
0x53: {  	_ =	swait.ge [sflag:s20], $0x3E80  }
0x54: {  	[sflag:s20] =	ssyncset.done $0x0  }
0x55: {  	s30 =	simm.s32 $0x100;
	[sflag:s20] =	ssyncadd.s32 $0xFFFFC180  }
0x56: {  	[tilespmem:s19], [sflag:$0x1] =	stream.indirect.gather [hbm4b:s1+s22], $0x80, s30, s22, $0xb8;
	[tilespmem:$0x1E080] =	vst v63  }
0x57: {  	_ =	swait.ge [sflag:s26], $0x3E80  }
0x58: {  	[sflag:s26] =	ssyncset.done $0x0  }
0x59: {  	s30 =	simm.s32 $0x1480;
	[sflag:s26] =	ssyncadd.s32 $0xFFFFC180  }
0x5a: {  	[spmem:s2] =	stream.indirect.scatter.add.f32 [tilespmem:s24], [sflag:$0x3], $0x80, s30, s22, $0xb8;
	[tilespmem:$0x1E080] =	vst v63  }
0x5b: {  	_ =	swait.ge [sflag:s20], $0x3E80  }
0x5c: {  	[sflag:s20] =	ssyncset.done $0x0  }
0x5d: {  	s31 =	simm.s32 $0x180;
	s30 =	simm.s32 $0x400;
	[sflag:s20] =	ssyncadd.s32 $0xFFFFC180  }
.LBB2_4:
0x5e: {  	[tilespmem:s24], [sflag:$0x2] =	stream.indirect.gather [hbm4b:s1+s22], $0x80, s31, s22, $0xb8;
	[tilespmem:$0x1E080] =	vst v63  }
0x5f: {  	s31 =	smov.u32 s30  }
0x60: {  	p1 =	sne.s32 s30, $0x4800;
	s30 =	sadd.s32 $0x400, s30;
	_ =	swait.ge [sflag:s25], $0x3E80  }
0x61: {  	s31 =	sshra.s32 s31, $0x2;
	[sflag:s25] =	ssyncset.done $0x0  }
0x62: {  	s0 =	sadd.s32 $0x1400, s31;
	[sflag:s25] =	ssyncadd.s32 $0xFFFFC180  }
0x63: {  	[spmem:s2] =	stream.indirect.scatter.add.f32 [tilespmem:s19], [sflag:$0x3], $0x80, s0, s22, $0xb8;
	[tilespmem:$0x1E080] =	vst v63  }
0x64: {  	_ =	swait.ge [sflag:s20], $0x3E80  }
0x65: {  	[sflag:s20] =	ssyncset.done $0x0  }
0x66: {  	s0 =	sadd.s32 $0x100, s31;
	[sflag:s20] =	ssyncadd.s32 $0xFFFFC180  }
0x67: {  	[tilespmem:s19], [sflag:$0x1] =	stream.indirect.gather [hbm4b:s1+s22], $0x80, s0, s22, $0xb8;
	[tilespmem:$0x1E080] =	vst v63  }
0x68: {  	_ =	swait.ge [sflag:s26], $0x3E80  }
0x69: {  	[sflag:s26] =	ssyncset.done $0x0  }
.Ltmp1:
0x6a: {  	s0 =	sadd.s32 $0x1480, s31;
	[sflag:s26] =	ssyncadd.s32 $0xFFFFC180;
	(pc) =	sbr.rel @p1 .LBB2_4-.Ltmp1, $4  }
0x6b: {  	[spmem:s2] =	stream.indirect.scatter.add.f32 [tilespmem:s24], [sflag:$0x3], $0x80, s0, s22, $0xb8;
	[tilespmem:$0x1E080] =	vst v63  }
0x6c: {  	_ =	swait.ge [sflag:s20], $0x3E80  }
0x6d: {  	[sflag:s20] =	ssyncset.done $0x0  }
0x6e: {  	s31 =	sadd.s32 $0x180, s31;
	[sflag:s20] =	ssyncadd.s32 $0xFFFFC180  }
0x6f: {  	[tilespmem:s24], [sflag:$0x2] =	stream.indirect.gather [hbm4b:s1+s22], $0x80, s31, s22, $0xb8;
	[tilespmem:$0x1E080] =	vst v63  }
0x70: {  	_ =	swait.ge [sflag:s25], $0x3E80  }
0x71: {  	[sflag:s25] =	ssyncset.done $0x0  }
0x72: {  	[sflag:s25] =	ssyncadd.s32 $0xFFFFC180  }
0x73: {  	[spmem:s2] =	stream.indirect.scatter.add.f32 [tilespmem:s19], [sflag:$0x3], $0x80, s28, s22, $0xb8;
	[tilespmem:$0x1E080] =	vst v63  }
0x74: {  	_ =	swait.ge [sflag:s20], $0x3E80  }
0x75: {  	[sflag:s20] =	ssyncset.done $0x0  }
0x76: {  	[sflag:s20] =	ssyncadd.s32 $0xFFFFC180  }
0x77: {  	_ =	swait.ge [sflag:s26], $0x3E80  }
0x78: {  	[sflag:s26] =	ssyncset.done $0x0  }
0x79: {  	[sflag:s26] =	ssyncadd.s32 $0xFFFFC180  }
0x7a: {  	[spmem:s2] =	stream.indirect.scatter.add.f32 [tilespmem:s24], [sflag:$0x3], $0x80, s29, s22, $0xb8;
	[tilespmem:$0x1E080] =	vst v63  }
0x7b: {  	_ =	swait.ge [sflag:s20], $0x3E80  }
0x7c: {  	[sflag:s20] =	ssyncset.done $0x0  }
0x7d: {  	s0 =	simm.s32 $0x0;
	[sflag:s20] =	ssyncadd.s32 $0xFFFFC180  }
0x7e: {  	[tilespmem:s0], [sflag:$0x3] =	stream.linear.gather [hbm4b:s14+s0], $0x1400, $0x38;
	[tilespmem:$0x1E080] =	vst v63  }
0x7f: {  	_ =	swait.ge [sflag:s20], $0x1400  }
0x80: {  	[sflag:s20] =	ssyncset.done $0x0  }
0x81: {  	[sflag:s20] =	ssyncadd.s32 $0xFFFFEC00  }
0x82: {  	[tilespmem:s21], [sflag:$0x3] =	stream.linear.gather [hbm4b:s15+s0], $0x1400, $0x38;
	[tilespmem:$0x1E080] =	vst v63  }
0x83: {  	_ =	swait.ge [sflag:s20], $0x1400  }
0x84: {  	[sflag:s20] =	ssyncset.done $0x0  }
0x85: {  	[sflag:s20] =	ssyncadd.s32 $0xFFFFEC00  }
0x86: {  	[tilespmem:s19], [sflag:$0x1] =	stream.indirect.gather [hbm4b:s1+s22], $0x80, s0, s22, $0xb8;
	[tilespmem:$0x1E080] =	vst v63  }
0x87: {  	_ = 	snop  }
0x88: {  	[tilespmem:s24], [sflag:$0x2] =	stream.indirect.gather [hbm4b:s1+s22], $0x80, s23, s22, $0xb8;
	[tilespmem:$0x1E080] =	vst v63  }
0x89: {  	_ =	swait.ge [sflag:s25], $0x3E80  }
0x8a: {  	[sflag:s25] =	ssyncset.done $0x0  }
0x8b: {  	s0 =	simm.s32 $0x1400;
	[sflag:s25] =	ssyncadd.s32 $0xFFFFC180  }
0x8c: {  	[spmem:s2] =	stream.indirect.scatter.add.f32 [tilespmem:s19], [sflag:$0x3], $0x80, s0, s22, $0xb8;
	[tilespmem:$0x1E080] =	vst v63  }
0x8d: {  	_ =	swait.ge [sflag:s20], $0x3E80  }
0x8e: {  	[sflag:s20] =	ssyncset.done $0x0  }
0x8f: {  	s0 =	simm.s32 $0x100;
	[sflag:s20] =	ssyncadd.s32 $0xFFFFC180  }
0x90: {  	[tilespmem:s19], [sflag:$0x1] =	stream.indirect.gather [hbm4b:s1+s22], $0x80, s0, s22, $0xb8;
	[tilespmem:$0x1E080] =	vst v63  }
0x91: {  	_ =	swait.ge [sflag:s26], $0x3E80  }
0x92: {  	[sflag:s26] =	ssyncset.done $0x0  }
0x93: {  	s0 =	simm.s32 $0x1480;
	[sflag:s26] =	ssyncadd.s32 $0xFFFFC180  }
0x94: {  	[spmem:s2] =	stream.indirect.scatter.add.f32 [tilespmem:s24], [sflag:$0x3], $0x80, s0, s22, $0xb8;
	[tilespmem:$0x1E080] =	vst v63  }
0x95: {  	_ =	swait.ge [sflag:s20], $0x3E80  }
0x96: {  	[sflag:s20] =	ssyncset.done $0x0  }
0x97: {  	s30 =	simm.s32 $0x400;
	s31 =	simm.s32 $0x180;
	[sflag:s20] =	ssyncadd.s32 $0xFFFFC180  }
.LBB2_6:
0x98: {  	[tilespmem:s24], [sflag:$0x2] =	stream.indirect.gather [hbm4b:s1+s22], $0x80, s31, s22, $0xb8;
	[tilespmem:$0x1E080] =	vst v63  }
0x99: {  	s0 =	smov.u32 s30  }
0x9a: {  	p1 =	sne.s32 s30, $0x4800;
	s30 =	sadd.s32 $0x400, s30;
	_ =	swait.ge [sflag:s25], $0x3E80  }
0x9b: {  	s0 =	sshra.s32 s0, $0x2;
	[sflag:s25] =	ssyncset.done $0x0  }
0x9c: {  	s31 =	sadd.s32 $0x1400, s0;
	[sflag:s25] =	ssyncadd.s32 $0xFFFFC180  }
0x9d: {  	[spmem:s2] =	stream.indirect.scatter.add.f32 [tilespmem:s19], [sflag:$0x3], $0x80, s31, s22, $0xb8;
	[tilespmem:$0x1E080] =	vst v63  }
0x9e: {  	_ =	swait.ge [sflag:s20], $0x3E80  }
0x9f: {  	[sflag:s20] =	ssyncset.done $0x0  }
0xa0: {  	s31 =	sadd.s32 $0x100, s0;
	[sflag:s20] =	ssyncadd.s32 $0xFFFFC180  }
0xa1: {  	[tilespmem:s19], [sflag:$0x1] =	stream.indirect.gather [hbm4b:s1+s22], $0x80, s31, s22, $0xb8;
	[tilespmem:$0x1E080] =	vst v63  }
0xa2: {  	_ =	swait.ge [sflag:s26], $0x3E80  }
0xa3: {  	[sflag:s26] =	ssyncset.done $0x0  }
.Ltmp2:
0xa4: {  	s31 =	sadd.s32 $0x1480, s0;
	[sflag:s26] =	ssyncadd.s32 $0xFFFFC180;
	(pc) =	sbr.rel @p1 .LBB2_6-.Ltmp2, $4  }
0xa5: {  	[spmem:s2] =	stream.indirect.scatter.add.f32 [tilespmem:s24], [sflag:$0x3], $0x80, s31, s22, $0xb8;
	[tilespmem:$0x1E080] =	vst v63  }
0xa6: {  	_ =	swait.ge [sflag:s20], $0x3E80  }
0xa7: {  	[sflag:s20] =	ssyncset.done $0x0  }
0xa8: {  	s31 =	sadd.s32 $0x180, s0;
	[sflag:s20] =	ssyncadd.s32 $0xFFFFC180  }
0xa9: {  	[tilespmem:s24], [sflag:$0x2] =	stream.indirect.gather [hbm4b:s1+s22], $0x80, s31, s22, $0xb8;
	[tilespmem:$0x1E080] =	vst v63  }
0xaa: {  	_ =	swait.ge [sflag:s25], $0x3E80  }
0xab: {  	[sflag:s25] =	ssyncset.done $0x0  }
0xac: {  	[sflag:s25] =	ssyncadd.s32 $0xFFFFC180  }
0xad: {  	[spmem:s2] =	stream.indirect.scatter.add.f32 [tilespmem:s19], [sflag:$0x3], $0x80, s28, s22, $0xb8;
	[tilespmem:$0x1E080] =	vst v63  }
0xae: {  	_ =	swait.ge [sflag:s20], $0x3E80  }
0xaf: {  	[sflag:s20] =	ssyncset.done $0x0  }
0xb0: {  	[sflag:s20] =	ssyncadd.s32 $0xFFFFC180  }
0xb1: {  	_ =	swait.ge [sflag:s26], $0x3E80  }
0xb2: {  	[sflag:s26] =	ssyncset.done $0x0  }
0xb3: {  	[sflag:s26] =	ssyncadd.s32 $0xFFFFC180  }
0xb4: {  	[spmem:s2] =	stream.indirect.scatter.add.f32 [tilespmem:s24], [sflag:$0x3], $0x80, s29, s22, $0xb8;
	[tilespmem:$0x1E080] =	vst v63  }
0xb5: {  	_ =	swait.ge [sflag:s20], $0x3E80  }
0xb6: {  	[sflag:s20] =	ssyncset.done $0x0  }
0xb7: {  	s0 =	sshll.u32 s3, $0x6;
	[sflag:s20] =	ssyncadd.s32 $0xFFFFC180  }
0xb8: {  	s30 =	sshrl.u32 s5, $0x3;
	s0 =	sor.u32 $0x1C03, s0;
	[bflag:$0x0] =	sbarrier.arrive $0xFFFF  }
0xb9: {  	[hbm:s16], [sflag:s0] =	dma.local [spmem:s30], $0x2700  }
0xba: {  	_ =	swait.ge [sflag:s20], $0x2700  }
0xbb: {  	s4 =	sadd.s32 $0x1, s4;
	[sflag:s20] =	ssyncset.done $0x0  }
0xbc: {  	p1 =	sne.s32 s4, s18;
	s30 =	sshrl.u32 @!p0 s11, $0x3;
	[sflag:s20] =	ssyncadd.s32 $0xFFFFD900  }
0xbd: {  	[hbm:s17], [sflag:s0] =	dma.local @!p0 [spmem:s30], $0x100  }
.Ltmp3:
0xbe: {  	_ = 	snop;
	(pc) =	sbr.rel @p1 .LBB2_1-.Ltmp3, $4  }
0xbf: {  	s0 =	simm.s32 @!p0 $0x3  }
0xc0: {  	_ =	swait.ge @!p0 [sflag:s0], $0x100  }
0xc1: {  	[sflag:s0] =	ssyncset.done @!p0 $0x0  }
0xc2: {  	[sflag:s0] =	ssyncadd.s32 @!p0 $0xFFFFFF00  }
0xc3: {  	_ =	sfence.sel $0x180000  }
0xc4: {  	[bflag:$0x0] =	sbarrier.arrive $0xFFFF  }
0xc5: {  	_ =	strace $0x90000047  }
0xc6: {  	[bflag:$0x2] =	sbarrier.arrive $0xFFFF  }
0xc7: {  	p0 =	sne.s32 s3, $0x0;
	s0 =	rddreg [dreg:$0x4]  }
0xc8: {  	s0 =	sadd.s32 @!p0 $0x100000, s0  }
0xc9: {  	[sflag:s0] =	ssyncadd.tile.s32 @!p0 $0x1;
	_ =	shalt  }
.Lfunc_end2:
_tile_overlayer_lowered:
.L_overlay_start_2:
0xca: {  	(tag) =	ssettag $0x2  }
0xcb: {  	s0 =	rddreg [dreg:$0x0];
	s2 =	stileid.u32  }
0xcc: {  	s1 =	rddreg [dreg:$0x1];
	p0 =	sne.s32 s2, $0x0  }
0xcd: {  	s3 =	rddreg [dreg:$0x2];
	[bflag:$0x3] =	sbarrier.arrive $0xFFFF;
	s2 =	simm.s32 @!p0 $0x1C03  }
0xce: {  	[timem:s3], [sflag:s2] =	dma.local @!p0 [hbm:s0], s1  }
0xcf: {  	s0 =	simm.s32 @!p0 $0x3  }
0xd0: {  	_ =	swait.ge @!p0 [sflag:s0], s1  }
0xd1: {  	s1 =	ssub.s32 @!p0 $0x0, s1;
	[sflag:s0] =	ssyncset.done @!p0 $0x0  }
0xd2: {  	[sflag:s0] =	ssyncadd.s32 @!p0 s1  }
0xd3: {  	[bflag:$0x3] =	sbarrier.arrive $0xFFFF  }
0xd4: {  	_ =	shalt  }

// kernel: kernel.14.cloned.1.call-start
scs
__scs_entry_jumppad:
0x0: {  	(pc) =	sbr.rel $0x88, $3  }
0x1: {  	(tag) =	ssettag $0x0;
	lr =	simm.s32 $0x1  }
0x2: {  	[smem:$0x3F78] =	sst lr;
	_ =	strace $0xD0000000  }
0x3: {  	_ = 	snop  }
0x4: {  	_ = 	snop  }
0x5: {  	_ = 	snop  }
0x6: {  	_ = 	snop  }
0x7: {  	_ = 	snop  }
__scs_overlays_trampoline_lowered:
0x8: {  	[smem:$0x3F87] =	sst s0  }
0x9: {  	[smem:$0x3F88] =	sst s1  }
0xa: {  	[smem:$0x3F89] =	sst s2  }
0xb: {  	[smem:$0x3F8A] =	sst s3  }
0xc: {  	[smem:$0x3F8B] =	sst s4  }
0xd: {  	[smem:$0x3F8C] =	sst s5  }
0xe: {  	[smem:$0x3F8D] =	sst s6  }
0xf: {  	[smem:$0x3F8E] =	sst s7  }
0x10: {  	[smem:$0x3F8F] =	sst s8  }
0x11: {  	[smem:$0x3F90] =	sst s9;
	s0 =	simm.s32 @!p0 $0x0  }
0x12: {  	s1 =	sld [smem:$0x3F76];
	s0 =	simm.s32 @p0 $0x1  }
0x13: {  	[smem:$0x3F91] =	sst s0;
	s0 =	simm.s32 @!p1 $0x0  }
0x14: {  	s2 =	sld [smem:$0x3F75];
	s0 =	simm.s32 @p1 $0x1  }
0x15: {  	[smem:$0x3F92] =	sst s0;
	s0 =	simm.s32 @!p2 $0x0  }
0x16: {  	s3 =	sld [smem:$0x3FDB];
	s0 =	simm.s32 @p2 $0x1  }
0x17: {  	s4 =	simm.s32 $0x1BF5;
	[smem:$0x3F94] =	sst s0  }
0x18: {  	s0 =	sld [smem:$0x3F77];
	_ =	swait.ge [sflag:s4], $0x0  }
0x19: {  	s7 =	sld [smem:$0x3F78]  }
0x1a: {  	s8 =	sadd.s32 $0xFFFFE003, lr  }
0x1b: {  	s9 =	sadd.s32 $0xFFFFFEF7, lr;
	s5 =	simm.s32 $0xFFFFFFFF;
	p2 =	slt.u32 s8, $0xFFFFF086  }
0x1c: {  	p1 =	slt.u32 s9, $0xF7A;
	s5 =	simm.s32 @!p2 $0x0  }
0x1d: {  	s5 =	simm.s32 @p1 $0x1;
	p0 =	seq.s32 s7, s2  }
0x1e: {  	s7 =	smul.u32 @!p0 $0xF7A, s2;
	p2 =	seq.s32 @!p0 s5, $0x0  }
0x1f: {  	s9 =	smul.u32 $0xF7A, s1;
	s8 =	simm.s32 @!p0 $0x1BF5;
	p2 =	por !p2, p0  }
0x20: {  	[sflag:s8] =	ssyncset.s32 @!p0 $0xFFFFF086;
	s6 =	sadd.s32 @!p0 s3, s7;
	s7 =	simm.s32 @!p0 $0x108  }
0x21: {  	s3 =	sadd.s32 s3, s9;
	s6 =	sadd.s32 @!p0 $0x88, s6;
	s7 =	simm.s32 @p2 $0x1082  }
0x22: {  	[simem:s7], [sflag:s8] =	dma.local @!p0 [hbm:s6], $0xF7A  }
0x23: {  	s9 =	sor.u32 $0xD0000000, s2;
	s6 =	simm.s32 $0x108;
	_ =	swait.ge @!p0 [sflag:s8], $0x0  }
0x24: {  	s3 =	sadd.s32 $0x88, s3;
	s6 =	simm.s32 @!p1 $0x1082;
	[sflag:s4] =	ssyncset.s32 $0xFFFFF086  }
0x25: {  	[simem:s6], [sflag:s4] =	dma.local [hbm:s3], $0xF7A  }
0x26: {  	[smem:$0x3F78] =	sst s1;
	(tag) =	ssettag s2;
	_ =	strace s9  }
0x27: {  	s1 =	sld [smem:$0x3F88]  }
0x28: {  	s2 =	sld [smem:$0x3F89]  }
0x29: {  	s4 =	sld [smem:$0x3F8B]  }
0x2a: {  	p0 =	seq.s32 s5, $0x0;
	s5 =	sld [smem:$0x3F8C]  }
0x2b: {  	s6 =	sld [smem:$0x3F8D]  }
0x2c: {  	s7 =	sld [smem:$0x3F8E]  }
0x2d: {  	s3 =	simm.s32 $0x108;
	s8 =	sld [smem:$0x3F8F]  }
0x2e: {  	s3 =	simm.s32 @!p0 $0x1082;
	s9 =	sld [smem:$0x3F90]  }
0x2f: {  	lr =	sadd.s32 s0, s3;
	s0 =	sld [smem:$0x3F87]  }
0x30: {  	s3 =	sld [smem:$0x3F8A]  }
0x31: {  	[smem:$0x3F93] =	sst s10  }
0x32: {  	s10 =	sld [smem:$0x3F91];
	_ =	sdelay $0x3  }
0x33: {  	p0 =	seq.s32 s10, $0x1;
	s10 =	sld [smem:$0x3F93];
	_ =	sdelay $0x3  }
0x34: {  	[smem:$0x3F93] =	sst s10  }
0x35: {  	s10 =	sld [smem:$0x3F92];
	_ =	sdelay $0x3  }
0x36: {  	p1 =	seq.s32 s10, $0x1;
	s10 =	sld [smem:$0x3F93];
	_ =	sdelay $0x3  }
0x37: {  	[smem:$0x3F93] =	sst s10  }
0x38: {  	s10 =	sld [smem:$0x3F94]  }
0x39: {  	_ = 	snop;
	(pc) =	sbr.ind lr, $3  }
0x3a: {  	_ = 	snop  }
0x3b: {  	_ = 	snop  }
0x3c: {  	p2 =	seq.s32 s10, $0x1;
	s10 =	sld [smem:$0x3F93]  }
0x3d: {  	_ =	shalt  }
0x3e: {  	_ =	shalt  }
0x3f: {  	_ =	shalt  }
0x40: {  	_ =	shalt  }
0x41: {  	_ =	shalt  }
0x42: {  	_ =	shalt  }
0x43: {  	_ =	shalt  }
0x44: {  	_ =	shalt  }
0x45: {  	_ =	shalt  }
0x46: {  	_ =	shalt  }
0x47: {  	_ =	shalt  }
0x48: {  	_ =	shalt  }
0x49: {  	_ =	shalt  }
0x4a: {  	_ =	shalt  }
0x4b: {  	_ =	shalt  }
0x4c: {  	_ =	shalt  }
0x4d: {  	_ =	shalt  }
0x4e: {  	_ =	shalt  }
0x4f: {  	_ =	shalt  }
0x50: {  	_ =	shalt  }
0x51: {  	_ =	shalt  }
0x52: {  	_ =	shalt  }
0x53: {  	_ =	shalt  }
0x54: {  	_ =	shalt  }
0x55: {  	_ =	shalt  }
0x56: {  	_ =	shalt  }
0x57: {  	_ =	shalt  }
0x58: {  	_ =	shalt  }
0x59: {  	_ =	shalt  }
0x5a: {  	_ =	shalt  }
0x5b: {  	_ =	shalt  }
0x5c: {  	_ =	shalt  }
0x5d: {  	_ =	shalt  }
0x5e: {  	_ =	shalt  }
0x5f: {  	_ =	shalt  }
0x60: {  	_ =	shalt  }
0x61: {  	_ =	shalt  }
0x62: {  	_ =	shalt  }
0x63: {  	_ =	shalt  }
0x64: {  	_ =	shalt  }
0x65: {  	_ =	shalt  }
0x66: {  	_ =	shalt  }
0x67: {  	_ =	shalt  }
0x68: {  	_ =	shalt  }
0x69: {  	_ =	shalt  }
0x6a: {  	_ =	shalt  }
0x6b: {  	_ =	shalt  }
0x6c: {  	_ =	shalt  }
0x6d: {  	_ =	shalt  }
0x6e: {  	_ =	shalt  }
0x6f: {  	_ =	shalt  }
0x70: {  	_ =	shalt  }
0x71: {  	_ =	shalt  }
0x72: {  	_ =	shalt  }
0x73: {  	_ =	shalt  }
0x74: {  	_ =	shalt  }
0x75: {  	_ =	shalt  }
0x76: {  	_ =	shalt  }
0x77: {  	_ =	shalt  }
0x78: {  	_ =	shalt  }
0x79: {  	_ =	shalt  }
0x7a: {  	_ =	shalt  }
0x7b: {  	_ =	shalt  }
0x7c: {  	_ =	shalt  }
0x7d: {  	_ =	shalt  }
0x7e: {  	_ =	shalt  }
0x7f: {  	_ =	shalt  }
0x80: {  	_ =	shalt  }
0x81: {  	_ =	shalt  }
0x82: {  	_ =	shalt  }
0x83: {  	_ =	shalt  }
0x84: {  	_ =	shalt  }
0x85: {  	_ =	shalt  }
0x86: {  	_ =	shalt  }
0x87: {  	_ =	shalt  }
.Lfunc_end0:
.L_simem_size_0:
called_computation.1_lowered:
.L_overlay_start_0:
0x88: {  	s2 =	sld [smem:$0x3FD9]  }
0x89: {  	s3 =	sld [smem:$0x3FFE];
	_ =	sdelay $0x1  }
0x8a: {  	s1 =	srdreg.scid  }
0x8b: {  	s0 =	sand.u32 $0x1, s1  }
0x8c: {  	s14 =	sshll.u32 s0, $0xA;
	s2 =	sadd.s32 s3, s2  }
0x8d: {  	s2 =	sadd.s32 s2, s14  }
0x8e: {  	[smem:$0x3F9F] =	sst s2  }
0x8f: {  	_ = 	snop  }
0x90: {  	s2 =	sld [smem:$0x3FD0];
	_ =	sdelay $0x2  }
0x91: {  	s15 =	simm.s32 $0xA;
	s4 =	simm.s32 $0x10  }
0x92: {  	[smem:s4], [sflag:s15] =	dma.local [hbm:s2], $0x1  }
0x93: {  	_ =	swait.eq [sflag:s15], $0x1  }
0x94: {  	[sflag:s15] =	ssyncset.done $0x0  }
0x95: {  	s16 =	sld [smem:$0x10];
	[sflag:s15] =	ssyncadd.s32 $0xFFFFFFFF  }
0x96: {  	s17 =	sld [smem:$0x11];
	(tm) =	ssettm $0x1  }
0x97: {  	s18 =	sld [smem:$0x3FFB];
	_ =	sdelay $0x3  }
0x98: {  	_ =	strace s18  }
0x99: {  	s4 =	sld [smem:$0x3FFC];
	_ =	sdelay $0x3  }
0x9a: {  	_ =	strace s4  }
0x9b: {  	s4 =	sld [smem:$0x3FFD];
	_ =	sdelay $0x3  }
0x9c: {  	_ =	strace s4  }
0x9d: {  	_ =	strace $0x8FFFFFFF  }
0x9e: {  	s19 =	sld [smem:$0x3FDB];
	_ =	sdelay $0x1  }
0x9f: {  	s5 =	simm.s32 $_scs_section_size  }
0xa0: {  	s6 =	simm.s32 $_size__tile_overlayer_lowered;
	s7 =	simm.s32 $_tile_overlayer_lowered  }
0xa1: {  	s22 =	simm.s32 $0x1BFF;
	s21 =	sshll.u32 s7, $0x1;
	s4 =	sadd.s32 s5, s19  }
0xa2: {  	s8 =	simm.s32 $0x0;
	s20 =	sshll.u32 s6, $0x1;
	s6 =	sadd.s32 s21, s4  }
0xa3: {  	[timem:s8], [sflag:s22] =	dma.local [hbm:s6], s20  }
0xa4: {  	_ =	swait.ge [sflag:s22], s20  }
0xa5: {  	s5 =	ssub.s32 $0x0, s20;
	[sflag:s22] =	ssyncset.done $0x0  }
0xa6: {  	[sflag:s22] =	ssyncadd.s32 s5;
	_ =	sdelay $0x1  }
0xa7: {  	s23 =	simm.s32 $0x1B8B  }
0xa8: {  	_ =	swait.ge [sflag:s23], $0x1  }
0xa9: {  	[sflag:s23] =	ssyncset.done $0x0  }
0xaa: {  	s25 =	simm.s32 $0x1B8E;
	s24 =	sld [smem:$0x3FFE];
	[sflag:s23] =	ssyncadd.s32 $0xFFFFFFFF  }
0xab: {  	s26 =	simm.s32 $execute0_lowered;
	[smem:$0x3FD2] =	sst s25  }
0xac: {  	s6 =	sshll.u32 s26, $0x1;
	_ =	strace $0x80000049;
	[dreg:$0x1] =	wrdreg $0xFFFFFFFF  }
0xad: {  	s28 =	simm.s32 $_size_execute0_lowered;
	s4 =	sadd.s32 s4, s6;
	[dreg:$0x0] =	wrdreg $0x0  }
0xae: {  	s6 =	sshll.u32 s28, $0x1;
	[dreg:$0x2] =	wrdreg s4  }
0xaf: {  	[dreg:$0x3] =	wrdreg s6  }
0xb0: {  	[dreg:$0x4] =	wrdreg $0xC0  }
0xb1: {  	_ =	task [dreg:s8], $0x5FFFF  }
0xb2: {  	[dreg:$0x1] =	wrdreg $0xFFFFFFFF  }
0xb3: {  	[dreg:$0x0] =	wrdreg $0x60  }
0xb4: {  	[dreg:$0x2] =	wrdreg s17  }
0xb5: {  	[dreg:$0x3] =	wrdreg s16  }
0xb6: {  	[dreg:$0x4] =	wrdreg s24  }
0xb7: {  	[dreg:$0x5] =	wrdreg $0xA8000  }
0xb8: {  	[dreg:$0x6] =	wrdreg $0x9  }
0xb9: {  	_ =	task.clear_ibuf [dreg:s8], $0x7FFFF;
	_ =	strace $0x90000049  }
0xba: {  	s29 =	simm.s32 $0x9;
	_ =	strace $0x8000004B  }
0xbb: {  	_ =	swait.ge [sflag:s29], $0x1  }
0xbc: {  	[sflag:s29] =	ssyncadd.s32 $0xFFFFFFFF  }
0xbd: {  	_ =	strace $0x9000004B  }
0xbe: {  	_ =	sfence  }
0xbf: {  	s30 =	sld [smem:$0x0];
	_ =	sdelay $0x2  }
0xc0: {  	s31 =	sshll.u32 s1, $0xD;
	s1 =	sshrl.u32 s1, $0x2  }
0xc1: {  	s3 =	sand.u32 $0x4000, s31;
	s1 =	sadd.s32 s1, s30  }
0xc2: {  	s0 =	sor.u32 s3, s0;
	s1 =	sshll.u32 s1, $0x11  }
0xc3: {  	s0 =	sor.u32 s1, s0  }
0xc4: {  	s0 =	sadd.s32 $0x8F2B, s0  }
0xc5: {  	[sflag:s0] =	ssyncadd.remote.s32 $0x1  }
0xc6: {  	_ =	sfence.sel $0xFFFF  }
0xc7: {  	[dreg:$0x0] =	wrdreg $0xFFFFFFFF;
	(pc) =	sbr.abs _section_cstart, $3  }
0xc8: {  	[dreg:$0x1] =	wrdreg $0xFFFFFFFF  }
0xc9: {  	_ =	task.clear_ibuf [dreg:s8], $0x2FFFF;
	_ =	strace $0x9FFFFFFF  }
0xca: {  	(tm) =	ssettm $0x7FFFFFFF  }
0xcb: {  	_ =	shalt  }
tec
execute0_lowered:
.L_overlay_start_1:
0x0: {  	(tag) =	ssettag $0x1  }
0x1: {  	s1 =	rddreg [dreg:$0x0]  }
0x2: {  	s14 =	rddreg [dreg:$0x1]  }
0x3: {  	s5 =	rddreg [dreg:$0x2]  }
0x4: {  	s2 =	rddreg [dreg:$0x3];
	s4 =	simm.s32 $0x0  }
0x5: {  	s6 =	srdreg.scid;
	s3 =	stileid.u32;
	s21 =	simm.s32 $0x1400  }
0x6: {  	s22 =	simm.s32 $0x7D;
	s23 =	simm.s32 $0x80;
	s24 =	simm.s32 $0x6800  }
0x7: {  	s25 =	simm.s32 $0x1;
	s26 =	simm.s32 $0x2;
	s28 =	simm.s32 $0x2700  }
0x8: {  	s29 =	simm.s32 $0x2780;
	[smem:$0x7FF] =	sst s4;
	s10 =	sand.u32 $0x1, s6  }
0x9: {  	s30 =	smul.u32 $0x4E000, s3;
	s15 =	sadd.s32 $0x8200, s5;
	s16 =	sadd.s32 $0x12200, s5  }
0xa: {  	s8 =	sshll.u32 s3, $0x1;
	s20 =	smul.u32 $0x13800, s3;
	p0 =	sne.s32 s3, $0xF  }
0xb: {  	_ =	strace $0x8000004A;
	s31 =	ssub.s32 $0x2, s10;
	s8 =	sor.u32 s10, s8  }
0xc: {  	s17 =	smul.u32 $0x138800, s10;
	s7 =	sshrl.u32 s31, $0x1;
	s6 =	sshrl.u32 s30, $0x2  }
0xd: {  	s11 =	smul.u32 $0x2800, s8;
	s18 =	ssub.s32 s31, s7;
	s5 =	sadd.s32 s6, s2  }
0xe: {  	s20 =	sadd.s32 s20, s17;
	s17 =	sshrl.u32 s17, $0x3;
	s6 =	sadd.s32 $0x3400, s5  }
0xf: {  	s7 =	sadd.s32 $0x6800, s5;
	s8 =	sadd.s32 $0x9C00, s5;
	s9 =	sadd.s32 $0xD000, s5  }
0x10: {  	s10 =	sadd.s32 $0x10400, s5;
	s19 =	sshrl.u32 s11, $0x3;
	s11 =	sadd.s32 $0x138000, s2  }
0x11: {  	s20 =	sshrl.u32 s20, $0x3;
	s17 =	sadd.s32 s16, s17;
	s18 =	smax.u32 s18, $0x1  }
0x12: {  	s12 =	sadd.s32 s14, s19;
	s13 =	sadd.s32 s15, s19;
	s19 =	sadd.s32 $0x280, s19  }
0x13: {  	s16 =	sadd.s32 s16, s20;
	s17 =	sadd.s32 $0x27000, s17;
	s20 =	simm.s32 $0x3  }
0x14: {  	v0 =	vimm.f32 $0.0e+00;
	s14 =	sadd.s32 s14, s19;
	s15 =	sadd.s32 s15, s19;
	s19 =	simm.s32 $0x2800  }
.LBB2_1:
0x15: {  	s30 =	simm.s32 $0x0;
	s31 =	simm.s32 $0x200  }
.LBB2_2:
0x16: {  	p1 =	sne.s32 s31, $0xCE00;
	[tilespmem:s30+$0x2870] =	vst v0  }
0x17: {  	[tilespmem:s30+$0x2800] =	vst v0  }
0x18: {  	[tilespmem:s30+$0x2810] =	vst v0  }
.Ltmp0:
0x19: {  	[tilespmem:s30+$0x2820] =	vst v0;
	(pc) =	sbr.rel @p1 .LBB2_2-.Ltmp0, $4  }
0x1a: {  	[tilespmem:s30+$0x2830] =	vst v0  }
0x1b: {  	[tilespmem:s30+$0x2840] =	vst v0  }
0x1c: {  	[tilespmem:s30+$0x2850] =	vst v0  }
0x1d: {  	[tilespmem:s30+$0x2860] =	vst v0;
	s30 =	sshra.s32 s31, $0x2;
	s31 =	sadd.s32 $0x200, s31  }
0x1e: {  	[tilespmem:s30+$0x2870] =	vst v0  }
0x1f: {  	[tilespmem:s30+$0x2800] =	vst v0  }
0x20: {  	[tilespmem:s30+$0x2810] =	vst v0  }
0x21: {  	[tilespmem:s30+$0x2820] =	vst v0  }
0x22: {  	[tilespmem:s30+$0x2830] =	vst v0  }
0x23: {  	[tilespmem:s30+$0x2840] =	vst v0  }
0x24: {  	[tilespmem:s30+$0x2850] =	vst v0  }
0x25: {  	[tilespmem:s30+$0x2860] =	vst v0  }
0x26: {  	[spmem:s5] =	stream.linear.scatter [tilespmem:s19], [sflag:$0x3], $0x3400, $0x38;
	[tilespmem:$0x1E080] =	vst v63  }
0x27: {  	_ =	swait.ge [sflag:s20], $0x3400  }
0x28: {  	[sflag:s20] =	ssyncset.done $0x0  }
0x29: {  	[sflag:s20] =	ssyncadd.s32 $0xFFFFCC00  }
0x2a: {  	[spmem:s6] =	stream.linear.scatter [tilespmem:s19], [sflag:$0x3], $0x3400, $0x38;
	[tilespmem:$0x1E080] =	vst v63  }
0x2b: {  	_ =	swait.ge [sflag:s20], $0x3400  }
0x2c: {  	[sflag:s20] =	ssyncset.done $0x0  }
0x2d: {  	[sflag:s20] =	ssyncadd.s32 $0xFFFFCC00  }
0x2e: {  	[spmem:s7] =	stream.linear.scatter [tilespmem:s19], [sflag:$0x3], $0x3400, $0x38;
	[tilespmem:$0x1E080] =	vst v63  }
0x2f: {  	_ =	swait.ge [sflag:s20], $0x3400  }
0x30: {  	[sflag:s20] =	ssyncset.done $0x0  }
0x31: {  	[sflag:s20] =	ssyncadd.s32 $0xFFFFCC00  }
0x32: {  	[spmem:s8] =	stream.linear.scatter [tilespmem:s19], [sflag:$0x3], $0x3400, $0x38;
	[tilespmem:$0x1E080] =	vst v63  }
0x33: {  	_ =	swait.ge [sflag:s20], $0x3400  }
0x34: {  	[sflag:s20] =	ssyncset.done $0x0  }
0x35: {  	[sflag:s20] =	ssyncadd.s32 $0xFFFFCC00  }
0x36: {  	[spmem:s9] =	stream.linear.scatter [tilespmem:s19], [sflag:$0x3], $0x3400, $0x38;
	[tilespmem:$0x1E080] =	vst v63  }
0x37: {  	_ =	swait.ge [sflag:s20], $0x3400  }
0x38: {  	[sflag:s20] =	ssyncset.done $0x0  }
0x39: {  	[sflag:s20] =	ssyncadd.s32 $0xFFFFCC00  }
0x3a: {  	[spmem:s10] =	stream.linear.scatter [tilespmem:s19], [sflag:$0x3], $0x3400, $0x38;
	[tilespmem:$0x1E080] =	vst v63  }
0x3b: {  	_ =	swait.ge [sflag:s20], $0x3400  }
0x3c: {  	[sflag:s20] =	ssyncset.done $0x0  }
0x3d: {  	s30 =	simm.s32 @!p0 $0x2800;
	[sflag:s20] =	ssyncadd.s32 $0xFFFFCC00  }
0x3e: {  	[spmem:s11] =	stream.linear.scatter @!p0 [tilespmem:s30], [sflag:$0x3], $0x800, $0x38;
	[tilespmem:$0x1E080] =	vst v63  }
0x3f: {  	s30 =	simm.s32 @!p0 $0x3  }
0x40: {  	_ =	swait.ge @!p0 [sflag:s30], $0x800  }
0x41: {  	[sflag:s30] =	ssyncset.done @!p0 $0x0  }
0x42: {  	[sflag:s30] =	ssyncadd.s32 @!p0 $0xFFFFF800  }
0x43: {  	s30 =	simm.s32 $0x0;
	[bflag:$0x0] =	sbarrier.arrive $0xFFFF  }
0x44: {  	[tilespmem:s30], [sflag:$0x3] =	stream.linear.gather [hbm4b:s12+s30], $0x1400, $0x38;
	[tilespmem:$0x1E080] =	vst v63  }
0x45: {  	_ =	swait.ge [sflag:s20], $0x1400  }
0x46: {  	[sflag:s20] =	ssyncset.done $0x0  }
0x47: {  	[sflag:s20] =	ssyncadd.s32 $0xFFFFEC00  }
0x48: {  	[tilespmem:s21], [sflag:$0x3] =	stream.linear.gather [hbm4b:s13+s30], $0x1400, $0x38;
	[tilespmem:$0x1E080] =	vst v63  }
0x49: {  	_ =	swait.ge [sflag:s20], $0x1400  }
0x4a: {  	[sflag:s20] =	ssyncset.done $0x0  }
0x4b: {  	[sflag:s20] =	ssyncadd.s32 $0xFFFFEC00  }
0x4c: {  	[tilespmem:s19], [sflag:$0x1] =	stream.indirect.gather [hbm4b:s1+s22], $0x80, s30, s22, $0xb8;
	[tilespmem:$0x1E080] =	vst v63  }
0x4d: {  	_ = 	snop  }
0x4e: {  	[tilespmem:s24], [sflag:$0x2] =	stream.indirect.gather [hbm4b:s1+s22], $0x80, s23, s22, $0xb8;
	[tilespmem:$0x1E080] =	vst v63  }
0x4f: {  	_ =	swait.ge [sflag:s25], $0x3E80  }
0x50: {  	[sflag:s25] =	ssyncset.done $0x0  }
0x51: {  	s30 =	simm.s32 $0x1400;
	[sflag:s25] =	ssyncadd.s32 $0xFFFFC180  }
0x52: {  	[spmem:s2] =	stream.indirect.scatter.add.f32 [tilespmem:s19], [sflag:$0x3], $0x80, s30, s22, $0xb8;
	[tilespmem:$0x1E080] =	vst v63  }
0x53: {  	_ =	swait.ge [sflag:s20], $0x3E80  }
0x54: {  	[sflag:s20] =	ssyncset.done $0x0  }
0x55: {  	s30 =	simm.s32 $0x100;
	[sflag:s20] =	ssyncadd.s32 $0xFFFFC180  }
0x56: {  	[tilespmem:s19], [sflag:$0x1] =	stream.indirect.gather [hbm4b:s1+s22], $0x80, s30, s22, $0xb8;
	[tilespmem:$0x1E080] =	vst v63  }
0x57: {  	_ =	swait.ge [sflag:s26], $0x3E80  }
0x58: {  	[sflag:s26] =	ssyncset.done $0x0  }
0x59: {  	s30 =	simm.s32 $0x1480;
	[sflag:s26] =	ssyncadd.s32 $0xFFFFC180  }
0x5a: {  	[spmem:s2] =	stream.indirect.scatter.add.f32 [tilespmem:s24], [sflag:$0x3], $0x80, s30, s22, $0xb8;
	[tilespmem:$0x1E080] =	vst v63  }
0x5b: {  	_ =	swait.ge [sflag:s20], $0x3E80  }
0x5c: {  	[sflag:s20] =	ssyncset.done $0x0  }
0x5d: {  	s31 =	simm.s32 $0x180;
	s30 =	simm.s32 $0x400;
	[sflag:s20] =	ssyncadd.s32 $0xFFFFC180  }
.LBB2_4:
0x5e: {  	[tilespmem:s24], [sflag:$0x2] =	stream.indirect.gather [hbm4b:s1+s22], $0x80, s31, s22, $0xb8;
	[tilespmem:$0x1E080] =	vst v63  }
0x5f: {  	s31 =	smov.u32 s30  }
0x60: {  	p1 =	sne.s32 s30, $0x4800;
	s30 =	sadd.s32 $0x400, s30;
	_ =	swait.ge [sflag:s25], $0x3E80  }
0x61: {  	s31 =	sshra.s32 s31, $0x2;
	[sflag:s25] =	ssyncset.done $0x0  }
0x62: {  	s0 =	sadd.s32 $0x1400, s31;
	[sflag:s25] =	ssyncadd.s32 $0xFFFFC180  }
0x63: {  	[spmem:s2] =	stream.indirect.scatter.add.f32 [tilespmem:s19], [sflag:$0x3], $0x80, s0, s22, $0xb8;
	[tilespmem:$0x1E080] =	vst v63  }
0x64: {  	_ =	swait.ge [sflag:s20], $0x3E80  }
0x65: {  	[sflag:s20] =	ssyncset.done $0x0  }
0x66: {  	s0 =	sadd.s32 $0x100, s31;
	[sflag:s20] =	ssyncadd.s32 $0xFFFFC180  }
0x67: {  	[tilespmem:s19], [sflag:$0x1] =	stream.indirect.gather [hbm4b:s1+s22], $0x80, s0, s22, $0xb8;
	[tilespmem:$0x1E080] =	vst v63  }
0x68: {  	_ =	swait.ge [sflag:s26], $0x3E80  }
0x69: {  	[sflag:s26] =	ssyncset.done $0x0  }
.Ltmp1:
0x6a: {  	s0 =	sadd.s32 $0x1480, s31;
	[sflag:s26] =	ssyncadd.s32 $0xFFFFC180;
	(pc) =	sbr.rel @p1 .LBB2_4-.Ltmp1, $4  }
0x6b: {  	[spmem:s2] =	stream.indirect.scatter.add.f32 [tilespmem:s24], [sflag:$0x3], $0x80, s0, s22, $0xb8;
	[tilespmem:$0x1E080] =	vst v63  }
0x6c: {  	_ =	swait.ge [sflag:s20], $0x3E80  }
0x6d: {  	[sflag:s20] =	ssyncset.done $0x0  }
0x6e: {  	s31 =	sadd.s32 $0x180, s31;
	[sflag:s20] =	ssyncadd.s32 $0xFFFFC180  }
0x6f: {  	[tilespmem:s24], [sflag:$0x2] =	stream.indirect.gather [hbm4b:s1+s22], $0x80, s31, s22, $0xb8;
	[tilespmem:$0x1E080] =	vst v63  }
0x70: {  	_ =	swait.ge [sflag:s25], $0x3E80  }
0x71: {  	[sflag:s25] =	ssyncset.done $0x0  }
0x72: {  	[sflag:s25] =	ssyncadd.s32 $0xFFFFC180  }
0x73: {  	[spmem:s2] =	stream.indirect.scatter.add.f32 [tilespmem:s19], [sflag:$0x3], $0x80, s28, s22, $0xb8;
	[tilespmem:$0x1E080] =	vst v63  }
0x74: {  	_ =	swait.ge [sflag:s20], $0x3E80  }
0x75: {  	[sflag:s20] =	ssyncset.done $0x0  }
0x76: {  	[sflag:s20] =	ssyncadd.s32 $0xFFFFC180  }
0x77: {  	_ =	swait.ge [sflag:s26], $0x3E80  }
0x78: {  	[sflag:s26] =	ssyncset.done $0x0  }
0x79: {  	[sflag:s26] =	ssyncadd.s32 $0xFFFFC180  }
0x7a: {  	[spmem:s2] =	stream.indirect.scatter.add.f32 [tilespmem:s24], [sflag:$0x3], $0x80, s29, s22, $0xb8;
	[tilespmem:$0x1E080] =	vst v63  }
0x7b: {  	_ =	swait.ge [sflag:s20], $0x3E80  }
0x7c: {  	[sflag:s20] =	ssyncset.done $0x0  }
0x7d: {  	s0 =	simm.s32 $0x0;
	[sflag:s20] =	ssyncadd.s32 $0xFFFFC180  }
0x7e: {  	[tilespmem:s0], [sflag:$0x3] =	stream.linear.gather [hbm4b:s14+s0], $0x1400, $0x38;
	[tilespmem:$0x1E080] =	vst v63  }
0x7f: {  	_ =	swait.ge [sflag:s20], $0x1400  }
0x80: {  	[sflag:s20] =	ssyncset.done $0x0  }
0x81: {  	[sflag:s20] =	ssyncadd.s32 $0xFFFFEC00  }
0x82: {  	[tilespmem:s21], [sflag:$0x3] =	stream.linear.gather [hbm4b:s15+s0], $0x1400, $0x38;
	[tilespmem:$0x1E080] =	vst v63  }
0x83: {  	_ =	swait.ge [sflag:s20], $0x1400  }
0x84: {  	[sflag:s20] =	ssyncset.done $0x0  }
0x85: {  	[sflag:s20] =	ssyncadd.s32 $0xFFFFEC00  }
0x86: {  	[tilespmem:s19], [sflag:$0x1] =	stream.indirect.gather [hbm4b:s1+s22], $0x80, s0, s22, $0xb8;
	[tilespmem:$0x1E080] =	vst v63  }
0x87: {  	_ = 	snop  }
0x88: {  	[tilespmem:s24], [sflag:$0x2] =	stream.indirect.gather [hbm4b:s1+s22], $0x80, s23, s22, $0xb8;
	[tilespmem:$0x1E080] =	vst v63  }
0x89: {  	_ =	swait.ge [sflag:s25], $0x3E80  }
0x8a: {  	[sflag:s25] =	ssyncset.done $0x0  }
0x8b: {  	s0 =	simm.s32 $0x1400;
	[sflag:s25] =	ssyncadd.s32 $0xFFFFC180  }
0x8c: {  	[spmem:s2] =	stream.indirect.scatter.add.f32 [tilespmem:s19], [sflag:$0x3], $0x80, s0, s22, $0xb8;
	[tilespmem:$0x1E080] =	vst v63  }
0x8d: {  	_ =	swait.ge [sflag:s20], $0x3E80  }
0x8e: {  	[sflag:s20] =	ssyncset.done $0x0  }
0x8f: {  	s0 =	simm.s32 $0x100;
	[sflag:s20] =	ssyncadd.s32 $0xFFFFC180  }
0x90: {  	[tilespmem:s19], [sflag:$0x1] =	stream.indirect.gather [hbm4b:s1+s22], $0x80, s0, s22, $0xb8;
	[tilespmem:$0x1E080] =	vst v63  }
0x91: {  	_ =	swait.ge [sflag:s26], $0x3E80  }
0x92: {  	[sflag:s26] =	ssyncset.done $0x0  }
0x93: {  	s0 =	simm.s32 $0x1480;
	[sflag:s26] =	ssyncadd.s32 $0xFFFFC180  }
0x94: {  	[spmem:s2] =	stream.indirect.scatter.add.f32 [tilespmem:s24], [sflag:$0x3], $0x80, s0, s22, $0xb8;
	[tilespmem:$0x1E080] =	vst v63  }
0x95: {  	_ =	swait.ge [sflag:s20], $0x3E80  }
0x96: {  	[sflag:s20] =	ssyncset.done $0x0  }
0x97: {  	s30 =	simm.s32 $0x400;
	s31 =	simm.s32 $0x180;
	[sflag:s20] =	ssyncadd.s32 $0xFFFFC180  }
.LBB2_6:
0x98: {  	[tilespmem:s24], [sflag:$0x2] =	stream.indirect.gather [hbm4b:s1+s22], $0x80, s31, s22, $0xb8;
	[tilespmem:$0x1E080] =	vst v63  }
0x99: {  	s0 =	smov.u32 s30  }
0x9a: {  	p1 =	sne.s32 s30, $0x4800;
	s30 =	sadd.s32 $0x400, s30;
	_ =	swait.ge [sflag:s25], $0x3E80  }
0x9b: {  	s0 =	sshra.s32 s0, $0x2;
	[sflag:s25] =	ssyncset.done $0x0  }
0x9c: {  	s31 =	sadd.s32 $0x1400, s0;
	[sflag:s25] =	ssyncadd.s32 $0xFFFFC180  }
0x9d: {  	[spmem:s2] =	stream.indirect.scatter.add.f32 [tilespmem:s19], [sflag:$0x3], $0x80, s31, s22, $0xb8;
	[tilespmem:$0x1E080] =	vst v63  }
0x9e: {  	_ =	swait.ge [sflag:s20], $0x3E80  }
0x9f: {  	[sflag:s20] =	ssyncset.done $0x0  }
0xa0: {  	s31 =	sadd.s32 $0x100, s0;
	[sflag:s20] =	ssyncadd.s32 $0xFFFFC180  }
0xa1: {  	[tilespmem:s19], [sflag:$0x1] =	stream.indirect.gather [hbm4b:s1+s22], $0x80, s31, s22, $0xb8;
	[tilespmem:$0x1E080] =	vst v63  }
0xa2: {  	_ =	swait.ge [sflag:s26], $0x3E80  }
0xa3: {  	[sflag:s26] =	ssyncset.done $0x0  }
.Ltmp2:
0xa4: {  	s31 =	sadd.s32 $0x1480, s0;
	[sflag:s26] =	ssyncadd.s32 $0xFFFFC180;
	(pc) =	sbr.rel @p1 .LBB2_6-.Ltmp2, $4  }
0xa5: {  	[spmem:s2] =	stream.indirect.scatter.add.f32 [tilespmem:s24], [sflag:$0x3], $0x80, s31, s22, $0xb8;
	[tilespmem:$0x1E080] =	vst v63  }
0xa6: {  	_ =	swait.ge [sflag:s20], $0x3E80  }
0xa7: {  	[sflag:s20] =	ssyncset.done $0x0  }
0xa8: {  	s31 =	sadd.s32 $0x180, s0;
	[sflag:s20] =	ssyncadd.s32 $0xFFFFC180  }
0xa9: {  	[tilespmem:s24], [sflag:$0x2] =	stream.indirect.gather [hbm4b:s1+s22], $0x80, s31, s22, $0xb8;
	[tilespmem:$0x1E080] =	vst v63  }
0xaa: {  	_ =	swait.ge [sflag:s25], $0x3E80  }
0xab: {  	[sflag:s25] =	ssyncset.done $0x0  }
0xac: {  	[sflag:s25] =	ssyncadd.s32 $0xFFFFC180  }
0xad: {  	[spmem:s2] =	stream.indirect.scatter.add.f32 [tilespmem:s19], [sflag:$0x3], $0x80, s28, s22, $0xb8;
	[tilespmem:$0x1E080] =	vst v63  }
0xae: {  	_ =	swait.ge [sflag:s20], $0x3E80  }
0xaf: {  	[sflag:s20] =	ssyncset.done $0x0  }
0xb0: {  	[sflag:s20] =	ssyncadd.s32 $0xFFFFC180  }
0xb1: {  	_ =	swait.ge [sflag:s26], $0x3E80  }
0xb2: {  	[sflag:s26] =	ssyncset.done $0x0  }
0xb3: {  	[sflag:s26] =	ssyncadd.s32 $0xFFFFC180  }
0xb4: {  	[spmem:s2] =	stream.indirect.scatter.add.f32 [tilespmem:s24], [sflag:$0x3], $0x80, s29, s22, $0xb8;
	[tilespmem:$0x1E080] =	vst v63  }
0xb5: {  	_ =	swait.ge [sflag:s20], $0x3E80  }
0xb6: {  	[sflag:s20] =	ssyncset.done $0x0  }
0xb7: {  	s0 =	sshll.u32 s3, $0x6;
	[sflag:s20] =	ssyncadd.s32 $0xFFFFC180  }
0xb8: {  	s30 =	sshrl.u32 s5, $0x3;
	s0 =	sor.u32 $0x1C03, s0;
	[bflag:$0x0] =	sbarrier.arrive $0xFFFF  }
0xb9: {  	[hbm:s16], [sflag:s0] =	dma.local [spmem:s30], $0x2700  }
0xba: {  	_ =	swait.ge [sflag:s20], $0x2700  }
0xbb: {  	s4 =	sadd.s32 $0x1, s4;
	[sflag:s20] =	ssyncset.done $0x0  }
0xbc: {  	p1 =	sne.s32 s4, s18;
	s30 =	sshrl.u32 @!p0 s11, $0x3;
	[sflag:s20] =	ssyncadd.s32 $0xFFFFD900  }
0xbd: {  	[hbm:s17], [sflag:s0] =	dma.local @!p0 [spmem:s30], $0x100  }
.Ltmp3:
0xbe: {  	_ = 	snop;
	(pc) =	sbr.rel @p1 .LBB2_1-.Ltmp3, $4  }
0xbf: {  	s0 =	simm.s32 @!p0 $0x3  }
0xc0: {  	_ =	swait.ge @!p0 [sflag:s0], $0x100  }
0xc1: {  	[sflag:s0] =	ssyncset.done @!p0 $0x0  }
0xc2: {  	[sflag:s0] =	ssyncadd.s32 @!p0 $0xFFFFFF00  }
0xc3: {  	_ =	sfence.sel $0x180000  }
0xc4: {  	[bflag:$0x0] =	sbarrier.arrive $0xFFFF  }
0xc5: {  	_ =	strace $0x9000004A  }
0xc6: {  	[bflag:$0x2] =	sbarrier.arrive $0xFFFF  }
0xc7: {  	p0 =	sne.s32 s3, $0x0;
	s0 =	rddreg [dreg:$0x4]  }
0xc8: {  	s0 =	sadd.s32 @!p0 $0x100000, s0  }
0xc9: {  	[sflag:s0] =	ssyncadd.tile.s32 @!p0 $0x1;
	_ =	shalt  }
.Lfunc_end2:
_tile_overlayer_lowered:
.L_overlay_start_2:
0xca: {  	(tag) =	ssettag $0x2  }
0xcb: {  	s0 =	rddreg [dreg:$0x0];
	s2 =	stileid.u32  }
0xcc: {  	s1 =	rddreg [dreg:$0x1];
	p0 =	sne.s32 s2, $0x0  }
0xcd: {  	s3 =	rddreg [dreg:$0x2];
	[bflag:$0x3] =	sbarrier.arrive $0xFFFF;
	s2 =	simm.s32 @!p0 $0x1C03  }
0xce: {  	[timem:s3], [sflag:s2] =	dma.local @!p0 [hbm:s0], s1  }
0xcf: {  	s0 =	simm.s32 @!p0 $0x3  }
0xd0: {  	_ =	swait.ge @!p0 [sflag:s0], s1  }
0xd1: {  	s1 =	ssub.s32 @!p0 $0x0, s1;
	[sflag:s0] =	ssyncset.done @!p0 $0x0  }
0xd2: {  	[sflag:s0] =	ssyncadd.s32 @!p0 s1  }
0xd3: {  	[bflag:$0x3] =	sbarrier.arrive $0xFFFF  }
0xd4: {  	_ =	shalt  }

// kernel: kernel.17.cloned.1.call-start
scs
__scs_entry_jumppad:
0x0: {  	(pc) =	sbr.rel $0x88, $3  }
0x1: {  	(tag) =	ssettag $0x0;
	lr =	simm.s32 $0x1  }
0x2: {  	[smem:$0x3F78] =	sst lr;
	_ =	strace $0xD0000000  }
0x3: {  	_ = 	snop  }
0x4: {  	_ = 	snop  }
0x5: {  	_ = 	snop  }
0x6: {  	_ = 	snop  }
0x7: {  	_ = 	snop  }
__scs_overlays_trampoline_lowered:
0x8: {  	[smem:$0x3F87] =	sst s0  }
0x9: {  	[smem:$0x3F88] =	sst s1  }
0xa: {  	[smem:$0x3F89] =	sst s2  }
0xb: {  	[smem:$0x3F8A] =	sst s3  }
0xc: {  	[smem:$0x3F8B] =	sst s4  }
0xd: {  	[smem:$0x3F8C] =	sst s5  }
0xe: {  	[smem:$0x3F8D] =	sst s6  }
0xf: {  	[smem:$0x3F8E] =	sst s7  }
0x10: {  	[smem:$0x3F8F] =	sst s8  }
0x11: {  	[smem:$0x3F90] =	sst s9;
	s0 =	simm.s32 @!p0 $0x0  }
0x12: {  	s1 =	sld [smem:$0x3F76];
	s0 =	simm.s32 @p0 $0x1  }
0x13: {  	[smem:$0x3F91] =	sst s0;
	s0 =	simm.s32 @!p1 $0x0  }
0x14: {  	s2 =	sld [smem:$0x3F75];
	s0 =	simm.s32 @p1 $0x1  }
0x15: {  	[smem:$0x3F92] =	sst s0;
	s0 =	simm.s32 @!p2 $0x0  }
0x16: {  	s3 =	sld [smem:$0x3FDB];
	s0 =	simm.s32 @p2 $0x1  }
0x17: {  	s4 =	simm.s32 $0x1BF5;
	[smem:$0x3F94] =	sst s0  }
0x18: {  	s0 =	sld [smem:$0x3F77];
	_ =	swait.ge [sflag:s4], $0x0  }
0x19: {  	s7 =	sld [smem:$0x3F78]  }
0x1a: {  	s8 =	sadd.s32 $0xFFFFE003, lr  }
0x1b: {  	s9 =	sadd.s32 $0xFFFFFEF7, lr;
	s5 =	simm.s32 $0xFFFFFFFF;
	p2 =	slt.u32 s8, $0xFFFFF086  }
0x1c: {  	p1 =	slt.u32 s9, $0xF7A;
	s5 =	simm.s32 @!p2 $0x0  }
0x1d: {  	s5 =	simm.s32 @p1 $0x1;
	p0 =	seq.s32 s7, s2  }
0x1e: {  	s7 =	smul.u32 @!p0 $0xF7A, s2;
	p2 =	seq.s32 @!p0 s5, $0x0  }
0x1f: {  	s9 =	smul.u32 $0xF7A, s1;
	s8 =	simm.s32 @!p0 $0x1BF5;
	p2 =	por !p2, p0  }
0x20: {  	[sflag:s8] =	ssyncset.s32 @!p0 $0xFFFFF086;
	s6 =	sadd.s32 @!p0 s3, s7;
	s7 =	simm.s32 @!p0 $0x108  }
0x21: {  	s3 =	sadd.s32 s3, s9;
	s6 =	sadd.s32 @!p0 $0x88, s6;
	s7 =	simm.s32 @p2 $0x1082  }
0x22: {  	[simem:s7], [sflag:s8] =	dma.local @!p0 [hbm:s6], $0xF7A  }
0x23: {  	s9 =	sor.u32 $0xD0000000, s2;
	s6 =	simm.s32 $0x108;
	_ =	swait.ge @!p0 [sflag:s8], $0x0  }
0x24: {  	s3 =	sadd.s32 $0x88, s3;
	s6 =	simm.s32 @!p1 $0x1082;
	[sflag:s4] =	ssyncset.s32 $0xFFFFF086  }
0x25: {  	[simem:s6], [sflag:s4] =	dma.local [hbm:s3], $0xF7A  }
0x26: {  	[smem:$0x3F78] =	sst s1;
	(tag) =	ssettag s2;
	_ =	strace s9  }
0x27: {  	s1 =	sld [smem:$0x3F88]  }
0x28: {  	s2 =	sld [smem:$0x3F89]  }
0x29: {  	s4 =	sld [smem:$0x3F8B]  }
0x2a: {  	p0 =	seq.s32 s5, $0x0;
	s5 =	sld [smem:$0x3F8C]  }
0x2b: {  	s6 =	sld [smem:$0x3F8D]  }
0x2c: {  	s7 =	sld [smem:$0x3F8E]  }
0x2d: {  	s3 =	simm.s32 $0x108;
	s8 =	sld [smem:$0x3F8F]  }
0x2e: {  	s3 =	simm.s32 @!p0 $0x1082;
	s9 =	sld [smem:$0x3F90]  }
0x2f: {  	lr =	sadd.s32 s0, s3;
	s0 =	sld [smem:$0x3F87]  }
0x30: {  	s3 =	sld [smem:$0x3F8A]  }
0x31: {  	[smem:$0x3F93] =	sst s10  }
0x32: {  	s10 =	sld [smem:$0x3F91];
	_ =	sdelay $0x3  }
0x33: {  	p0 =	seq.s32 s10, $0x1;
	s10 =	sld [smem:$0x3F93];
	_ =	sdelay $0x3  }
0x34: {  	[smem:$0x3F93] =	sst s10  }
0x35: {  	s10 =	sld [smem:$0x3F92];
	_ =	sdelay $0x3  }
0x36: {  	p1 =	seq.s32 s10, $0x1;
	s10 =	sld [smem:$0x3F93];
	_ =	sdelay $0x3  }
0x37: {  	[smem:$0x3F93] =	sst s10  }
0x38: {  	s10 =	sld [smem:$0x3F94]  }
0x39: {  	_ = 	snop;
	(pc) =	sbr.ind lr, $3  }
0x3a: {  	_ = 	snop  }
0x3b: {  	_ = 	snop  }
0x3c: {  	p2 =	seq.s32 s10, $0x1;
	s10 =	sld [smem:$0x3F93]  }
0x3d: {  	_ =	shalt  }
0x3e: {  	_ =	shalt  }
0x3f: {  	_ =	shalt  }
0x40: {  	_ =	shalt  }
0x41: {  	_ =	shalt  }
0x42: {  	_ =	shalt  }
0x43: {  	_ =	shalt  }
0x44: {  	_ =	shalt  }
0x45: {  	_ =	shalt  }
0x46: {  	_ =	shalt  }
0x47: {  	_ =	shalt  }
0x48: {  	_ =	shalt  }
0x49: {  	_ =	shalt  }
0x4a: {  	_ =	shalt  }
0x4b: {  	_ =	shalt  }
0x4c: {  	_ =	shalt  }
0x4d: {  	_ =	shalt  }
0x4e: {  	_ =	shalt  }
0x4f: {  	_ =	shalt  }
0x50: {  	_ =	shalt  }
0x51: {  	_ =	shalt  }
0x52: {  	_ =	shalt  }
0x53: {  	_ =	shalt  }
0x54: {  	_ =	shalt  }
0x55: {  	_ =	shalt  }
0x56: {  	_ =	shalt  }
0x57: {  	_ =	shalt  }
0x58: {  	_ =	shalt  }
0x59: {  	_ =	shalt  }
0x5a: {  	_ =	shalt  }
0x5b: {  	_ =	shalt  }
0x5c: {  	_ =	shalt  }
0x5d: {  	_ =	shalt  }
0x5e: {  	_ =	shalt  }
0x5f: {  	_ =	shalt  }
0x60: {  	_ =	shalt  }
0x61: {  	_ =	shalt  }
0x62: {  	_ =	shalt  }
0x63: {  	_ =	shalt  }
0x64: {  	_ =	shalt  }
0x65: {  	_ =	shalt  }
0x66: {  	_ =	shalt  }
0x67: {  	_ =	shalt  }
0x68: {  	_ =	shalt  }
0x69: {  	_ =	shalt  }
0x6a: {  	_ =	shalt  }
0x6b: {  	_ =	shalt  }
0x6c: {  	_ =	shalt  }
0x6d: {  	_ =	shalt  }
0x6e: {  	_ =	shalt  }
0x6f: {  	_ =	shalt  }
0x70: {  	_ =	shalt  }
0x71: {  	_ =	shalt  }
0x72: {  	_ =	shalt  }
0x73: {  	_ =	shalt  }
0x74: {  	_ =	shalt  }
0x75: {  	_ =	shalt  }
0x76: {  	_ =	shalt  }
0x77: {  	_ =	shalt  }
0x78: {  	_ =	shalt  }
0x79: {  	_ =	shalt  }
0x7a: {  	_ =	shalt  }
0x7b: {  	_ =	shalt  }
0x7c: {  	_ =	shalt  }
0x7d: {  	_ =	shalt  }
0x7e: {  	_ =	shalt  }
0x7f: {  	_ =	shalt  }
0x80: {  	_ =	shalt  }
0x81: {  	_ =	shalt  }
0x82: {  	_ =	shalt  }
0x83: {  	_ =	shalt  }
0x84: {  	_ =	shalt  }
0x85: {  	_ =	shalt  }
0x86: {  	_ =	shalt  }
0x87: {  	_ =	shalt  }
.Lfunc_end0:
.L_simem_size_0:
called_computation.2_lowered:
.L_overlay_start_0:
0x88: {  	s2 =	sld [smem:$0x3FD9]  }
0x89: {  	s3 =	sld [smem:$0x3FFE];
	_ =	sdelay $0x1  }
0x8a: {  	s1 =	srdreg.scid  }
0x8b: {  	s0 =	sand.u32 $0x1, s1  }
0x8c: {  	s14 =	sshll.u32 s0, $0xA;
	s2 =	sadd.s32 s3, s2  }
0x8d: {  	s2 =	sadd.s32 s2, s14  }
0x8e: {  	[smem:$0x3F9F] =	sst s2  }
0x8f: {  	_ = 	snop  }
0x90: {  	s2 =	sld [smem:$0x3FD0];
	_ =	sdelay $0x2  }
0x91: {  	s15 =	simm.s32 $0xA;
	s4 =	simm.s32 $0x10  }
0x92: {  	[smem:s4], [sflag:s15] =	dma.local [hbm:s2], $0x1  }
0x93: {  	_ =	swait.eq [sflag:s15], $0x1  }
0x94: {  	[sflag:s15] =	ssyncset.done $0x0  }
0x95: {  	s16 =	sld [smem:$0x10];
	[sflag:s15] =	ssyncadd.s32 $0xFFFFFFFF  }
0x96: {  	s17 =	sld [smem:$0x11];
	(tm) =	ssettm $0x1  }
0x97: {  	s18 =	sld [smem:$0x3FFB];
	_ =	sdelay $0x3  }
0x98: {  	_ =	strace s18  }
0x99: {  	s4 =	sld [smem:$0x3FFC];
	_ =	sdelay $0x3  }
0x9a: {  	_ =	strace s4  }
0x9b: {  	s4 =	sld [smem:$0x3FFD];
	_ =	sdelay $0x3  }
0x9c: {  	_ =	strace s4  }
0x9d: {  	_ =	strace $0x8FFFFFFF  }
0x9e: {  	s19 =	sld [smem:$0x3FDB];
	_ =	sdelay $0x1  }
0x9f: {  	s5 =	simm.s32 $_scs_section_size  }
0xa0: {  	s6 =	simm.s32 $_size__tile_overlayer_lowered;
	s7 =	simm.s32 $_tile_overlayer_lowered  }
0xa1: {  	s22 =	simm.s32 $0x1BFF;
	s21 =	sshll.u32 s7, $0x1;
	s4 =	sadd.s32 s5, s19  }
0xa2: {  	s8 =	simm.s32 $0x0;
	s20 =	sshll.u32 s6, $0x1;
	s6 =	sadd.s32 s21, s4  }
0xa3: {  	[timem:s8], [sflag:s22] =	dma.local [hbm:s6], s20  }
0xa4: {  	_ =	swait.ge [sflag:s22], s20  }
0xa5: {  	s5 =	ssub.s32 $0x0, s20;
	[sflag:s22] =	ssyncset.done $0x0  }
0xa6: {  	[sflag:s22] =	ssyncadd.s32 s5;
	_ =	sdelay $0x1  }
0xa7: {  	s23 =	simm.s32 $0x1B8B  }
0xa8: {  	_ =	swait.ge [sflag:s23], $0x1  }
0xa9: {  	[sflag:s23] =	ssyncset.done $0x0  }
0xaa: {  	s25 =	simm.s32 $0x1B8E;
	s24 =	sld [smem:$0x3FFE];
	[sflag:s23] =	ssyncadd.s32 $0xFFFFFFFF  }
0xab: {  	s26 =	simm.s32 $execute0_lowered;
	[smem:$0x3FD2] =	sst s25  }
0xac: {  	s6 =	sshll.u32 s26, $0x1;
	_ =	strace $0x8000004C;
	[dreg:$0x1] =	wrdreg $0xFFFFFFFF  }
0xad: {  	s28 =	simm.s32 $_size_execute0_lowered;
	s4 =	sadd.s32 s4, s6;
	[dreg:$0x0] =	wrdreg $0x0  }
0xae: {  	s6 =	sshll.u32 s28, $0x1;
	[dreg:$0x2] =	wrdreg s4  }
0xaf: {  	[dreg:$0x3] =	wrdreg s6  }
0xb0: {  	[dreg:$0x4] =	wrdreg $0xC0  }
0xb1: {  	_ =	task [dreg:s8], $0x5FFFF  }
0xb2: {  	[dreg:$0x1] =	wrdreg $0xFFFFFFFF  }
0xb3: {  	[dreg:$0x0] =	wrdreg $0x60  }
0xb4: {  	[dreg:$0x2] =	wrdreg s17  }
0xb5: {  	[dreg:$0x3] =	wrdreg s16  }
0xb6: {  	[dreg:$0x4] =	wrdreg s24  }
0xb7: {  	[dreg:$0x5] =	wrdreg $0xA8000  }
0xb8: {  	[dreg:$0x6] =	wrdreg $0x9  }
0xb9: {  	_ =	task.clear_ibuf [dreg:s8], $0x7FFFF;
	_ =	strace $0x9000004C  }
0xba: {  	s29 =	simm.s32 $0x9;
	_ =	strace $0x8000004E  }
0xbb: {  	_ =	swait.ge [sflag:s29], $0x1  }
0xbc: {  	[sflag:s29] =	ssyncadd.s32 $0xFFFFFFFF  }
0xbd: {  	_ =	strace $0x9000004E  }
0xbe: {  	_ =	sfence  }
0xbf: {  	s30 =	sld [smem:$0x0];
	_ =	sdelay $0x2  }
0xc0: {  	s31 =	sshll.u32 s1, $0xD;
	s1 =	sshrl.u32 s1, $0x2  }
0xc1: {  	s3 =	sand.u32 $0x4000, s31;
	s1 =	sadd.s32 s1, s30  }
0xc2: {  	s0 =	sor.u32 s3, s0;
	s1 =	sshll.u32 s1, $0x11  }
0xc3: {  	s0 =	sor.u32 s1, s0  }
0xc4: {  	s0 =	sadd.s32 $0x8F2B, s0  }
0xc5: {  	[sflag:s0] =	ssyncadd.remote.s32 $0x1  }
0xc6: {  	_ =	sfence.sel $0xFFFF  }
0xc7: {  	[dreg:$0x0] =	wrdreg $0xFFFFFFFF;
	(pc) =	sbr.abs _section_cstart, $3  }
0xc8: {  	[dreg:$0x1] =	wrdreg $0xFFFFFFFF  }
0xc9: {  	_ =	task.clear_ibuf [dreg:s8], $0x2FFFF;
	_ =	strace $0x9FFFFFFF  }
0xca: {  	(tm) =	ssettm $0x7FFFFFFF  }
0xcb: {  	_ =	shalt  }
tec
execute0_lowered:
.L_overlay_start_1:
0x0: {  	(tag) =	ssettag $0x1  }
0x1: {  	s1 =	rddreg [dreg:$0x0]  }
0x2: {  	s14 =	rddreg [dreg:$0x1]  }
0x3: {  	s5 =	rddreg [dreg:$0x2]  }
0x4: {  	s2 =	rddreg [dreg:$0x3];
	s4 =	simm.s32 $0x0  }
0x5: {  	s6 =	srdreg.scid;
	s3 =	stileid.u32;
	s21 =	simm.s32 $0x1400  }
0x6: {  	s22 =	simm.s32 $0x7D;
	s23 =	simm.s32 $0x80;
	s24 =	simm.s32 $0x6800  }
0x7: {  	s25 =	simm.s32 $0x1;
	s26 =	simm.s32 $0x2;
	s28 =	simm.s32 $0x2700  }
0x8: {  	s29 =	simm.s32 $0x2780;
	[smem:$0x7FF] =	sst s4;
	s10 =	sand.u32 $0x1, s6  }
0x9: {  	s30 =	smul.u32 $0x4E000, s3;
	s15 =	sadd.s32 $0x8200, s5;
	s16 =	sadd.s32 $0x12200, s5  }
0xa: {  	s8 =	sshll.u32 s3, $0x1;
	s20 =	smul.u32 $0x13800, s3;
	p0 =	sne.s32 s3, $0xF  }
0xb: {  	_ =	strace $0x8000004D;
	s31 =	ssub.s32 $0x2, s10;
	s8 =	sor.u32 s10, s8  }
0xc: {  	s17 =	smul.u32 $0x138800, s10;
	s7 =	sshrl.u32 s31, $0x1;
	s6 =	sshrl.u32 s30, $0x2  }
0xd: {  	s11 =	smul.u32 $0x2800, s8;
	s18 =	ssub.s32 s31, s7;
	s5 =	sadd.s32 s6, s2  }
0xe: {  	s20 =	sadd.s32 s20, s17;
	s17 =	sshrl.u32 s17, $0x3;
	s6 =	sadd.s32 $0x3400, s5  }
0xf: {  	s7 =	sadd.s32 $0x6800, s5;
	s8 =	sadd.s32 $0x9C00, s5;
	s9 =	sadd.s32 $0xD000, s5  }
0x10: {  	s10 =	sadd.s32 $0x10400, s5;
	s19 =	sshrl.u32 s11, $0x3;
	s11 =	sadd.s32 $0x138000, s2  }
0x11: {  	s20 =	sshrl.u32 s20, $0x3;
	s17 =	sadd.s32 s16, s17;
	s18 =	smax.u32 s18, $0x1  }
0x12: {  	s12 =	sadd.s32 s14, s19;
	s13 =	sadd.s32 s15, s19;
	s19 =	sadd.s32 $0x280, s19  }
0x13: {  	s16 =	sadd.s32 s16, s20;
	s17 =	sadd.s32 $0x27000, s17;
	s20 =	simm.s32 $0x3  }
0x14: {  	v0 =	vimm.f32 $0.0e+00;
	s14 =	sadd.s32 s14, s19;
	s15 =	sadd.s32 s15, s19;
	s19 =	simm.s32 $0x2800  }
.LBB2_1:
0x15: {  	s30 =	simm.s32 $0x0;
	s31 =	simm.s32 $0x200  }
.LBB2_2:
0x16: {  	p1 =	sne.s32 s31, $0xCE00;
	[tilespmem:s30+$0x2870] =	vst v0  }
0x17: {  	[tilespmem:s30+$0x2800] =	vst v0  }
0x18: {  	[tilespmem:s30+$0x2810] =	vst v0  }
.Ltmp0:
0x19: {  	[tilespmem:s30+$0x2820] =	vst v0;
	(pc) =	sbr.rel @p1 .LBB2_2-.Ltmp0, $4  }
0x1a: {  	[tilespmem:s30+$0x2830] =	vst v0  }
0x1b: {  	[tilespmem:s30+$0x2840] =	vst v0  }
0x1c: {  	[tilespmem:s30+$0x2850] =	vst v0  }
0x1d: {  	[tilespmem:s30+$0x2860] =	vst v0;
	s30 =	sshra.s32 s31, $0x2;
	s31 =	sadd.s32 $0x200, s31  }
0x1e: {  	[tilespmem:s30+$0x2870] =	vst v0  }
0x1f: {  	[tilespmem:s30+$0x2800] =	vst v0  }
0x20: {  	[tilespmem:s30+$0x2810] =	vst v0  }
0x21: {  	[tilespmem:s30+$0x2820] =	vst v0  }
0x22: {  	[tilespmem:s30+$0x2830] =	vst v0  }
0x23: {  	[tilespmem:s30+$0x2840] =	vst v0  }
0x24: {  	[tilespmem:s30+$0x2850] =	vst v0  }
0x25: {  	[tilespmem:s30+$0x2860] =	vst v0  }
0x26: {  	[spmem:s5] =	stream.linear.scatter [tilespmem:s19], [sflag:$0x3], $0x3400, $0x38;
	[tilespmem:$0x1E080] =	vst v63  }
0x27: {  	_ =	swait.ge [sflag:s20], $0x3400  }
0x28: {  	[sflag:s20] =	ssyncset.done $0x0  }
0x29: {  	[sflag:s20] =	ssyncadd.s32 $0xFFFFCC00  }
0x2a: {  	[spmem:s6] =	stream.linear.scatter [tilespmem:s19], [sflag:$0x3], $0x3400, $0x38;
	[tilespmem:$0x1E080] =	vst v63  }
0x2b: {  	_ =	swait.ge [sflag:s20], $0x3400  }
0x2c: {  	[sflag:s20] =	ssyncset.done $0x0  }
0x2d: {  	[sflag:s20] =	ssyncadd.s32 $0xFFFFCC00  }
0x2e: {  	[spmem:s7] =	stream.linear.scatter [tilespmem:s19], [sflag:$0x3], $0x3400, $0x38;
	[tilespmem:$0x1E080] =	vst v63  }
0x2f: {  	_ =	swait.ge [sflag:s20], $0x3400  }
0x30: {  	[sflag:s20] =	ssyncset.done $0x0  }
0x31: {  	[sflag:s20] =	ssyncadd.s32 $0xFFFFCC00  }
0x32: {  	[spmem:s8] =	stream.linear.scatter [tilespmem:s19], [sflag:$0x3], $0x3400, $0x38;
	[tilespmem:$0x1E080] =	vst v63  }
0x33: {  	_ =	swait.ge [sflag:s20], $0x3400  }
0x34: {  	[sflag:s20] =	ssyncset.done $0x0  }
0x35: {  	[sflag:s20] =	ssyncadd.s32 $0xFFFFCC00  }
0x36: {  	[spmem:s9] =	stream.linear.scatter [tilespmem:s19], [sflag:$0x3], $0x3400, $0x38;
	[tilespmem:$0x1E080] =	vst v63  }
0x37: {  	_ =	swait.ge [sflag:s20], $0x3400  }
0x38: {  	[sflag:s20] =	ssyncset.done $0x0  }
0x39: {  	[sflag:s20] =	ssyncadd.s32 $0xFFFFCC00  }
0x3a: {  	[spmem:s10] =	stream.linear.scatter [tilespmem:s19], [sflag:$0x3], $0x3400, $0x38;
	[tilespmem:$0x1E080] =	vst v63  }
0x3b: {  	_ =	swait.ge [sflag:s20], $0x3400  }
0x3c: {  	[sflag:s20] =	ssyncset.done $0x0  }
0x3d: {  	s30 =	simm.s32 @!p0 $0x2800;
	[sflag:s20] =	ssyncadd.s32 $0xFFFFCC00  }
0x3e: {  	[spmem:s11] =	stream.linear.scatter @!p0 [tilespmem:s30], [sflag:$0x3], $0x800, $0x38;
	[tilespmem:$0x1E080] =	vst v63  }
0x3f: {  	s30 =	simm.s32 @!p0 $0x3  }
0x40: {  	_ =	swait.ge @!p0 [sflag:s30], $0x800  }
0x41: {  	[sflag:s30] =	ssyncset.done @!p0 $0x0  }
0x42: {  	[sflag:s30] =	ssyncadd.s32 @!p0 $0xFFFFF800  }
0x43: {  	s30 =	simm.s32 $0x0;
	[bflag:$0x0] =	sbarrier.arrive $0xFFFF  }
0x44: {  	[tilespmem:s30], [sflag:$0x3] =	stream.linear.gather [hbm4b:s12+s30], $0x1400, $0x38;
	[tilespmem:$0x1E080] =	vst v63  }
0x45: {  	_ =	swait.ge [sflag:s20], $0x1400  }
0x46: {  	[sflag:s20] =	ssyncset.done $0x0  }
0x47: {  	[sflag:s20] =	ssyncadd.s32 $0xFFFFEC00  }
0x48: {  	[tilespmem:s21], [sflag:$0x3] =	stream.linear.gather [hbm4b:s13+s30], $0x1400, $0x38;
	[tilespmem:$0x1E080] =	vst v63  }
0x49: {  	_ =	swait.ge [sflag:s20], $0x1400  }
0x4a: {  	[sflag:s20] =	ssyncset.done $0x0  }
0x4b: {  	[sflag:s20] =	ssyncadd.s32 $0xFFFFEC00  }
0x4c: {  	[tilespmem:s19], [sflag:$0x1] =	stream.indirect.gather [hbm4b:s1+s22], $0x80, s30, s22, $0xb8;
	[tilespmem:$0x1E080] =	vst v63  }
0x4d: {  	_ = 	snop  }
0x4e: {  	[tilespmem:s24], [sflag:$0x2] =	stream.indirect.gather [hbm4b:s1+s22], $0x80, s23, s22, $0xb8;
	[tilespmem:$0x1E080] =	vst v63  }
0x4f: {  	_ =	swait.ge [sflag:s25], $0x3E80  }
0x50: {  	[sflag:s25] =	ssyncset.done $0x0  }
0x51: {  	s30 =	simm.s32 $0x1400;
	[sflag:s25] =	ssyncadd.s32 $0xFFFFC180  }
0x52: {  	[spmem:s2] =	stream.indirect.scatter.add.f32 [tilespmem:s19], [sflag:$0x3], $0x80, s30, s22, $0xb8;
	[tilespmem:$0x1E080] =	vst v63  }
0x53: {  	_ =	swait.ge [sflag:s20], $0x3E80  }
0x54: {  	[sflag:s20] =	ssyncset.done $0x0  }
0x55: {  	s30 =	simm.s32 $0x100;
	[sflag:s20] =	ssyncadd.s32 $0xFFFFC180  }
0x56: {  	[tilespmem:s19], [sflag:$0x1] =	stream.indirect.gather [hbm4b:s1+s22], $0x80, s30, s22, $0xb8;
	[tilespmem:$0x1E080] =	vst v63  }
0x57: {  	_ =	swait.ge [sflag:s26], $0x3E80  }
0x58: {  	[sflag:s26] =	ssyncset.done $0x0  }
0x59: {  	s30 =	simm.s32 $0x1480;
	[sflag:s26] =	ssyncadd.s32 $0xFFFFC180  }
0x5a: {  	[spmem:s2] =	stream.indirect.scatter.add.f32 [tilespmem:s24], [sflag:$0x3], $0x80, s30, s22, $0xb8;
	[tilespmem:$0x1E080] =	vst v63  }
0x5b: {  	_ =	swait.ge [sflag:s20], $0x3E80  }
0x5c: {  	[sflag:s20] =	ssyncset.done $0x0  }
0x5d: {  	s31 =	simm.s32 $0x180;
	s30 =	simm.s32 $0x400;
	[sflag:s20] =	ssyncadd.s32 $0xFFFFC180  }
.LBB2_4:
0x5e: {  	[tilespmem:s24], [sflag:$0x2] =	stream.indirect.gather [hbm4b:s1+s22], $0x80, s31, s22, $0xb8;
	[tilespmem:$0x1E080] =	vst v63  }
0x5f: {  	s31 =	smov.u32 s30  }
0x60: {  	p1 =	sne.s32 s30, $0x4800;
	s30 =	sadd.s32 $0x400, s30;
	_ =	swait.ge [sflag:s25], $0x3E80  }
0x61: {  	s31 =	sshra.s32 s31, $0x2;
	[sflag:s25] =	ssyncset.done $0x0  }
0x62: {  	s0 =	sadd.s32 $0x1400, s31;
	[sflag:s25] =	ssyncadd.s32 $0xFFFFC180  }
0x63: {  	[spmem:s2] =	stream.indirect.scatter.add.f32 [tilespmem:s19], [sflag:$0x3], $0x80, s0, s22, $0xb8;
	[tilespmem:$0x1E080] =	vst v63  }
0x64: {  	_ =	swait.ge [sflag:s20], $0x3E80  }
0x65: {  	[sflag:s20] =	ssyncset.done $0x0  }
0x66: {  	s0 =	sadd.s32 $0x100, s31;
	[sflag:s20] =	ssyncadd.s32 $0xFFFFC180  }
0x67: {  	[tilespmem:s19], [sflag:$0x1] =	stream.indirect.gather [hbm4b:s1+s22], $0x80, s0, s22, $0xb8;
	[tilespmem:$0x1E080] =	vst v63  }
0x68: {  	_ =	swait.ge [sflag:s26], $0x3E80  }
0x69: {  	[sflag:s26] =	ssyncset.done $0x0  }
.Ltmp1:
0x6a: {  	s0 =	sadd.s32 $0x1480, s31;
	[sflag:s26] =	ssyncadd.s32 $0xFFFFC180;
	(pc) =	sbr.rel @p1 .LBB2_4-.Ltmp1, $4  }
0x6b: {  	[spmem:s2] =	stream.indirect.scatter.add.f32 [tilespmem:s24], [sflag:$0x3], $0x80, s0, s22, $0xb8;
	[tilespmem:$0x1E080] =	vst v63  }
0x6c: {  	_ =	swait.ge [sflag:s20], $0x3E80  }
0x6d: {  	[sflag:s20] =	ssyncset.done $0x0  }
0x6e: {  	s31 =	sadd.s32 $0x180, s31;
	[sflag:s20] =	ssyncadd.s32 $0xFFFFC180  }
0x6f: {  	[tilespmem:s24], [sflag:$0x2] =	stream.indirect.gather [hbm4b:s1+s22], $0x80, s31, s22, $0xb8;
	[tilespmem:$0x1E080] =	vst v63  }
0x70: {  	_ =	swait.ge [sflag:s25], $0x3E80  }
0x71: {  	[sflag:s25] =	ssyncset.done $0x0  }
0x72: {  	[sflag:s25] =	ssyncadd.s32 $0xFFFFC180  }
0x73: {  	[spmem:s2] =	stream.indirect.scatter.add.f32 [tilespmem:s19], [sflag:$0x3], $0x80, s28, s22, $0xb8;
	[tilespmem:$0x1E080] =	vst v63  }
0x74: {  	_ =	swait.ge [sflag:s20], $0x3E80  }
0x75: {  	[sflag:s20] =	ssyncset.done $0x0  }
0x76: {  	[sflag:s20] =	ssyncadd.s32 $0xFFFFC180  }
0x77: {  	_ =	swait.ge [sflag:s26], $0x3E80  }
0x78: {  	[sflag:s26] =	ssyncset.done $0x0  }
0x79: {  	[sflag:s26] =	ssyncadd.s32 $0xFFFFC180  }
0x7a: {  	[spmem:s2] =	stream.indirect.scatter.add.f32 [tilespmem:s24], [sflag:$0x3], $0x80, s29, s22, $0xb8;
	[tilespmem:$0x1E080] =	vst v63  }
0x7b: {  	_ =	swait.ge [sflag:s20], $0x3E80  }
0x7c: {  	[sflag:s20] =	ssyncset.done $0x0  }
0x7d: {  	s0 =	simm.s32 $0x0;
	[sflag:s20] =	ssyncadd.s32 $0xFFFFC180  }
0x7e: {  	[tilespmem:s0], [sflag:$0x3] =	stream.linear.gather [hbm4b:s14+s0], $0x1400, $0x38;
	[tilespmem:$0x1E080] =	vst v63  }
0x7f: {  	_ =	swait.ge [sflag:s20], $0x1400  }
0x80: {  	[sflag:s20] =	ssyncset.done $0x0  }
0x81: {  	[sflag:s20] =	ssyncadd.s32 $0xFFFFEC00  }
0x82: {  	[tilespmem:s21], [sflag:$0x3] =	stream.linear.gather [hbm4b:s15+s0], $0x1400, $0x38;
	[tilespmem:$0x1E080] =	vst v63  }
0x83: {  	_ =	swait.ge [sflag:s20], $0x1400  }
0x84: {  	[sflag:s20] =	ssyncset.done $0x0  }
0x85: {  	[sflag:s20] =	ssyncadd.s32 $0xFFFFEC00  }
0x86: {  	[tilespmem:s19], [sflag:$0x1] =	stream.indirect.gather [hbm4b:s1+s22], $0x80, s0, s22, $0xb8;
	[tilespmem:$0x1E080] =	vst v63  }
0x87: {  	_ = 	snop  }
0x88: {  	[tilespmem:s24], [sflag:$0x2] =	stream.indirect.gather [hbm4b:s1+s22], $0x80, s23, s22, $0xb8;
	[tilespmem:$0x1E080] =	vst v63  }
0x89: {  	_ =	swait.ge [sflag:s25], $0x3E80  }
0x8a: {  	[sflag:s25] =	ssyncset.done $0x0  }
0x8b: {  	s0 =	simm.s32 $0x1400;
	[sflag:s25] =	ssyncadd.s32 $0xFFFFC180  }
0x8c: {  	[spmem:s2] =	stream.indirect.scatter.add.f32 [tilespmem:s19], [sflag:$0x3], $0x80, s0, s22, $0xb8;
	[tilespmem:$0x1E080] =	vst v63  }
0x8d: {  	_ =	swait.ge [sflag:s20], $0x3E80  }
0x8e: {  	[sflag:s20] =	ssyncset.done $0x0  }
0x8f: {  	s0 =	simm.s32 $0x100;
	[sflag:s20] =	ssyncadd.s32 $0xFFFFC180  }
0x90: {  	[tilespmem:s19], [sflag:$0x1] =	stream.indirect.gather [hbm4b:s1+s22], $0x80, s0, s22, $0xb8;
	[tilespmem:$0x1E080] =	vst v63  }
0x91: {  	_ =	swait.ge [sflag:s26], $0x3E80  }
0x92: {  	[sflag:s26] =	ssyncset.done $0x0  }
0x93: {  	s0 =	simm.s32 $0x1480;
	[sflag:s26] =	ssyncadd.s32 $0xFFFFC180  }
0x94: {  	[spmem:s2] =	stream.indirect.scatter.add.f32 [tilespmem:s24], [sflag:$0x3], $0x80, s0, s22, $0xb8;
	[tilespmem:$0x1E080] =	vst v63  }
0x95: {  	_ =	swait.ge [sflag:s20], $0x3E80  }
0x96: {  	[sflag:s20] =	ssyncset.done $0x0  }
0x97: {  	s30 =	simm.s32 $0x400;
	s31 =	simm.s32 $0x180;
	[sflag:s20] =	ssyncadd.s32 $0xFFFFC180  }
.LBB2_6:
0x98: {  	[tilespmem:s24], [sflag:$0x2] =	stream.indirect.gather [hbm4b:s1+s22], $0x80, s31, s22, $0xb8;
	[tilespmem:$0x1E080] =	vst v63  }
0x99: {  	s0 =	smov.u32 s30  }
0x9a: {  	p1 =	sne.s32 s30, $0x4800;
	s30 =	sadd.s32 $0x400, s30;
	_ =	swait.ge [sflag:s25], $0x3E80  }
0x9b: {  	s0 =	sshra.s32 s0, $0x2;
	[sflag:s25] =	ssyncset.done $0x0  }
0x9c: {  	s31 =	sadd.s32 $0x1400, s0;
	[sflag:s25] =	ssyncadd.s32 $0xFFFFC180  }
0x9d: {  	[spmem:s2] =	stream.indirect.scatter.add.f32 [tilespmem:s19], [sflag:$0x3], $0x80, s31, s22, $0xb8;
	[tilespmem:$0x1E080] =	vst v63  }
0x9e: {  	_ =	swait.ge [sflag:s20], $0x3E80  }
0x9f: {  	[sflag:s20] =	ssyncset.done $0x0  }
0xa0: {  	s31 =	sadd.s32 $0x100, s0;
	[sflag:s20] =	ssyncadd.s32 $0xFFFFC180  }
0xa1: {  	[tilespmem:s19], [sflag:$0x1] =	stream.indirect.gather [hbm4b:s1+s22], $0x80, s31, s22, $0xb8;
	[tilespmem:$0x1E080] =	vst v63  }
0xa2: {  	_ =	swait.ge [sflag:s26], $0x3E80  }
0xa3: {  	[sflag:s26] =	ssyncset.done $0x0  }
.Ltmp2:
0xa4: {  	s31 =	sadd.s32 $0x1480, s0;
	[sflag:s26] =	ssyncadd.s32 $0xFFFFC180;
	(pc) =	sbr.rel @p1 .LBB2_6-.Ltmp2, $4  }
0xa5: {  	[spmem:s2] =	stream.indirect.scatter.add.f32 [tilespmem:s24], [sflag:$0x3], $0x80, s31, s22, $0xb8;
	[tilespmem:$0x1E080] =	vst v63  }
0xa6: {  	_ =	swait.ge [sflag:s20], $0x3E80  }
0xa7: {  	[sflag:s20] =	ssyncset.done $0x0  }
0xa8: {  	s31 =	sadd.s32 $0x180, s0;
	[sflag:s20] =	ssyncadd.s32 $0xFFFFC180  }
0xa9: {  	[tilespmem:s24], [sflag:$0x2] =	stream.indirect.gather [hbm4b:s1+s22], $0x80, s31, s22, $0xb8;
	[tilespmem:$0x1E080] =	vst v63  }
0xaa: {  	_ =	swait.ge [sflag:s25], $0x3E80  }
0xab: {  	[sflag:s25] =	ssyncset.done $0x0  }
0xac: {  	[sflag:s25] =	ssyncadd.s32 $0xFFFFC180  }
0xad: {  	[spmem:s2] =	stream.indirect.scatter.add.f32 [tilespmem:s19], [sflag:$0x3], $0x80, s28, s22, $0xb8;
	[tilespmem:$0x1E080] =	vst v63  }
0xae: {  	_ =	swait.ge [sflag:s20], $0x3E80  }
0xaf: {  	[sflag:s20] =	ssyncset.done $0x0  }
0xb0: {  	[sflag:s20] =	ssyncadd.s32 $0xFFFFC180  }
0xb1: {  	_ =	swait.ge [sflag:s26], $0x3E80  }
0xb2: {  	[sflag:s26] =	ssyncset.done $0x0  }
0xb3: {  	[sflag:s26] =	ssyncadd.s32 $0xFFFFC180  }
0xb4: {  	[spmem:s2] =	stream.indirect.scatter.add.f32 [tilespmem:s24], [sflag:$0x3], $0x80, s29, s22, $0xb8;
	[tilespmem:$0x1E080] =	vst v63  }
0xb5: {  	_ =	swait.ge [sflag:s20], $0x3E80  }
0xb6: {  	[sflag:s20] =	ssyncset.done $0x0  }
0xb7: {  	s0 =	sshll.u32 s3, $0x6;
	[sflag:s20] =	ssyncadd.s32 $0xFFFFC180  }
0xb8: {  	s30 =	sshrl.u32 s5, $0x3;
	s0 =	sor.u32 $0x1C03, s0;
	[bflag:$0x0] =	sbarrier.arrive $0xFFFF  }
0xb9: {  	[hbm:s16], [sflag:s0] =	dma.local [spmem:s30], $0x2700  }
0xba: {  	_ =	swait.ge [sflag:s20], $0x2700  }
0xbb: {  	s4 =	sadd.s32 $0x1, s4;
	[sflag:s20] =	ssyncset.done $0x0  }
0xbc: {  	p1 =	sne.s32 s4, s18;
	s30 =	sshrl.u32 @!p0 s11, $0x3;
	[sflag:s20] =	ssyncadd.s32 $0xFFFFD900  }
0xbd: {  	[hbm:s17], [sflag:s0] =	dma.local @!p0 [spmem:s30], $0x100  }
.Ltmp3:
0xbe: {  	_ = 	snop;
	(pc) =	sbr.rel @p1 .LBB2_1-.Ltmp3, $4  }
0xbf: {  	s0 =	simm.s32 @!p0 $0x3  }
0xc0: {  	_ =	swait.ge @!p0 [sflag:s0], $0x100  }
0xc1: {  	[sflag:s0] =	ssyncset.done @!p0 $0x0  }
0xc2: {  	[sflag:s0] =	ssyncadd.s32 @!p0 $0xFFFFFF00  }
0xc3: {  	_ =	sfence.sel $0x180000  }
0xc4: {  	[bflag:$0x0] =	sbarrier.arrive $0xFFFF  }
0xc5: {  	_ =	strace $0x9000004D  }
0xc6: {  	[bflag:$0x2] =	sbarrier.arrive $0xFFFF  }
0xc7: {  	p0 =	sne.s32 s3, $0x0;
	s0 =	rddreg [dreg:$0x4]  }
0xc8: {  	s0 =	sadd.s32 @!p0 $0x100000, s0  }
0xc9: {  	[sflag:s0] =	ssyncadd.tile.s32 @!p0 $0x1;
	_ =	shalt  }
.Lfunc_end2:
_tile_overlayer_lowered:
.L_overlay_start_2:
0xca: {  	(tag) =	ssettag $0x2  }
0xcb: {  	s0 =	rddreg [dreg:$0x0];
	s2 =	stileid.u32  }
0xcc: {  	s1 =	rddreg [dreg:$0x1];
	p0 =	sne.s32 s2, $0x0  }
0xcd: {  	s3 =	rddreg [dreg:$0x2];
	[bflag:$0x3] =	sbarrier.arrive $0xFFFF;
	s2 =	simm.s32 @!p0 $0x1C03  }
0xce: {  	[timem:s3], [sflag:s2] =	dma.local @!p0 [hbm:s0], s1  }
0xcf: {  	s0 =	simm.s32 @!p0 $0x3  }
0xd0: {  	_ =	swait.ge @!p0 [sflag:s0], s1  }
0xd1: {  	s1 =	ssub.s32 @!p0 $0x0, s1;
	[sflag:s0] =	ssyncset.done @!p0 $0x0  }
0xd2: {  	[sflag:s0] =	ssyncadd.s32 @!p0 s1  }
0xd3: {  	[bflag:$0x3] =	sbarrier.arrive $0xFFFF  }
0xd4: {  	_ =	shalt  }

// kernel: kernel.20.cloned.1.call-start
scs
__scs_entry_jumppad:
0x0: {  	(pc) =	sbr.rel $0x88, $3  }
0x1: {  	(tag) =	ssettag $0x0;
	lr =	simm.s32 $0x1  }
0x2: {  	[smem:$0x3F78] =	sst lr;
	_ =	strace $0xD0000000  }
0x3: {  	_ = 	snop  }
0x4: {  	_ = 	snop  }
0x5: {  	_ = 	snop  }
0x6: {  	_ = 	snop  }
0x7: {  	_ = 	snop  }
__scs_overlays_trampoline_lowered:
0x8: {  	[smem:$0x3F87] =	sst s0  }
0x9: {  	[smem:$0x3F88] =	sst s1  }
0xa: {  	[smem:$0x3F89] =	sst s2  }
0xb: {  	[smem:$0x3F8A] =	sst s3  }
0xc: {  	[smem:$0x3F8B] =	sst s4  }
0xd: {  	[smem:$0x3F8C] =	sst s5  }
0xe: {  	[smem:$0x3F8D] =	sst s6  }
0xf: {  	[smem:$0x3F8E] =	sst s7  }
0x10: {  	[smem:$0x3F8F] =	sst s8  }
0x11: {  	[smem:$0x3F90] =	sst s9;
	s0 =	simm.s32 @!p0 $0x0  }
0x12: {  	s1 =	sld [smem:$0x3F76];
	s0 =	simm.s32 @p0 $0x1  }
0x13: {  	[smem:$0x3F91] =	sst s0;
	s0 =	simm.s32 @!p1 $0x0  }
0x14: {  	s2 =	sld [smem:$0x3F75];
	s0 =	simm.s32 @p1 $0x1  }
0x15: {  	[smem:$0x3F92] =	sst s0;
	s0 =	simm.s32 @!p2 $0x0  }
0x16: {  	s3 =	sld [smem:$0x3FDB];
	s0 =	simm.s32 @p2 $0x1  }
0x17: {  	s4 =	simm.s32 $0x1BF5;
	[smem:$0x3F94] =	sst s0  }
0x18: {  	s0 =	sld [smem:$0x3F77];
	_ =	swait.ge [sflag:s4], $0x0  }
0x19: {  	s7 =	sld [smem:$0x3F78]  }
0x1a: {  	s8 =	sadd.s32 $0xFFFFE003, lr  }
0x1b: {  	s9 =	sadd.s32 $0xFFFFFEF7, lr;
	s5 =	simm.s32 $0xFFFFFFFF;
	p2 =	slt.u32 s8, $0xFFFFF086  }
0x1c: {  	p1 =	slt.u32 s9, $0xF7A;
	s5 =	simm.s32 @!p2 $0x0  }
0x1d: {  	s5 =	simm.s32 @p1 $0x1;
	p0 =	seq.s32 s7, s2  }
0x1e: {  	s7 =	smul.u32 @!p0 $0xF7A, s2;
	p2 =	seq.s32 @!p0 s5, $0x0  }
0x1f: {  	s9 =	smul.u32 $0xF7A, s1;
	s8 =	simm.s32 @!p0 $0x1BF5;
	p2 =	por !p2, p0  }
0x20: {  	[sflag:s8] =	ssyncset.s32 @!p0 $0xFFFFF086;
	s6 =	sadd.s32 @!p0 s3, s7;
	s7 =	simm.s32 @!p0 $0x108  }
0x21: {  	s3 =	sadd.s32 s3, s9;
	s6 =	sadd.s32 @!p0 $0x88, s6;
	s7 =	simm.s32 @p2 $0x1082  }
0x22: {  	[simem:s7], [sflag:s8] =	dma.local @!p0 [hbm:s6], $0xF7A  }
0x23: {  	s9 =	sor.u32 $0xD0000000, s2;
	s6 =	simm.s32 $0x108;
	_ =	swait.ge @!p0 [sflag:s8], $0x0  }
0x24: {  	s3 =	sadd.s32 $0x88, s3;
	s6 =	simm.s32 @!p1 $0x1082;
	[sflag:s4] =	ssyncset.s32 $0xFFFFF086  }
0x25: {  	[simem:s6], [sflag:s4] =	dma.local [hbm:s3], $0xF7A  }
0x26: {  	[smem:$0x3F78] =	sst s1;
	(tag) =	ssettag s2;
	_ =	strace s9  }
0x27: {  	s1 =	sld [smem:$0x3F88]  }
0x28: {  	s2 =	sld [smem:$0x3F89]  }
0x29: {  	s4 =	sld [smem:$0x3F8B]  }
0x2a: {  	p0 =	seq.s32 s5, $0x0;
	s5 =	sld [smem:$0x3F8C]  }
0x2b: {  	s6 =	sld [smem:$0x3F8D]  }
0x2c: {  	s7 =	sld [smem:$0x3F8E]  }
0x2d: {  	s3 =	simm.s32 $0x108;
	s8 =	sld [smem:$0x3F8F]  }
0x2e: {  	s3 =	simm.s32 @!p0 $0x1082;
	s9 =	sld [smem:$0x3F90]  }
0x2f: {  	lr =	sadd.s32 s0, s3;
	s0 =	sld [smem:$0x3F87]  }
0x30: {  	s3 =	sld [smem:$0x3F8A]  }
0x31: {  	[smem:$0x3F93] =	sst s10  }
0x32: {  	s10 =	sld [smem:$0x3F91];
	_ =	sdelay $0x3  }
0x33: {  	p0 =	seq.s32 s10, $0x1;
	s10 =	sld [smem:$0x3F93];
	_ =	sdelay $0x3  }
0x34: {  	[smem:$0x3F93] =	sst s10  }
0x35: {  	s10 =	sld [smem:$0x3F92];
	_ =	sdelay $0x3  }
0x36: {  	p1 =	seq.s32 s10, $0x1;
	s10 =	sld [smem:$0x3F93];
	_ =	sdelay $0x3  }
0x37: {  	[smem:$0x3F93] =	sst s10  }
0x38: {  	s10 =	sld [smem:$0x3F94]  }
0x39: {  	_ = 	snop;
	(pc) =	sbr.ind lr, $3  }
0x3a: {  	_ = 	snop  }
0x3b: {  	_ = 	snop  }
0x3c: {  	p2 =	seq.s32 s10, $0x1;
	s10 =	sld [smem:$0x3F93]  }
0x3d: {  	_ =	shalt  }
0x3e: {  	_ =	shalt  }
0x3f: {  	_ =	shalt  }
0x40: {  	_ =	shalt  }
0x41: {  	_ =	shalt  }
0x42: {  	_ =	shalt  }
0x43: {  	_ =	shalt  }
0x44: {  	_ =	shalt  }
0x45: {  	_ =	shalt  }
0x46: {  	_ =	shalt  }
0x47: {  	_ =	shalt  }
0x48: {  	_ =	shalt  }
0x49: {  	_ =	shalt  }
0x4a: {  	_ =	shalt  }
0x4b: {  	_ =	shalt  }
0x4c: {  	_ =	shalt  }
0x4d: {  	_ =	shalt  }
0x4e: {  	_ =	shalt  }
0x4f: {  	_ =	shalt  }
0x50: {  	_ =	shalt  }
0x51: {  	_ =	shalt  }
0x52: {  	_ =	shalt  }
0x53: {  	_ =	shalt  }
0x54: {  	_ =	shalt  }
0x55: {  	_ =	shalt  }
0x56: {  	_ =	shalt  }
0x57: {  	_ =	shalt  }
0x58: {  	_ =	shalt  }
0x59: {  	_ =	shalt  }
0x5a: {  	_ =	shalt  }
0x5b: {  	_ =	shalt  }
0x5c: {  	_ =	shalt  }
0x5d: {  	_ =	shalt  }
0x5e: {  	_ =	shalt  }
0x5f: {  	_ =	shalt  }
0x60: {  	_ =	shalt  }
0x61: {  	_ =	shalt  }
0x62: {  	_ =	shalt  }
0x63: {  	_ =	shalt  }
0x64: {  	_ =	shalt  }
0x65: {  	_ =	shalt  }
0x66: {  	_ =	shalt  }
0x67: {  	_ =	shalt  }
0x68: {  	_ =	shalt  }
0x69: {  	_ =	shalt  }
0x6a: {  	_ =	shalt  }
0x6b: {  	_ =	shalt  }
0x6c: {  	_ =	shalt  }
0x6d: {  	_ =	shalt  }
0x6e: {  	_ =	shalt  }
0x6f: {  	_ =	shalt  }
0x70: {  	_ =	shalt  }
0x71: {  	_ =	shalt  }
0x72: {  	_ =	shalt  }
0x73: {  	_ =	shalt  }
0x74: {  	_ =	shalt  }
0x75: {  	_ =	shalt  }
0x76: {  	_ =	shalt  }
0x77: {  	_ =	shalt  }
0x78: {  	_ =	shalt  }
0x79: {  	_ =	shalt  }
0x7a: {  	_ =	shalt  }
0x7b: {  	_ =	shalt  }
0x7c: {  	_ =	shalt  }
0x7d: {  	_ =	shalt  }
0x7e: {  	_ =	shalt  }
0x7f: {  	_ =	shalt  }
0x80: {  	_ =	shalt  }
0x81: {  	_ =	shalt  }
0x82: {  	_ =	shalt  }
0x83: {  	_ =	shalt  }
0x84: {  	_ =	shalt  }
0x85: {  	_ =	shalt  }
0x86: {  	_ =	shalt  }
0x87: {  	_ =	shalt  }
.Lfunc_end0:
.L_simem_size_0:
called_computation.3_lowered:
.L_overlay_start_0:
0x88: {  	s2 =	sld [smem:$0x3FD9]  }
0x89: {  	s3 =	sld [smem:$0x3FFE];
	_ =	sdelay $0x1  }
0x8a: {  	s1 =	srdreg.scid  }
0x8b: {  	s0 =	sand.u32 $0x1, s1  }
0x8c: {  	s14 =	sshll.u32 s0, $0xA;
	s2 =	sadd.s32 s3, s2  }
0x8d: {  	s2 =	sadd.s32 s2, s14  }
0x8e: {  	[smem:$0x3F9F] =	sst s2  }
0x8f: {  	_ = 	snop  }
0x90: {  	s2 =	sld [smem:$0x3FD0];
	_ =	sdelay $0x2  }
0x91: {  	s15 =	simm.s32 $0xA;
	s4 =	simm.s32 $0x10  }
0x92: {  	[smem:s4], [sflag:s15] =	dma.local [hbm:s2], $0x1  }
0x93: {  	_ =	swait.eq [sflag:s15], $0x1  }
0x94: {  	[sflag:s15] =	ssyncset.done $0x0  }
0x95: {  	s16 =	sld [smem:$0x10];
	[sflag:s15] =	ssyncadd.s32 $0xFFFFFFFF  }
0x96: {  	s17 =	sld [smem:$0x11];
	(tm) =	ssettm $0x1  }
0x97: {  	s18 =	sld [smem:$0x3FFB];
	_ =	sdelay $0x3  }
0x98: {  	_ =	strace s18  }
0x99: {  	s4 =	sld [smem:$0x3FFC];
	_ =	sdelay $0x3  }
0x9a: {  	_ =	strace s4  }
0x9b: {  	s4 =	sld [smem:$0x3FFD];
	_ =	sdelay $0x3  }
0x9c: {  	_ =	strace s4  }
0x9d: {  	_ =	strace $0x8FFFFFFF  }
0x9e: {  	s19 =	sld [smem:$0x3FDB];
	_ =	sdelay $0x1  }
0x9f: {  	s5 =	simm.s32 $_scs_section_size  }
0xa0: {  	s6 =	simm.s32 $_size__tile_overlayer_lowered;
	s7 =	simm.s32 $_tile_overlayer_lowered  }
0xa1: {  	s22 =	simm.s32 $0x1BFF;
	s21 =	sshll.u32 s7, $0x1;
	s4 =	sadd.s32 s5, s19  }
0xa2: {  	s8 =	simm.s32 $0x0;
	s20 =	sshll.u32 s6, $0x1;
	s6 =	sadd.s32 s21, s4  }
0xa3: {  	[timem:s8], [sflag:s22] =	dma.local [hbm:s6], s20  }
0xa4: {  	_ =	swait.ge [sflag:s22], s20  }
0xa5: {  	s5 =	ssub.s32 $0x0, s20;
	[sflag:s22] =	ssyncset.done $0x0  }
0xa6: {  	[sflag:s22] =	ssyncadd.s32 s5;
	_ =	sdelay $0x1  }
0xa7: {  	s23 =	simm.s32 $0x1B8B  }
0xa8: {  	_ =	swait.ge [sflag:s23], $0x1  }
0xa9: {  	[sflag:s23] =	ssyncset.done $0x0  }
0xaa: {  	s25 =	simm.s32 $0x1B8E;
	s24 =	sld [smem:$0x3FFE];
	[sflag:s23] =	ssyncadd.s32 $0xFFFFFFFF  }
0xab: {  	s26 =	simm.s32 $execute0_lowered;
	[smem:$0x3FD2] =	sst s25  }
0xac: {  	s6 =	sshll.u32 s26, $0x1;
	_ =	strace $0x8000004F;
	[dreg:$0x1] =	wrdreg $0xFFFFFFFF  }
0xad: {  	s28 =	simm.s32 $_size_execute0_lowered;
	s4 =	sadd.s32 s4, s6;
	[dreg:$0x0] =	wrdreg $0x0  }
0xae: {  	s6 =	sshll.u32 s28, $0x1;
	[dreg:$0x2] =	wrdreg s4  }
0xaf: {  	[dreg:$0x3] =	wrdreg s6  }
0xb0: {  	[dreg:$0x4] =	wrdreg $0xC0  }
0xb1: {  	_ =	task [dreg:s8], $0x5FFFF  }
0xb2: {  	[dreg:$0x1] =	wrdreg $0xFFFFFFFF  }
0xb3: {  	[dreg:$0x0] =	wrdreg $0x60  }
0xb4: {  	[dreg:$0x2] =	wrdreg s17  }
0xb5: {  	[dreg:$0x3] =	wrdreg s16  }
0xb6: {  	[dreg:$0x4] =	wrdreg s24  }
0xb7: {  	[dreg:$0x5] =	wrdreg $0xA8000  }
0xb8: {  	[dreg:$0x6] =	wrdreg $0x9  }
0xb9: {  	_ =	task.clear_ibuf [dreg:s8], $0x7FFFF;
	_ =	strace $0x9000004F  }
0xba: {  	s29 =	simm.s32 $0x9;
	_ =	strace $0x80000051  }
0xbb: {  	_ =	swait.ge [sflag:s29], $0x1  }
0xbc: {  	[sflag:s29] =	ssyncadd.s32 $0xFFFFFFFF  }
0xbd: {  	_ =	strace $0x90000051  }
0xbe: {  	_ =	sfence  }
0xbf: {  	s30 =	sld [smem:$0x0];
	_ =	sdelay $0x2  }
0xc0: {  	s31 =	sshll.u32 s1, $0xD;
	s1 =	sshrl.u32 s1, $0x2  }
0xc1: {  	s3 =	sand.u32 $0x4000, s31;
	s1 =	sadd.s32 s1, s30  }
0xc2: {  	s0 =	sor.u32 s3, s0;
	s1 =	sshll.u32 s1, $0x11  }
0xc3: {  	s0 =	sor.u32 s1, s0  }
0xc4: {  	s0 =	sadd.s32 $0x8F2B, s0  }
0xc5: {  	[sflag:s0] =	ssyncadd.remote.s32 $0x1  }
0xc6: {  	_ =	sfence.sel $0xFFFF  }
0xc7: {  	[dreg:$0x0] =	wrdreg $0xFFFFFFFF;
	(pc) =	sbr.abs _section_cstart, $3  }
0xc8: {  	[dreg:$0x1] =	wrdreg $0xFFFFFFFF  }
0xc9: {  	_ =	task.clear_ibuf [dreg:s8], $0x2FFFF;
	_ =	strace $0x9FFFFFFF  }
0xca: {  	(tm) =	ssettm $0x7FFFFFFF  }
0xcb: {  	_ =	shalt  }
tec
execute0_lowered:
.L_overlay_start_1:
0x0: {  	(tag) =	ssettag $0x1  }
0x1: {  	s1 =	rddreg [dreg:$0x0]  }
0x2: {  	s14 =	rddreg [dreg:$0x1]  }
0x3: {  	s5 =	rddreg [dreg:$0x2]  }
0x4: {  	s2 =	rddreg [dreg:$0x3];
	s4 =	simm.s32 $0x0  }
0x5: {  	s6 =	srdreg.scid;
	s3 =	stileid.u32;
	s21 =	simm.s32 $0x1400  }
0x6: {  	s22 =	simm.s32 $0x7D;
	s23 =	simm.s32 $0x80;
	s24 =	simm.s32 $0x6800  }
0x7: {  	s25 =	simm.s32 $0x1;
	s26 =	simm.s32 $0x2;
	s28 =	simm.s32 $0x2700  }
0x8: {  	s29 =	simm.s32 $0x2780;
	[smem:$0x7FF] =	sst s4;
	s10 =	sand.u32 $0x1, s6  }
0x9: {  	s30 =	smul.u32 $0x4E000, s3;
	s15 =	sadd.s32 $0x8200, s5;
	s16 =	sadd.s32 $0x12200, s5  }
0xa: {  	s8 =	sshll.u32 s3, $0x1;
	s20 =	smul.u32 $0x13800, s3;
	p0 =	sne.s32 s3, $0xF  }
0xb: {  	_ =	strace $0x80000050;
	s31 =	ssub.s32 $0x2, s10;
	s8 =	sor.u32 s10, s8  }
0xc: {  	s17 =	smul.u32 $0x138800, s10;
	s7 =	sshrl.u32 s31, $0x1;
	s6 =	sshrl.u32 s30, $0x2  }
0xd: {  	s11 =	smul.u32 $0x2800, s8;
	s18 =	ssub.s32 s31, s7;
	s5 =	sadd.s32 s6, s2  }
0xe: {  	s20 =	sadd.s32 s20, s17;
	s17 =	sshrl.u32 s17, $0x3;
	s6 =	sadd.s32 $0x3400, s5  }
0xf: {  	s7 =	sadd.s32 $0x6800, s5;
	s8 =	sadd.s32 $0x9C00, s5;
	s9 =	sadd.s32 $0xD000, s5  }
0x10: {  	s10 =	sadd.s32 $0x10400, s5;
	s19 =	sshrl.u32 s11, $0x3;
	s11 =	sadd.s32 $0x138000, s2  }
0x11: {  	s20 =	sshrl.u32 s20, $0x3;
	s17 =	sadd.s32 s16, s17;
	s18 =	smax.u32 s18, $0x1  }
0x12: {  	s12 =	sadd.s32 s14, s19;
	s13 =	sadd.s32 s15, s19;
	s19 =	sadd.s32 $0x280, s19  }
0x13: {  	s16 =	sadd.s32 s16, s20;
	s17 =	sadd.s32 $0x27000, s17;
	s20 =	simm.s32 $0x3  }
0x14: {  	v0 =	vimm.f32 $0.0e+00;
	s14 =	sadd.s32 s14, s19;
	s15 =	sadd.s32 s15, s19;
	s19 =	simm.s32 $0x2800  }
.LBB2_1:
0x15: {  	s30 =	simm.s32 $0x0;
	s31 =	simm.s32 $0x200  }
.LBB2_2:
0x16: {  	p1 =	sne.s32 s31, $0xCE00;
	[tilespmem:s30+$0x2870] =	vst v0  }
0x17: {  	[tilespmem:s30+$0x2800] =	vst v0  }
0x18: {  	[tilespmem:s30+$0x2810] =	vst v0  }
.Ltmp0:
0x19: {  	[tilespmem:s30+$0x2820] =	vst v0;
	(pc) =	sbr.rel @p1 .LBB2_2-.Ltmp0, $4  }
0x1a: {  	[tilespmem:s30+$0x2830] =	vst v0  }
0x1b: {  	[tilespmem:s30+$0x2840] =	vst v0  }
0x1c: {  	[tilespmem:s30+$0x2850] =	vst v0  }
0x1d: {  	[tilespmem:s30+$0x2860] =	vst v0;
	s30 =	sshra.s32 s31, $0x2;
	s31 =	sadd.s32 $0x200, s31  }
0x1e: {  	[tilespmem:s30+$0x2870] =	vst v0  }
0x1f: {  	[tilespmem:s30+$0x2800] =	vst v0  }
0x20: {  	[tilespmem:s30+$0x2810] =	vst v0  }
0x21: {  	[tilespmem:s30+$0x2820] =	vst v0  }
0x22: {  	[tilespmem:s30+$0x2830] =	vst v0  }
0x23: {  	[tilespmem:s30+$0x2840] =	vst v0  }
0x24: {  	[tilespmem:s30+$0x2850] =	vst v0  }
0x25: {  	[tilespmem:s30+$0x2860] =	vst v0  }
0x26: {  	[spmem:s5] =	stream.linear.scatter [tilespmem:s19], [sflag:$0x3], $0x3400, $0x38;
	[tilespmem:$0x1E080] =	vst v63  }
0x27: {  	_ =	swait.ge [sflag:s20], $0x3400  }
0x28: {  	[sflag:s20] =	ssyncset.done $0x0  }
0x29: {  	[sflag:s20] =	ssyncadd.s32 $0xFFFFCC00  }
0x2a: {  	[spmem:s6] =	stream.linear.scatter [tilespmem:s19], [sflag:$0x3], $0x3400, $0x38;
	[tilespmem:$0x1E080] =	vst v63  }
0x2b: {  	_ =	swait.ge [sflag:s20], $0x3400  }
0x2c: {  	[sflag:s20] =	ssyncset.done $0x0  }
0x2d: {  	[sflag:s20] =	ssyncadd.s32 $0xFFFFCC00  }
0x2e: {  	[spmem:s7] =	stream.linear.scatter [tilespmem:s19], [sflag:$0x3], $0x3400, $0x38;
	[tilespmem:$0x1E080] =	vst v63  }
0x2f: {  	_ =	swait.ge [sflag:s20], $0x3400  }
0x30: {  	[sflag:s20] =	ssyncset.done $0x0  }
0x31: {  	[sflag:s20] =	ssyncadd.s32 $0xFFFFCC00  }
0x32: {  	[spmem:s8] =	stream.linear.scatter [tilespmem:s19], [sflag:$0x3], $0x3400, $0x38;
	[tilespmem:$0x1E080] =	vst v63  }
0x33: {  	_ =	swait.ge [sflag:s20], $0x3400  }
0x34: {  	[sflag:s20] =	ssyncset.done $0x0  }
0x35: {  	[sflag:s20] =	ssyncadd.s32 $0xFFFFCC00  }
0x36: {  	[spmem:s9] =	stream.linear.scatter [tilespmem:s19], [sflag:$0x3], $0x3400, $0x38;
	[tilespmem:$0x1E080] =	vst v63  }
0x37: {  	_ =	swait.ge [sflag:s20], $0x3400  }
0x38: {  	[sflag:s20] =	ssyncset.done $0x0  }
0x39: {  	[sflag:s20] =	ssyncadd.s32 $0xFFFFCC00  }
0x3a: {  	[spmem:s10] =	stream.linear.scatter [tilespmem:s19], [sflag:$0x3], $0x3400, $0x38;
	[tilespmem:$0x1E080] =	vst v63  }
0x3b: {  	_ =	swait.ge [sflag:s20], $0x3400  }
0x3c: {  	[sflag:s20] =	ssyncset.done $0x0  }
0x3d: {  	s30 =	simm.s32 @!p0 $0x2800;
	[sflag:s20] =	ssyncadd.s32 $0xFFFFCC00  }
0x3e: {  	[spmem:s11] =	stream.linear.scatter @!p0 [tilespmem:s30], [sflag:$0x3], $0x800, $0x38;
	[tilespmem:$0x1E080] =	vst v63  }
0x3f: {  	s30 =	simm.s32 @!p0 $0x3  }
0x40: {  	_ =	swait.ge @!p0 [sflag:s30], $0x800  }
0x41: {  	[sflag:s30] =	ssyncset.done @!p0 $0x0  }
0x42: {  	[sflag:s30] =	ssyncadd.s32 @!p0 $0xFFFFF800  }
0x43: {  	s30 =	simm.s32 $0x0;
	[bflag:$0x0] =	sbarrier.arrive $0xFFFF  }
0x44: {  	[tilespmem:s30], [sflag:$0x3] =	stream.linear.gather [hbm4b:s12+s30], $0x1400, $0x38;
	[tilespmem:$0x1E080] =	vst v63  }
0x45: {  	_ =	swait.ge [sflag:s20], $0x1400  }
0x46: {  	[sflag:s20] =	ssyncset.done $0x0  }
0x47: {  	[sflag:s20] =	ssyncadd.s32 $0xFFFFEC00  }
0x48: {  	[tilespmem:s21], [sflag:$0x3] =	stream.linear.gather [hbm4b:s13+s30], $0x1400, $0x38;
	[tilespmem:$0x1E080] =	vst v63  }
0x49: {  	_ =	swait.ge [sflag:s20], $0x1400  }
0x4a: {  	[sflag:s20] =	ssyncset.done $0x0  }
0x4b: {  	[sflag:s20] =	ssyncadd.s32 $0xFFFFEC00  }
0x4c: {  	[tilespmem:s19], [sflag:$0x1] =	stream.indirect.gather [hbm4b:s1+s22], $0x80, s30, s22, $0xb8;
	[tilespmem:$0x1E080] =	vst v63  }
0x4d: {  	_ = 	snop  }
0x4e: {  	[tilespmem:s24], [sflag:$0x2] =	stream.indirect.gather [hbm4b:s1+s22], $0x80, s23, s22, $0xb8;
	[tilespmem:$0x1E080] =	vst v63  }
0x4f: {  	_ =	swait.ge [sflag:s25], $0x3E80  }
0x50: {  	[sflag:s25] =	ssyncset.done $0x0  }
0x51: {  	s30 =	simm.s32 $0x1400;
	[sflag:s25] =	ssyncadd.s32 $0xFFFFC180  }
0x52: {  	[spmem:s2] =	stream.indirect.scatter.add.f32 [tilespmem:s19], [sflag:$0x3], $0x80, s30, s22, $0xb8;
	[tilespmem:$0x1E080] =	vst v63  }
0x53: {  	_ =	swait.ge [sflag:s20], $0x3E80  }
0x54: {  	[sflag:s20] =	ssyncset.done $0x0  }
0x55: {  	s30 =	simm.s32 $0x100;
	[sflag:s20] =	ssyncadd.s32 $0xFFFFC180  }
0x56: {  	[tilespmem:s19], [sflag:$0x1] =	stream.indirect.gather [hbm4b:s1+s22], $0x80, s30, s22, $0xb8;
	[tilespmem:$0x1E080] =	vst v63  }
0x57: {  	_ =	swait.ge [sflag:s26], $0x3E80  }
0x58: {  	[sflag:s26] =	ssyncset.done $0x0  }
0x59: {  	s30 =	simm.s32 $0x1480;
	[sflag:s26] =	ssyncadd.s32 $0xFFFFC180  }
0x5a: {  	[spmem:s2] =	stream.indirect.scatter.add.f32 [tilespmem:s24], [sflag:$0x3], $0x80, s30, s22, $0xb8;
	[tilespmem:$0x1E080] =	vst v63  }
0x5b: {  	_ =	swait.ge [sflag:s20], $0x3E80  }
0x5c: {  	[sflag:s20] =	ssyncset.done $0x0  }
0x5d: {  	s31 =	simm.s32 $0x180;
	s30 =	simm.s32 $0x400;
	[sflag:s20] =	ssyncadd.s32 $0xFFFFC180  }
.LBB2_4:
0x5e: {  	[tilespmem:s24], [sflag:$0x2] =	stream.indirect.gather [hbm4b:s1+s22], $0x80, s31, s22, $0xb8;
	[tilespmem:$0x1E080] =	vst v63  }
0x5f: {  	s31 =	smov.u32 s30  }
0x60: {  	p1 =	sne.s32 s30, $0x4800;
	s30 =	sadd.s32 $0x400, s30;
	_ =	swait.ge [sflag:s25], $0x3E80  }
0x61: {  	s31 =	sshra.s32 s31, $0x2;
	[sflag:s25] =	ssyncset.done $0x0  }
0x62: {  	s0 =	sadd.s32 $0x1400, s31;
	[sflag:s25] =	ssyncadd.s32 $0xFFFFC180  }
0x63: {  	[spmem:s2] =	stream.indirect.scatter.add.f32 [tilespmem:s19], [sflag:$0x3], $0x80, s0, s22, $0xb8;
	[tilespmem:$0x1E080] =	vst v63  }
0x64: {  	_ =	swait.ge [sflag:s20], $0x3E80  }
0x65: {  	[sflag:s20] =	ssyncset.done $0x0  }
0x66: {  	s0 =	sadd.s32 $0x100, s31;
	[sflag:s20] =	ssyncadd.s32 $0xFFFFC180  }
0x67: {  	[tilespmem:s19], [sflag:$0x1] =	stream.indirect.gather [hbm4b:s1+s22], $0x80, s0, s22, $0xb8;
	[tilespmem:$0x1E080] =	vst v63  }
0x68: {  	_ =	swait.ge [sflag:s26], $0x3E80  }
0x69: {  	[sflag:s26] =	ssyncset.done $0x0  }
.Ltmp1:
0x6a: {  	s0 =	sadd.s32 $0x1480, s31;
	[sflag:s26] =	ssyncadd.s32 $0xFFFFC180;
	(pc) =	sbr.rel @p1 .LBB2_4-.Ltmp1, $4  }
0x6b: {  	[spmem:s2] =	stream.indirect.scatter.add.f32 [tilespmem:s24], [sflag:$0x3], $0x80, s0, s22, $0xb8;
	[tilespmem:$0x1E080] =	vst v63  }
0x6c: {  	_ =	swait.ge [sflag:s20], $0x3E80  }
0x6d: {  	[sflag:s20] =	ssyncset.done $0x0  }
0x6e: {  	s31 =	sadd.s32 $0x180, s31;
	[sflag:s20] =	ssyncadd.s32 $0xFFFFC180  }
0x6f: {  	[tilespmem:s24], [sflag:$0x2] =	stream.indirect.gather [hbm4b:s1+s22], $0x80, s31, s22, $0xb8;
	[tilespmem:$0x1E080] =	vst v63  }
0x70: {  	_ =	swait.ge [sflag:s25], $0x3E80  }
0x71: {  	[sflag:s25] =	ssyncset.done $0x0  }
0x72: {  	[sflag:s25] =	ssyncadd.s32 $0xFFFFC180  }
0x73: {  	[spmem:s2] =	stream.indirect.scatter.add.f32 [tilespmem:s19], [sflag:$0x3], $0x80, s28, s22, $0xb8;
	[tilespmem:$0x1E080] =	vst v63  }
0x74: {  	_ =	swait.ge [sflag:s20], $0x3E80  }
0x75: {  	[sflag:s20] =	ssyncset.done $0x0  }
0x76: {  	[sflag:s20] =	ssyncadd.s32 $0xFFFFC180  }
0x77: {  	_ =	swait.ge [sflag:s26], $0x3E80  }
0x78: {  	[sflag:s26] =	ssyncset.done $0x0  }
0x79: {  	[sflag:s26] =	ssyncadd.s32 $0xFFFFC180  }
0x7a: {  	[spmem:s2] =	stream.indirect.scatter.add.f32 [tilespmem:s24], [sflag:$0x3], $0x80, s29, s22, $0xb8;
	[tilespmem:$0x1E080] =	vst v63  }
0x7b: {  	_ =	swait.ge [sflag:s20], $0x3E80  }
0x7c: {  	[sflag:s20] =	ssyncset.done $0x0  }
0x7d: {  	s0 =	simm.s32 $0x0;
	[sflag:s20] =	ssyncadd.s32 $0xFFFFC180  }
0x7e: {  	[tilespmem:s0], [sflag:$0x3] =	stream.linear.gather [hbm4b:s14+s0], $0x1400, $0x38;
	[tilespmem:$0x1E080] =	vst v63  }
0x7f: {  	_ =	swait.ge [sflag:s20], $0x1400  }
0x80: {  	[sflag:s20] =	ssyncset.done $0x0  }
0x81: {  	[sflag:s20] =	ssyncadd.s32 $0xFFFFEC00  }
0x82: {  	[tilespmem:s21], [sflag:$0x3] =	stream.linear.gather [hbm4b:s15+s0], $0x1400, $0x38;
	[tilespmem:$0x1E080] =	vst v63  }
0x83: {  	_ =	swait.ge [sflag:s20], $0x1400  }
0x84: {  	[sflag:s20] =	ssyncset.done $0x0  }
0x85: {  	[sflag:s20] =	ssyncadd.s32 $0xFFFFEC00  }
0x86: {  	[tilespmem:s19], [sflag:$0x1] =	stream.indirect.gather [hbm4b:s1+s22], $0x80, s0, s22, $0xb8;
	[tilespmem:$0x1E080] =	vst v63  }
0x87: {  	_ = 	snop  }
0x88: {  	[tilespmem:s24], [sflag:$0x2] =	stream.indirect.gather [hbm4b:s1+s22], $0x80, s23, s22, $0xb8;
	[tilespmem:$0x1E080] =	vst v63  }
0x89: {  	_ =	swait.ge [sflag:s25], $0x3E80  }
0x8a: {  	[sflag:s25] =	ssyncset.done $0x0  }
0x8b: {  	s0 =	simm.s32 $0x1400;
	[sflag:s25] =	ssyncadd.s32 $0xFFFFC180  }
0x8c: {  	[spmem:s2] =	stream.indirect.scatter.add.f32 [tilespmem:s19], [sflag:$0x3], $0x80, s0, s22, $0xb8;
	[tilespmem:$0x1E080] =	vst v63  }
0x8d: {  	_ =	swait.ge [sflag:s20], $0x3E80  }
0x8e: {  	[sflag:s20] =	ssyncset.done $0x0  }
0x8f: {  	s0 =	simm.s32 $0x100;
	[sflag:s20] =	ssyncadd.s32 $0xFFFFC180  }
0x90: {  	[tilespmem:s19], [sflag:$0x1] =	stream.indirect.gather [hbm4b:s1+s22], $0x80, s0, s22, $0xb8;
	[tilespmem:$0x1E080] =	vst v63  }
0x91: {  	_ =	swait.ge [sflag:s26], $0x3E80  }
0x92: {  	[sflag:s26] =	ssyncset.done $0x0  }
0x93: {  	s0 =	simm.s32 $0x1480;
	[sflag:s26] =	ssyncadd.s32 $0xFFFFC180  }
0x94: {  	[spmem:s2] =	stream.indirect.scatter.add.f32 [tilespmem:s24], [sflag:$0x3], $0x80, s0, s22, $0xb8;
	[tilespmem:$0x1E080] =	vst v63  }
0x95: {  	_ =	swait.ge [sflag:s20], $0x3E80  }
0x96: {  	[sflag:s20] =	ssyncset.done $0x0  }
0x97: {  	s30 =	simm.s32 $0x400;
	s31 =	simm.s32 $0x180;
	[sflag:s20] =	ssyncadd.s32 $0xFFFFC180  }
.LBB2_6:
0x98: {  	[tilespmem:s24], [sflag:$0x2] =	stream.indirect.gather [hbm4b:s1+s22], $0x80, s31, s22, $0xb8;
	[tilespmem:$0x1E080] =	vst v63  }
0x99: {  	s0 =	smov.u32 s30  }
0x9a: {  	p1 =	sne.s32 s30, $0x4800;
	s30 =	sadd.s32 $0x400, s30;
	_ =	swait.ge [sflag:s25], $0x3E80  }
0x9b: {  	s0 =	sshra.s32 s0, $0x2;
	[sflag:s25] =	ssyncset.done $0x0  }
0x9c: {  	s31 =	sadd.s32 $0x1400, s0;
	[sflag:s25] =	ssyncadd.s32 $0xFFFFC180  }
0x9d: {  	[spmem:s2] =	stream.indirect.scatter.add.f32 [tilespmem:s19], [sflag:$0x3], $0x80, s31, s22, $0xb8;
	[tilespmem:$0x1E080] =	vst v63  }
0x9e: {  	_ =	swait.ge [sflag:s20], $0x3E80  }
0x9f: {  	[sflag:s20] =	ssyncset.done $0x0  }
0xa0: {  	s31 =	sadd.s32 $0x100, s0;
	[sflag:s20] =	ssyncadd.s32 $0xFFFFC180  }
0xa1: {  	[tilespmem:s19], [sflag:$0x1] =	stream.indirect.gather [hbm4b:s1+s22], $0x80, s31, s22, $0xb8;
	[tilespmem:$0x1E080] =	vst v63  }
0xa2: {  	_ =	swait.ge [sflag:s26], $0x3E80  }
0xa3: {  	[sflag:s26] =	ssyncset.done $0x0  }
.Ltmp2:
0xa4: {  	s31 =	sadd.s32 $0x1480, s0;
	[sflag:s26] =	ssyncadd.s32 $0xFFFFC180;
	(pc) =	sbr.rel @p1 .LBB2_6-.Ltmp2, $4  }
0xa5: {  	[spmem:s2] =	stream.indirect.scatter.add.f32 [tilespmem:s24], [sflag:$0x3], $0x80, s31, s22, $0xb8;
	[tilespmem:$0x1E080] =	vst v63  }
0xa6: {  	_ =	swait.ge [sflag:s20], $0x3E80  }
0xa7: {  	[sflag:s20] =	ssyncset.done $0x0  }
0xa8: {  	s31 =	sadd.s32 $0x180, s0;
	[sflag:s20] =	ssyncadd.s32 $0xFFFFC180  }
0xa9: {  	[tilespmem:s24], [sflag:$0x2] =	stream.indirect.gather [hbm4b:s1+s22], $0x80, s31, s22, $0xb8;
	[tilespmem:$0x1E080] =	vst v63  }
0xaa: {  	_ =	swait.ge [sflag:s25], $0x3E80  }
0xab: {  	[sflag:s25] =	ssyncset.done $0x0  }
0xac: {  	[sflag:s25] =	ssyncadd.s32 $0xFFFFC180  }
0xad: {  	[spmem:s2] =	stream.indirect.scatter.add.f32 [tilespmem:s19], [sflag:$0x3], $0x80, s28, s22, $0xb8;
	[tilespmem:$0x1E080] =	vst v63  }
0xae: {  	_ =	swait.ge [sflag:s20], $0x3E80  }
0xaf: {  	[sflag:s20] =	ssyncset.done $0x0  }
0xb0: {  	[sflag:s20] =	ssyncadd.s32 $0xFFFFC180  }
0xb1: {  	_ =	swait.ge [sflag:s26], $0x3E80  }
0xb2: {  	[sflag:s26] =	ssyncset.done $0x0  }
0xb3: {  	[sflag:s26] =	ssyncadd.s32 $0xFFFFC180  }
0xb4: {  	[spmem:s2] =	stream.indirect.scatter.add.f32 [tilespmem:s24], [sflag:$0x3], $0x80, s29, s22, $0xb8;
	[tilespmem:$0x1E080] =	vst v63  }
0xb5: {  	_ =	swait.ge [sflag:s20], $0x3E80  }
0xb6: {  	[sflag:s20] =	ssyncset.done $0x0  }
0xb7: {  	s0 =	sshll.u32 s3, $0x6;
	[sflag:s20] =	ssyncadd.s32 $0xFFFFC180  }
0xb8: {  	s30 =	sshrl.u32 s5, $0x3;
	s0 =	sor.u32 $0x1C03, s0;
	[bflag:$0x0] =	sbarrier.arrive $0xFFFF  }
0xb9: {  	[hbm:s16], [sflag:s0] =	dma.local [spmem:s30], $0x2700  }
0xba: {  	_ =	swait.ge [sflag:s20], $0x2700  }
0xbb: {  	s4 =	sadd.s32 $0x1, s4;
	[sflag:s20] =	ssyncset.done $0x0  }
0xbc: {  	p1 =	sne.s32 s4, s18;
	s30 =	sshrl.u32 @!p0 s11, $0x3;
	[sflag:s20] =	ssyncadd.s32 $0xFFFFD900  }
0xbd: {  	[hbm:s17], [sflag:s0] =	dma.local @!p0 [spmem:s30], $0x100  }
.Ltmp3:
0xbe: {  	_ = 	snop;
	(pc) =	sbr.rel @p1 .LBB2_1-.Ltmp3, $4  }
0xbf: {  	s0 =	simm.s32 @!p0 $0x3  }
0xc0: {  	_ =	swait.ge @!p0 [sflag:s0], $0x100  }
0xc1: {  	[sflag:s0] =	ssyncset.done @!p0 $0x0  }
0xc2: {  	[sflag:s0] =	ssyncadd.s32 @!p0 $0xFFFFFF00  }
0xc3: {  	_ =	sfence.sel $0x180000  }
0xc4: {  	[bflag:$0x0] =	sbarrier.arrive $0xFFFF  }
0xc5: {  	_ =	strace $0x90000050  }
0xc6: {  	[bflag:$0x2] =	sbarrier.arrive $0xFFFF  }
0xc7: {  	p0 =	sne.s32 s3, $0x0;
	s0 =	rddreg [dreg:$0x4]  }
0xc8: {  	s0 =	sadd.s32 @!p0 $0x100000, s0  }
0xc9: {  	[sflag:s0] =	ssyncadd.tile.s32 @!p0 $0x1;
	_ =	shalt  }
.Lfunc_end2:
_tile_overlayer_lowered:
.L_overlay_start_2:
0xca: {  	(tag) =	ssettag $0x2  }
0xcb: {  	s0 =	rddreg [dreg:$0x0];
	s2 =	stileid.u32  }
0xcc: {  	s1 =	rddreg [dreg:$0x1];
	p0 =	sne.s32 s2, $0x0  }
0xcd: {  	s3 =	rddreg [dreg:$0x2];
	[bflag:$0x3] =	sbarrier.arrive $0xFFFF;
	s2 =	simm.s32 @!p0 $0x1C03  }
0xce: {  	[timem:s3], [sflag:s2] =	dma.local @!p0 [hbm:s0], s1  }
0xcf: {  	s0 =	simm.s32 @!p0 $0x3  }
0xd0: {  	_ =	swait.ge @!p0 [sflag:s0], s1  }
0xd1: {  	s1 =	ssub.s32 @!p0 $0x0, s1;
	[sflag:s0] =	ssyncset.done @!p0 $0x0  }
0xd2: {  	[sflag:s0] =	ssyncadd.s32 @!p0 s1  }
0xd3: {  	[bflag:$0x3] =	sbarrier.arrive $0xFFFF  }
0xd4: {  	_ =	shalt  }

</sc_bundles>
